<compile_context>
chip_gen: v7x
topology: tpu7x:2x2x1
jax: 0.10.2.dev20260603
libtpu: 0.0.44.dev20260713+nightly
codegen_flags: <defaults>
</compile_context>

<pallas_src>
import functools

import jax
import jax.numpy as jnp
from jax import lax
from jax.experimental import pallas as pl
from jax.experimental.pallas import tpu as pltpu
from jax.experimental.pallas import tpu_sc as plsc

_N = 10000
_E = 320000
_NC = 2
_NS = 16
_NW = _NC * _NS
_B = 128
_G = 2
_K = _G * (-(-_E // (_NW * _B * _G)))
_EP = _NW * _K * _B
_NP = 10112
_RPW = _NP // _NS
_DEGW = 16

_mesh = plsc.VectorSubcoreMesh(core_axis_name="c", subcore_axis_name="s")
_params = pltpu.CompilerParams(use_tc_tiling_on_sc=False, needs_layout_passes=False)


def _rsqrt_nr(x):
  i = lax.bitcast_convert_type(x, jnp.int32)
  i = jnp.int32(0x5F3759DF) - lax.shift_right_arithmetic(i, 1)
  y = lax.bitcast_convert_type(i, jnp.float32)
  y = y * (1.5 - 0.5 * x * y * y)
  y = y * (1.5 - 0.5 * x * y * y)
  return y


@functools.partial(
    pl.kernel,
    out_type=jax.ShapeDtypeStruct((_NC, _NP), jnp.float32),
    mesh=_mesh,
    scratch_types=[
        pltpu.VMEM((_K, _B), jnp.int32),
        pltpu.VMEM((_B, _DEGW), jnp.float32),
        pltpu.VMEM((_RPW, _DEGW), jnp.float32),
        pltpu.VMEM((_RPW + 24,), jnp.float32),
        pltpu.VMEM_SHARED((_NP, _DEGW), jnp.float32),
        pltpu.SemaphoreType.DMA,
    ],
    compiler_params=_params,
)
def _deg_pass(dst_hbm, out_hbm, dst_v, ones_v, stage_v, dcol_v, acc_sh, ssem):
  c = lax.axis_index("c")
  s = lax.axis_index("s")
  wid = c * _NS + s
  rows = pl.ds(s * _RPW, _RPW)

  @pl.loop(0, _RPW)
  def _(i):
    stage_v[i, pl.ds(0, 16)] = jnp.zeros((16,), jnp.float32)

  @pl.loop(0, _B)
  def _(i):
    ones_v[i, pl.ds(0, 16)] = jnp.ones((16,), jnp.float32)

  pltpu.sync_copy(stage_v, acc_sh.at[rows])
  pltpu.sync_copy(dst_hbm.at[wid], dst_v)
  plsc.subcore_barrier()

  ngrp = _K // _G

  def dscat(grp, b):
    return (ones_v, acc_sh.at[dst_v.at[grp * _G + b]], ssem)

  for b in range(_G):
    src, dst, sem = dscat(0, b)
    pltpu.async_copy(src, dst, sem, add=True)

  @pl.loop(1, ngrp)
  def _(grp):
    for b in range(_G):
      src, dst, sem = dscat(grp, b)
      pltpu.async_copy(src, dst, sem, add=True)
    for b in range(_G):
      src, dst, sem = dscat(grp - 1, b)
      pltpu.make_async_copy(src, dst, sem).wait()

  for b in range(_G):
    src, dst, sem = dscat(ngrp - 1, b)
    pltpu.make_async_copy(src, dst, sem).wait()

  plsc.subcore_barrier()

  pltpu.sync_copy(acc_sh.at[rows], stage_v)
  zero16 = jnp.zeros((16,), jnp.int32)
  iota16 = lax.iota(jnp.int32, 16)

  @pl.loop(0, -(-_RPW // 16))
  def _(i):
    ridx = jnp.minimum(iota16 + i * 16, _RPW - 1)
    dcol_v[pl.ds(i * 16, 16)] = plsc.load_gather(stage_v, [ridx, zero16])

  pltpu.sync_copy(dcol_v.at[pl.ds(0, _RPW)], out_hbm.at[c, rows])


def _make_edge_pass(dcols, first_layer):

  outs = jax.ShapeDtypeStruct((_NC, _NP, dcols), jnp.float32)
  if first_layer:
    outs = (outs, jax.ShapeDtypeStruct((_NP,), jnp.float32))

  @functools.partial(
      pl.kernel,
      out_type=outs,
      mesh=_mesh,
      scratch_types=[
          pltpu.VMEM((_K, _B), jnp.int32),
          pltpu.VMEM((_K, _B), jnp.int32),
          pltpu.VMEM((2, _G, _B, dcols), jnp.float32),
          pltpu.VMEM((_RPW, dcols), jnp.float32),
          pltpu.VMEM((_RPW, dcols), jnp.float32),
          pltpu.VMEM((_RPW + 24,), jnp.float32),
          pltpu.VMEM((2, _RPW + 24), jnp.float32),
          pltpu.VMEM_SHARED((_NP, dcols), jnp.float32),
          pltpu.VMEM_SHARED((_NP, dcols), jnp.float32),
          pltpu.SemaphoreType.DMA((2,)),
          pltpu.SemaphoreType.DMA((2,)),
      ],
      compiler_params=_params,
  )
  def edge_pass(feat_hbm, aux_hbm, src_hbm, dst_hbm, *refs):
    if first_layer:
      (z_hbm, dis_hbm, src_v, dst_v, rows_v, g_v, z_v, dis_v, dc_v,
       acc_sh, g_sh, gsem, ssem) = refs
    else:
      (z_hbm, src_v, dst_v, rows_v, g_v, z_v, dis_v, dc_v,
       acc_sh, g_sh, gsem, ssem) = refs
    c = lax.axis_index("c")
    s = lax.axis_index("s")
    wid = c * _NS + s
    rows = pl.ds(s * _RPW, _RPW)

    @pl.loop(0, _RPW)
    def _(i):
      for d0 in range(dcols // 16):
        g_v[i, pl.ds(d0 * 16, 16)] = jnp.zeros((16,), jnp.float32)

    pltpu.sync_copy(g_v, acc_sh.at[rows])

    if first_layer:
      pltpu.sync_copy(aux_hbm.at[0, rows], dc_v.at[0, pl.ds(0, _RPW)])
      pltpu.sync_copy(aux_hbm.at[1, rows], dc_v.at[1, pl.ds(0, _RPW)])
      iota16 = lax.iota(jnp.int32, 16)
      base = s * _RPW

      @pl.loop(0, -(-_RPW // 16))
      def _(i):
        deg = dc_v[0, pl.ds(i * 16, 16)] + dc_v[1, pl.ds(i * 16, 16)] + 1.0
        ids = iota16 + (base + i * 16)
        dis_v[pl.ds(i * 16, 16)] = jnp.where(ids < _N, _rsqrt_nr(deg), 0.0)
    else:
      pltpu.sync_copy(aux_hbm.at[rows], dis_v.at[pl.ds(0, _RPW)])

    pltpu.sync_copy(feat_hbm.at[rows], g_v)

    @pl.loop(0, _RPW)
    def _(i):
      d = dis_v[pl.ds(i, 16)][0]
      for d0 in range(dcols // 16):
        sl = pl.ds(d0 * 16, 16)
        g_v[i, sl] = g_v[i, sl] * d

    pltpu.sync_copy(g_v, g_sh.at[rows])
    pltpu.sync_copy(src_hbm.at[wid], src_v)
    pltpu.sync_copy(dst_hbm.at[wid], dst_v)
    plsc.subcore_barrier()

    ngrp = _K // _G

    def gath(grp, p, b):
      return pltpu.make_async_copy(
          g_sh.at[src_v.at[grp * _G + b]], rows_v.at[p, b], gsem.at[p])

    def scat_start(grp, p, b):
      pltpu.async_copy(rows_v.at[p, b], acc_sh.at[dst_v.at[grp * _G + b]],
                       ssem.at[p], add=True)

    def scat_wait(grp, p, b):
      pltpu.make_async_copy(rows_v.at[p, b],
                            acc_sh.at[dst_v.at[grp * _G + b]],
                            ssem.at[p]).wait()

    for b in range(_G):
      gath(0, 0, b).start()

    @pl.loop(0, ngrp // 2)
    def _(m):
      g0 = m * 2
      g1 = g0 + 1

      @pl.when(m > 0)
      def _():
        for b in range(_G):
          scat_wait(g0 - 1, 1, b)

      for b in range(_G):
        gath(g1, 1, b).start()
      for b in range(_G):
        gath(g0, 0, b).wait()
      for b in range(_G):
        scat_start(g0, 0, b)
      for b in range(_G):
        scat_wait(g0, 0, b)

      @pl.when(g1 < ngrp - 1)
      def _():
        for b in range(_G):
          gath(g0 + 2, 0, b).start()

      for b in range(_G):
        gath(g1, 1, b).wait()
      for b in range(_G):
        scat_start(g1, 1, b)

    for b in range(_G):
      scat_wait(ngrp - 1, 1, b)

    plsc.subcore_barrier()

    pltpu.sync_copy(acc_sh.at[rows], z_v)
    gmul = jnp.where(c == 0, 1.0, 0.0)

    @pl.loop(0, _RPW)
    def _(i):
      d = dis_v[pl.ds(i, 16)][0]
      for d0 in range(dcols // 16):
        sl = pl.ds(d0 * 16, 16)
        z_v[i, sl] = (z_v[i, sl] + gmul * g_v[i, sl]) * d

    pltpu.sync_copy(z_v, z_hbm.at[c, rows])
    if first_layer:
      @pl.when(c == 0)
      def _():
        pltpu.sync_copy(dis_v.at[pl.ds(0, _RPW)], dis_hbm.at[rows])

  return edge_pass


_pass1 = _make_edge_pass(32, first_layer=True)
_pass2 = _make_edge_pass(16, first_layer=False)


@functools.partial(
    pl.kernel,
    out_type=jax.ShapeDtypeStruct((_NP,), jnp.float32),
    mesh=_mesh,
    scratch_types=[
        pltpu.VMEM((_RPW, 16), jnp.float32),
        pltpu.VMEM((_RPW, 16), jnp.float32),
        pltpu.VMEM((_RPW + 24,), jnp.float32),
        pltpu.VMEM((16,), jnp.float32),
        pltpu.VMEM((16,), jnp.float32),
        pltpu.VMEM((16,), jnp.float32),
    ],
    compiler_params=_params,
)
def _head_pass(z_hbm, b2_hbm, wo_hbm, bo_hbm, out_hbm,
               za_v, zb_v, y_v, b2_v, wo_v, bo_v):
  c = lax.axis_index("c")
  s = lax.axis_index("s")

  @pl.when(c == 0)
  def _():
    pltpu.sync_copy(b2_hbm, b2_v)
    pltpu.sync_copy(wo_hbm, wo_v)
    pltpu.sync_copy(bo_hbm, bo_v)
    rows = pl.ds(s * _RPW, _RPW)
    pltpu.sync_copy(z_hbm.at[0, rows], za_v)
    pltpu.sync_copy(z_hbm.at[1, rows], zb_v)
    b2r = b2_v[...]

    @pl.loop(0, _RPW)
    def _(i):
      sl = pl.ds(0, 16)
      za_v[i, sl] = jnp.maximum(za_v[i, sl] + zb_v[i, sl] + b2r, 0.0)

    wor = wo_v[...]
    bor = bo_v[...]
    iota16 = lax.iota(jnp.int32, 16)

    @pl.loop(0, -(-_RPW // 16))
    def _(blk):
      ridx = jnp.minimum(iota16 + blk * 16, _RPW - 1)
      acc = jnp.zeros((16,), jnp.float32) + bor[0]
      for j in range(16):
        col = plsc.load_gather(za_v, [ridx, jnp.full((16,), j, jnp.int32)])
        acc = acc + wor[j] * col
      y_v[pl.ds(blk * 16, 16)] = acc

    pltpu.sync_copy(y_v.at[pl.ds(0, _RPW)], out_hbm.at[rows])


def _mm_body(x_ref, w_ref, o_ref):
  hw = jnp.dot(x_ref[...], w_ref[...], preferred_element_type=jnp.float32)
  o_ref[...] = jnp.pad(hw, ((0, _NP - _N), (0, 0)))


def _mid_body(z_ref, b_ref, w_ref, o_ref):
  h = jnp.maximum(z_ref[0] + z_ref[1] + b_ref[...], 0.0)
  o_ref[...] = jnp.dot(h, w_ref[...], preferred_element_type=jnp.float32)


def _f32(*shape):
  return jax.ShapeDtypeStruct(shape, jnp.float32)


def kernel(x, edge_index, W1, b1, W2, b2, W_out, b_out):
  pad = _EP - _E
  fill = jnp.full((pad,), _N, jnp.int32)
  srcp = jnp.concatenate([edge_index[0], fill]).reshape(_NW, _K, _B)
  dstp = jnp.concatenate([edge_index[1], fill]).reshape(_NW, _K, _B)

  hw1 = pl.pallas_call(_mm_body, out_shape=_f32(_NP, 32))(x, W1)
  degt = _deg_pass(dstp)
  z1, dis = _pass1(hw1, degt, srcp, dstp)
  p1 = pl.pallas_call(_mid_body, out_shape=_f32(_NP, 16))(
      z1, b1.reshape(1, -1), W2)
  z2 = _pass2(p1, dis, srcp, dstp)
  y = _head_pass(z2, b2, W_out.reshape(-1), jnp.pad(b_out, (0, 15)))
  return y[:_N, None]

# --- scband reference (transcript-rebuilt; emitter-appended) ---
"""Pipeline reference for scband-baseline-gcn-45019847197427 (READ-ONLY COPY).

The authoritative reference and input builder live on the scoring server;
editing this copy changes nothing except your own understanding.
"""

import jax, jax.numpy as jnp
import numpy as np

N = 10000
E = 320000
D_IN = 128
D_HID = 32
D_OUT = 16


def setup_inputs(seed: int = 0) -> dict:
    key = jax.random.key(seed)
    ks = jax.random.split(key, 8)
    x = jax.random.normal(ks[0], (N, D_IN), dtype=jnp.float32)
    edge_index = jax.random.randint(ks[1], (2, E), 0, N, dtype=jnp.int32)
    W1 = jax.random.normal(ks[2], (D_IN, D_HID), dtype=jnp.float32) * (1.0 / np.sqrt(D_IN))
    b1 = jnp.zeros((D_HID,), dtype=jnp.float32)
    W2 = jax.random.normal(ks[3], (D_HID, D_OUT), dtype=jnp.float32) * (1.0 / np.sqrt(D_HID))
    b2 = jnp.zeros((D_OUT,), dtype=jnp.float32)
    W_out = jax.random.normal(ks[4], (D_OUT, 1), dtype=jnp.float32) * (1.0 / np.sqrt(D_OUT))
    b_out = jnp.zeros((1,), dtype=jnp.float32)
    return {"x": x, "edge_index": edge_index, "W1": W1, "b1": b1, "W2": W2, "b2": b2, "W_out": W_out, "b_out": b_out}


def _gcn_conv(h, edge_index, W, b):
    # PyG-style GCNConv: add self-loops, symmetric normalization deg^-1/2 A deg^-1/2
    n = h.shape[0]
    src = edge_index[0]
    dst = edge_index[1]
    loop = jnp.arange(n, dtype=src.dtype)
    src_f = jnp.concatenate([src, loop], axis=0)
    dst_f = jnp.concatenate([dst, loop], axis=0)
    deg = jnp.zeros((n,), dtype=h.dtype).at[dst_f].add(1.0)
    dis = jax.lax.rsqrt(jnp.maximum(deg, 1.0))
    norm = dis[src_f] * dis[dst_f]
    hw = h @ W
    msg = jnp.take(hw, src_f, axis=0) * norm[:, None]
    agg = jnp.zeros((n, hw.shape[1]), dtype=hw.dtype).at[dst_f].add(msg)
    return agg + b


def reference(x, edge_index, W1, b1, W2, b2, W_out, b_out):
    h = jax.nn.relu(_gcn_conv(x, edge_index, W1, b1))
    # dropout p=0.2 is a no-op in eval mode
    h = jax.nn.relu(_gcn_conv(h, edge_index, W2, b2))
    return h @ W_out + b_out

if __name__ == "__main__":
    import jax
    _d = setup_inputs()
    print(jax.jit(kernel)(*tuple(_d.values())))

</pallas_src>

<mosaic_0001>
#map = affine_map<(d0, d1) -> (0, 0, 0)>
#map1 = affine_map<(d0, d1) -> (0, 0)>
module attributes {stable_mosaic.version = 14 : i64} {
  func.func @_deg_pass(%arg0: i32, %arg1: i32, %arg2: memref<32x80x128xi32, #tpu.memory_space<hbm>>, %arg3: memref<2x10112xf32, #tpu.memory_space<hbm>>, %arg4: memref<80x128xi32, #tpu.memory_space<vmem>>, %arg5: memref<128x16xf32, #tpu.memory_space<vmem>>, %arg6: memref<632x16xf32, #tpu.memory_space<vmem>>, %arg7: memref<656xf32, #tpu.memory_space<vmem>>, %arg8: memref<10112x16xf32, #tpu.memory_space<vmem_shared>>, %arg9: memref<!tpu.dma_semaphore, #tpu.memory_space<semaphore_mem>>) attributes {dimension_semantics = [#tpu.dimension_semantics<core_parallel>, #tpu.dimension_semantics<subcore_parallel>], iteration_bounds = array<i64: 2, 16>, scalar_prefetch = 0 : i64, scratch_operands = 6 : i64, tpu.core_type = #tpu.core_type<sc_vector_subcore>, window_params = [{transform_indices = #map}, {transform_indices = #map1}]} {
    %mul3A = arith.constant 16 : i32
    %mul3A_0 = arith.muli %arg0, %mul3A : i32
    %add3A = arith.addi %mul3A_0, %arg1 : i32
    %mul3A_1 = arith.constant 632 : i32
    %mul3A_2 = arith.muli %arg1, %mul3A_1 : i32
    %scan3A = arith.constant 0 : i32
    %scan3A_3 = arith.constant 632 : i32
    %scan3A_4 = arith.addi %scan3A, %scan3A_3 : i32
    %scan3A_5 = arith.constant 1 : i32
    scf.for %scan3A_50 = %scan3A to %scan3A_4 step %scan3A_5  : i32 {
      %mul3A_51 = arith.constant 1 : i32
      %mul3A_52 = arith.muli %scan3A_50, %mul3A_51 : i32
      %add3A_53 = arith.constant 0 : i32
      %add3A_54 = arith.addi %add3A_53, %mul3A_52 : i32
      %broadcast_in_dim3A_55 = arith.constant 0.000000e+00 : f32
      %broadcast_in_dim3A_56 = vector.broadcast %broadcast_in_dim3A_55 : f32 to vector<16xf32>
      %swap3A = arith.index_cast %add3A_54 : i32 to index
      %swap3A_57 = arith.constant 0 : index
      %swap3A_58 = tpu.vector_load %arg6[%swap3A, %swap3A_57] {strides = array<i32>} : memref<632x16xf32, #tpu.memory_space<vmem>>, vector<16xf32>,
      tpu.vector_store %arg6[%swap3A, %swap3A_57], %broadcast_in_dim3A_56 {strides = array<i32>} : memref<632x16xf32, #tpu.memory_space<vmem>>, vector<16xf32>,
    }
    %scan3A_6 = arith.constant 632 : i32
    %scan3A_7 = arith.constant 0 : i32
    %scan3A_8 = arith.constant 128 : i32
    %scan3A_9 = arith.addi %scan3A_7, %scan3A_8 : i32
    %scan3A_10 = arith.constant 1 : i32
    scf.for %scan3A_50 = %scan3A_7 to %scan3A_9 step %scan3A_10  : i32 {
      %mul3A_51 = arith.constant 1 : i32
      %mul3A_52 = arith.muli %scan3A_50, %mul3A_51 : i32
      %add3A_53 = arith.constant 0 : i32
      %add3A_54 = arith.addi %add3A_53, %mul3A_52 : i32
      %broadcast_in_dim3A_55 = arith.constant 1.000000e+00 : f32
      %broadcast_in_dim3A_56 = vector.broadcast %broadcast_in_dim3A_55 : f32 to vector<16xf32>
      %swap3A = arith.index_cast %add3A_54 : i32 to index
      %swap3A_57 = arith.constant 0 : index
      %swap3A_58 = tpu.vector_load %arg5[%swap3A, %swap3A_57] {strides = array<i32>} : memref<128x16xf32, #tpu.memory_space<vmem>>, vector<16xf32>,
      tpu.vector_store %arg5[%swap3A, %swap3A_57], %broadcast_in_dim3A_56 {strides = array<i32>} : memref<128x16xf32, #tpu.memory_space<vmem>>, vector<16xf32>,
    }
    %scan3A_11 = arith.constant 128 : i32
    "tpu.region"() ({
      %run_scoped3A = tpu.sem_alloc : memref<!tpu.dma_semaphore, #tpu.memory_space<semaphore_mem>>
      %dma_start3A_50 = arith.constant 0 : i32
      %dma_start3A_51 = tpu.memref_slice %arg8[%mul3A_2, %dma_start3A_50] : memref<10112x16xf32, #tpu.memory_space<vmem_shared>> -> memref<632x16xf32, #tpu.memory_space<vmem_shared>>
      %dma_start3A_52 = arith.constant 0 : i32
      %dma_start3A_53 = tpu.memref_slice %arg8[%mul3A_2, %dma_start3A_52] : memref<10112x16xf32, #tpu.memory_space<vmem_shared>> -> memref<632x16xf32, #tpu.memory_space<vmem_shared>>
      tpu.enqueue_dma source(%arg6 : memref<632x16xf32, #tpu.memory_space<vmem>>) target(%dma_start3A_53 : memref<632x16xf32, #tpu.memory_space<vmem_shared>>) target_semaphore(%run_scoped3A : memref<!tpu.dma_semaphore, #tpu.memory_space<semaphore_mem>>)
      %dma_wait3A_54 = arith.constant 0 : i32
      %dma_wait3A_55 = tpu.memref_slice %arg8[%mul3A_2, %dma_wait3A_54] : memref<10112x16xf32, #tpu.memory_space<vmem_shared>> -> memref<632x16xf32, #tpu.memory_space<vmem_shared>>
      %dma_wait3A_56 = arith.constant 0 : i32
      %dma_wait3A_57 = tpu.memref_slice %arg8[%mul3A_2, %dma_wait3A_56] : memref<10112x16xf32, #tpu.memory_space<vmem_shared>> -> memref<632x16xf32, #tpu.memory_space<vmem_shared>>
      tpu.wait_dma2 semaphore(%run_scoped3A : memref<!tpu.dma_semaphore, #tpu.memory_space<semaphore_mem>>) src(%arg6 : memref<632x16xf32, #tpu.memory_space<vmem>>) dst(%dma_wait3A_57 : memref<632x16xf32, #tpu.memory_space<vmem_shared>>)
      tpu.yield
    }) : () -> ()
    "tpu.region"() ({
      %run_scoped3A = tpu.sem_alloc : memref<!tpu.dma_semaphore, #tpu.memory_space<semaphore_mem>>
      %dma_start3A_50 = arith.constant 0 : i32
      %dma_start3A_51 = arith.constant 0 : i32
      %dma_start3A_52 = tpu.memref_slice %arg2[%add3A, %dma_start3A_50, %dma_start3A_51] : memref<32x80x128xi32, #tpu.memory_space<hbm>> -> memref<1x80x128xi32, #tpu.memory_space<hbm>>
      %dma_start3A_53 = tpu.memref_squeeze %dma_start3A_52 : memref<1x80x128xi32, #tpu.memory_space<hbm>> -> memref<80x128xi32, #tpu.memory_space<hbm>>
      %dma_start3A_54 = arith.constant 0 : i32
      %dma_start3A_55 = arith.constant 0 : i32
      %dma_start3A_56 = tpu.memref_slice %arg2[%add3A, %dma_start3A_54, %dma_start3A_55] : memref<32x80x128xi32, #tpu.memory_space<hbm>> -> memref<1x80x128xi32, #tpu.memory_space<hbm>>
      %dma_start3A_57 = tpu.memref_squeeze %dma_start3A_56 : memref<1x80x128xi32, #tpu.memory_space<hbm>> -> memref<80x128xi32, #tpu.memory_space<hbm>>
      tpu.enqueue_dma source(%dma_start3A_57 : memref<80x128xi32, #tpu.memory_space<hbm>>) target(%arg4 : memref<80x128xi32, #tpu.memory_space<vmem>>) target_semaphore(%run_scoped3A : memref<!tpu.dma_semaphore, #tpu.memory_space<semaphore_mem>>)
      %dma_wait3A_58 = arith.constant 0 : i32
      %dma_wait3A_59 = arith.constant 0 : i32
      %dma_wait3A_60 = tpu.memref_slice %arg2[%add3A, %dma_wait3A_58, %dma_wait3A_59] : memref<32x80x128xi32, #tpu.memory_space<hbm>> -> memref<1x80x128xi32, #tpu.memory_space<hbm>>
      %dma_wait3A_61 = tpu.memref_squeeze %dma_wait3A_60 : memref<1x80x128xi32, #tpu.memory_space<hbm>> -> memref<80x128xi32, #tpu.memory_space<hbm>>
      %dma_wait3A_62 = arith.constant 0 : i32
      %dma_wait3A_63 = arith.constant 0 : i32
      %dma_wait3A_64 = tpu.memref_slice %arg2[%add3A, %dma_wait3A_62, %dma_wait3A_63] : memref<32x80x128xi32, #tpu.memory_space<hbm>> -> memref<1x80x128xi32, #tpu.memory_space<hbm>>
      %dma_wait3A_65 = tpu.memref_squeeze %dma_wait3A_64 : memref<1x80x128xi32, #tpu.memory_space<hbm>> -> memref<80x128xi32, #tpu.memory_space<hbm>>
      tpu.wait_dma2 semaphore(%run_scoped3A : memref<!tpu.dma_semaphore, #tpu.memory_space<semaphore_mem>>) src(%dma_wait3A_65 : memref<80x128xi32, #tpu.memory_space<hbm>>) dst(%arg4 : memref<80x128xi32, #tpu.memory_space<vmem>>)
      tpu.yield
    }) : () -> ()
    %barrier3A = arith.constant 0 : index
    tpu.barrier barrier_id(%barrier3A)
    %dma_start3A = arith.constant 0 : i32
    %dma_start3A_12 = arith.constant 0 : i32
    %dma_start3A_13 = tpu.memref_slice %arg4[%dma_start3A, %dma_start3A_12] : memref<80x128xi32, #tpu.memory_space<vmem>> -> memref<1x128xi32, #tpu.memory_space<vmem>>
    %dma_start3A_14 = tpu.memref_squeeze %dma_start3A_13 : memref<1x128xi32, #tpu.memory_space<vmem>> -> memref<128xi32, #tpu.memory_space<vmem>>
    %dma_start3A_15 = arith.constant 0 : i32
    %dma_start3A_16 = arith.constant 0 : i32
    %dma_start3A_17 = tpu.memref_slice %arg8[%dma_start3A_15, %dma_start3A_16] : memref<10112x16xf32, #tpu.memory_space<vmem_shared>> -> memref<10112x16xf32, #tpu.memory_space<vmem_shared>>
    tpu.enqueue_indirect_dma source(%arg5 : memref<128x16xf32, #tpu.memory_space<vmem>>) target(%dma_start3A_17 : memref<10112x16xf32, #tpu.memory_space<vmem_shared>>) offsets(%dma_start3A_14 : memref<128xi32, #tpu.memory_space<vmem>>) semaphore(%arg9 : memref<!tpu.dma_semaphore, #tpu.memory_space<semaphore_mem>>) {add = true}
    %dma_start3A_18 = arith.constant 1 : i32
    %dma_start3A_19 = arith.constant 0 : i32
    %dma_start3A_20 = tpu.memref_slice %arg4[%dma_start3A_18, %dma_start3A_19] : memref<80x128xi32, #tpu.memory_space<vmem>> -> memref<1x128xi32, #tpu.memory_space<vmem>>
    %dma_start3A_21 = tpu.memref_squeeze %dma_start3A_20 : memref<1x128xi32, #tpu.memory_space<vmem>> -> memref<128xi32, #tpu.memory_space<vmem>>
    %dma_start3A_22 = arith.constant 0 : i32
    %dma_start3A_23 = arith.constant 0 : i32
    %dma_start3A_24 = tpu.memref_slice %arg8[%dma_start3A_22, %dma_start3A_23] : memref<10112x16xf32, #tpu.memory_space<vmem_shared>> -> memref<10112x16xf32, #tpu.memory_space<vmem_shared>>
    tpu.enqueue_indirect_dma source(%arg5 : memref<128x16xf32, #tpu.memory_space<vmem>>) target(%dma_start3A_24 : memref<10112x16xf32, #tpu.memory_space<vmem_shared>>) offsets(%dma_start3A_21 : memref<128xi32, #tpu.memory_space<vmem>>) semaphore(%arg9 : memref<!tpu.dma_semaphore, #tpu.memory_space<semaphore_mem>>) {add = true}
    %scan3A_25 = arith.constant 0 : i32
    %scan3A_26 = arith.constant 39 : i32
    %scan3A_27 = arith.addi %scan3A_25, %scan3A_26 : i32
    %scan3A_28 = arith.constant 1 : i32
    scf.for %scan3A_50 = %scan3A_25 to %scan3A_27 step %scan3A_28  : i32 {
      %mul3A_51 = arith.constant 1 : i32
      %mul3A_52 = arith.muli %scan3A_50, %mul3A_51 : i32
      %add3A_53 = arith.constant 1 : i32
      %add3A_54 = arith.addi %add3A_53, %mul3A_52 : i32
      %mul3A_55 = arith.constant 2 : i32
      %mul3A_56 = arith.muli %add3A_54, %mul3A_55 : i32
      %add3A_57 = arith.constant 0 : i32
      %add3A_58 = arith.addi %mul3A_56, %add3A_57 : i32
      %dma_start3A_59 = arith.constant 0 : i32
      %dma_start3A_60 = tpu.memref_slice %arg4[%add3A_58, %dma_start3A_59] : memref<80x128xi32, #tpu.memory_space<vmem>> -> memref<1x128xi32, #tpu.memory_space<vmem>>
      %dma_start3A_61 = tpu.memref_squeeze %dma_start3A_60 : memref<1x128xi32, #tpu.memory_space<vmem>> -> memref<128xi32, #tpu.memory_space<vmem>>
      %dma_start3A_62 = arith.constant 0 : i32
      %dma_start3A_63 = arith.constant 0 : i32
      %dma_start3A_64 = tpu.memref_slice %arg8[%dma_start3A_62, %dma_start3A_63] : memref<10112x16xf32, #tpu.memory_space<vmem_shared>> -> memref<10112x16xf32, #tpu.memory_space<vmem_shared>>
      tpu.enqueue_indirect_dma source(%arg5 : memref<128x16xf32, #tpu.memory_space<vmem>>) target(%dma_start3A_64 : memref<10112x16xf32, #tpu.memory_space<vmem_shared>>) offsets(%dma_start3A_61 : memref<128xi32, #tpu.memory_space<vmem>>) semaphore(%arg9 : memref<!tpu.dma_semaphore, #tpu.memory_space<semaphore_mem>>) {add = true}
      %mul3A_65 = arith.constant 2 : i32
      %mul3A_66 = arith.muli %add3A_54, %mul3A_65 : i32
      %add3A_67 = arith.constant 1 : i32
      %add3A_68 = arith.addi %mul3A_66, %add3A_67 : i32
      %dma_start3A_69 = arith.constant 0 : i32
      %dma_start3A_70 = tpu.memref_slice %arg4[%add3A_68, %dma_start3A_69] : memref<80x128xi32, #tpu.memory_space<vmem>> -> memref<1x128xi32, #tpu.memory_space<vmem>>
      %dma_start3A_71 = tpu.memref_squeeze %dma_start3A_70 : memref<1x128xi32, #tpu.memory_space<vmem>> -> memref<128xi32, #tpu.memory_space<vmem>>
      %dma_start3A_72 = arith.constant 0 : i32
      %dma_start3A_73 = arith.constant 0 : i32
      %dma_start3A_74 = tpu.memref_slice %arg8[%dma_start3A_72, %dma_start3A_73] : memref<10112x16xf32, #tpu.memory_space<vmem_shared>> -> memref<10112x16xf32, #tpu.memory_space<vmem_shared>>
      tpu.enqueue_indirect_dma source(%arg5 : memref<128x16xf32, #tpu.memory_space<vmem>>) target(%dma_start3A_74 : memref<10112x16xf32, #tpu.memory_space<vmem_shared>>) offsets(%dma_start3A_71 : memref<128xi32, #tpu.memory_space<vmem>>) semaphore(%arg9 : memref<!tpu.dma_semaphore, #tpu.memory_space<semaphore_mem>>) {add = true}
      %sub3A = arith.constant 1 : i32
      %sub3A_75 = arith.subi %add3A_54, %sub3A : i32
      %mul3A_76 = arith.constant 2 : i32
      %mul3A_77 = arith.muli %sub3A_75, %mul3A_76 : i32
      %add3A_78 = arith.constant 0 : i32
      %add3A_79 = arith.addi %mul3A_77, %add3A_78 : i32
      %dma_wait3A_80 = arith.constant 0 : i32
      %dma_wait3A_81 = tpu.memref_slice %arg4[%add3A_79, %dma_wait3A_80] : memref<80x128xi32, #tpu.memory_space<vmem>> -> memref<1x128xi32, #tpu.memory_space<vmem>>
      %dma_wait3A_82 = tpu.memref_squeeze %dma_wait3A_81 : memref<1x128xi32, #tpu.memory_space<vmem>> -> memref<128xi32, #tpu.memory_space<vmem>>
      %dma_wait3A_83 = arith.constant 0 : i32
      %dma_wait3A_84 = arith.constant 0 : i32
      %dma_wait3A_85 = tpu.memref_slice %arg8[%dma_wait3A_83, %dma_wait3A_84] : memref<10112x16xf32, #tpu.memory_space<vmem_shared>> -> memref<10112x16xf32, #tpu.memory_space<vmem_shared>>
      tpu.wait_indirect_dma semaphore(%arg9 : memref<!tpu.dma_semaphore, #tpu.memory_space<semaphore_mem>>) src(%arg5 : memref<128x16xf32, #tpu.memory_space<vmem>>) dst(%dma_wait3A_85 : memref<10112x16xf32, #tpu.memory_space<vmem_shared>>)
      %sub3A_86 = arith.constant 1 : i32
      %sub3A_87 = arith.subi %add3A_54, %sub3A_86 : i32
      %mul3A_88 = arith.constant 2 : i32
      %mul3A_89 = arith.muli %sub3A_87, %mul3A_88 : i32
      %add3A_90 = arith.constant 1 : i32
      %add3A_91 = arith.addi %mul3A_89, %add3A_90 : i32
      %dma_wait3A_92 = arith.constant 0 : i32
      %dma_wait3A_93 = tpu.memref_slice %arg4[%add3A_91, %dma_wait3A_92] : memref<80x128xi32, #tpu.memory_space<vmem>> -> memref<1x128xi32, #tpu.memory_space<vmem>>
      %dma_wait3A_94 = tpu.memref_squeeze %dma_wait3A_93 : memref<1x128xi32, #tpu.memory_space<vmem>> -> memref<128xi32, #tpu.memory_space<vmem>>
      %dma_wait3A_95 = arith.constant 0 : i32
      %dma_wait3A_96 = arith.constant 0 : i32
      %dma_wait3A_97 = tpu.memref_slice %arg8[%dma_wait3A_95, %dma_wait3A_96] : memref<10112x16xf32, #tpu.memory_space<vmem_shared>> -> memref<10112x16xf32, #tpu.memory_space<vmem_shared>>
      tpu.wait_indirect_dma semaphore(%arg9 : memref<!tpu.dma_semaphore, #tpu.memory_space<semaphore_mem>>) src(%arg5 : memref<128x16xf32, #tpu.memory_space<vmem>>) dst(%dma_wait3A_97 : memref<10112x16xf32, #tpu.memory_space<vmem_shared>>)
    }
    %scan3A_29 = arith.constant 39 : i32
    %dma_wait3A = arith.constant 78 : i32
    %dma_wait3A_30 = arith.constant 0 : i32
    %dma_wait3A_31 = tpu.memref_slice %arg4[%dma_wait3A, %dma_wait3A_30] : memref<80x128xi32, #tpu.memory_space<vmem>> -> memref<1x128xi32, #tpu.memory_space<vmem>>
    %dma_wait3A_32 = tpu.memref_squeeze %dma_wait3A_31 : memref<1x128xi32, #tpu.memory_space<vmem>> -> memref<128xi32, #tpu.memory_space<vmem>>
    %dma_wait3A_33 = arith.constant 0 : i32
    %dma_wait3A_34 = arith.constant 0 : i32
    %dma_wait3A_35 = tpu.memref_slice %arg8[%dma_wait3A_33, %dma_wait3A_34] : memref<10112x16xf32, #tpu.memory_space<vmem_shared>> -> memref<10112x16xf32, #tpu.memory_space<vmem_shared>>
    tpu.wait_indirect_dma semaphore(%arg9 : memref<!tpu.dma_semaphore, #tpu.memory_space<semaphore_mem>>) src(%arg5 : memref<128x16xf32, #tpu.memory_space<vmem>>) dst(%dma_wait3A_35 : memref<10112x16xf32, #tpu.memory_space<vmem_shared>>)
    %dma_wait3A_36 = arith.constant 79 : i32
    %dma_wait3A_37 = arith.constant 0 : i32
    %dma_wait3A_38 = tpu.memref_slice %arg4[%dma_wait3A_36, %dma_wait3A_37] : memref<80x128xi32, #tpu.memory_space<vmem>> -> memref<1x128xi32, #tpu.memory_space<vmem>>
    %dma_wait3A_39 = tpu.memref_squeeze %dma_wait3A_38 : memref<1x128xi32, #tpu.memory_space<vmem>> -> memref<128xi32, #tpu.memory_space<vmem>>
    %dma_wait3A_40 = arith.constant 0 : i32
    %dma_wait3A_41 = arith.constant 0 : i32
    %dma_wait3A_42 = tpu.memref_slice %arg8[%dma_wait3A_40, %dma_wait3A_41] : memref<10112x16xf32, #tpu.memory_space<vmem_shared>> -> memref<10112x16xf32, #tpu.memory_space<vmem_shared>>
    tpu.wait_indirect_dma semaphore(%arg9 : memref<!tpu.dma_semaphore, #tpu.memory_space<semaphore_mem>>) src(%arg5 : memref<128x16xf32, #tpu.memory_space<vmem>>) dst(%dma_wait3A_42 : memref<10112x16xf32, #tpu.memory_space<vmem_shared>>)
    %barrier3A_43 = arith.constant 0 : index
    tpu.barrier barrier_id(%barrier3A_43)
    "tpu.region"() ({
      %run_scoped3A = tpu.sem_alloc : memref<!tpu.dma_semaphore, #tpu.memory_space<semaphore_mem>>
      %dma_start3A_50 = arith.constant 0 : i32
      %dma_start3A_51 = tpu.memref_slice %arg8[%mul3A_2, %dma_start3A_50] : memref<10112x16xf32, #tpu.memory_space<vmem_shared>> -> memref<632x16xf32, #tpu.memory_space<vmem_shared>>
      %dma_start3A_52 = arith.constant 0 : i32
      %dma_start3A_53 = tpu.memref_slice %arg8[%mul3A_2, %dma_start3A_52] : memref<10112x16xf32, #tpu.memory_space<vmem_shared>> -> memref<632x16xf32, #tpu.memory_space<vmem_shared>>
      tpu.enqueue_dma source(%dma_start3A_53 : memref<632x16xf32, #tpu.memory_space<vmem_shared>>) target(%arg6 : memref<632x16xf32, #tpu.memory_space<vmem>>) target_semaphore(%run_scoped3A : memref<!tpu.dma_semaphore, #tpu.memory_space<semaphore_mem>>)
      %dma_wait3A_54 = arith.constant 0 : i32
      %dma_wait3A_55 = tpu.memref_slice %arg8[%mul3A_2, %dma_wait3A_54] : memref<10112x16xf32, #tpu.memory_space<vmem_shared>> -> memref<632x16xf32, #tpu.memory_space<vmem_shared>>
      %dma_wait3A_56 = arith.constant 0 : i32
      %dma_wait3A_57 = tpu.memref_slice %arg8[%mul3A_2, %dma_wait3A_56] : memref<10112x16xf32, #tpu.memory_space<vmem_shared>> -> memref<632x16xf32, #tpu.memory_space<vmem_shared>>
      tpu.wait_dma2 semaphore(%run_scoped3A : memref<!tpu.dma_semaphore, #tpu.memory_space<semaphore_mem>>) src(%dma_wait3A_57 : memref<632x16xf32, #tpu.memory_space<vmem_shared>>) dst(%arg6 : memref<632x16xf32, #tpu.memory_space<vmem>>)
      tpu.yield
    }) : () -> ()
    %broadcast_in_dim3A = arith.constant 0 : i32
    %broadcast_in_dim3A_44 = vector.broadcast %broadcast_in_dim3A : i32 to vector<16xi32>
    %iota3A = tpu.iota {dimensions = array<i32: 0>} : vector<16xi32>
    %scan3A_45 = arith.constant 0 : i32
    %scan3A_46 = arith.constant 40 : i32
    %scan3A_47 = arith.addi %scan3A_45, %scan3A_46 : i32
    %scan3A_48 = arith.constant 1 : i32
    scf.for %scan3A_50 = %scan3A_45 to %scan3A_47 step %scan3A_48  : i32 {
      %mul3A_51 = arith.constant 1 : i32
      %mul3A_52 = arith.muli %scan3A_50, %mul3A_51 : i32
      %add3A_53 = arith.constant 0 : i32
      %add3A_54 = arith.addi %add3A_53, %mul3A_52 : i32
      %mul3A_55 = arith.constant 16 : i32
      %mul3A_56 = arith.muli %add3A_54, %mul3A_55 : i32
      %add3A_57 = vector.broadcast %mul3A_56 : i32 to vector<16xi32>
      %add3A_58 = arith.addi %iota3A, %add3A_57 : vector<16xi32>
      %min3A = arith.constant 631 : i32
      %min3A_59 = vector.broadcast %min3A : i32 to vector<16xi32>
      %min3A_60 = arith.minsi %add3A_58, %min3A_59 : vector<16xi32>
      %gather3A = tpu.vector_load_idx %arg6[%min3A_60, %broadcast_in_dim3A_44] : memref<632x16xf32, #tpu.memory_space<vmem>>[vector<16xi32>, vector<16xi32>], vector<16xf32>,
      %mul3A_61 = arith.constant 16 : i32
      %mul3A_62 = arith.muli %add3A_54, %mul3A_61 : i32
      %swap3A = arith.index_cast %mul3A_62 : i32 to index
      %swap3A_63 = tpu.vector_load %arg7[%swap3A] {strides = array<i32>} : memref<656xf32, #tpu.memory_space<vmem>>, vector<16xf32>,
      tpu.vector_store %arg7[%swap3A], %gather3A {strides = array<i32>} : memref<656xf32, #tpu.memory_space<vmem>>, vector<16xf32>,
    }
    %scan3A_49 = arith.constant 40 : i32
    "tpu.region"() ({
      %run_scoped3A = tpu.sem_alloc : memref<!tpu.dma_semaphore, #tpu.memory_space<semaphore_mem>>
      %dma_start3A_50 = arith.constant 0 : i32
      %dma_start3A_51 = tpu.memref_slice %arg7[%dma_start3A_50] : memref<656xf32, #tpu.memory_space<vmem>> -> memref<632xf32, #tpu.memory_space<vmem>>
      %dma_start3A_52 = tpu.memref_slice %arg3[%arg0, %mul3A_2] : memref<2x10112xf32, #tpu.memory_space<hbm>> -> memref<1x632xf32, #tpu.memory_space<hbm>>
      %dma_start3A_53 = tpu.memref_squeeze %dma_start3A_52 : memref<1x632xf32, #tpu.memory_space<hbm>> -> memref<632xf32, #tpu.memory_space<hbm>>
      %dma_start3A_54 = tpu.memref_slice %arg3[%arg0, %mul3A_2] : memref<2x10112xf32, #tpu.memory_space<hbm>> -> memref<1x632xf32, #tpu.memory_space<hbm>>
      %dma_start3A_55 = tpu.memref_squeeze %dma_start3A_54 : memref<1x632xf32, #tpu.memory_space<hbm>> -> memref<632xf32, #tpu.memory_space<hbm>>
      %dma_start3A_56 = arith.constant 0 : i32
      %dma_start3A_57 = tpu.memref_slice %arg7[%dma_start3A_56] : memref<656xf32, #tpu.memory_space<vmem>> -> memref<632xf32, #tpu.memory_space<vmem>>
      tpu.enqueue_dma source(%dma_start3A_57 : memref<632xf32, #tpu.memory_space<vmem>>) target(%dma_start3A_55 : memref<632xf32, #tpu.memory_space<hbm>>) target_semaphore(%run_scoped3A : memref<!tpu.dma_semaphore, #tpu.memory_space<semaphore_mem>>)
      %dma_wait3A_58 = arith.constant 0 : i32
      %dma_wait3A_59 = tpu.memref_slice %arg7[%dma_wait3A_58] : memref<656xf32, #tpu.memory_space<vmem>> -> memref<632xf32, #tpu.memory_space<vmem>>
      %dma_wait3A_60 = tpu.memref_slice %arg3[%arg0, %mul3A_2] : memref<2x10112xf32, #tpu.memory_space<hbm>> -> memref<1x632xf32, #tpu.memory_space<hbm>>
      %dma_wait3A_61 = tpu.memref_squeeze %dma_wait3A_60 : memref<1x632xf32, #tpu.memory_space<hbm>> -> memref<632xf32, #tpu.memory_space<hbm>>
      %dma_wait3A_62 = tpu.memref_slice %arg3[%arg0, %mul3A_2] : memref<2x10112xf32, #tpu.memory_space<hbm>> -> memref<1x632xf32, #tpu.memory_space<hbm>>
      %dma_wait3A_63 = tpu.memref_squeeze %dma_wait3A_62 : memref<1x632xf32, #tpu.memory_space<hbm>> -> memref<632xf32, #tpu.memory_space<hbm>>
      %dma_wait3A_64 = arith.constant 0 : i32
      %dma_wait3A_65 = tpu.memref_slice %arg7[%dma_wait3A_64] : memref<656xf32, #tpu.memory_space<vmem>> -> memref<632xf32, #tpu.memory_space<vmem>>
      tpu.wait_dma2 semaphore(%run_scoped3A : memref<!tpu.dma_semaphore, #tpu.memory_space<semaphore_mem>>) src(%dma_wait3A_65 : memref<632xf32, #tpu.memory_space<vmem>>) dst(%dma_wait3A_63 : memref<632xf32, #tpu.memory_space<hbm>>)
      tpu.yield
    }) : () -> ()
    return
  }
}

#map = affine_map<(d0, d1) -> (0, 0, 0)>
#map1 = affine_map<(d0, d1) -> (0)>
module attributes {stable_mosaic.version = 14 : i64} {
  func.func @_head_pass(%arg0: i32, %arg1: i32, %arg2: memref<2x10112x16xf32, #tpu.memory_space<hbm>>, %arg3: memref<16xf32, #tpu.memory_space<hbm>>, %arg4: memref<16xf32, #tpu.memory_space<hbm>>, %arg5: memref<16xf32, #tpu.memory_space<hbm>>, %arg6: memref<10112xf32, #tpu.memory_space<hbm>>, %arg7: memref<632x16xf32, #tpu.memory_space<vmem>>, %arg8: memref<632x16xf32, #tpu.memory_space<vmem>>, %arg9: memref<656xf32, #tpu.memory_space<vmem>>, %arg10: memref<16xf32, #tpu.memory_space<vmem>>, %arg11: memref<16xf32, #tpu.memory_space<vmem>>, %arg12: memref<16xf32, #tpu.memory_space<vmem>>) attributes {dimension_semantics = [#tpu.dimension_semantics<core_parallel>, #tpu.dimension_semantics<subcore_parallel>], iteration_bounds = array<i64: 2, 16>, scalar_prefetch = 0 : i64, scratch_operands = 6 : i64, tpu.core_type = #tpu.core_type<sc_vector_subcore>, window_params = [{transform_indices = #map}, {transform_indices = #map1}, {transform_indices = #map1}, {transform_indices = #map1}, {transform_indices = #map1}]} {
    %eq3A = arith.constant 0 : i32
    %eq3A_0 = arith.cmpi eq, %arg0, %eq3A : i32
    %convert_element_type3A = arith.extui %eq3A_0 : i1 to i32
    %cond3A = arith.constant 0 : i32
    %cond3A_1 = arith.cmpi ne, %convert_element_type3A, %cond3A : i32
    scf.if %cond3A_1 {
      "tpu.region"() ({
        %run_scoped3A_18 = tpu.sem_alloc : memref<!tpu.dma_semaphore, #tpu.memory_space<semaphore_mem>>
        tpu.enqueue_dma source(%arg3 : memref<16xf32, #tpu.memory_space<hbm>>) target(%arg10 : memref<16xf32, #tpu.memory_space<vmem>>) target_semaphore(%run_scoped3A_18 : memref<!tpu.dma_semaphore, #tpu.memory_space<semaphore_mem>>)
        tpu.wait_dma2 semaphore(%run_scoped3A_18 : memref<!tpu.dma_semaphore, #tpu.memory_space<semaphore_mem>>) src(%arg3 : memref<16xf32, #tpu.memory_space<hbm>>) dst(%arg10 : memref<16xf32, #tpu.memory_space<vmem>>)
        tpu.yield
      }) : () -> ()
      "tpu.region"() ({
        %run_scoped3A_18 = tpu.sem_alloc : memref<!tpu.dma_semaphore, #tpu.memory_space<semaphore_mem>>
        tpu.enqueue_dma source(%arg4 : memref<16xf32, #tpu.memory_space<hbm>>) target(%arg11 : memref<16xf32, #tpu.memory_space<vmem>>) target_semaphore(%run_scoped3A_18 : memref<!tpu.dma_semaphore, #tpu.memory_space<semaphore_mem>>)
        tpu.wait_dma2 semaphore(%run_scoped3A_18 : memref<!tpu.dma_semaphore, #tpu.memory_space<semaphore_mem>>) src(%arg4 : memref<16xf32, #tpu.memory_space<hbm>>) dst(%arg11 : memref<16xf32, #tpu.memory_space<vmem>>)
        tpu.yield
      }) : () -> ()
      "tpu.region"() ({
        %run_scoped3A_18 = tpu.sem_alloc : memref<!tpu.dma_semaphore, #tpu.memory_space<semaphore_mem>>
        tpu.enqueue_dma source(%arg5 : memref<16xf32, #tpu.memory_space<hbm>>) target(%arg12 : memref<16xf32, #tpu.memory_space<vmem>>) target_semaphore(%run_scoped3A_18 : memref<!tpu.dma_semaphore, #tpu.memory_space<semaphore_mem>>)
        tpu.wait_dma2 semaphore(%run_scoped3A_18 : memref<!tpu.dma_semaphore, #tpu.memory_space<semaphore_mem>>) src(%arg5 : memref<16xf32, #tpu.memory_space<hbm>>) dst(%arg12 : memref<16xf32, #tpu.memory_space<vmem>>)
        tpu.yield
      }) : () -> ()
      %mul3A = arith.constant 632 : i32
      %mul3A_2 = arith.muli %arg1, %mul3A : i32
      %run_scoped3A = arith.constant 0 : i32
      "tpu.region"() ({
        %run_scoped3A_18 = tpu.sem_alloc : memref<!tpu.dma_semaphore, #tpu.memory_space<semaphore_mem>>
        %dma_start3A = arith.constant 0 : i32
        %dma_start3A_19 = tpu.memref_slice %arg2[%run_scoped3A, %mul3A_2, %dma_start3A] : memref<2x10112x16xf32, #tpu.memory_space<hbm>> -> memref<1x632x16xf32, #tpu.memory_space<hbm>>
        %dma_start3A_20 = tpu.memref_squeeze %dma_start3A_19 : memref<1x632x16xf32, #tpu.memory_space<hbm>> -> memref<632x16xf32, #tpu.memory_space<hbm>>
        %dma_start3A_21 = arith.constant 0 : i32
        %dma_start3A_22 = tpu.memref_slice %arg2[%run_scoped3A, %mul3A_2, %dma_start3A_21] : memref<2x10112x16xf32, #tpu.memory_space<hbm>> -> memref<1x632x16xf32, #tpu.memory_space<hbm>>
        %dma_start3A_23 = tpu.memref_squeeze %dma_start3A_22 : memref<1x632x16xf32, #tpu.memory_space<hbm>> -> memref<632x16xf32, #tpu.memory_space<hbm>>
        tpu.enqueue_dma source(%dma_start3A_23 : memref<632x16xf32, #tpu.memory_space<hbm>>) target(%arg7 : memref<632x16xf32, #tpu.memory_space<vmem>>) target_semaphore(%run_scoped3A_18 : memref<!tpu.dma_semaphore, #tpu.memory_space<semaphore_mem>>)
        %dma_wait3A = arith.constant 0 : i32
        %dma_wait3A_24 = tpu.memref_slice %arg2[%run_scoped3A, %mul3A_2, %dma_wait3A] : memref<2x10112x16xf32, #tpu.memory_space<hbm>> -> memref<1x632x16xf32, #tpu.memory_space<hbm>>
        %dma_wait3A_25 = tpu.memref_squeeze %dma_wait3A_24 : memref<1x632x16xf32, #tpu.memory_space<hbm>> -> memref<632x16xf32, #tpu.memory_space<hbm>>
        %dma_wait3A_26 = arith.constant 0 : i32
        %dma_wait3A_27 = tpu.memref_slice %arg2[%run_scoped3A, %mul3A_2, %dma_wait3A_26] : memref<2x10112x16xf32, #tpu.memory_space<hbm>> -> memref<1x632x16xf32, #tpu.memory_space<hbm>>
        %dma_wait3A_28 = tpu.memref_squeeze %dma_wait3A_27 : memref<1x632x16xf32, #tpu.memory_space<hbm>> -> memref<632x16xf32, #tpu.memory_space<hbm>>
        tpu.wait_dma2 semaphore(%run_scoped3A_18 : memref<!tpu.dma_semaphore, #tpu.memory_space<semaphore_mem>>) src(%dma_wait3A_28 : memref<632x16xf32, #tpu.memory_space<hbm>>) dst(%arg7 : memref<632x16xf32, #tpu.memory_space<vmem>>)
        tpu.yield
      }) : () -> ()
      %run_scoped3A_3 = arith.constant 1 : i32
      "tpu.region"() ({
        %run_scoped3A_18 = tpu.sem_alloc : memref<!tpu.dma_semaphore, #tpu.memory_space<semaphore_mem>>
        %dma_start3A = arith.constant 0 : i32
        %dma_start3A_19 = tpu.memref_slice %arg2[%run_scoped3A_3, %mul3A_2, %dma_start3A] : memref<2x10112x16xf32, #tpu.memory_space<hbm>> -> memref<1x632x16xf32, #tpu.memory_space<hbm>>
        %dma_start3A_20 = tpu.memref_squeeze %dma_start3A_19 : memref<1x632x16xf32, #tpu.memory_space<hbm>> -> memref<632x16xf32, #tpu.memory_space<hbm>>
        %dma_start3A_21 = arith.constant 0 : i32
        %dma_start3A_22 = tpu.memref_slice %arg2[%run_scoped3A_3, %mul3A_2, %dma_start3A_21] : memref<2x10112x16xf32, #tpu.memory_space<hbm>> -> memref<1x632x16xf32, #tpu.memory_space<hbm>>
        %dma_start3A_23 = tpu.memref_squeeze %dma_start3A_22 : memref<1x632x16xf32, #tpu.memory_space<hbm>> -> memref<632x16xf32, #tpu.memory_space<hbm>>
        tpu.enqueue_dma source(%dma_start3A_23 : memref<632x16xf32, #tpu.memory_space<hbm>>) target(%arg8 : memref<632x16xf32, #tpu.memory_space<vmem>>) target_semaphore(%run_scoped3A_18 : memref<!tpu.dma_semaphore, #tpu.memory_space<semaphore_mem>>)
        %dma_wait3A = arith.constant 0 : i32
        %dma_wait3A_24 = tpu.memref_slice %arg2[%run_scoped3A_3, %mul3A_2, %dma_wait3A] : memref<2x10112x16xf32, #tpu.memory_space<hbm>> -> memref<1x632x16xf32, #tpu.memory_space<hbm>>
        %dma_wait3A_25 = tpu.memref_squeeze %dma_wait3A_24 : memref<1x632x16xf32, #tpu.memory_space<hbm>> -> memref<632x16xf32, #tpu.memory_space<hbm>>
        %dma_wait3A_26 = arith.constant 0 : i32
        %dma_wait3A_27 = tpu.memref_slice %arg2[%run_scoped3A_3, %mul3A_2, %dma_wait3A_26] : memref<2x10112x16xf32, #tpu.memory_space<hbm>> -> memref<1x632x16xf32, #tpu.memory_space<hbm>>
        %dma_wait3A_28 = tpu.memref_squeeze %dma_wait3A_27 : memref<1x632x16xf32, #tpu.memory_space<hbm>> -> memref<632x16xf32, #tpu.memory_space<hbm>>
        tpu.wait_dma2 semaphore(%run_scoped3A_18 : memref<!tpu.dma_semaphore, #tpu.memory_space<semaphore_mem>>) src(%dma_wait3A_28 : memref<632x16xf32, #tpu.memory_space<hbm>>) dst(%arg8 : memref<632x16xf32, #tpu.memory_space<vmem>>)
        tpu.yield
      }) : () -> ()
      %get3A = arith.constant 0 : index
      %get3A_4 = tpu.vector_load %arg10[%get3A] {strides = array<i32>} : memref<16xf32, #tpu.memory_space<vmem>>, vector<16xf32>,
      %scan3A = arith.constant 0 : i32
      %scan3A_5 = arith.constant 632 : i32
      %scan3A_6 = arith.addi %scan3A, %scan3A_5 : i32
      %scan3A_7 = arith.constant 1 : i32
      scf.for %scan3A_18 = %scan3A to %scan3A_6 step %scan3A_7  : i32 {
        %mul3A_19 = arith.constant 1 : i32
        %mul3A_20 = arith.muli %scan3A_18, %mul3A_19 : i32
        %add3A = arith.constant 0 : i32
        %add3A_21 = arith.addi %add3A, %mul3A_20 : i32
        %get3A_22 = arith.index_cast %add3A_21 : i32 to index
        %get3A_23 = arith.constant 0 : index
        %get3A_24 = tpu.vector_load %arg7[%get3A_22, %get3A_23] {strides = array<i32>} : memref<632x16xf32, #tpu.memory_space<vmem>>, vector<16xf32>,
        %get3A_25 = arith.index_cast %add3A_21 : i32 to index
        %get3A_26 = arith.constant 0 : index
        %get3A_27 = tpu.vector_load %arg8[%get3A_25, %get3A_26] {strides = array<i32>} : memref<632x16xf32, #tpu.memory_space<vmem>>, vector<16xf32>,
        %add3A_28 = arith.addf %get3A_24, %get3A_27 : vector<16xf32>
        %add3A_29 = arith.addf %add3A_28, %get3A_4 : vector<16xf32>
        %max3A = arith.constant 0.000000e+00 : f32
        %max3A_30 = vector.broadcast %max3A : f32 to vector<16xf32>
        %max3A_31 = arith.maximumf %add3A_29, %max3A_30 : vector<16xf32>
        %swap3A = arith.index_cast %add3A_21 : i32 to index
        %swap3A_32 = arith.constant 0 : index
        %swap3A_33 = tpu.vector_load %arg7[%swap3A, %swap3A_32] {strides = array<i32>} : memref<632x16xf32, #tpu.memory_space<vmem>>, vector<16xf32>,
        tpu.vector_store %arg7[%swap3A, %swap3A_32], %max3A_31 {strides = array<i32>} : memref<632x16xf32, #tpu.memory_space<vmem>>, vector<16xf32>,
      }
      %scan3A_8 = arith.constant 632 : i32
      %get3A_9 = arith.constant 0 : index
      %get3A_10 = tpu.vector_load %arg11[%get3A_9] {strides = array<i32>} : memref<16xf32, #tpu.memory_space<vmem>>, vector<16xf32>,
      %get3A_11 = arith.constant 0 : index
      %get3A_12 = tpu.vector_load %arg12[%get3A_11] {strides = array<i32>} : memref<16xf32, #tpu.memory_space<vmem>>, vector<16xf32>,
      %iota3A = tpu.iota {dimensions = array<i32: 0>} : vector<16xi32>
      %scan3A_13 = arith.constant 0 : i32
      %scan3A_14 = arith.constant 40 : i32
      %scan3A_15 = arith.addi %scan3A_13, %scan3A_14 : i32
      %scan3A_16 = arith.constant 1 : i32
      scf.for %scan3A_18 = %scan3A_13 to %scan3A_15 step %scan3A_16  : i32 {
        %mul3A_19 = arith.constant 1 : i32
        %mul3A_20 = arith.muli %scan3A_18, %mul3A_19 : i32
        %add3A = arith.constant 0 : i32
        %add3A_21 = arith.addi %add3A, %mul3A_20 : i32
        %mul3A_22 = arith.constant 16 : i32
        %mul3A_23 = arith.muli %add3A_21, %mul3A_22 : i32
        %add3A_24 = vector.broadcast %mul3A_23 : i32 to vector<16xi32>
        %add3A_25 = arith.addi %iota3A, %add3A_24 : vector<16xi32>
        %min3A = arith.constant 631 : i32
        %min3A_26 = vector.broadcast %min3A : i32 to vector<16xi32>
        %min3A_27 = arith.minsi %add3A_25, %min3A_26 : vector<16xi32>
        %broadcast_in_dim3A = arith.constant 0.000000e+00 : f32
        %broadcast_in_dim3A_28 = vector.broadcast %broadcast_in_dim3A : f32 to vector<16xf32>
        %slice3A = vector.extract_strided_slice %get3A_12 {offsets = [0], sizes = [1], strides = [1]} : vector<16xf32> to vector<1xf32>
        %squeeze3A = vector.extract %slice3A[0] : f32 from vector<1xf32>
        %add3A_29 = vector.broadcast %squeeze3A : f32 to vector<16xf32>
        %add3A_30 = arith.addf %broadcast_in_dim3A_28, %add3A_29 : vector<16xf32>
        %broadcast_in_dim3A_31 = arith.constant 0 : i32
        %broadcast_in_dim3A_32 = vector.broadcast %broadcast_in_dim3A_31 : i32 to vector<16xi32>
        %gather3A = tpu.vector_load_idx %arg7[%min3A_27, %broadcast_in_dim3A_32] : memref<632x16xf32, #tpu.memory_space<vmem>>[vector<16xi32>, vector<16xi32>], vector<16xf32>,
        %slice3A_33 = vector.extract_strided_slice %get3A_10 {offsets = [0], sizes = [1], strides = [1]} : vector<16xf32> to vector<1xf32>
        %squeeze3A_34 = vector.extract %slice3A_33[0] : f32 from vector<1xf32>
        %mul3A_35 = vector.broadcast %squeeze3A_34 : f32 to vector<16xf32>
        %mul3A_36 = arith.mulf %mul3A_35, %gather3A : vector<16xf32>
        %add3A_37 = arith.addf %add3A_30, %mul3A_36 : vector<16xf32>
        %broadcast_in_dim3A_38 = arith.constant 1 : i32
        %broadcast_in_dim3A_39 = vector.broadcast %broadcast_in_dim3A_38 : i32 to vector<16xi32>
        %gather3A_40 = tpu.vector_load_idx %arg7[%min3A_27, %broadcast_in_dim3A_39] : memref<632x16xf32, #tpu.memory_space<vmem>>[vector<16xi32>, vector<16xi32>], vector<16xf32>,
        %slice3A_41 = vector.extract_strided_slice %get3A_10 {offsets = [1], sizes = [1], strides = [1]} : vector<16xf32> to vector<1xf32>
        %squeeze3A_42 = vector.extract %slice3A_41[0] : f32 from vector<1xf32>
        %mul3A_43 = vector.broadcast %squeeze3A_42 : f32 to vector<16xf32>
        %mul3A_44 = arith.mulf %mul3A_43, %gather3A_40 : vector<16xf32>
        %add3A_45 = arith.addf %add3A_37, %mul3A_44 : vector<16xf32>
        %broadcast_in_dim3A_46 = arith.constant 2 : i32
        %broadcast_in_dim3A_47 = vector.broadcast %broadcast_in_dim3A_46 : i32 to vector<16xi32>
        %gather3A_48 = tpu.vector_load_idx %arg7[%min3A_27, %broadcast_in_dim3A_47] : memref<632x16xf32, #tpu.memory_space<vmem>>[vector<16xi32>, vector<16xi32>], vector<16xf32>,
        %slice3A_49 = vector.extract_strided_slice %get3A_10 {offsets = [2], sizes = [1], strides = [1]} : vector<16xf32> to vector<1xf32>
        %squeeze3A_50 = vector.extract %slice3A_49[0] : f32 from vector<1xf32>
        %mul3A_51 = vector.broadcast %squeeze3A_50 : f32 to vector<16xf32>
        %mul3A_52 = arith.mulf %mul3A_51, %gather3A_48 : vector<16xf32>
        %add3A_53 = arith.addf %add3A_45, %mul3A_52 : vector<16xf32>
        %broadcast_in_dim3A_54 = arith.constant 3 : i32
        %broadcast_in_dim3A_55 = vector.broadcast %broadcast_in_dim3A_54 : i32 to vector<16xi32>
        %gather3A_56 = tpu.vector_load_idx %arg7[%min3A_27, %broadcast_in_dim3A_55] : memref<632x16xf32, #tpu.memory_space<vmem>>[vector<16xi32>, vector<16xi32>], vector<16xf32>,
        %slice3A_57 = vector.extract_strided_slice %get3A_10 {offsets = [3], sizes = [1], strides = [1]} : vector<16xf32> to vector<1xf32>
        %squeeze3A_58 = vector.extract %slice3A_57[0] : f32 from vector<1xf32>
        %mul3A_59 = vector.broadcast %squeeze3A_58 : f32 to vector<16xf32>
        %mul3A_60 = arith.mulf %mul3A_59, %gather3A_56 : vector<16xf32>
        %add3A_61 = arith.addf %add3A_53, %mul3A_60 : vector<16xf32>
        %broadcast_in_dim3A_62 = arith.constant 4 : i32
        %broadcast_in_dim3A_63 = vector.broadcast %broadcast_in_dim3A_62 : i32 to vector<16xi32>
        %gather3A_64 = tpu.vector_load_idx %arg7[%min3A_27, %broadcast_in_dim3A_63] : memref<632x16xf32, #tpu.memory_space<vmem>>[vector<16xi32>, vector<16xi32>], vector<16xf32>,
        %slice3A_65 = vector.extract_strided_slice %get3A_10 {offsets = [4], sizes = [1], strides = [1]} : vector<16xf32> to vector<1xf32>
        %squeeze3A_66 = vector.extract %slice3A_65[0] : f32 from vector<1xf32>
        %mul3A_67 = vector.broadcast %squeeze3A_66 : f32 to vector<16xf32>
        %mul3A_68 = arith.mulf %mul3A_67, %gather3A_64 : vector<16xf32>
        %add3A_69 = arith.addf %add3A_61, %mul3A_68 : vector<16xf32>
        %broadcast_in_dim3A_70 = arith.constant 5 : i32
        %broadcast_in_dim3A_71 = vector.broadcast %broadcast_in_dim3A_70 : i32 to vector<16xi32>
        %gather3A_72 = tpu.vector_load_idx %arg7[%min3A_27, %broadcast_in_dim3A_71] : memref<632x16xf32, #tpu.memory_space<vmem>>[vector<16xi32>, vector<16xi32>], vector<16xf32>,
        %slice3A_73 = vector.extract_strided_slice %get3A_10 {offsets = [5], sizes = [1], strides = [1]} : vector<16xf32> to vector<1xf32>
        %squeeze3A_74 = vector.extract %slice3A_73[0] : f32 from vector<1xf32>
        %mul3A_75 = vector.broadcast %squeeze3A_74 : f32 to vector<16xf32>
        %mul3A_76 = arith.mulf %mul3A_75, %gather3A_72 : vector<16xf32>
        %add3A_77 = arith.addf %add3A_69, %mul3A_76 : vector<16xf32>
        %broadcast_in_dim3A_78 = arith.constant 6 : i32
        %broadcast_in_dim3A_79 = vector.broadcast %broadcast_in_dim3A_78 : i32 to vector<16xi32>
        %gather3A_80 = tpu.vector_load_idx %arg7[%min3A_27, %broadcast_in_dim3A_79] : memref<632x16xf32, #tpu.memory_space<vmem>>[vector<16xi32>, vector<16xi32>], vector<16xf32>,
        %slice3A_81 = vector.extract_strided_slice %get3A_10 {offsets = [6], sizes = [1], strides = [1]} : vector<16xf32> to vector<1xf32>
        %squeeze3A_82 = vector.extract %slice3A_81[0] : f32 from vector<1xf32>
        %mul3A_83 = vector.broadcast %squeeze3A_82 : f32 to vector<16xf32>
        %mul3A_84 = arith.mulf %mul3A_83, %gather3A_80 : vector<16xf32>
        %add3A_85 = arith.addf %add3A_77, %mul3A_84 : vector<16xf32>
        %broadcast_in_dim3A_86 = arith.constant 7 : i32
        %broadcast_in_dim3A_87 = vector.broadcast %broadcast_in_dim3A_86 : i32 to vector<16xi32>
        %gather3A_88 = tpu.vector_load_idx %arg7[%min3A_27, %broadcast_in_dim3A_87] : memref<632x16xf32, #tpu.memory_space<vmem>>[vector<16xi32>, vector<16xi32>], vector<16xf32>,
        %slice3A_89 = vector.extract_strided_slice %get3A_10 {offsets = [7], sizes = [1], strides = [1]} : vector<16xf32> to vector<1xf32>
        %squeeze3A_90 = vector.extract %slice3A_89[0] : f32 from vector<1xf32>
        %mul3A_91 = vector.broadcast %squeeze3A_90 : f32 to vector<16xf32>
        %mul3A_92 = arith.mulf %mul3A_91, %gather3A_88 : vector<16xf32>
        %add3A_93 = arith.addf %add3A_85, %mul3A_92 : vector<16xf32>
        %broadcast_in_dim3A_94 = arith.constant 8 : i32
        %broadcast_in_dim3A_95 = vector.broadcast %broadcast_in_dim3A_94 : i32 to vector<16xi32>
        %gather3A_96 = tpu.vector_load_idx %arg7[%min3A_27, %broadcast_in_dim3A_95] : memref<632x16xf32, #tpu.memory_space<vmem>>[vector<16xi32>, vector<16xi32>], vector<16xf32>,
        %slice3A_97 = vector.extract_strided_slice %get3A_10 {offsets = [8], sizes = [1], strides = [1]} : vector<16xf32> to vector<1xf32>
        %squeeze3A_98 = vector.extract %slice3A_97[0] : f32 from vector<1xf32>
        %mul3A_99 = vector.broadcast %squeeze3A_98 : f32 to vector<16xf32>
        %mul3A_100 = arith.mulf %mul3A_99, %gather3A_96 : vector<16xf32>
        %add3A_101 = arith.addf %add3A_93, %mul3A_100 : vector<16xf32>
        %broadcast_in_dim3A_102 = arith.constant 9 : i32
        %broadcast_in_dim3A_103 = vector.broadcast %broadcast_in_dim3A_102 : i32 to vector<16xi32>
        %gather3A_104 = tpu.vector_load_idx %arg7[%min3A_27, %broadcast_in_dim3A_103] : memref<632x16xf32, #tpu.memory_space<vmem>>[vector<16xi32>, vector<16xi32>], vector<16xf32>,
        %slice3A_105 = vector.extract_strided_slice %get3A_10 {offsets = [9], sizes = [1], strides = [1]} : vector<16xf32> to vector<1xf32>
        %squeeze3A_106 = vector.extract %slice3A_105[0] : f32 from vector<1xf32>
        %mul3A_107 = vector.broadcast %squeeze3A_106 : f32 to vector<16xf32>
        %mul3A_108 = arith.mulf %mul3A_107, %gather3A_104 : vector<16xf32>
        %add3A_109 = arith.addf %add3A_101, %mul3A_108 : vector<16xf32>
        %broadcast_in_dim3A_110 = arith.constant 10 : i32
        %broadcast_in_dim3A_111 = vector.broadcast %broadcast_in_dim3A_110 : i32 to vector<16xi32>
        %gather3A_112 = tpu.vector_load_idx %arg7[%min3A_27, %broadcast_in_dim3A_111] : memref<632x16xf32, #tpu.memory_space<vmem>>[vector<16xi32>, vector<16xi32>], vector<16xf32>,
        %slice3A_113 = vector.extract_strided_slice %get3A_10 {offsets = [10], sizes = [1], strides = [1]} : vector<16xf32> to vector<1xf32>
        %squeeze3A_114 = vector.extract %slice3A_113[0] : f32 from vector<1xf32>
        %mul3A_115 = vector.broadcast %squeeze3A_114 : f32 to vector<16xf32>
        %mul3A_116 = arith.mulf %mul3A_115, %gather3A_112 : vector<16xf32>
        %add3A_117 = arith.addf %add3A_109, %mul3A_116 : vector<16xf32>
        %broadcast_in_dim3A_118 = arith.constant 11 : i32
        %broadcast_in_dim3A_119 = vector.broadcast %broadcast_in_dim3A_118 : i32 to vector<16xi32>
        %gather3A_120 = tpu.vector_load_idx %arg7[%min3A_27, %broadcast_in_dim3A_119] : memref<632x16xf32, #tpu.memory_space<vmem>>[vector<16xi32>, vector<16xi32>], vector<16xf32>,
        %slice3A_121 = vector.extract_strided_slice %get3A_10 {offsets = [11], sizes = [1], strides = [1]} : vector<16xf32> to vector<1xf32>
        %squeeze3A_122 = vector.extract %slice3A_121[0] : f32 from vector<1xf32>
        %mul3A_123 = vector.broadcast %squeeze3A_122 : f32 to vector<16xf32>
        %mul3A_124 = arith.mulf %mul3A_123, %gather3A_120 : vector<16xf32>
        %add3A_125 = arith.addf %add3A_117, %mul3A_124 : vector<16xf32>
        %broadcast_in_dim3A_126 = arith.constant 12 : i32
        %broadcast_in_dim3A_127 = vector.broadcast %broadcast_in_dim3A_126 : i32 to vector<16xi32>
        %gather3A_128 = tpu.vector_load_idx %arg7[%min3A_27, %broadcast_in_dim3A_127] : memref<632x16xf32, #tpu.memory_space<vmem>>[vector<16xi32>, vector<16xi32>], vector<16xf32>,
        %slice3A_129 = vector.extract_strided_slice %get3A_10 {offsets = [12], sizes = [1], strides = [1]} : vector<16xf32> to vector<1xf32>
        %squeeze3A_130 = vector.extract %slice3A_129[0] : f32 from vector<1xf32>
        %mul3A_131 = vector.broadcast %squeeze3A_130 : f32 to vector<16xf32>
        %mul3A_132 = arith.mulf %mul3A_131, %gather3A_128 : vector<16xf32>
        %add3A_133 = arith.addf %add3A_125, %mul3A_132 : vector<16xf32>
        %broadcast_in_dim3A_134 = arith.constant 13 : i32
        %broadcast_in_dim3A_135 = vector.broadcast %broadcast_in_dim3A_134 : i32 to vector<16xi32>
        %gather3A_136 = tpu.vector_load_idx %arg7[%min3A_27, %broadcast_in_dim3A_135] : memref<632x16xf32, #tpu.memory_space<vmem>>[vector<16xi32>, vector<16xi32>], vector<16xf32>,
        %slice3A_137 = vector.extract_strided_slice %get3A_10 {offsets = [13], sizes = [1], strides = [1]} : vector<16xf32> to vector<1xf32>
        %squeeze3A_138 = vector.extract %slice3A_137[0] : f32 from vector<1xf32>
        %mul3A_139 = vector.broadcast %squeeze3A_138 : f32 to vector<16xf32>
        %mul3A_140 = arith.mulf %mul3A_139, %gather3A_136 : vector<16xf32>
        %add3A_141 = arith.addf %add3A_133, %mul3A_140 : vector<16xf32>
        %broadcast_in_dim3A_142 = arith.constant 14 : i32
        %broadcast_in_dim3A_143 = vector.broadcast %broadcast_in_dim3A_142 : i32 to vector<16xi32>
        %gather3A_144 = tpu.vector_load_idx %arg7[%min3A_27, %broadcast_in_dim3A_143] : memref<632x16xf32, #tpu.memory_space<vmem>>[vector<16xi32>, vector<16xi32>], vector<16xf32>,
        %slice3A_145 = vector.extract_strided_slice %get3A_10 {offsets = [14], sizes = [1], strides = [1]} : vector<16xf32> to vector<1xf32>
        %squeeze3A_146 = vector.extract %slice3A_145[0] : f32 from vector<1xf32>
        %mul3A_147 = vector.broadcast %squeeze3A_146 : f32 to vector<16xf32>
        %mul3A_148 = arith.mulf %mul3A_147, %gather3A_144 : vector<16xf32>
        %add3A_149 = arith.addf %add3A_141, %mul3A_148 : vector<16xf32>
        %broadcast_in_dim3A_150 = arith.constant 15 : i32
        %broadcast_in_dim3A_151 = vector.broadcast %broadcast_in_dim3A_150 : i32 to vector<16xi32>
        %gather3A_152 = tpu.vector_load_idx %arg7[%min3A_27, %broadcast_in_dim3A_151] : memref<632x16xf32, #tpu.memory_space<vmem>>[vector<16xi32>, vector<16xi32>], vector<16xf32>,
        %slice3A_153 = vector.extract_strided_slice %get3A_10 {offsets = [15], sizes = [1], strides = [1]} : vector<16xf32> to vector<1xf32>
        %squeeze3A_154 = vector.extract %slice3A_153[0] : f32 from vector<1xf32>
        %mul3A_155 = vector.broadcast %squeeze3A_154 : f32 to vector<16xf32>
        %mul3A_156 = arith.mulf %mul3A_155, %gather3A_152 : vector<16xf32>
        %add3A_157 = arith.addf %add3A_149, %mul3A_156 : vector<16xf32>
        %mul3A_158 = arith.constant 16 : i32
        %mul3A_159 = arith.muli %add3A_21, %mul3A_158 : i32
        %swap3A = arith.index_cast %mul3A_159 : i32 to index
        %swap3A_160 = tpu.vector_load %arg9[%swap3A] {strides = array<i32>} : memref<656xf32, #tpu.memory_space<vmem>>, vector<16xf32>,
        tpu.vector_store %arg9[%swap3A], %add3A_157 {strides = array<i32>} : memref<656xf32, #tpu.memory_space<vmem>>, vector<16xf32>,
      }
      %scan3A_17 = arith.constant 40 : i32
      "tpu.region"() ({
        %run_scoped3A_18 = tpu.sem_alloc : memref<!tpu.dma_semaphore, #tpu.memory_space<semaphore_mem>>
        %dma_start3A = arith.constant 0 : i32
        %dma_start3A_19 = tpu.memref_slice %arg9[%dma_start3A] : memref<656xf32, #tpu.memory_space<vmem>> -> memref<632xf32, #tpu.memory_space<vmem>>
        %dma_start3A_20 = tpu.memref_slice %arg6[%mul3A_2] : memref<10112xf32, #tpu.memory_space<hbm>> -> memref<632xf32, #tpu.memory_space<hbm>>
        %dma_start3A_21 = tpu.memref_slice %arg6[%mul3A_2] : memref<10112xf32, #tpu.memory_space<hbm>> -> memref<632xf32, #tpu.memory_space<hbm>>
        %dma_start3A_22 = arith.constant 0 : i32
        %dma_start3A_23 = tpu.memref_slice %arg9[%dma_start3A_22] : memref<656xf32, #tpu.memory_space<vmem>> -> memref<632xf32, #tpu.memory_space<vmem>>
        tpu.enqueue_dma source(%dma_start3A_23 : memref<632xf32, #tpu.memory_space<vmem>>) target(%dma_start3A_21 : memref<632xf32, #tpu.memory_space<hbm>>) target_semaphore(%run_scoped3A_18 : memref<!tpu.dma_semaphore, #tpu.memory_space<semaphore_mem>>)
        %dma_wait3A = arith.constant 0 : i32
        %dma_wait3A_24 = tpu.memref_slice %arg9[%dma_wait3A] : memref<656xf32, #tpu.memory_space<vmem>> -> memref<632xf32, #tpu.memory_space<vmem>>
        %dma_wait3A_25 = tpu.memref_slice %arg6[%mul3A_2] : memref<10112xf32, #tpu.memory_space<hbm>> -> memref<632xf32, #tpu.memory_space<hbm>>
        %dma_wait3A_26 = tpu.memref_slice %arg6[%mul3A_2] : memref<10112xf32, #tpu.memory_space<hbm>> -> memref<632xf32, #tpu.memory_space<hbm>>
        %dma_wait3A_27 = arith.constant 0 : i32
        %dma_wait3A_28 = tpu.memref_slice %arg9[%dma_wait3A_27] : memref<656xf32, #tpu.memory_space<vmem>> -> memref<632xf32, #tpu.memory_space<vmem>>
        tpu.wait_dma2 semaphore(%run_scoped3A_18 : memref<!tpu.dma_semaphore, #tpu.memory_space<semaphore_mem>>) src(%dma_wait3A_28 : memref<632xf32, #tpu.memory_space<vmem>>) dst(%dma_wait3A_26 : memref<632xf32, #tpu.memory_space<hbm>>)
        tpu.yield
      }) : () -> ()
    } else {
    }
    return
  }
}

#map = affine_map<(d0, d1) -> (0, 0)>
#map1 = affine_map<(d0, d1) -> (0, 0, 0)>
#map2 = affine_map<(d0, d1) -> (0)>
module attributes {stable_mosaic.version = 14 : i64} {
  func.func @edge_pass(%arg0: i32, %arg1: i32, %arg2: memref<10112x32xf32, #tpu.memory_space<hbm>>, %arg3: memref<2x10112xf32, #tpu.memory_space<hbm>>, %arg4: memref<32x80x128xi32, #tpu.memory_space<hbm>>, %arg5: memref<32x80x128xi32, #tpu.memory_space<hbm>>, %arg6: memref<2x10112x32xf32, #tpu.memory_space<hbm>>, %arg7: memref<10112xf32, #tpu.memory_space<hbm>>, %arg8: memref<80x128xi32, #tpu.memory_space<vmem>>, %arg9: memref<80x128xi32, #tpu.memory_space<vmem>>, %arg10: memref<2x2x128x32xf32, #tpu.memory_space<vmem>>, %arg11: memref<632x32xf32, #tpu.memory_space<vmem>>, %arg12: memref<632x32xf32, #tpu.memory_space<vmem>>, %arg13: memref<656xf32, #tpu.memory_space<vmem>>, %arg14: memref<2x656xf32, #tpu.memory_space<vmem>>, %arg15: memref<10112x32xf32, #tpu.memory_space<vmem_shared>>, %arg16: memref<10112x32xf32, #tpu.memory_space<vmem_shared>>, %arg17: memref<2x!tpu.dma_semaphore, #tpu.memory_space<semaphore_mem>>, %arg18: memref<2x!tpu.dma_semaphore, #tpu.memory_space<semaphore_mem>>) attributes {dimension_semantics = [#tpu.dimension_semantics<core_parallel>, #tpu.dimension_semantics<subcore_parallel>], iteration_bounds = array<i64: 2, 16>, scalar_prefetch = 0 : i64, scratch_operands = 11 : i64, tpu.core_type = #tpu.core_type<sc_vector_subcore>, window_params = [{transform_indices = #map}, {transform_indices = #map}, {transform_indices = #map1}, {transform_indices = #map1}, {transform_indices = #map1}, {transform_indices = #map2}]} {
    %mul3A = arith.constant 16 : i32
    %mul3A_0 = arith.muli %arg0, %mul3A : i32
    %add3A = arith.addi %mul3A_0, %arg1 : i32
    %mul3A_1 = arith.constant 632 : i32
    %mul3A_2 = arith.muli %arg1, %mul3A_1 : i32
    %scan3A = arith.constant 0 : i32
    %scan3A_3 = arith.constant 632 : i32
    %scan3A_4 = arith.addi %scan3A, %scan3A_3 : i32
    %scan3A_5 = arith.constant 1 : i32
    scf.for %scan3A_100 = %scan3A to %scan3A_4 step %scan3A_5  : i32 {
      %mul3A_101 = arith.constant 1 : i32
      %mul3A_102 = arith.muli %scan3A_100, %mul3A_101 : i32
      %add3A_103 = arith.constant 0 : i32
      %add3A_104 = arith.addi %add3A_103, %mul3A_102 : i32
      %broadcast_in_dim3A = arith.constant 0.000000e+00 : f32
      %broadcast_in_dim3A_105 = vector.broadcast %broadcast_in_dim3A : f32 to vector<16xf32>
      %swap3A = arith.index_cast %add3A_104 : i32 to index
      %swap3A_106 = arith.constant 0 : index
      %swap3A_107 = tpu.vector_load %arg11[%swap3A, %swap3A_106] {strides = array<i32>} : memref<632x32xf32, #tpu.memory_space<vmem>>, vector<16xf32>,
      tpu.vector_store %arg11[%swap3A, %swap3A_106], %broadcast_in_dim3A_105 {strides = array<i32>} : memref<632x32xf32, #tpu.memory_space<vmem>>, vector<16xf32>,
      %broadcast_in_dim3A_108 = arith.constant 0.000000e+00 : f32
      %broadcast_in_dim3A_109 = vector.broadcast %broadcast_in_dim3A_108 : f32 to vector<16xf32>
      %swap3A_110 = arith.index_cast %add3A_104 : i32 to index
      %swap3A_111 = arith.constant 16 : index
      %swap3A_112 = tpu.vector_load %arg11[%swap3A_110, %swap3A_111] {strides = array<i32>} : memref<632x32xf32, #tpu.memory_space<vmem>>, vector<16xf32>,
      tpu.vector_store %arg11[%swap3A_110, %swap3A_111], %broadcast_in_dim3A_109 {strides = array<i32>} : memref<632x32xf32, #tpu.memory_space<vmem>>, vector<16xf32>,
    }
    %scan3A_6 = arith.constant 632 : i32
    "tpu.region"() ({
      %run_scoped3A_100 = tpu.sem_alloc : memref<!tpu.dma_semaphore, #tpu.memory_space<semaphore_mem>>
      %dma_start3A_101 = arith.constant 0 : i32
      %dma_start3A_102 = tpu.memref_slice %arg15[%mul3A_2, %dma_start3A_101] : memref<10112x32xf32, #tpu.memory_space<vmem_shared>> -> memref<632x32xf32, #tpu.memory_space<vmem_shared>>
      %dma_start3A_103 = arith.constant 0 : i32
      %dma_start3A_104 = tpu.memref_slice %arg15[%mul3A_2, %dma_start3A_103] : memref<10112x32xf32, #tpu.memory_space<vmem_shared>> -> memref<632x32xf32, #tpu.memory_space<vmem_shared>>
      tpu.enqueue_dma source(%arg11 : memref<632x32xf32, #tpu.memory_space<vmem>>) target(%dma_start3A_104 : memref<632x32xf32, #tpu.memory_space<vmem_shared>>) target_semaphore(%run_scoped3A_100 : memref<!tpu.dma_semaphore, #tpu.memory_space<semaphore_mem>>)
      %dma_wait3A_105 = arith.constant 0 : i32
      %dma_wait3A_106 = tpu.memref_slice %arg15[%mul3A_2, %dma_wait3A_105] : memref<10112x32xf32, #tpu.memory_space<vmem_shared>> -> memref<632x32xf32, #tpu.memory_space<vmem_shared>>
      %dma_wait3A_107 = arith.constant 0 : i32
      %dma_wait3A_108 = tpu.memref_slice %arg15[%mul3A_2, %dma_wait3A_107] : memref<10112x32xf32, #tpu.memory_space<vmem_shared>> -> memref<632x32xf32, #tpu.memory_space<vmem_shared>>
      tpu.wait_dma2 semaphore(%run_scoped3A_100 : memref<!tpu.dma_semaphore, #tpu.memory_space<semaphore_mem>>) src(%arg11 : memref<632x32xf32, #tpu.memory_space<vmem>>) dst(%dma_wait3A_108 : memref<632x32xf32, #tpu.memory_space<vmem_shared>>)
      tpu.yield
    }) : () -> ()
    %run_scoped3A = arith.constant 0 : i32
    %run_scoped3A_7 = arith.constant 0 : i32
    "tpu.region"() ({
      %run_scoped3A_100 = tpu.sem_alloc : memref<!tpu.dma_semaphore, #tpu.memory_space<semaphore_mem>>
      %dma_start3A_101 = arith.constant 0 : i32
      %dma_start3A_102 = tpu.memref_slice %arg14[%run_scoped3A_7, %dma_start3A_101] : memref<2x656xf32, #tpu.memory_space<vmem>> -> memref<1x632xf32, #tpu.memory_space<vmem>>
      %dma_start3A_103 = tpu.memref_squeeze %dma_start3A_102 : memref<1x632xf32, #tpu.memory_space<vmem>> -> memref<632xf32, #tpu.memory_space<vmem>>
      %dma_start3A_104 = tpu.memref_slice %arg3[%run_scoped3A, %mul3A_2] : memref<2x10112xf32, #tpu.memory_space<hbm>> -> memref<1x632xf32, #tpu.memory_space<hbm>>
      %dma_start3A_105 = tpu.memref_squeeze %dma_start3A_104 : memref<1x632xf32, #tpu.memory_space<hbm>> -> memref<632xf32, #tpu.memory_space<hbm>>
      %dma_start3A_106 = arith.constant 0 : i32
      %dma_start3A_107 = tpu.memref_slice %arg14[%run_scoped3A_7, %dma_start3A_106] : memref<2x656xf32, #tpu.memory_space<vmem>> -> memref<1x632xf32, #tpu.memory_space<vmem>>
      %dma_start3A_108 = tpu.memref_squeeze %dma_start3A_107 : memref<1x632xf32, #tpu.memory_space<vmem>> -> memref<632xf32, #tpu.memory_space<vmem>>
      %dma_start3A_109 = tpu.memref_slice %arg3[%run_scoped3A, %mul3A_2] : memref<2x10112xf32, #tpu.memory_space<hbm>> -> memref<1x632xf32, #tpu.memory_space<hbm>>
      %dma_start3A_110 = tpu.memref_squeeze %dma_start3A_109 : memref<1x632xf32, #tpu.memory_space<hbm>> -> memref<632xf32, #tpu.memory_space<hbm>>
      tpu.enqueue_dma source(%dma_start3A_110 : memref<632xf32, #tpu.memory_space<hbm>>) target(%dma_start3A_108 : memref<632xf32, #tpu.memory_space<vmem>>) target_semaphore(%run_scoped3A_100 : memref<!tpu.dma_semaphore, #tpu.memory_space<semaphore_mem>>)
      %dma_wait3A_111 = arith.constant 0 : i32
      %dma_wait3A_112 = tpu.memref_slice %arg14[%run_scoped3A_7, %dma_wait3A_111] : memref<2x656xf32, #tpu.memory_space<vmem>> -> memref<1x632xf32, #tpu.memory_space<vmem>>
      %dma_wait3A_113 = tpu.memref_squeeze %dma_wait3A_112 : memref<1x632xf32, #tpu.memory_space<vmem>> -> memref<632xf32, #tpu.memory_space<vmem>>
      %dma_wait3A_114 = tpu.memref_slice %arg3[%run_scoped3A, %mul3A_2] : memref<2x10112xf32, #tpu.memory_space<hbm>> -> memref<1x632xf32, #tpu.memory_space<hbm>>
      %dma_wait3A_115 = tpu.memref_squeeze %dma_wait3A_114 : memref<1x632xf32, #tpu.memory_space<hbm>> -> memref<632xf32, #tpu.memory_space<hbm>>
      %dma_wait3A_116 = arith.constant 0 : i32
      %dma_wait3A_117 = tpu.memref_slice %arg14[%run_scoped3A_7, %dma_wait3A_116] : memref<2x656xf32, #tpu.memory_space<vmem>> -> memref<1x632xf32, #tpu.memory_space<vmem>>
      %dma_wait3A_118 = tpu.memref_squeeze %dma_wait3A_117 : memref<1x632xf32, #tpu.memory_space<vmem>> -> memref<632xf32, #tpu.memory_space<vmem>>
      %dma_wait3A_119 = tpu.memref_slice %arg3[%run_scoped3A, %mul3A_2] : memref<2x10112xf32, #tpu.memory_space<hbm>> -> memref<1x632xf32, #tpu.memory_space<hbm>>
      %dma_wait3A_120 = tpu.memref_squeeze %dma_wait3A_119 : memref<1x632xf32, #tpu.memory_space<hbm>> -> memref<632xf32, #tpu.memory_space<hbm>>
      tpu.wait_dma2 semaphore(%run_scoped3A_100 : memref<!tpu.dma_semaphore, #tpu.memory_space<semaphore_mem>>) src(%dma_wait3A_120 : memref<632xf32, #tpu.memory_space<hbm>>) dst(%dma_wait3A_118 : memref<632xf32, #tpu.memory_space<vmem>>)
      tpu.yield
    }) : () -> ()
    %run_scoped3A_8 = arith.constant 1 : i32
    %run_scoped3A_9 = arith.constant 1 : i32
    "tpu.region"() ({
      %run_scoped3A_100 = tpu.sem_alloc : memref<!tpu.dma_semaphore, #tpu.memory_space<semaphore_mem>>
      %dma_start3A_101 = arith.constant 0 : i32
      %dma_start3A_102 = tpu.memref_slice %arg14[%run_scoped3A_9, %dma_start3A_101] : memref<2x656xf32, #tpu.memory_space<vmem>> -> memref<1x632xf32, #tpu.memory_space<vmem>>
      %dma_start3A_103 = tpu.memref_squeeze %dma_start3A_102 : memref<1x632xf32, #tpu.memory_space<vmem>> -> memref<632xf32, #tpu.memory_space<vmem>>
      %dma_start3A_104 = tpu.memref_slice %arg3[%run_scoped3A_8, %mul3A_2] : memref<2x10112xf32, #tpu.memory_space<hbm>> -> memref<1x632xf32, #tpu.memory_space<hbm>>
      %dma_start3A_105 = tpu.memref_squeeze %dma_start3A_104 : memref<1x632xf32, #tpu.memory_space<hbm>> -> memref<632xf32, #tpu.memory_space<hbm>>
      %dma_start3A_106 = arith.constant 0 : i32
      %dma_start3A_107 = tpu.memref_slice %arg14[%run_scoped3A_9, %dma_start3A_106] : memref<2x656xf32, #tpu.memory_space<vmem>> -> memref<1x632xf32, #tpu.memory_space<vmem>>
      %dma_start3A_108 = tpu.memref_squeeze %dma_start3A_107 : memref<1x632xf32, #tpu.memory_space<vmem>> -> memref<632xf32, #tpu.memory_space<vmem>>
      %dma_start3A_109 = tpu.memref_slice %arg3[%run_scoped3A_8, %mul3A_2] : memref<2x10112xf32, #tpu.memory_space<hbm>> -> memref<1x632xf32, #tpu.memory_space<hbm>>
      %dma_start3A_110 = tpu.memref_squeeze %dma_start3A_109 : memref<1x632xf32, #tpu.memory_space<hbm>> -> memref<632xf32, #tpu.memory_space<hbm>>
      tpu.enqueue_dma source(%dma_start3A_110 : memref<632xf32, #tpu.memory_space<hbm>>) target(%dma_start3A_108 : memref<632xf32, #tpu.memory_space<vmem>>) target_semaphore(%run_scoped3A_100 : memref<!tpu.dma_semaphore, #tpu.memory_space<semaphore_mem>>)
      %dma_wait3A_111 = arith.constant 0 : i32
      %dma_wait3A_112 = tpu.memref_slice %arg14[%run_scoped3A_9, %dma_wait3A_111] : memref<2x656xf32, #tpu.memory_space<vmem>> -> memref<1x632xf32, #tpu.memory_space<vmem>>
      %dma_wait3A_113 = tpu.memref_squeeze %dma_wait3A_112 : memref<1x632xf32, #tpu.memory_space<vmem>> -> memref<632xf32, #tpu.memory_space<vmem>>
      %dma_wait3A_114 = tpu.memref_slice %arg3[%run_scoped3A_8, %mul3A_2] : memref<2x10112xf32, #tpu.memory_space<hbm>> -> memref<1x632xf32, #tpu.memory_space<hbm>>
      %dma_wait3A_115 = tpu.memref_squeeze %dma_wait3A_114 : memref<1x632xf32, #tpu.memory_space<hbm>> -> memref<632xf32, #tpu.memory_space<hbm>>
      %dma_wait3A_116 = arith.constant 0 : i32
      %dma_wait3A_117 = tpu.memref_slice %arg14[%run_scoped3A_9, %dma_wait3A_116] : memref<2x656xf32, #tpu.memory_space<vmem>> -> memref<1x632xf32, #tpu.memory_space<vmem>>
      %dma_wait3A_118 = tpu.memref_squeeze %dma_wait3A_117 : memref<1x632xf32, #tpu.memory_space<vmem>> -> memref<632xf32, #tpu.memory_space<vmem>>
      %dma_wait3A_119 = tpu.memref_slice %arg3[%run_scoped3A_8, %mul3A_2] : memref<2x10112xf32, #tpu.memory_space<hbm>> -> memref<1x632xf32, #tpu.memory_space<hbm>>
      %dma_wait3A_120 = tpu.memref_squeeze %dma_wait3A_119 : memref<1x632xf32, #tpu.memory_space<hbm>> -> memref<632xf32, #tpu.memory_space<hbm>>
      tpu.wait_dma2 semaphore(%run_scoped3A_100 : memref<!tpu.dma_semaphore, #tpu.memory_space<semaphore_mem>>) src(%dma_wait3A_120 : memref<632xf32, #tpu.memory_space<hbm>>) dst(%dma_wait3A_118 : memref<632xf32, #tpu.memory_space<vmem>>)
      tpu.yield
    }) : () -> ()
    %iota3A = tpu.iota {dimensions = array<i32: 0>} : vector<16xi32>
    %mul3A_10 = arith.constant 632 : i32
    %mul3A_11 = arith.muli %arg1, %mul3A_10 : i32
    %scan3A_12 = arith.constant 0 : i32
    %scan3A_13 = arith.constant 40 : i32
    %scan3A_14 = arith.addi %scan3A_12, %scan3A_13 : i32
    %scan3A_15 = arith.constant 1 : i32
    scf.for %scan3A_100 = %scan3A_12 to %scan3A_14 step %scan3A_15  : i32 {
      %mul3A_101 = arith.constant 1 : i32
      %mul3A_102 = arith.muli %scan3A_100, %mul3A_101 : i32
      %add3A_103 = arith.constant 0 : i32
      %add3A_104 = arith.addi %add3A_103, %mul3A_102 : i32
      %mul3A_105 = arith.constant 16 : i32
      %mul3A_106 = arith.muli %add3A_104, %mul3A_105 : i32
      %get3A = arith.constant 0 : i32
      %get3A_107 = arith.index_cast %get3A : i32 to index
      %get3A_108 = arith.index_cast %mul3A_106 : i32 to index
      %get3A_109 = tpu.vector_load %arg14[%get3A_107, %get3A_108] {strides = array<i32>} : memref<2x656xf32, #tpu.memory_space<vmem>>, vector<16xf32>,
      %mul3A_110 = arith.constant 16 : i32
      %mul3A_111 = arith.muli %add3A_104, %mul3A_110 : i32
      %get3A_112 = arith.constant 1 : i32
      %get3A_113 = arith.index_cast %get3A_112 : i32 to index
      %get3A_114 = arith.index_cast %mul3A_111 : i32 to index
      %get3A_115 = tpu.vector_load %arg14[%get3A_113, %get3A_114] {strides = array<i32>} : memref<2x656xf32, #tpu.memory_space<vmem>>, vector<16xf32>,
      %add3A_116 = arith.addf %get3A_109, %get3A_115 : vector<16xf32>
      %add3A_117 = arith.constant 1.000000e+00 : f32
      %add3A_118 = vector.broadcast %add3A_117 : f32 to vector<16xf32>
      %add3A_119 = arith.addf %add3A_116, %add3A_118 : vector<16xf32>
      %mul3A_120 = arith.constant 16 : i32
      %mul3A_121 = arith.muli %add3A_104, %mul3A_120 : i32
      %add3A_122 = arith.addi %mul3A_11, %mul3A_121 : i32
      %add3A_123 = vector.broadcast %add3A_122 : i32 to vector<16xi32>
      %add3A_124 = arith.addi %iota3A, %add3A_123 : vector<16xi32>
      %lt3A = arith.constant 10000 : i32
      %lt3A_125 = vector.broadcast %lt3A : i32 to vector<16xi32>
      %lt3A_126 = arith.cmpi slt, %add3A_124, %lt3A_125 : vector<16xi32>
      %bitcast_convert_type3A = tpu.bitcast %add3A_119 : vector<16xf32> -> vector<16xi32>
      %shift_right_arithmetic3A = arith.constant 1 : i32
      %shift_right_arithmetic3A_127 = vector.broadcast %shift_right_arithmetic3A : i32 to vector<16xi32>
      %shift_right_arithmetic3A_128 = arith.shrsi %bitcast_convert_type3A, %shift_right_arithmetic3A_127 : vector<16xi32>
      %sub3A = arith.constant 1597463007 : i32
      %sub3A_129 = vector.broadcast %sub3A : i32 to vector<16xi32>
      %sub3A_130 = arith.subi %sub3A_129, %shift_right_arithmetic3A_128 : vector<16xi32>
      %bitcast_convert_type3A_131 = tpu.bitcast %sub3A_130 : vector<16xi32> -> vector<16xf32>
      %mul3A_132 = arith.constant 5.000000e-01 : f32
      %mul3A_133 = vector.broadcast %mul3A_132 : f32 to vector<16xf32>
      %mul3A_134 = arith.mulf %mul3A_133, %add3A_119 : vector<16xf32>
      %mul3A_135 = arith.mulf %mul3A_134, %bitcast_convert_type3A_131 : vector<16xf32>
      %mul3A_136 = arith.mulf %mul3A_135, %bitcast_convert_type3A_131 : vector<16xf32>
      %sub3A_137 = arith.constant 1.500000e+00 : f32
      %sub3A_138 = vector.broadcast %sub3A_137 : f32 to vector<16xf32>
      %sub3A_139 = arith.subf %sub3A_138, %mul3A_136 : vector<16xf32>
      %mul3A_140 = arith.mulf %bitcast_convert_type3A_131, %sub3A_139 : vector<16xf32>
      %mul3A_141 = arith.constant 5.000000e-01 : f32
      %mul3A_142 = vector.broadcast %mul3A_141 : f32 to vector<16xf32>
      %mul3A_143 = arith.mulf %mul3A_142, %add3A_119 : vector<16xf32>
      %mul3A_144 = arith.mulf %mul3A_143, %mul3A_140 : vector<16xf32>
      %mul3A_145 = arith.mulf %mul3A_144, %mul3A_140 : vector<16xf32>
      %sub3A_146 = arith.constant 1.500000e+00 : f32
      %sub3A_147 = vector.broadcast %sub3A_146 : f32 to vector<16xf32>
      %sub3A_148 = arith.subf %sub3A_147, %mul3A_145 : vector<16xf32>
      %mul3A_149 = arith.mulf %mul3A_140, %sub3A_148 : vector<16xf32>
      %jit3A_150 = arith.constant 0.000000e+00 : f32
      %broadcast_in_dim3A = vector.broadcast %jit3A_150 : f32 to vector<16xf32>
      %select_n3A_151 = arith.select %lt3A_126, %mul3A_149, %broadcast_in_dim3A : vector<16xi1>, vector<16xf32>
      %mul3A_152 = arith.constant 16 : i32
      %mul3A_153 = arith.muli %add3A_104, %mul3A_152 : i32
      %swap3A = arith.index_cast %mul3A_153 : i32 to index
      %swap3A_154 = tpu.vector_load %arg13[%swap3A] {strides = array<i32>} : memref<656xf32, #tpu.memory_space<vmem>>, vector<16xf32>,
      tpu.vector_store %arg13[%swap3A], %select_n3A_151 {strides = array<i32>} : memref<656xf32, #tpu.memory_space<vmem>>, vector<16xf32>,
    }
    %scan3A_16 = arith.constant 40 : i32
    "tpu.region"() ({
      %run_scoped3A_100 = tpu.sem_alloc : memref<!tpu.dma_semaphore, #tpu.memory_space<semaphore_mem>>
      %dma_start3A_101 = arith.constant 0 : i32
      %dma_start3A_102 = tpu.memref_slice %arg2[%mul3A_2, %dma_start3A_101] : memref<10112x32xf32, #tpu.memory_space<hbm>> -> memref<632x32xf32, #tpu.memory_space<hbm>>
      %dma_start3A_103 = arith.constant 0 : i32
      %dma_start3A_104 = tpu.memref_slice %arg2[%mul3A_2, %dma_start3A_103] : memref<10112x32xf32, #tpu.memory_space<hbm>> -> memref<632x32xf32, #tpu.memory_space<hbm>>
      tpu.enqueue_dma source(%dma_start3A_104 : memref<632x32xf32, #tpu.memory_space<hbm>>) target(%arg11 : memref<632x32xf32, #tpu.memory_space<vmem>>) target_semaphore(%run_scoped3A_100 : memref<!tpu.dma_semaphore, #tpu.memory_space<semaphore_mem>>)
      %dma_wait3A_105 = arith.constant 0 : i32
      %dma_wait3A_106 = tpu.memref_slice %arg2[%mul3A_2, %dma_wait3A_105] : memref<10112x32xf32, #tpu.memory_space<hbm>> -> memref<632x32xf32, #tpu.memory_space<hbm>>
      %dma_wait3A_107 = arith.constant 0 : i32
      %dma_wait3A_108 = tpu.memref_slice %arg2[%mul3A_2, %dma_wait3A_107] : memref<10112x32xf32, #tpu.memory_space<hbm>> -> memref<632x32xf32, #tpu.memory_space<hbm>>
      tpu.wait_dma2 semaphore(%run_scoped3A_100 : memref<!tpu.dma_semaphore, #tpu.memory_space<semaphore_mem>>) src(%dma_wait3A_108 : memref<632x32xf32, #tpu.memory_space<hbm>>) dst(%arg11 : memref<632x32xf32, #tpu.memory_space<vmem>>)
      tpu.yield
    }) : () -> ()
    %scan3A_17 = arith.constant 0 : i32
    %scan3A_18 = arith.constant 632 : i32
    %scan3A_19 = arith.addi %scan3A_17, %scan3A_18 : i32
    %scan3A_20 = arith.constant 1 : i32
    scf.for %scan3A_100 = %scan3A_17 to %scan3A_19 step %scan3A_20  : i32 {
      %mul3A_101 = arith.constant 1 : i32
      %mul3A_102 = arith.muli %scan3A_100, %mul3A_101 : i32
      %add3A_103 = arith.constant 0 : i32
      %add3A_104 = arith.addi %add3A_103, %mul3A_102 : i32
      %get3A = arith.index_cast %add3A_104 : i32 to index
      %get3A_105 = tpu.vector_load %arg13[%get3A] {strides = array<i32>} : memref<656xf32, #tpu.memory_space<vmem>>, vector<16xf32>,
      %slice3A = vector.extract_strided_slice %get3A_105 {offsets = [0], sizes = [1], strides = [1]} : vector<16xf32> to vector<1xf32>
      %squeeze3A = vector.extract %slice3A[0] : f32 from vector<1xf32>
      %get3A_106 = arith.index_cast %add3A_104 : i32 to index
      %get3A_107 = arith.constant 0 : index
      %get3A_108 = tpu.vector_load %arg11[%get3A_106, %get3A_107] {strides = array<i32>} : memref<632x32xf32, #tpu.memory_space<vmem>>, vector<16xf32>,
      %mul3A_109 = vector.broadcast %squeeze3A : f32 to vector<16xf32>
      %mul3A_110 = arith.mulf %get3A_108, %mul3A_109 : vector<16xf32>
      %swap3A = arith.index_cast %add3A_104 : i32 to index
      %swap3A_111 = arith.constant 0 : index
      %swap3A_112 = tpu.vector_load %arg11[%swap3A, %swap3A_111] {strides = array<i32>} : memref<632x32xf32, #tpu.memory_space<vmem>>, vector<16xf32>,
      tpu.vector_store %arg11[%swap3A, %swap3A_111], %mul3A_110 {strides = array<i32>} : memref<632x32xf32, #tpu.memory_space<vmem>>, vector<16xf32>,
      %get3A_113 = arith.index_cast %add3A_104 : i32 to index
      %get3A_114 = arith.constant 16 : index
      %get3A_115 = tpu.vector_load %arg11[%get3A_113, %get3A_114] {strides = array<i32>} : memref<632x32xf32, #tpu.memory_space<vmem>>, vector<16xf32>,
      %mul3A_116 = vector.broadcast %squeeze3A : f32 to vector<16xf32>
      %mul3A_117 = arith.mulf %get3A_115, %mul3A_116 : vector<16xf32>
      %swap3A_118 = arith.index_cast %add3A_104 : i32 to index
      %swap3A_119 = arith.constant 16 : index
      %swap3A_120 = tpu.vector_load %arg11[%swap3A_118, %swap3A_119] {strides = array<i32>} : memref<632x32xf32, #tpu.memory_space<vmem>>, vector<16xf32>,
      tpu.vector_store %arg11[%swap3A_118, %swap3A_119], %mul3A_117 {strides = array<i32>} : memref<632x32xf32, #tpu.memory_space<vmem>>, vector<16xf32>,
    }
    %scan3A_21 = arith.constant 632 : i32
    "tpu.region"() ({
      %run_scoped3A_100 = tpu.sem_alloc : memref<!tpu.dma_semaphore, #tpu.memory_space<semaphore_mem>>
      %dma_start3A_101 = arith.constant 0 : i32
      %dma_start3A_102 = tpu.memref_slice %arg16[%mul3A_2, %dma_start3A_101] : memref<10112x32xf32, #tpu.memory_space<vmem_shared>> -> memref<632x32xf32, #tpu.memory_space<vmem_shared>>
      %dma_start3A_103 = arith.constant 0 : i32
      %dma_start3A_104 = tpu.memref_slice %arg16[%mul3A_2, %dma_start3A_103] : memref<10112x32xf32, #tpu.memory_space<vmem_shared>> -> memref<632x32xf32, #tpu.memory_space<vmem_shared>>
      tpu.enqueue_dma source(%arg11 : memref<632x32xf32, #tpu.memory_space<vmem>>) target(%dma_start3A_104 : memref<632x32xf32, #tpu.memory_space<vmem_shared>>) target_semaphore(%run_scoped3A_100 : memref<!tpu.dma_semaphore, #tpu.memory_space<semaphore_mem>>)
      %dma_wait3A_105 = arith.constant 0 : i32
      %dma_wait3A_106 = tpu.memref_slice %arg16[%mul3A_2, %dma_wait3A_105] : memref<10112x32xf32, #tpu.memory_space<vmem_shared>> -> memref<632x32xf32, #tpu.memory_space<vmem_shared>>
      %dma_wait3A_107 = arith.constant 0 : i32
      %dma_wait3A_108 = tpu.memref_slice %arg16[%mul3A_2, %dma_wait3A_107] : memref<10112x32xf32, #tpu.memory_space<vmem_shared>> -> memref<632x32xf32, #tpu.memory_space<vmem_shared>>
      tpu.wait_dma2 semaphore(%run_scoped3A_100 : memref<!tpu.dma_semaphore, #tpu.memory_space<semaphore_mem>>) src(%arg11 : memref<632x32xf32, #tpu.memory_space<vmem>>) dst(%dma_wait3A_108 : memref<632x32xf32, #tpu.memory_space<vmem_shared>>)
      tpu.yield
    }) : () -> ()
    "tpu.region"() ({
      %run_scoped3A_100 = tpu.sem_alloc : memref<!tpu.dma_semaphore, #tpu.memory_space<semaphore_mem>>
      %dma_start3A_101 = arith.constant 0 : i32
      %dma_start3A_102 = arith.constant 0 : i32
      %dma_start3A_103 = tpu.memref_slice %arg4[%add3A, %dma_start3A_101, %dma_start3A_102] : memref<32x80x128xi32, #tpu.memory_space<hbm>> -> memref<1x80x128xi32, #tpu.memory_space<hbm>>
      %dma_start3A_104 = tpu.memref_squeeze %dma_start3A_103 : memref<1x80x128xi32, #tpu.memory_space<hbm>> -> memref<80x128xi32, #tpu.memory_space<hbm>>
      %dma_start3A_105 = arith.constant 0 : i32
      %dma_start3A_106 = arith.constant 0 : i32
      %dma_start3A_107 = tpu.memref_slice %arg4[%add3A, %dma_start3A_105, %dma_start3A_106] : memref<32x80x128xi32, #tpu.memory_space<hbm>> -> memref<1x80x128xi32, #tpu.memory_space<hbm>>
      %dma_start3A_108 = tpu.memref_squeeze %dma_start3A_107 : memref<1x80x128xi32, #tpu.memory_space<hbm>> -> memref<80x128xi32, #tpu.memory_space<hbm>>
      tpu.enqueue_dma source(%dma_start3A_108 : memref<80x128xi32, #tpu.memory_space<hbm>>) target(%arg8 : memref<80x128xi32, #tpu.memory_space<vmem>>) target_semaphore(%run_scoped3A_100 : memref<!tpu.dma_semaphore, #tpu.memory_space<semaphore_mem>>)
      %dma_wait3A_109 = arith.constant 0 : i32
      %dma_wait3A_110 = arith.constant 0 : i32
      %dma_wait3A_111 = tpu.memref_slice %arg4[%add3A, %dma_wait3A_109, %dma_wait3A_110] : memref<32x80x128xi32, #tpu.memory_space<hbm>> -> memref<1x80x128xi32, #tpu.memory_space<hbm>>
      %dma_wait3A_112 = tpu.memref_squeeze %dma_wait3A_111 : memref<1x80x128xi32, #tpu.memory_space<hbm>> -> memref<80x128xi32, #tpu.memory_space<hbm>>
      %dma_wait3A_113 = arith.constant 0 : i32
      %dma_wait3A_114 = arith.constant 0 : i32
      %dma_wait3A_115 = tpu.memref_slice %arg4[%add3A, %dma_wait3A_113, %dma_wait3A_114] : memref<32x80x128xi32, #tpu.memory_space<hbm>> -> memref<1x80x128xi32, #tpu.memory_space<hbm>>
      %dma_wait3A_116 = tpu.memref_squeeze %dma_wait3A_115 : memref<1x80x128xi32, #tpu.memory_space<hbm>> -> memref<80x128xi32, #tpu.memory_space<hbm>>
      tpu.wait_dma2 semaphore(%run_scoped3A_100 : memref<!tpu.dma_semaphore, #tpu.memory_space<semaphore_mem>>) src(%dma_wait3A_116 : memref<80x128xi32, #tpu.memory_space<hbm>>) dst(%arg8 : memref<80x128xi32, #tpu.memory_space<vmem>>)
      tpu.yield
    }) : () -> ()
    "tpu.region"() ({
      %run_scoped3A_100 = tpu.sem_alloc : memref<!tpu.dma_semaphore, #tpu.memory_space<semaphore_mem>>
      %dma_start3A_101 = arith.constant 0 : i32
      %dma_start3A_102 = arith.constant 0 : i32
      %dma_start3A_103 = tpu.memref_slice %arg5[%add3A, %dma_start3A_101, %dma_start3A_102] : memref<32x80x128xi32, #tpu.memory_space<hbm>> -> memref<1x80x128xi32, #tpu.memory_space<hbm>>
      %dma_start3A_104 = tpu.memref_squeeze %dma_start3A_103 : memref<1x80x128xi32, #tpu.memory_space<hbm>> -> memref<80x128xi32, #tpu.memory_space<hbm>>
      %dma_start3A_105 = arith.constant 0 : i32
      %dma_start3A_106 = arith.constant 0 : i32
      %dma_start3A_107 = tpu.memref_slice %arg5[%add3A, %dma_start3A_105, %dma_start3A_106] : memref<32x80x128xi32, #tpu.memory_space<hbm>> -> memref<1x80x128xi32, #tpu.memory_space<hbm>>
      %dma_start3A_108 = tpu.memref_squeeze %dma_start3A_107 : memref<1x80x128xi32, #tpu.memory_space<hbm>> -> memref<80x128xi32, #tpu.memory_space<hbm>>
      tpu.enqueue_dma source(%dma_start3A_108 : memref<80x128xi32, #tpu.memory_space<hbm>>) target(%arg9 : memref<80x128xi32, #tpu.memory_space<vmem>>) target_semaphore(%run_scoped3A_100 : memref<!tpu.dma_semaphore, #tpu.memory_space<semaphore_mem>>)
      %dma_wait3A_109 = arith.constant 0 : i32
      %dma_wait3A_110 = arith.constant 0 : i32
      %dma_wait3A_111 = tpu.memref_slice %arg5[%add3A, %dma_wait3A_109, %dma_wait3A_110] : memref<32x80x128xi32, #tpu.memory_space<hbm>> -> memref<1x80x128xi32, #tpu.memory_space<hbm>>
      %dma_wait3A_112 = tpu.memref_squeeze %dma_wait3A_111 : memref<1x80x128xi32, #tpu.memory_space<hbm>> -> memref<80x128xi32, #tpu.memory_space<hbm>>
      %dma_wait3A_113 = arith.constant 0 : i32
      %dma_wait3A_114 = arith.constant 0 : i32
      %dma_wait3A_115 = tpu.memref_slice %arg5[%add3A, %dma_wait3A_113, %dma_wait3A_114] : memref<32x80x128xi32, #tpu.memory_space<hbm>> -> memref<1x80x128xi32, #tpu.memory_space<hbm>>
      %dma_wait3A_116 = tpu.memref_squeeze %dma_wait3A_115 : memref<1x80x128xi32, #tpu.memory_space<hbm>> -> memref<80x128xi32, #tpu.memory_space<hbm>>
      tpu.wait_dma2 semaphore(%run_scoped3A_100 : memref<!tpu.dma_semaphore, #tpu.memory_space<semaphore_mem>>) src(%dma_wait3A_116 : memref<80x128xi32, #tpu.memory_space<hbm>>) dst(%arg9 : memref<80x128xi32, #tpu.memory_space<vmem>>)
      tpu.yield
    }) : () -> ()
    %barrier3A = arith.constant 0 : index
    tpu.barrier barrier_id(%barrier3A)
    %dma_start3A = arith.constant 0 : i32
    %dma_start3A_22 = arith.constant 0 : i32
    %dma_start3A_23 = arith.constant 0 : i32
    %dma_start3A_24 = arith.constant 0 : i32
    %dma_start3A_25 = arith.constant 0 : i32
    %dma_start3A_26 = arith.constant 0 : i32
    %dma_start3A_27 = tpu.memref_slice %arg10[%dma_start3A_22, %dma_start3A_23, %dma_start3A_25, %dma_start3A_26] : memref<2x2x128x32xf32, #tpu.memory_space<vmem>> -> memref<1x1x128x32xf32, #tpu.memory_space<vmem>>
    %dma_start3A_28 = tpu.memref_squeeze %dma_start3A_27 : memref<1x1x128x32xf32, #tpu.memory_space<vmem>> -> memref<128x32xf32, #tpu.memory_space<vmem>>
    %dma_start3A_29 = arith.constant 0 : i32
    %dma_start3A_30 = tpu.memref_slice %arg8[%dma_start3A, %dma_start3A_29] : memref<80x128xi32, #tpu.memory_space<vmem>> -> memref<1x128xi32, #tpu.memory_space<vmem>>
    %dma_start3A_31 = tpu.memref_squeeze %dma_start3A_30 : memref<1x128xi32, #tpu.memory_space<vmem>> -> memref<128xi32, #tpu.memory_space<vmem>>
    %dma_start3A_32 = arith.constant 0 : i32
    %dma_start3A_33 = arith.constant 0 : i32
    %dma_start3A_34 = tpu.memref_slice %arg16[%dma_start3A_32, %dma_start3A_33] : memref<10112x32xf32, #tpu.memory_space<vmem_shared>> -> memref<10112x32xf32, #tpu.memory_space<vmem_shared>>
    %dma_start3A_35 = tpu.memref_slice %arg17[%dma_start3A_24] : memref<2x!tpu.dma_semaphore, #tpu.memory_space<semaphore_mem>> -> memref<1x!tpu.dma_semaphore, #tpu.memory_space<semaphore_mem>>
    %dma_start3A_36 = tpu.memref_squeeze %dma_start3A_35 : memref<1x!tpu.dma_semaphore, #tpu.memory_space<semaphore_mem>> -> memref<!tpu.dma_semaphore, #tpu.memory_space<semaphore_mem>>
    tpu.enqueue_indirect_dma source(%dma_start3A_34 : memref<10112x32xf32, #tpu.memory_space<vmem_shared>>) target(%dma_start3A_28 : memref<128x32xf32, #tpu.memory_space<vmem>>) offsets(%dma_start3A_31 : memref<128xi32, #tpu.memory_space<vmem>>) semaphore(%dma_start3A_36 : memref<!tpu.dma_semaphore, #tpu.memory_space<semaphore_mem>>)
    %dma_start3A_37 = arith.constant 1 : i32
    %dma_start3A_38 = arith.constant 0 : i32
    %dma_start3A_39 = arith.constant 1 : i32
    %dma_start3A_40 = arith.constant 0 : i32
    %dma_start3A_41 = arith.constant 0 : i32
    %dma_start3A_42 = arith.constant 0 : i32
    %dma_start3A_43 = tpu.memref_slice %arg10[%dma_start3A_38, %dma_start3A_39, %dma_start3A_41, %dma_start3A_42] : memref<2x2x128x32xf32, #tpu.memory_space<vmem>> -> memref<1x1x128x32xf32, #tpu.memory_space<vmem>>
    %dma_start3A_44 = tpu.memref_squeeze %dma_start3A_43 : memref<1x1x128x32xf32, #tpu.memory_space<vmem>> -> memref<128x32xf32, #tpu.memory_space<vmem>>
    %dma_start3A_45 = arith.constant 0 : i32
    %dma_start3A_46 = tpu.memref_slice %arg8[%dma_start3A_37, %dma_start3A_45] : memref<80x128xi32, #tpu.memory_space<vmem>> -> memref<1x128xi32, #tpu.memory_space<vmem>>
    %dma_start3A_47 = tpu.memref_squeeze %dma_start3A_46 : memref<1x128xi32, #tpu.memory_space<vmem>> -> memref<128xi32, #tpu.memory_space<vmem>>
    %dma_start3A_48 = arith.constant 0 : i32
    %dma_start3A_49 = arith.constant 0 : i32
    %dma_start3A_50 = tpu.memref_slice %arg16[%dma_start3A_48, %dma_start3A_49] : memref<10112x32xf32, #tpu.memory_space<vmem_shared>> -> memref<10112x32xf32, #tpu.memory_space<vmem_shared>>
    %dma_start3A_51 = tpu.memref_slice %arg17[%dma_start3A_40] : memref<2x!tpu.dma_semaphore, #tpu.memory_space<semaphore_mem>> -> memref<1x!tpu.dma_semaphore, #tpu.memory_space<semaphore_mem>>
    %dma_start3A_52 = tpu.memref_squeeze %dma_start3A_51 : memref<1x!tpu.dma_semaphore, #tpu.memory_space<semaphore_mem>> -> memref<!tpu.dma_semaphore, #tpu.memory_space<semaphore_mem>>
    tpu.enqueue_indirect_dma source(%dma_start3A_50 : memref<10112x32xf32, #tpu.memory_space<vmem_shared>>) target(%dma_start3A_44 : memref<128x32xf32, #tpu.memory_space<vmem>>) offsets(%dma_start3A_47 : memref<128xi32, #tpu.memory_space<vmem>>) semaphore(%dma_start3A_52 : memref<!tpu.dma_semaphore, #tpu.memory_space<semaphore_mem>>)
    %scan3A_53 = arith.constant 0 : i32
    %scan3A_54 = arith.constant 20 : i32
    %scan3A_55 = arith.addi %scan3A_53, %scan3A_54 : i32
    %scan3A_56 = arith.constant 1 : i32
    scf.for %scan3A_100 = %scan3A_53 to %scan3A_55 step %scan3A_56  : i32 {
      %mul3A_101 = arith.constant 1 : i32
      %mul3A_102 = arith.muli %scan3A_100, %mul3A_101 : i32
      %add3A_103 = arith.constant 0 : i32
      %add3A_104 = arith.addi %add3A_103, %mul3A_102 : i32
      %mul3A_105 = arith.constant 2 : i32
      %mul3A_106 = arith.muli %add3A_104, %mul3A_105 : i32
      %add3A_107 = arith.constant 1 : i32
      %add3A_108 = arith.addi %mul3A_106, %add3A_107 : i32
      %gt3A = arith.constant 0 : i32
      %gt3A_109 = arith.cmpi sgt, %add3A_104, %gt3A : i32
      %convert_element_type3A_110 = arith.extui %gt3A_109 : i1 to i32
      %cond3A_111 = arith.constant 0 : i32
      %cond3A_112 = arith.cmpi ne, %convert_element_type3A_110, %cond3A_111 : i32
      scf.if %cond3A_112 {
        %sub3A = arith.constant 1 : i32
        %sub3A_345 = arith.subi %mul3A_106, %sub3A : i32
        %mul3A_346 = arith.constant 2 : i32
        %mul3A_347 = arith.muli %sub3A_345, %mul3A_346 : i32
        %add3A_348 = arith.constant 0 : i32
        %add3A_349 = arith.addi %mul3A_347, %add3A_348 : i32
        %dma_wait3A_350 = arith.constant 1 : i32
        %dma_wait3A_351 = arith.constant 0 : i32
        %dma_wait3A_352 = arith.constant 1 : i32
        %dma_wait3A_353 = arith.constant 0 : i32
        %dma_wait3A_354 = arith.constant 0 : i32
        %dma_wait3A_355 = tpu.memref_slice %arg10[%dma_wait3A_350, %dma_wait3A_351, %dma_wait3A_353, %dma_wait3A_354] : memref<2x2x128x32xf32, #tpu.memory_space<vmem>> -> memref<1x1x128x32xf32, #tpu.memory_space<vmem>>
        %dma_wait3A_356 = tpu.memref_squeeze %dma_wait3A_355 : memref<1x1x128x32xf32, #tpu.memory_space<vmem>> -> memref<128x32xf32, #tpu.memory_space<vmem>>
        %dma_wait3A_357 = arith.constant 0 : i32
        %dma_wait3A_358 = tpu.memref_slice %arg9[%add3A_349, %dma_wait3A_357] : memref<80x128xi32, #tpu.memory_space<vmem>> -> memref<1x128xi32, #tpu.memory_space<vmem>>
        %dma_wait3A_359 = tpu.memref_squeeze %dma_wait3A_358 : memref<1x128xi32, #tpu.memory_space<vmem>> -> memref<128xi32, #tpu.memory_space<vmem>>
        %dma_wait3A_360 = arith.constant 0 : i32
        %dma_wait3A_361 = arith.constant 0 : i32
        %dma_wait3A_362 = tpu.memref_slice %arg15[%dma_wait3A_360, %dma_wait3A_361] : memref<10112x32xf32, #tpu.memory_space<vmem_shared>> -> memref<10112x32xf32, #tpu.memory_space<vmem_shared>>
        %dma_wait3A_363 = tpu.memref_slice %arg18[%dma_wait3A_352] : memref<2x!tpu.dma_semaphore, #tpu.memory_space<semaphore_mem>> -> memref<1x!tpu.dma_semaphore, #tpu.memory_space<semaphore_mem>>
        %dma_wait3A_364 = tpu.memref_squeeze %dma_wait3A_363 : memref<1x!tpu.dma_semaphore, #tpu.memory_space<semaphore_mem>> -> memref<!tpu.dma_semaphore, #tpu.memory_space<semaphore_mem>>
        tpu.wait_indirect_dma semaphore(%dma_wait3A_364 : memref<!tpu.dma_semaphore, #tpu.memory_space<semaphore_mem>>) src(%dma_wait3A_356 : memref<128x32xf32, #tpu.memory_space<vmem>>) dst(%dma_wait3A_362 : memref<10112x32xf32, #tpu.memory_space<vmem_shared>>)
        %sub3A_365 = arith.constant 1 : i32
        %sub3A_366 = arith.subi %mul3A_106, %sub3A_365 : i32
        %mul3A_367 = arith.constant 2 : i32
        %mul3A_368 = arith.muli %sub3A_366, %mul3A_367 : i32
        %add3A_369 = arith.constant 1 : i32
        %add3A_370 = arith.addi %mul3A_368, %add3A_369 : i32
        %dma_wait3A_371 = arith.constant 1 : i32
        %dma_wait3A_372 = arith.constant 1 : i32
        %dma_wait3A_373 = arith.constant 1 : i32
        %dma_wait3A_374 = arith.constant 0 : i32
        %dma_wait3A_375 = arith.constant 0 : i32
        %dma_wait3A_376 = tpu.memref_slice %arg10[%dma_wait3A_371, %dma_wait3A_372, %dma_wait3A_374, %dma_wait3A_375] : memref<2x2x128x32xf32, #tpu.memory_space<vmem>> -> memref<1x1x128x32xf32, #tpu.memory_space<vmem>>
        %dma_wait3A_377 = tpu.memref_squeeze %dma_wait3A_376 : memref<1x1x128x32xf32, #tpu.memory_space<vmem>> -> memref<128x32xf32, #tpu.memory_space<vmem>>
        %dma_wait3A_378 = arith.constant 0 : i32
        %dma_wait3A_379 = tpu.memref_slice %arg9[%add3A_370, %dma_wait3A_378] : memref<80x128xi32, #tpu.memory_space<vmem>> -> memref<1x128xi32, #tpu.memory_space<vmem>>
        %dma_wait3A_380 = tpu.memref_squeeze %dma_wait3A_379 : memref<1x128xi32, #tpu.memory_space<vmem>> -> memref<128xi32, #tpu.memory_space<vmem>>
        %dma_wait3A_381 = arith.constant 0 : i32
        %dma_wait3A_382 = arith.constant 0 : i32
        %dma_wait3A_383 = tpu.memref_slice %arg15[%dma_wait3A_381, %dma_wait3A_382] : memref<10112x32xf32, #tpu.memory_space<vmem_shared>> -> memref<10112x32xf32, #tpu.memory_space<vmem_shared>>
        %dma_wait3A_384 = tpu.memref_slice %arg18[%dma_wait3A_373] : memref<2x!tpu.dma_semaphore, #tpu.memory_space<semaphore_mem>> -> memref<1x!tpu.dma_semaphore, #tpu.memory_space<semaphore_mem>>
        %dma_wait3A_385 = tpu.memref_squeeze %dma_wait3A_384 : memref<1x!tpu.dma_semaphore, #tpu.memory_space<semaphore_mem>> -> memref<!tpu.dma_semaphore, #tpu.memory_space<semaphore_mem>>
        tpu.wait_indirect_dma semaphore(%dma_wait3A_385 : memref<!tpu.dma_semaphore, #tpu.memory_space<semaphore_mem>>) src(%dma_wait3A_377 : memref<128x32xf32, #tpu.memory_space<vmem>>) dst(%dma_wait3A_383 : memref<10112x32xf32, #tpu.memory_space<vmem_shared>>)
      } else {
      }
      %mul3A_113 = arith.constant 2 : i32
      %mul3A_114 = arith.muli %add3A_108, %mul3A_113 : i32
      %add3A_115 = arith.constant 0 : i32
      %add3A_116 = arith.addi %mul3A_114, %add3A_115 : i32
      %dma_start3A_117 = arith.constant 1 : i32
      %dma_start3A_118 = arith.constant 0 : i32
      %dma_start3A_119 = arith.constant 1 : i32
      %dma_start3A_120 = arith.constant 0 : i32
      %dma_start3A_121 = arith.constant 0 : i32
      %dma_start3A_122 = tpu.memref_slice %arg10[%dma_start3A_117, %dma_start3A_118, %dma_start3A_120, %dma_start3A_121] : memref<2x2x128x32xf32, #tpu.memory_space<vmem>> -> memref<1x1x128x32xf32, #tpu.memory_space<vmem>>
      %dma_start3A_123 = tpu.memref_squeeze %dma_start3A_122 : memref<1x1x128x32xf32, #tpu.memory_space<vmem>> -> memref<128x32xf32, #tpu.memory_space<vmem>>
      %dma_start3A_124 = arith.constant 0 : i32
      %dma_start3A_125 = tpu.memref_slice %arg8[%add3A_116, %dma_start3A_124] : memref<80x128xi32, #tpu.memory_space<vmem>> -> memref<1x128xi32, #tpu.memory_space<vmem>>
      %dma_start3A_126 = tpu.memref_squeeze %dma_start3A_125 : memref<1x128xi32, #tpu.memory_space<vmem>> -> memref<128xi32, #tpu.memory_space<vmem>>
      %dma_start3A_127 = arith.constant 0 : i32
      %dma_start3A_128 = arith.constant 0 : i32
      %dma_start3A_129 = tpu.memref_slice %arg16[%dma_start3A_127, %dma_start3A_128] : memref<10112x32xf32, #tpu.memory_space<vmem_shared>> -> memref<10112x32xf32, #tpu.memory_space<vmem_shared>>
      %dma_start3A_130 = tpu.memref_slice %arg17[%dma_start3A_119] : memref<2x!tpu.dma_semaphore, #tpu.memory_space<semaphore_mem>> -> memref<1x!tpu.dma_semaphore, #tpu.memory_space<semaphore_mem>>
      %dma_start3A_131 = tpu.memref_squeeze %dma_start3A_130 : memref<1x!tpu.dma_semaphore, #tpu.memory_space<semaphore_mem>> -> memref<!tpu.dma_semaphore, #tpu.memory_space<semaphore_mem>>
      tpu.enqueue_indirect_dma source(%dma_start3A_129 : memref<10112x32xf32, #tpu.memory_space<vmem_shared>>) target(%dma_start3A_123 : memref<128x32xf32, #tpu.memory_space<vmem>>) offsets(%dma_start3A_126 : memref<128xi32, #tpu.memory_space<vmem>>) semaphore(%dma_start3A_131 : memref<!tpu.dma_semaphore, #tpu.memory_space<semaphore_mem>>)
      %mul3A_132 = arith.constant 2 : i32
      %mul3A_133 = arith.muli %add3A_108, %mul3A_132 : i32
      %add3A_134 = arith.constant 1 : i32
      %add3A_135 = arith.addi %mul3A_133, %add3A_134 : i32
      %dma_start3A_136 = arith.constant 1 : i32
      %dma_start3A_137 = arith.constant 1 : i32
      %dma_start3A_138 = arith.constant 1 : i32
      %dma_start3A_139 = arith.constant 0 : i32
      %dma_start3A_140 = arith.constant 0 : i32
      %dma_start3A_141 = tpu.memref_slice %arg10[%dma_start3A_136, %dma_start3A_137, %dma_start3A_139, %dma_start3A_140] : memref<2x2x128x32xf32, #tpu.memory_space<vmem>> -> memref<1x1x128x32xf32, #tpu.memory_space<vmem>>
      %dma_start3A_142 = tpu.memref_squeeze %dma_start3A_141 : memref<1x1x128x32xf32, #tpu.memory_space<vmem>> -> memref<128x32xf32, #tpu.memory_space<vmem>>
      %dma_start3A_143 = arith.constant 0 : i32
      %dma_start3A_144 = tpu.memref_slice %arg8[%add3A_135, %dma_start3A_143] : memref<80x128xi32, #tpu.memory_space<vmem>> -> memref<1x128xi32, #tpu.memory_space<vmem>>
      %dma_start3A_145 = tpu.memref_squeeze %dma_start3A_144 : memref<1x128xi32, #tpu.memory_space<vmem>> -> memref<128xi32, #tpu.memory_space<vmem>>
      %dma_start3A_146 = arith.constant 0 : i32
      %dma_start3A_147 = arith.constant 0 : i32
      %dma_start3A_148 = tpu.memref_slice %arg16[%dma_start3A_146, %dma_start3A_147] : memref<10112x32xf32, #tpu.memory_space<vmem_shared>> -> memref<10112x32xf32, #tpu.memory_space<vmem_shared>>
      %dma_start3A_149 = tpu.memref_slice %arg17[%dma_start3A_138] : memref<2x!tpu.dma_semaphore, #tpu.memory_space<semaphore_mem>> -> memref<1x!tpu.dma_semaphore, #tpu.memory_space<semaphore_mem>>
      %dma_start3A_150 = tpu.memref_squeeze %dma_start3A_149 : memref<1x!tpu.dma_semaphore, #tpu.memory_space<semaphore_mem>> -> memref<!tpu.dma_semaphore, #tpu.memory_space<semaphore_mem>>
      tpu.enqueue_indirect_dma source(%dma_start3A_148 : memref<10112x32xf32, #tpu.memory_space<vmem_shared>>) target(%dma_start3A_142 : memref<128x32xf32, #tpu.memory_space<vmem>>) offsets(%dma_start3A_145 : memref<128xi32, #tpu.memory_space<vmem>>) semaphore(%dma_start3A_150 : memref<!tpu.dma_semaphore, #tpu.memory_space<semaphore_mem>>)
      %mul3A_151 = arith.constant 2 : i32
      %mul3A_152 = arith.muli %mul3A_106, %mul3A_151 : i32
      %add3A_153 = arith.constant 0 : i32
      %add3A_154 = arith.addi %mul3A_152, %add3A_153 : i32
      %dma_wait3A_155 = arith.constant 0 : i32
      %dma_wait3A_156 = arith.constant 0 : i32
      %dma_wait3A_157 = arith.constant 0 : i32
      %dma_wait3A_158 = arith.constant 0 : i32
      %dma_wait3A_159 = arith.constant 0 : i32
      %dma_wait3A_160 = tpu.memref_slice %arg10[%dma_wait3A_155, %dma_wait3A_156, %dma_wait3A_158, %dma_wait3A_159] : memref<2x2x128x32xf32, #tpu.memory_space<vmem>> -> memref<1x1x128x32xf32, #tpu.memory_space<vmem>>
      %dma_wait3A_161 = tpu.memref_squeeze %dma_wait3A_160 : memref<1x1x128x32xf32, #tpu.memory_space<vmem>> -> memref<128x32xf32, #tpu.memory_space<vmem>>
      %dma_wait3A_162 = arith.constant 0 : i32
      %dma_wait3A_163 = tpu.memref_slice %arg8[%add3A_154, %dma_wait3A_162] : memref<80x128xi32, #tpu.memory_space<vmem>> -> memref<1x128xi32, #tpu.memory_space<vmem>>
      %dma_wait3A_164 = tpu.memref_squeeze %dma_wait3A_163 : memref<1x128xi32, #tpu.memory_space<vmem>> -> memref<128xi32, #tpu.memory_space<vmem>>
      %dma_wait3A_165 = arith.constant 0 : i32
      %dma_wait3A_166 = arith.constant 0 : i32
      %dma_wait3A_167 = tpu.memref_slice %arg16[%dma_wait3A_165, %dma_wait3A_166] : memref<10112x32xf32, #tpu.memory_space<vmem_shared>> -> memref<10112x32xf32, #tpu.memory_space<vmem_shared>>
      %dma_wait3A_168 = tpu.memref_slice %arg17[%dma_wait3A_157] : memref<2x!tpu.dma_semaphore, #tpu.memory_space<semaphore_mem>> -> memref<1x!tpu.dma_semaphore, #tpu.memory_space<semaphore_mem>>
      %dma_wait3A_169 = tpu.memref_squeeze %dma_wait3A_168 : memref<1x!tpu.dma_semaphore, #tpu.memory_space<semaphore_mem>> -> memref<!tpu.dma_semaphore, #tpu.memory_space<semaphore_mem>>
      tpu.wait_indirect_dma semaphore(%dma_wait3A_169 : memref<!tpu.dma_semaphore, #tpu.memory_space<semaphore_mem>>) src(%dma_wait3A_167 : memref<10112x32xf32, #tpu.memory_space<vmem_shared>>) dst(%dma_wait3A_161 : memref<128x32xf32, #tpu.memory_space<vmem>>)
      %mul3A_170 = arith.constant 2 : i32
      %mul3A_171 = arith.muli %mul3A_106, %mul3A_170 : i32
      %add3A_172 = arith.constant 1 : i32
      %add3A_173 = arith.addi %mul3A_171, %add3A_172 : i32
      %dma_wait3A_174 = arith.constant 0 : i32
      %dma_wait3A_175 = arith.constant 1 : i32
      %dma_wait3A_176 = arith.constant 0 : i32
      %dma_wait3A_177 = arith.constant 0 : i32
      %dma_wait3A_178 = arith.constant 0 : i32
      %dma_wait3A_179 = tpu.memref_slice %arg10[%dma_wait3A_174, %dma_wait3A_175, %dma_wait3A_177, %dma_wait3A_178] : memref<2x2x128x32xf32, #tpu.memory_space<vmem>> -> memref<1x1x128x32xf32, #tpu.memory_space<vmem>>
      %dma_wait3A_180 = tpu.memref_squeeze %dma_wait3A_179 : memref<1x1x128x32xf32, #tpu.memory_space<vmem>> -> memref<128x32xf32, #tpu.memory_space<vmem>>
      %dma_wait3A_181 = arith.constant 0 : i32
      %dma_wait3A_182 = tpu.memref_slice %arg8[%add3A_173, %dma_wait3A_181] : memref<80x128xi32, #tpu.memory_space<vmem>> -> memref<1x128xi32, #tpu.memory_space<vmem>>
      %dma_wait3A_183 = tpu.memref_squeeze %dma_wait3A_182 : memref<1x128xi32, #tpu.memory_space<vmem>> -> memref<128xi32, #tpu.memory_space<vmem>>
      %dma_wait3A_184 = arith.constant 0 : i32
      %dma_wait3A_185 = arith.constant 0 : i32
      %dma_wait3A_186 = tpu.memref_slice %arg16[%dma_wait3A_184, %dma_wait3A_185] : memref<10112x32xf32, #tpu.memory_space<vmem_shared>> -> memref<10112x32xf32, #tpu.memory_space<vmem_shared>>
      %dma_wait3A_187 = tpu.memref_slice %arg17[%dma_wait3A_176] : memref<2x!tpu.dma_semaphore, #tpu.memory_space<semaphore_mem>> -> memref<1x!tpu.dma_semaphore, #tpu.memory_space<semaphore_mem>>
      %dma_wait3A_188 = tpu.memref_squeeze %dma_wait3A_187 : memref<1x!tpu.dma_semaphore, #tpu.memory_space<semaphore_mem>> -> memref<!tpu.dma_semaphore, #tpu.memory_space<semaphore_mem>>
      tpu.wait_indirect_dma semaphore(%dma_wait3A_188 : memref<!tpu.dma_semaphore, #tpu.memory_space<semaphore_mem>>) src(%dma_wait3A_186 : memref<10112x32xf32, #tpu.memory_space<vmem_shared>>) dst(%dma_wait3A_180 : memref<128x32xf32, #tpu.memory_space<vmem>>)
      %mul3A_189 = arith.constant 2 : i32
      %mul3A_190 = arith.muli %mul3A_106, %mul3A_189 : i32
      %add3A_191 = arith.constant 0 : i32
      %add3A_192 = arith.addi %mul3A_190, %add3A_191 : i32
      %dma_start3A_193 = arith.constant 0 : i32
      %dma_start3A_194 = arith.constant 0 : i32
      %dma_start3A_195 = arith.constant 0 : i32
      %dma_start3A_196 = arith.constant 0 : i32
      %dma_start3A_197 = arith.constant 0 : i32
      %dma_start3A_198 = tpu.memref_slice %arg10[%dma_start3A_193, %dma_start3A_194, %dma_start3A_196, %dma_start3A_197] : memref<2x2x128x32xf32, #tpu.memory_space<vmem>> -> memref<1x1x128x32xf32, #tpu.memory_space<vmem>>
      %dma_start3A_199 = tpu.memref_squeeze %dma_start3A_198 : memref<1x1x128x32xf32, #tpu.memory_space<vmem>> -> memref<128x32xf32, #tpu.memory_space<vmem>>
      %dma_start3A_200 = arith.constant 0 : i32
      %dma_start3A_201 = tpu.memref_slice %arg9[%add3A_192, %dma_start3A_200] : memref<80x128xi32, #tpu.memory_space<vmem>> -> memref<1x128xi32, #tpu.memory_space<vmem>>
      %dma_start3A_202 = tpu.memref_squeeze %dma_start3A_201 : memref<1x128xi32, #tpu.memory_space<vmem>> -> memref<128xi32, #tpu.memory_space<vmem>>
      %dma_start3A_203 = arith.constant 0 : i32
      %dma_start3A_204 = arith.constant 0 : i32
      %dma_start3A_205 = tpu.memref_slice %arg15[%dma_start3A_203, %dma_start3A_204] : memref<10112x32xf32, #tpu.memory_space<vmem_shared>> -> memref<10112x32xf32, #tpu.memory_space<vmem_shared>>
      %dma_start3A_206 = tpu.memref_slice %arg18[%dma_start3A_195] : memref<2x!tpu.dma_semaphore, #tpu.memory_space<semaphore_mem>> -> memref<1x!tpu.dma_semaphore, #tpu.memory_space<semaphore_mem>>
      %dma_start3A_207 = tpu.memref_squeeze %dma_start3A_206 : memref<1x!tpu.dma_semaphore, #tpu.memory_space<semaphore_mem>> -> memref<!tpu.dma_semaphore, #tpu.memory_space<semaphore_mem>>
      tpu.enqueue_indirect_dma source(%dma_start3A_199 : memref<128x32xf32, #tpu.memory_space<vmem>>) target(%dma_start3A_205 : memref<10112x32xf32, #tpu.memory_space<vmem_shared>>) offsets(%dma_start3A_202 : memref<128xi32, #tpu.memory_space<vmem>>) semaphore(%dma_start3A_207 : memref<!tpu.dma_semaphore, #tpu.memory_space<semaphore_mem>>) {add = true}
      %mul3A_208 = arith.constant 2 : i32
      %mul3A_209 = arith.muli %mul3A_106, %mul3A_208 : i32
      %add3A_210 = arith.constant 1 : i32
      %add3A_211 = arith.addi %mul3A_209, %add3A_210 : i32
      %dma_start3A_212 = arith.constant 0 : i32
      %dma_start3A_213 = arith.constant 1 : i32
      %dma_start3A_214 = arith.constant 0 : i32
      %dma_start3A_215 = arith.constant 0 : i32
      %dma_start3A_216 = arith.constant 0 : i32
      %dma_start3A_217 = tpu.memref_slice %arg10[%dma_start3A_212, %dma_start3A_213, %dma_start3A_215, %dma_start3A_216] : memref<2x2x128x32xf32, #tpu.memory_space<vmem>> -> memref<1x1x128x32xf32, #tpu.memory_space<vmem>>
      %dma_start3A_218 = tpu.memref_squeeze %dma_start3A_217 : memref<1x1x128x32xf32, #tpu.memory_space<vmem>> -> memref<128x32xf32, #tpu.memory_space<vmem>>
      %dma_start3A_219 = arith.constant 0 : i32
      %dma_start3A_220 = tpu.memref_slice %arg9[%add3A_211, %dma_start3A_219] : memref<80x128xi32, #tpu.memory_space<vmem>> -> memref<1x128xi32, #tpu.memory_space<vmem>>
      %dma_start3A_221 = tpu.memref_squeeze %dma_start3A_220 : memref<1x128xi32, #tpu.memory_space<vmem>> -> memref<128xi32, #tpu.memory_space<vmem>>
      %dma_start3A_222 = arith.constant 0 : i32
      %dma_start3A_223 = arith.constant 0 : i32
      %dma_start3A_224 = tpu.memref_slice %arg15[%dma_start3A_222, %dma_start3A_223] : memref<10112x32xf32, #tpu.memory_space<vmem_shared>> -> memref<10112x32xf32, #tpu.memory_space<vmem_shared>>
      %dma_start3A_225 = tpu.memref_slice %arg18[%dma_start3A_214] : memref<2x!tpu.dma_semaphore, #tpu.memory_space<semaphore_mem>> -> memref<1x!tpu.dma_semaphore, #tpu.memory_space<semaphore_mem>>
      %dma_start3A_226 = tpu.memref_squeeze %dma_start3A_225 : memref<1x!tpu.dma_semaphore, #tpu.memory_space<semaphore_mem>> -> memref<!tpu.dma_semaphore, #tpu.memory_space<semaphore_mem>>
      tpu.enqueue_indirect_dma source(%dma_start3A_218 : memref<128x32xf32, #tpu.memory_space<vmem>>) target(%dma_start3A_224 : memref<10112x32xf32, #tpu.memory_space<vmem_shared>>) offsets(%dma_start3A_221 : memref<128xi32, #tpu.memory_space<vmem>>) semaphore(%dma_start3A_226 : memref<!tpu.dma_semaphore, #tpu.memory_space<semaphore_mem>>) {add = true}
      %mul3A_227 = arith.constant 2 : i32
      %mul3A_228 = arith.muli %mul3A_106, %mul3A_227 : i32
      %add3A_229 = arith.constant 0 : i32
      %add3A_230 = arith.addi %mul3A_228, %add3A_229 : i32
      %dma_wait3A_231 = arith.constant 0 : i32
      %dma_wait3A_232 = arith.constant 0 : i32
      %dma_wait3A_233 = arith.constant 0 : i32
      %dma_wait3A_234 = arith.constant 0 : i32
      %dma_wait3A_235 = arith.constant 0 : i32
      %dma_wait3A_236 = tpu.memref_slice %arg10[%dma_wait3A_231, %dma_wait3A_232, %dma_wait3A_234, %dma_wait3A_235] : memref<2x2x128x32xf32, #tpu.memory_space<vmem>> -> memref<1x1x128x32xf32, #tpu.memory_space<vmem>>
      %dma_wait3A_237 = tpu.memref_squeeze %dma_wait3A_236 : memref<1x1x128x32xf32, #tpu.memory_space<vmem>> -> memref<128x32xf32, #tpu.memory_space<vmem>>
      %dma_wait3A_238 = arith.constant 0 : i32
      %dma_wait3A_239 = tpu.memref_slice %arg9[%add3A_230, %dma_wait3A_238] : memref<80x128xi32, #tpu.memory_space<vmem>> -> memref<1x128xi32, #tpu.memory_space<vmem>>
      %dma_wait3A_240 = tpu.memref_squeeze %dma_wait3A_239 : memref<1x128xi32, #tpu.memory_space<vmem>> -> memref<128xi32, #tpu.memory_space<vmem>>
      %dma_wait3A_241 = arith.constant 0 : i32
      %dma_wait3A_242 = arith.constant 0 : i32
      %dma_wait3A_243 = tpu.memref_slice %arg15[%dma_wait3A_241, %dma_wait3A_242] : memref<10112x32xf32, #tpu.memory_space<vmem_shared>> -> memref<10112x32xf32, #tpu.memory_space<vmem_shared>>
      %dma_wait3A_244 = tpu.memref_slice %arg18[%dma_wait3A_233] : memref<2x!tpu.dma_semaphore, #tpu.memory_space<semaphore_mem>> -> memref<1x!tpu.dma_semaphore, #tpu.memory_space<semaphore_mem>>
      %dma_wait3A_245 = tpu.memref_squeeze %dma_wait3A_244 : memref<1x!tpu.dma_semaphore, #tpu.memory_space<semaphore_mem>> -> memref<!tpu.dma_semaphore, #tpu.memory_space<semaphore_mem>>
      tpu.wait_indirect_dma semaphore(%dma_wait3A_245 : memref<!tpu.dma_semaphore, #tpu.memory_space<semaphore_mem>>) src(%dma_wait3A_237 : memref<128x32xf32, #tpu.memory_space<vmem>>) dst(%dma_wait3A_243 : memref<10112x32xf32, #tpu.memory_space<vmem_shared>>)
      %mul3A_246 = arith.constant 2 : i32
      %mul3A_247 = arith.muli %mul3A_106, %mul3A_246 : i32
      %add3A_248 = arith.constant 1 : i32
      %add3A_249 = arith.addi %mul3A_247, %add3A_248 : i32
      %dma_wait3A_250 = arith.constant 0 : i32
      %dma_wait3A_251 = arith.constant 1 : i32
      %dma_wait3A_252 = arith.constant 0 : i32
      %dma_wait3A_253 = arith.constant 0 : i32
      %dma_wait3A_254 = arith.constant 0 : i32
      %dma_wait3A_255 = tpu.memref_slice %arg10[%dma_wait3A_250, %dma_wait3A_251, %dma_wait3A_253, %dma_wait3A_254] : memref<2x2x128x32xf32, #tpu.memory_space<vmem>> -> memref<1x1x128x32xf32, #tpu.memory_space<vmem>>
      %dma_wait3A_256 = tpu.memref_squeeze %dma_wait3A_255 : memref<1x1x128x32xf32, #tpu.memory_space<vmem>> -> memref<128x32xf32, #tpu.memory_space<vmem>>
      %dma_wait3A_257 = arith.constant 0 : i32
      %dma_wait3A_258 = tpu.memref_slice %arg9[%add3A_249, %dma_wait3A_257] : memref<80x128xi32, #tpu.memory_space<vmem>> -> memref<1x128xi32, #tpu.memory_space<vmem>>
      %dma_wait3A_259 = tpu.memref_squeeze %dma_wait3A_258 : memref<1x128xi32, #tpu.memory_space<vmem>> -> memref<128xi32, #tpu.memory_space<vmem>>
      %dma_wait3A_260 = arith.constant 0 : i32
      %dma_wait3A_261 = arith.constant 0 : i32
      %dma_wait3A_262 = tpu.memref_slice %arg15[%dma_wait3A_260, %dma_wait3A_261] : memref<10112x32xf32, #tpu.memory_space<vmem_shared>> -> memref<10112x32xf32, #tpu.memory_space<vmem_shared>>
      %dma_wait3A_263 = tpu.memref_slice %arg18[%dma_wait3A_252] : memref<2x!tpu.dma_semaphore, #tpu.memory_space<semaphore_mem>> -> memref<1x!tpu.dma_semaphore, #tpu.memory_space<semaphore_mem>>
      %dma_wait3A_264 = tpu.memref_squeeze %dma_wait3A_263 : memref<1x!tpu.dma_semaphore, #tpu.memory_space<semaphore_mem>> -> memref<!tpu.dma_semaphore, #tpu.memory_space<semaphore_mem>>
      tpu.wait_indirect_dma semaphore(%dma_wait3A_264 : memref<!tpu.dma_semaphore, #tpu.memory_space<semaphore_mem>>) src(%dma_wait3A_256 : memref<128x32xf32, #tpu.memory_space<vmem>>) dst(%dma_wait3A_262 : memref<10112x32xf32, #tpu.memory_space<vmem_shared>>)
      %lt3A = arith.constant 39 : i32
      %lt3A_265 = arith.cmpi slt, %add3A_108, %lt3A : i32
      %convert_element_type3A_266 = arith.extui %lt3A_265 : i1 to i32
      %cond3A_267 = arith.constant 0 : i32
      %cond3A_268 = arith.cmpi ne, %convert_element_type3A_266, %cond3A_267 : i32
      scf.if %cond3A_268 {
        %add3A_345 = arith.constant 2 : i32
        %add3A_346 = arith.addi %mul3A_106, %add3A_345 : i32
        %mul3A_347 = arith.constant 2 : i32
        %mul3A_348 = arith.muli %add3A_346, %mul3A_347 : i32
        %add3A_349 = arith.constant 0 : i32
        %add3A_350 = arith.addi %mul3A_348, %add3A_349 : i32
        %dma_start3A_351 = arith.constant 0 : i32
        %dma_start3A_352 = arith.constant 0 : i32
        %dma_start3A_353 = arith.constant 0 : i32
        %dma_start3A_354 = arith.constant 0 : i32
        %dma_start3A_355 = arith.constant 0 : i32
        %dma_start3A_356 = tpu.memref_slice %arg10[%dma_start3A_351, %dma_start3A_352, %dma_start3A_354, %dma_start3A_355] : memref<2x2x128x32xf32, #tpu.memory_space<vmem>> -> memref<1x1x128x32xf32, #tpu.memory_space<vmem>>
        %dma_start3A_357 = tpu.memref_squeeze %dma_start3A_356 : memref<1x1x128x32xf32, #tpu.memory_space<vmem>> -> memref<128x32xf32, #tpu.memory_space<vmem>>
        %dma_start3A_358 = arith.constant 0 : i32
        %dma_start3A_359 = tpu.memref_slice %arg8[%add3A_350, %dma_start3A_358] : memref<80x128xi32, #tpu.memory_space<vmem>> -> memref<1x128xi32, #tpu.memory_space<vmem>>
        %dma_start3A_360 = tpu.memref_squeeze %dma_start3A_359 : memref<1x128xi32, #tpu.memory_space<vmem>> -> memref<128xi32, #tpu.memory_space<vmem>>
        %dma_start3A_361 = arith.constant 0 : i32
        %dma_start3A_362 = arith.constant 0 : i32
        %dma_start3A_363 = tpu.memref_slice %arg16[%dma_start3A_361, %dma_start3A_362] : memref<10112x32xf32, #tpu.memory_space<vmem_shared>> -> memref<10112x32xf32, #tpu.memory_space<vmem_shared>>
        %dma_start3A_364 = tpu.memref_slice %arg17[%dma_start3A_353] : memref<2x!tpu.dma_semaphore, #tpu.memory_space<semaphore_mem>> -> memref<1x!tpu.dma_semaphore, #tpu.memory_space<semaphore_mem>>
        %dma_start3A_365 = tpu.memref_squeeze %dma_start3A_364 : memref<1x!tpu.dma_semaphore, #tpu.memory_space<semaphore_mem>> -> memref<!tpu.dma_semaphore, #tpu.memory_space<semaphore_mem>>
        tpu.enqueue_indirect_dma source(%dma_start3A_363 : memref<10112x32xf32, #tpu.memory_space<vmem_shared>>) target(%dma_start3A_357 : memref<128x32xf32, #tpu.memory_space<vmem>>) offsets(%dma_start3A_360 : memref<128xi32, #tpu.memory_space<vmem>>) semaphore(%dma_start3A_365 : memref<!tpu.dma_semaphore, #tpu.memory_space<semaphore_mem>>)
        %add3A_366 = arith.constant 2 : i32
        %add3A_367 = arith.addi %mul3A_106, %add3A_366 : i32
        %mul3A_368 = arith.constant 2 : i32
        %mul3A_369 = arith.muli %add3A_367, %mul3A_368 : i32
        %add3A_370 = arith.constant 1 : i32
        %add3A_371 = arith.addi %mul3A_369, %add3A_370 : i32
        %dma_start3A_372 = arith.constant 0 : i32
        %dma_start3A_373 = arith.constant 1 : i32
        %dma_start3A_374 = arith.constant 0 : i32
        %dma_start3A_375 = arith.constant 0 : i32
        %dma_start3A_376 = arith.constant 0 : i32
        %dma_start3A_377 = tpu.memref_slice %arg10[%dma_start3A_372, %dma_start3A_373, %dma_start3A_375, %dma_start3A_376] : memref<2x2x128x32xf32, #tpu.memory_space<vmem>> -> memref<1x1x128x32xf32, #tpu.memory_space<vmem>>
        %dma_start3A_378 = tpu.memref_squeeze %dma_start3A_377 : memref<1x1x128x32xf32, #tpu.memory_space<vmem>> -> memref<128x32xf32, #tpu.memory_space<vmem>>
        %dma_start3A_379 = arith.constant 0 : i32
        %dma_start3A_380 = tpu.memref_slice %arg8[%add3A_371, %dma_start3A_379] : memref<80x128xi32, #tpu.memory_space<vmem>> -> memref<1x128xi32, #tpu.memory_space<vmem>>
        %dma_start3A_381 = tpu.memref_squeeze %dma_start3A_380 : memref<1x128xi32, #tpu.memory_space<vmem>> -> memref<128xi32, #tpu.memory_space<vmem>>
        %dma_start3A_382 = arith.constant 0 : i32
        %dma_start3A_383 = arith.constant 0 : i32
        %dma_start3A_384 = tpu.memref_slice %arg16[%dma_start3A_382, %dma_start3A_383] : memref<10112x32xf32, #tpu.memory_space<vmem_shared>> -> memref<10112x32xf32, #tpu.memory_space<vmem_shared>>
        %dma_start3A_385 = tpu.memref_slice %arg17[%dma_start3A_374] : memref<2x!tpu.dma_semaphore, #tpu.memory_space<semaphore_mem>> -> memref<1x!tpu.dma_semaphore, #tpu.memory_space<semaphore_mem>>
        %dma_start3A_386 = tpu.memref_squeeze %dma_start3A_385 : memref<1x!tpu.dma_semaphore, #tpu.memory_space<semaphore_mem>> -> memref<!tpu.dma_semaphore, #tpu.memory_space<semaphore_mem>>
        tpu.enqueue_indirect_dma source(%dma_start3A_384 : memref<10112x32xf32, #tpu.memory_space<vmem_shared>>) target(%dma_start3A_378 : memref<128x32xf32, #tpu.memory_space<vmem>>) offsets(%dma_start3A_381 : memref<128xi32, #tpu.memory_space<vmem>>) semaphore(%dma_start3A_386 : memref<!tpu.dma_semaphore, #tpu.memory_space<semaphore_mem>>)
      } else {
      }
      %mul3A_269 = arith.constant 2 : i32
      %mul3A_270 = arith.muli %add3A_108, %mul3A_269 : i32
      %add3A_271 = arith.constant 0 : i32
      %add3A_272 = arith.addi %mul3A_270, %add3A_271 : i32
      %dma_wait3A_273 = arith.constant 1 : i32
      %dma_wait3A_274 = arith.constant 0 : i32
      %dma_wait3A_275 = arith.constant 1 : i32
      %dma_wait3A_276 = arith.constant 0 : i32
      %dma_wait3A_277 = arith.constant 0 : i32
      %dma_wait3A_278 = tpu.memref_slice %arg10[%dma_wait3A_273, %dma_wait3A_274, %dma_wait3A_276, %dma_wait3A_277] : memref<2x2x128x32xf32, #tpu.memory_space<vmem>> -> memref<1x1x128x32xf32, #tpu.memory_space<vmem>>
      %dma_wait3A_279 = tpu.memref_squeeze %dma_wait3A_278 : memref<1x1x128x32xf32, #tpu.memory_space<vmem>> -> memref<128x32xf32, #tpu.memory_space<vmem>>
      %dma_wait3A_280 = arith.constant 0 : i32
      %dma_wait3A_281 = tpu.memref_slice %arg8[%add3A_272, %dma_wait3A_280] : memref<80x128xi32, #tpu.memory_space<vmem>> -> memref<1x128xi32, #tpu.memory_space<vmem>>
      %dma_wait3A_282 = tpu.memref_squeeze %dma_wait3A_281 : memref<1x128xi32, #tpu.memory_space<vmem>> -> memref<128xi32, #tpu.memory_space<vmem>>
      %dma_wait3A_283 = arith.constant 0 : i32
      %dma_wait3A_284 = arith.constant 0 : i32
      %dma_wait3A_285 = tpu.memref_slice %arg16[%dma_wait3A_283, %dma_wait3A_284] : memref<10112x32xf32, #tpu.memory_space<vmem_shared>> -> memref<10112x32xf32, #tpu.memory_space<vmem_shared>>
      %dma_wait3A_286 = tpu.memref_slice %arg17[%dma_wait3A_275] : memref<2x!tpu.dma_semaphore, #tpu.memory_space<semaphore_mem>> -> memref<1x!tpu.dma_semaphore, #tpu.memory_space<semaphore_mem>>
      %dma_wait3A_287 = tpu.memref_squeeze %dma_wait3A_286 : memref<1x!tpu.dma_semaphore, #tpu.memory_space<semaphore_mem>> -> memref<!tpu.dma_semaphore, #tpu.memory_space<semaphore_mem>>
      tpu.wait_indirect_dma semaphore(%dma_wait3A_287 : memref<!tpu.dma_semaphore, #tpu.memory_space<semaphore_mem>>) src(%dma_wait3A_285 : memref<10112x32xf32, #tpu.memory_space<vmem_shared>>) dst(%dma_wait3A_279 : memref<128x32xf32, #tpu.memory_space<vmem>>)
      %mul3A_288 = arith.constant 2 : i32
      %mul3A_289 = arith.muli %add3A_108, %mul3A_288 : i32
      %add3A_290 = arith.constant 1 : i32
      %add3A_291 = arith.addi %mul3A_289, %add3A_290 : i32
      %dma_wait3A_292 = arith.constant 1 : i32
      %dma_wait3A_293 = arith.constant 1 : i32
      %dma_wait3A_294 = arith.constant 1 : i32
      %dma_wait3A_295 = arith.constant 0 : i32
      %dma_wait3A_296 = arith.constant 0 : i32
      %dma_wait3A_297 = tpu.memref_slice %arg10[%dma_wait3A_292, %dma_wait3A_293, %dma_wait3A_295, %dma_wait3A_296] : memref<2x2x128x32xf32, #tpu.memory_space<vmem>> -> memref<1x1x128x32xf32, #tpu.memory_space<vmem>>
      %dma_wait3A_298 = tpu.memref_squeeze %dma_wait3A_297 : memref<1x1x128x32xf32, #tpu.memory_space<vmem>> -> memref<128x32xf32, #tpu.memory_space<vmem>>
      %dma_wait3A_299 = arith.constant 0 : i32
      %dma_wait3A_300 = tpu.memref_slice %arg8[%add3A_291, %dma_wait3A_299] : memref<80x128xi32, #tpu.memory_space<vmem>> -> memref<1x128xi32, #tpu.memory_space<vmem>>
      %dma_wait3A_301 = tpu.memref_squeeze %dma_wait3A_300 : memref<1x128xi32, #tpu.memory_space<vmem>> -> memref<128xi32, #tpu.memory_space<vmem>>
      %dma_wait3A_302 = arith.constant 0 : i32
      %dma_wait3A_303 = arith.constant 0 : i32
      %dma_wait3A_304 = tpu.memref_slice %arg16[%dma_wait3A_302, %dma_wait3A_303] : memref<10112x32xf32, #tpu.memory_space<vmem_shared>> -> memref<10112x32xf32, #tpu.memory_space<vmem_shared>>
      %dma_wait3A_305 = tpu.memref_slice %arg17[%dma_wait3A_294] : memref<2x!tpu.dma_semaphore, #tpu.memory_space<semaphore_mem>> -> memref<1x!tpu.dma_semaphore, #tpu.memory_space<semaphore_mem>>
      %dma_wait3A_306 = tpu.memref_squeeze %dma_wait3A_305 : memref<1x!tpu.dma_semaphore, #tpu.memory_space<semaphore_mem>> -> memref<!tpu.dma_semaphore, #tpu.memory_space<semaphore_mem>>
      tpu.wait_indirect_dma semaphore(%dma_wait3A_306 : memref<!tpu.dma_semaphore, #tpu.memory_space<semaphore_mem>>) src(%dma_wait3A_304 : memref<10112x32xf32, #tpu.memory_space<vmem_shared>>) dst(%dma_wait3A_298 : memref<128x32xf32, #tpu.memory_space<vmem>>)
      %mul3A_307 = arith.constant 2 : i32
      %mul3A_308 = arith.muli %add3A_108, %mul3A_307 : i32
      %add3A_309 = arith.constant 0 : i32
      %add3A_310 = arith.addi %mul3A_308, %add3A_309 : i32
      %dma_start3A_311 = arith.constant 1 : i32
      %dma_start3A_312 = arith.constant 0 : i32
      %dma_start3A_313 = arith.constant 1 : i32
      %dma_start3A_314 = arith.constant 0 : i32
      %dma_start3A_315 = arith.constant 0 : i32
      %dma_start3A_316 = tpu.memref_slice %arg10[%dma_start3A_311, %dma_start3A_312, %dma_start3A_314, %dma_start3A_315] : memref<2x2x128x32xf32, #tpu.memory_space<vmem>> -> memref<1x1x128x32xf32, #tpu.memory_space<vmem>>
      %dma_start3A_317 = tpu.memref_squeeze %dma_start3A_316 : memref<1x1x128x32xf32, #tpu.memory_space<vmem>> -> memref<128x32xf32, #tpu.memory_space<vmem>>
      %dma_start3A_318 = arith.constant 0 : i32
      %dma_start3A_319 = tpu.memref_slice %arg9[%add3A_310, %dma_start3A_318] : memref<80x128xi32, #tpu.memory_space<vmem>> -> memref<1x128xi32, #tpu.memory_space<vmem>>
      %dma_start3A_320 = tpu.memref_squeeze %dma_start3A_319 : memref<1x128xi32, #tpu.memory_space<vmem>> -> memref<128xi32, #tpu.memory_space<vmem>>
      %dma_start3A_321 = arith.constant 0 : i32
      %dma_start3A_322 = arith.constant 0 : i32
      %dma_start3A_323 = tpu.memref_slice %arg15[%dma_start3A_321, %dma_start3A_322] : memref<10112x32xf32, #tpu.memory_space<vmem_shared>> -> memref<10112x32xf32, #tpu.memory_space<vmem_shared>>
      %dma_start3A_324 = tpu.memref_slice %arg18[%dma_start3A_313] : memref<2x!tpu.dma_semaphore, #tpu.memory_space<semaphore_mem>> -> memref<1x!tpu.dma_semaphore, #tpu.memory_space<semaphore_mem>>
      %dma_start3A_325 = tpu.memref_squeeze %dma_start3A_324 : memref<1x!tpu.dma_semaphore, #tpu.memory_space<semaphore_mem>> -> memref<!tpu.dma_semaphore, #tpu.memory_space<semaphore_mem>>
      tpu.enqueue_indirect_dma source(%dma_start3A_317 : memref<128x32xf32, #tpu.memory_space<vmem>>) target(%dma_start3A_323 : memref<10112x32xf32, #tpu.memory_space<vmem_shared>>) offsets(%dma_start3A_320 : memref<128xi32, #tpu.memory_space<vmem>>) semaphore(%dma_start3A_325 : memref<!tpu.dma_semaphore, #tpu.memory_space<semaphore_mem>>) {add = true}
      %mul3A_326 = arith.constant 2 : i32
      %mul3A_327 = arith.muli %add3A_108, %mul3A_326 : i32
      %add3A_328 = arith.constant 1 : i32
      %add3A_329 = arith.addi %mul3A_327, %add3A_328 : i32
      %dma_start3A_330 = arith.constant 1 : i32
      %dma_start3A_331 = arith.constant 1 : i32
      %dma_start3A_332 = arith.constant 1 : i32
      %dma_start3A_333 = arith.constant 0 : i32
      %dma_start3A_334 = arith.constant 0 : i32
      %dma_start3A_335 = tpu.memref_slice %arg10[%dma_start3A_330, %dma_start3A_331, %dma_start3A_333, %dma_start3A_334] : memref<2x2x128x32xf32, #tpu.memory_space<vmem>> -> memref<1x1x128x32xf32, #tpu.memory_space<vmem>>
      %dma_start3A_336 = tpu.memref_squeeze %dma_start3A_335 : memref<1x1x128x32xf32, #tpu.memory_space<vmem>> -> memref<128x32xf32, #tpu.memory_space<vmem>>
      %dma_start3A_337 = arith.constant 0 : i32
      %dma_start3A_338 = tpu.memref_slice %arg9[%add3A_329, %dma_start3A_337] : memref<80x128xi32, #tpu.memory_space<vmem>> -> memref<1x128xi32, #tpu.memory_space<vmem>>
      %dma_start3A_339 = tpu.memref_squeeze %dma_start3A_338 : memref<1x128xi32, #tpu.memory_space<vmem>> -> memref<128xi32, #tpu.memory_space<vmem>>
      %dma_start3A_340 = arith.constant 0 : i32
      %dma_start3A_341 = arith.constant 0 : i32
      %dma_start3A_342 = tpu.memref_slice %arg15[%dma_start3A_340, %dma_start3A_341] : memref<10112x32xf32, #tpu.memory_space<vmem_shared>> -> memref<10112x32xf32, #tpu.memory_space<vmem_shared>>
      %dma_start3A_343 = tpu.memref_slice %arg18[%dma_start3A_332] : memref<2x!tpu.dma_semaphore, #tpu.memory_space<semaphore_mem>> -> memref<1x!tpu.dma_semaphore, #tpu.memory_space<semaphore_mem>>
      %dma_start3A_344 = tpu.memref_squeeze %dma_start3A_343 : memref<1x!tpu.dma_semaphore, #tpu.memory_space<semaphore_mem>> -> memref<!tpu.dma_semaphore, #tpu.memory_space<semaphore_mem>>
      tpu.enqueue_indirect_dma source(%dma_start3A_336 : memref<128x32xf32, #tpu.memory_space<vmem>>) target(%dma_start3A_342 : memref<10112x32xf32, #tpu.memory_space<vmem_shared>>) offsets(%dma_start3A_339 : memref<128xi32, #tpu.memory_space<vmem>>) semaphore(%dma_start3A_344 : memref<!tpu.dma_semaphore, #tpu.memory_space<semaphore_mem>>) {add = true}
    }
    %scan3A_57 = arith.constant 20 : i32
    %dma_wait3A = arith.constant 1 : i32
    %dma_wait3A_58 = arith.constant 0 : i32
    %dma_wait3A_59 = arith.constant 78 : i32
    %dma_wait3A_60 = arith.constant 1 : i32
    %dma_wait3A_61 = arith.constant 0 : i32
    %dma_wait3A_62 = arith.constant 0 : i32
    %dma_wait3A_63 = tpu.memref_slice %arg10[%dma_wait3A, %dma_wait3A_58, %dma_wait3A_61, %dma_wait3A_62] : memref<2x2x128x32xf32, #tpu.memory_space<vmem>> -> memref<1x1x128x32xf32, #tpu.memory_space<vmem>>
    %dma_wait3A_64 = tpu.memref_squeeze %dma_wait3A_63 : memref<1x1x128x32xf32, #tpu.memory_space<vmem>> -> memref<128x32xf32, #tpu.memory_space<vmem>>
    %dma_wait3A_65 = arith.constant 0 : i32
    %dma_wait3A_66 = tpu.memref_slice %arg9[%dma_wait3A_59, %dma_wait3A_65] : memref<80x128xi32, #tpu.memory_space<vmem>> -> memref<1x128xi32, #tpu.memory_space<vmem>>
    %dma_wait3A_67 = tpu.memref_squeeze %dma_wait3A_66 : memref<1x128xi32, #tpu.memory_space<vmem>> -> memref<128xi32, #tpu.memory_space<vmem>>
    %dma_wait3A_68 = arith.constant 0 : i32
    %dma_wait3A_69 = arith.constant 0 : i32
    %dma_wait3A_70 = tpu.memref_slice %arg15[%dma_wait3A_68, %dma_wait3A_69] : memref<10112x32xf32, #tpu.memory_space<vmem_shared>> -> memref<10112x32xf32, #tpu.memory_space<vmem_shared>>
    %dma_wait3A_71 = tpu.memref_slice %arg18[%dma_wait3A_60] : memref<2x!tpu.dma_semaphore, #tpu.memory_space<semaphore_mem>> -> memref<1x!tpu.dma_semaphore, #tpu.memory_space<semaphore_mem>>
    %dma_wait3A_72 = tpu.memref_squeeze %dma_wait3A_71 : memref<1x!tpu.dma_semaphore, #tpu.memory_space<semaphore_mem>> -> memref<!tpu.dma_semaphore, #tpu.memory_space<semaphore_mem>>
    tpu.wait_indirect_dma semaphore(%dma_wait3A_72 : memref<!tpu.dma_semaphore, #tpu.memory_space<semaphore_mem>>) src(%dma_wait3A_64 : memref<128x32xf32, #tpu.memory_space<vmem>>) dst(%dma_wait3A_70 : memref<10112x32xf32, #tpu.memory_space<vmem_shared>>)
    %dma_wait3A_73 = arith.constant 1 : i32
    %dma_wait3A_74 = arith.constant 1 : i32
    %dma_wait3A_75 = arith.constant 79 : i32
    %dma_wait3A_76 = arith.constant 1 : i32
    %dma_wait3A_77 = arith.constant 0 : i32
    %dma_wait3A_78 = arith.constant 0 : i32
    %dma_wait3A_79 = tpu.memref_slice %arg10[%dma_wait3A_73, %dma_wait3A_74, %dma_wait3A_77, %dma_wait3A_78] : memref<2x2x128x32xf32, #tpu.memory_space<vmem>> -> memref<1x1x128x32xf32, #tpu.memory_space<vmem>>
    %dma_wait3A_80 = tpu.memref_squeeze %dma_wait3A_79 : memref<1x1x128x32xf32, #tpu.memory_space<vmem>> -> memref<128x32xf32, #tpu.memory_space<vmem>>
    %dma_wait3A_81 = arith.constant 0 : i32
    %dma_wait3A_82 = tpu.memref_slice %arg9[%dma_wait3A_75, %dma_wait3A_81] : memref<80x128xi32, #tpu.memory_space<vmem>> -> memref<1x128xi32, #tpu.memory_space<vmem>>
    %dma_wait3A_83 = tpu.memref_squeeze %dma_wait3A_82 : memref<1x128xi32, #tpu.memory_space<vmem>> -> memref<128xi32, #tpu.memory_space<vmem>>
    %dma_wait3A_84 = arith.constant 0 : i32
    %dma_wait3A_85 = arith.constant 0 : i32
    %dma_wait3A_86 = tpu.memref_slice %arg15[%dma_wait3A_84, %dma_wait3A_85] : memref<10112x32xf32, #tpu.memory_space<vmem_shared>> -> memref<10112x32xf32, #tpu.memory_space<vmem_shared>>
    %dma_wait3A_87 = tpu.memref_slice %arg18[%dma_wait3A_76] : memref<2x!tpu.dma_semaphore, #tpu.memory_space<semaphore_mem>> -> memref<1x!tpu.dma_semaphore, #tpu.memory_space<semaphore_mem>>
    %dma_wait3A_88 = tpu.memref_squeeze %dma_wait3A_87 : memref<1x!tpu.dma_semaphore, #tpu.memory_space<semaphore_mem>> -> memref<!tpu.dma_semaphore, #tpu.memory_space<semaphore_mem>>
    tpu.wait_indirect_dma semaphore(%dma_wait3A_88 : memref<!tpu.dma_semaphore, #tpu.memory_space<semaphore_mem>>) src(%dma_wait3A_80 : memref<128x32xf32, #tpu.memory_space<vmem>>) dst(%dma_wait3A_86 : memref<10112x32xf32, #tpu.memory_space<vmem_shared>>)
    %barrier3A_89 = arith.constant 0 : index
    tpu.barrier barrier_id(%barrier3A_89)
    "tpu.region"() ({
      %run_scoped3A_100 = tpu.sem_alloc : memref<!tpu.dma_semaphore, #tpu.memory_space<semaphore_mem>>
      %dma_start3A_101 = arith.constant 0 : i32
      %dma_start3A_102 = tpu.memref_slice %arg15[%mul3A_2, %dma_start3A_101] : memref<10112x32xf32, #tpu.memory_space<vmem_shared>> -> memref<632x32xf32, #tpu.memory_space<vmem_shared>>
      %dma_start3A_103 = arith.constant 0 : i32
      %dma_start3A_104 = tpu.memref_slice %arg15[%mul3A_2, %dma_start3A_103] : memref<10112x32xf32, #tpu.memory_space<vmem_shared>> -> memref<632x32xf32, #tpu.memory_space<vmem_shared>>
      tpu.enqueue_dma source(%dma_start3A_104 : memref<632x32xf32, #tpu.memory_space<vmem_shared>>) target(%arg12 : memref<632x32xf32, #tpu.memory_space<vmem>>) target_semaphore(%run_scoped3A_100 : memref<!tpu.dma_semaphore, #tpu.memory_space<semaphore_mem>>)
      %dma_wait3A_105 = arith.constant 0 : i32
      %dma_wait3A_106 = tpu.memref_slice %arg15[%mul3A_2, %dma_wait3A_105] : memref<10112x32xf32, #tpu.memory_space<vmem_shared>> -> memref<632x32xf32, #tpu.memory_space<vmem_shared>>
      %dma_wait3A_107 = arith.constant 0 : i32
      %dma_wait3A_108 = tpu.memref_slice %arg15[%mul3A_2, %dma_wait3A_107] : memref<10112x32xf32, #tpu.memory_space<vmem_shared>> -> memref<632x32xf32, #tpu.memory_space<vmem_shared>>
      tpu.wait_dma2 semaphore(%run_scoped3A_100 : memref<!tpu.dma_semaphore, #tpu.memory_space<semaphore_mem>>) src(%dma_wait3A_108 : memref<632x32xf32, #tpu.memory_space<vmem_shared>>) dst(%arg12 : memref<632x32xf32, #tpu.memory_space<vmem>>)
      tpu.yield
    }) : () -> ()
    %eq3A = arith.constant 0 : i32
    %eq3A_90 = arith.cmpi eq, %arg0, %eq3A : i32
    %jit3A = arith.constant 1.000000e+00 : f32
    %jit3A_91 = arith.constant 0.000000e+00 : f32
    %select_n3A = arith.select %eq3A_90, %jit3A, %jit3A_91 : f32
    %scan3A_92 = arith.constant 0 : i32
    %scan3A_93 = arith.constant 632 : i32
    %scan3A_94 = arith.addi %scan3A_92, %scan3A_93 : i32
    %scan3A_95 = arith.constant 1 : i32
    scf.for %scan3A_100 = %scan3A_92 to %scan3A_94 step %scan3A_95  : i32 {
      %mul3A_101 = arith.constant 1 : i32
      %mul3A_102 = arith.muli %scan3A_100, %mul3A_101 : i32
      %add3A_103 = arith.constant 0 : i32
      %add3A_104 = arith.addi %add3A_103, %mul3A_102 : i32
      %get3A = arith.index_cast %add3A_104 : i32 to index
      %get3A_105 = tpu.vector_load %arg13[%get3A] {strides = array<i32>} : memref<656xf32, #tpu.memory_space<vmem>>, vector<16xf32>,
      %slice3A = vector.extract_strided_slice %get3A_105 {offsets = [0], sizes = [1], strides = [1]} : vector<16xf32> to vector<1xf32>
      %squeeze3A = vector.extract %slice3A[0] : f32 from vector<1xf32>
      %get3A_106 = arith.index_cast %add3A_104 : i32 to index
      %get3A_107 = arith.constant 0 : index
      %get3A_108 = tpu.vector_load %arg12[%get3A_106, %get3A_107] {strides = array<i32>} : memref<632x32xf32, #tpu.memory_space<vmem>>, vector<16xf32>,
      %get3A_109 = arith.index_cast %add3A_104 : i32 to index
      %get3A_110 = arith.constant 0 : index
      %get3A_111 = tpu.vector_load %arg11[%get3A_109, %get3A_110] {strides = array<i32>} : memref<632x32xf32, #tpu.memory_space<vmem>>, vector<16xf32>,
      %mul3A_112 = vector.broadcast %select_n3A : f32 to vector<16xf32>
      %mul3A_113 = arith.mulf %mul3A_112, %get3A_111 : vector<16xf32>
      %add3A_114 = arith.addf %get3A_108, %mul3A_113 : vector<16xf32>
      %mul3A_115 = vector.broadcast %squeeze3A : f32 to vector<16xf32>
      %mul3A_116 = arith.mulf %add3A_114, %mul3A_115 : vector<16xf32>
      %swap3A = arith.index_cast %add3A_104 : i32 to index
      %swap3A_117 = arith.constant 0 : index
      %swap3A_118 = tpu.vector_load %arg12[%swap3A, %swap3A_117] {strides = array<i32>} : memref<632x32xf32, #tpu.memory_space<vmem>>, vector<16xf32>,
      tpu.vector_store %arg12[%swap3A, %swap3A_117], %mul3A_116 {strides = array<i32>} : memref<632x32xf32, #tpu.memory_space<vmem>>, vector<16xf32>,
      %get3A_119 = arith.index_cast %add3A_104 : i32 to index
      %get3A_120 = arith.constant 16 : index
      %get3A_121 = tpu.vector_load %arg12[%get3A_119, %get3A_120] {strides = array<i32>} : memref<632x32xf32, #tpu.memory_space<vmem>>, vector<16xf32>,
      %get3A_122 = arith.index_cast %add3A_104 : i32 to index
      %get3A_123 = arith.constant 16 : index
      %get3A_124 = tpu.vector_load %arg11[%get3A_122, %get3A_123] {strides = array<i32>} : memref<632x32xf32, #tpu.memory_space<vmem>>, vector<16xf32>,
      %mul3A_125 = vector.broadcast %select_n3A : f32 to vector<16xf32>
      %mul3A_126 = arith.mulf %mul3A_125, %get3A_124 : vector<16xf32>
      %add3A_127 = arith.addf %get3A_121, %mul3A_126 : vector<16xf32>
      %mul3A_128 = vector.broadcast %squeeze3A : f32 to vector<16xf32>
      %mul3A_129 = arith.mulf %add3A_127, %mul3A_128 : vector<16xf32>
      %swap3A_130 = arith.index_cast %add3A_104 : i32 to index
      %swap3A_131 = arith.constant 16 : index
      %swap3A_132 = tpu.vector_load %arg12[%swap3A_130, %swap3A_131] {strides = array<i32>} : memref<632x32xf32, #tpu.memory_space<vmem>>, vector<16xf32>,
      tpu.vector_store %arg12[%swap3A_130, %swap3A_131], %mul3A_129 {strides = array<i32>} : memref<632x32xf32, #tpu.memory_space<vmem>>, vector<16xf32>,
    }
    %scan3A_96 = arith.constant 632 : i32
    "tpu.region"() ({
      %run_scoped3A_100 = tpu.sem_alloc : memref<!tpu.dma_semaphore, #tpu.memory_space<semaphore_mem>>
      %dma_start3A_101 = arith.constant 0 : i32
      %dma_start3A_102 = tpu.memref_slice %arg6[%arg0, %mul3A_2, %dma_start3A_101] : memref<2x10112x32xf32, #tpu.memory_space<hbm>> -> memref<1x632x32xf32, #tpu.memory_space<hbm>>
      %dma_start3A_103 = tpu.memref_squeeze %dma_start3A_102 : memref<1x632x32xf32, #tpu.memory_space<hbm>> -> memref<632x32xf32, #tpu.memory_space<hbm>>
      %dma_start3A_104 = arith.constant 0 : i32
      %dma_start3A_105 = tpu.memref_slice %arg6[%arg0, %mul3A_2, %dma_start3A_104] : memref<2x10112x32xf32, #tpu.memory_space<hbm>> -> memref<1x632x32xf32, #tpu.memory_space<hbm>>
      %dma_start3A_106 = tpu.memref_squeeze %dma_start3A_105 : memref<1x632x32xf32, #tpu.memory_space<hbm>> -> memref<632x32xf32, #tpu.memory_space<hbm>>
      tpu.enqueue_dma source(%arg12 : memref<632x32xf32, #tpu.memory_space<vmem>>) target(%dma_start3A_106 : memref<632x32xf32, #tpu.memory_space<hbm>>) target_semaphore(%run_scoped3A_100 : memref<!tpu.dma_semaphore, #tpu.memory_space<semaphore_mem>>)
      %dma_wait3A_107 = arith.constant 0 : i32
      %dma_wait3A_108 = tpu.memref_slice %arg6[%arg0, %mul3A_2, %dma_wait3A_107] : memref<2x10112x32xf32, #tpu.memory_space<hbm>> -> memref<1x632x32xf32, #tpu.memory_space<hbm>>
      %dma_wait3A_109 = tpu.memref_squeeze %dma_wait3A_108 : memref<1x632x32xf32, #tpu.memory_space<hbm>> -> memref<632x32xf32, #tpu.memory_space<hbm>>
      %dma_wait3A_110 = arith.constant 0 : i32
      %dma_wait3A_111 = tpu.memref_slice %arg6[%arg0, %mul3A_2, %dma_wait3A_110] : memref<2x10112x32xf32, #tpu.memory_space<hbm>> -> memref<1x632x32xf32, #tpu.memory_space<hbm>>
      %dma_wait3A_112 = tpu.memref_squeeze %dma_wait3A_111 : memref<1x632x32xf32, #tpu.memory_space<hbm>> -> memref<632x32xf32, #tpu.memory_space<hbm>>
      tpu.wait_dma2 semaphore(%run_scoped3A_100 : memref<!tpu.dma_semaphore, #tpu.memory_space<semaphore_mem>>) src(%arg12 : memref<632x32xf32, #tpu.memory_space<vmem>>) dst(%dma_wait3A_112 : memref<632x32xf32, #tpu.memory_space<hbm>>)
      tpu.yield
    }) : () -> ()
    %eq3A_97 = arith.constant 0 : i32
    %eq3A_98 = arith.cmpi eq, %arg0, %eq3A_97 : i32
    %convert_element_type3A = arith.extui %eq3A_98 : i1 to i32
    %cond3A = arith.constant 0 : i32
    %cond3A_99 = arith.cmpi ne, %convert_element_type3A, %cond3A : i32
    scf.if %cond3A_99 {
      "tpu.region"() ({
        %run_scoped3A_100 = tpu.sem_alloc : memref<!tpu.dma_semaphore, #tpu.memory_space<semaphore_mem>>
        %dma_start3A_101 = arith.constant 0 : i32
        %dma_start3A_102 = tpu.memref_slice %arg13[%dma_start3A_101] : memref<656xf32, #tpu.memory_space<vmem>> -> memref<632xf32, #tpu.memory_space<vmem>>
        %dma_start3A_103 = tpu.memref_slice %arg7[%mul3A_2] : memref<10112xf32, #tpu.memory_space<hbm>> -> memref<632xf32, #tpu.memory_space<hbm>>
        %dma_start3A_104 = tpu.memref_slice %arg7[%mul3A_2] : memref<10112xf32, #tpu.memory_space<hbm>> -> memref<632xf32, #tpu.memory_space<hbm>>
        %dma_start3A_105 = arith.constant 0 : i32
        %dma_start3A_106 = tpu.memref_slice %arg13[%dma_start3A_105] : memref<656xf32, #tpu.memory_space<vmem>> -> memref<632xf32, #tpu.memory_space<vmem>>
        tpu.enqueue_dma source(%dma_start3A_106 : memref<632xf32, #tpu.memory_space<vmem>>) target(%dma_start3A_104 : memref<632xf32, #tpu.memory_space<hbm>>) target_semaphore(%run_scoped3A_100 : memref<!tpu.dma_semaphore, #tpu.memory_space<semaphore_mem>>)
        %dma_wait3A_107 = arith.constant 0 : i32
        %dma_wait3A_108 = tpu.memref_slice %arg13[%dma_wait3A_107] : memref<656xf32, #tpu.memory_space<vmem>> -> memref<632xf32, #tpu.memory_space<vmem>>
        %dma_wait3A_109 = tpu.memref_slice %arg7[%mul3A_2] : memref<10112xf32, #tpu.memory_space<hbm>> -> memref<632xf32, #tpu.memory_space<hbm>>
        %dma_wait3A_110 = tpu.memref_slice %arg7[%mul3A_2] : memref<10112xf32, #tpu.memory_space<hbm>> -> memref<632xf32, #tpu.memory_space<hbm>>
        %dma_wait3A_111 = arith.constant 0 : i32
        %dma_wait3A_112 = tpu.memref_slice %arg13[%dma_wait3A_111] : memref<656xf32, #tpu.memory_space<vmem>> -> memref<632xf32, #tpu.memory_space<vmem>>
        tpu.wait_dma2 semaphore(%run_scoped3A_100 : memref<!tpu.dma_semaphore, #tpu.memory_space<semaphore_mem>>) src(%dma_wait3A_112 : memref<632xf32, #tpu.memory_space<vmem>>) dst(%dma_wait3A_110 : memref<632xf32, #tpu.memory_space<hbm>>)
        tpu.yield
      }) : () -> ()
    } else {
    }
    return
  }
}

#map = affine_map<(d0, d1) -> (0, 0)>
#map1 = affine_map<(d0, d1) -> (0)>
#map2 = affine_map<(d0, d1) -> (0, 0, 0)>
module attributes {stable_mosaic.version = 14 : i64} {
  func.func @edge_pass(%arg0: i32, %arg1: i32, %arg2: memref<10112x16xf32, #tpu.memory_space<hbm>>, %arg3: memref<10112xf32, #tpu.memory_space<hbm>>, %arg4: memref<32x80x128xi32, #tpu.memory_space<hbm>>, %arg5: memref<32x80x128xi32, #tpu.memory_space<hbm>>, %arg6: memref<2x10112x16xf32, #tpu.memory_space<hbm>>, %arg7: memref<80x128xi32, #tpu.memory_space<vmem>>, %arg8: memref<80x128xi32, #tpu.memory_space<vmem>>, %arg9: memref<2x2x128x16xf32, #tpu.memory_space<vmem>>, %arg10: memref<632x16xf32, #tpu.memory_space<vmem>>, %arg11: memref<632x16xf32, #tpu.memory_space<vmem>>, %arg12: memref<656xf32, #tpu.memory_space<vmem>>, %arg13: memref<2x656xf32, #tpu.memory_space<vmem>>, %arg14: memref<10112x16xf32, #tpu.memory_space<vmem_shared>>, %arg15: memref<10112x16xf32, #tpu.memory_space<vmem_shared>>, %arg16: memref<2x!tpu.dma_semaphore, #tpu.memory_space<semaphore_mem>>, %arg17: memref<2x!tpu.dma_semaphore, #tpu.memory_space<semaphore_mem>>) attributes {dimension_semantics = [#tpu.dimension_semantics<core_parallel>, #tpu.dimension_semantics<subcore_parallel>], iteration_bounds = array<i64: 2, 16>, scalar_prefetch = 0 : i64, scratch_operands = 11 : i64, tpu.core_type = #tpu.core_type<sc_vector_subcore>, window_params = [{transform_indices = #map}, {transform_indices = #map1}, {transform_indices = #map2}, {transform_indices = #map2}, {transform_indices = #map2}]} {
    %mul3A = arith.constant 16 : i32
    %mul3A_0 = arith.muli %arg0, %mul3A : i32
    %add3A = arith.addi %mul3A_0, %arg1 : i32
    %mul3A_1 = arith.constant 632 : i32
    %mul3A_2 = arith.muli %arg1, %mul3A_1 : i32
    %scan3A = arith.constant 0 : i32
    %scan3A_3 = arith.constant 632 : i32
    %scan3A_4 = arith.addi %scan3A, %scan3A_3 : i32
    %scan3A_5 = arith.constant 1 : i32
    scf.for %scan3A_87 = %scan3A to %scan3A_4 step %scan3A_5  : i32 {
      %mul3A_88 = arith.constant 1 : i32
      %mul3A_89 = arith.muli %scan3A_87, %mul3A_88 : i32
      %add3A_90 = arith.constant 0 : i32
      %add3A_91 = arith.addi %add3A_90, %mul3A_89 : i32
      %broadcast_in_dim3A = arith.constant 0.000000e+00 : f32
      %broadcast_in_dim3A_92 = vector.broadcast %broadcast_in_dim3A : f32 to vector<16xf32>
      %swap3A = arith.index_cast %add3A_91 : i32 to index
      %swap3A_93 = arith.constant 0 : index
      %swap3A_94 = tpu.vector_load %arg10[%swap3A, %swap3A_93] {strides = array<i32>} : memref<632x16xf32, #tpu.memory_space<vmem>>, vector<16xf32>,
      tpu.vector_store %arg10[%swap3A, %swap3A_93], %broadcast_in_dim3A_92 {strides = array<i32>} : memref<632x16xf32, #tpu.memory_space<vmem>>, vector<16xf32>,
    }
    %scan3A_6 = arith.constant 632 : i32
    "tpu.region"() ({
      %run_scoped3A = tpu.sem_alloc : memref<!tpu.dma_semaphore, #tpu.memory_space<semaphore_mem>>
      %dma_start3A_87 = arith.constant 0 : i32
      %dma_start3A_88 = tpu.memref_slice %arg14[%mul3A_2, %dma_start3A_87] : memref<10112x16xf32, #tpu.memory_space<vmem_shared>> -> memref<632x16xf32, #tpu.memory_space<vmem_shared>>
      %dma_start3A_89 = arith.constant 0 : i32
      %dma_start3A_90 = tpu.memref_slice %arg14[%mul3A_2, %dma_start3A_89] : memref<10112x16xf32, #tpu.memory_space<vmem_shared>> -> memref<632x16xf32, #tpu.memory_space<vmem_shared>>
      tpu.enqueue_dma source(%arg10 : memref<632x16xf32, #tpu.memory_space<vmem>>) target(%dma_start3A_90 : memref<632x16xf32, #tpu.memory_space<vmem_shared>>) target_semaphore(%run_scoped3A : memref<!tpu.dma_semaphore, #tpu.memory_space<semaphore_mem>>)
      %dma_wait3A_91 = arith.constant 0 : i32
      %dma_wait3A_92 = tpu.memref_slice %arg14[%mul3A_2, %dma_wait3A_91] : memref<10112x16xf32, #tpu.memory_space<vmem_shared>> -> memref<632x16xf32, #tpu.memory_space<vmem_shared>>
      %dma_wait3A_93 = arith.constant 0 : i32
      %dma_wait3A_94 = tpu.memref_slice %arg14[%mul3A_2, %dma_wait3A_93] : memref<10112x16xf32, #tpu.memory_space<vmem_shared>> -> memref<632x16xf32, #tpu.memory_space<vmem_shared>>
      tpu.wait_dma2 semaphore(%run_scoped3A : memref<!tpu.dma_semaphore, #tpu.memory_space<semaphore_mem>>) src(%arg10 : memref<632x16xf32, #tpu.memory_space<vmem>>) dst(%dma_wait3A_94 : memref<632x16xf32, #tpu.memory_space<vmem_shared>>)
      tpu.yield
    }) : () -> ()
    "tpu.region"() ({
      %run_scoped3A = tpu.sem_alloc : memref<!tpu.dma_semaphore, #tpu.memory_space<semaphore_mem>>
      %dma_start3A_87 = arith.constant 0 : i32
      %dma_start3A_88 = tpu.memref_slice %arg12[%dma_start3A_87] : memref<656xf32, #tpu.memory_space<vmem>> -> memref<632xf32, #tpu.memory_space<vmem>>
      %dma_start3A_89 = tpu.memref_slice %arg3[%mul3A_2] : memref<10112xf32, #tpu.memory_space<hbm>> -> memref<632xf32, #tpu.memory_space<hbm>>
      %dma_start3A_90 = arith.constant 0 : i32
      %dma_start3A_91 = tpu.memref_slice %arg12[%dma_start3A_90] : memref<656xf32, #tpu.memory_space<vmem>> -> memref<632xf32, #tpu.memory_space<vmem>>
      %dma_start3A_92 = tpu.memref_slice %arg3[%mul3A_2] : memref<10112xf32, #tpu.memory_space<hbm>> -> memref<632xf32, #tpu.memory_space<hbm>>
      tpu.enqueue_dma source(%dma_start3A_92 : memref<632xf32, #tpu.memory_space<hbm>>) target(%dma_start3A_91 : memref<632xf32, #tpu.memory_space<vmem>>) target_semaphore(%run_scoped3A : memref<!tpu.dma_semaphore, #tpu.memory_space<semaphore_mem>>)
      %dma_wait3A_93 = arith.constant 0 : i32
      %dma_wait3A_94 = tpu.memref_slice %arg12[%dma_wait3A_93] : memref<656xf32, #tpu.memory_space<vmem>> -> memref<632xf32, #tpu.memory_space<vmem>>
      %dma_wait3A_95 = tpu.memref_slice %arg3[%mul3A_2] : memref<10112xf32, #tpu.memory_space<hbm>> -> memref<632xf32, #tpu.memory_space<hbm>>
      %dma_wait3A_96 = arith.constant 0 : i32
      %dma_wait3A_97 = tpu.memref_slice %arg12[%dma_wait3A_96] : memref<656xf32, #tpu.memory_space<vmem>> -> memref<632xf32, #tpu.memory_space<vmem>>
      %dma_wait3A_98 = tpu.memref_slice %arg3[%mul3A_2] : memref<10112xf32, #tpu.memory_space<hbm>> -> memref<632xf32, #tpu.memory_space<hbm>>
      tpu.wait_dma2 semaphore(%run_scoped3A : memref<!tpu.dma_semaphore, #tpu.memory_space<semaphore_mem>>) src(%dma_wait3A_98 : memref<632xf32, #tpu.memory_space<hbm>>) dst(%dma_wait3A_97 : memref<632xf32, #tpu.memory_space<vmem>>)
      tpu.yield
    }) : () -> ()
    "tpu.region"() ({
      %run_scoped3A = tpu.sem_alloc : memref<!tpu.dma_semaphore, #tpu.memory_space<semaphore_mem>>
      %dma_start3A_87 = arith.constant 0 : i32
      %dma_start3A_88 = tpu.memref_slice %arg2[%mul3A_2, %dma_start3A_87] : memref<10112x16xf32, #tpu.memory_space<hbm>> -> memref<632x16xf32, #tpu.memory_space<hbm>>
      %dma_start3A_89 = arith.constant 0 : i32
      %dma_start3A_90 = tpu.memref_slice %arg2[%mul3A_2, %dma_start3A_89] : memref<10112x16xf32, #tpu.memory_space<hbm>> -> memref<632x16xf32, #tpu.memory_space<hbm>>
      tpu.enqueue_dma source(%dma_start3A_90 : memref<632x16xf32, #tpu.memory_space<hbm>>) target(%arg10 : memref<632x16xf32, #tpu.memory_space<vmem>>) target_semaphore(%run_scoped3A : memref<!tpu.dma_semaphore, #tpu.memory_space<semaphore_mem>>)
      %dma_wait3A_91 = arith.constant 0 : i32
      %dma_wait3A_92 = tpu.memref_slice %arg2[%mul3A_2, %dma_wait3A_91] : memref<10112x16xf32, #tpu.memory_space<hbm>> -> memref<632x16xf32, #tpu.memory_space<hbm>>
      %dma_wait3A_93 = arith.constant 0 : i32
      %dma_wait3A_94 = tpu.memref_slice %arg2[%mul3A_2, %dma_wait3A_93] : memref<10112x16xf32, #tpu.memory_space<hbm>> -> memref<632x16xf32, #tpu.memory_space<hbm>>
      tpu.wait_dma2 semaphore(%run_scoped3A : memref<!tpu.dma_semaphore, #tpu.memory_space<semaphore_mem>>) src(%dma_wait3A_94 : memref<632x16xf32, #tpu.memory_space<hbm>>) dst(%arg10 : memref<632x16xf32, #tpu.memory_space<vmem>>)
      tpu.yield
    }) : () -> ()
    %scan3A_7 = arith.constant 0 : i32
    %scan3A_8 = arith.constant 632 : i32
    %scan3A_9 = arith.addi %scan3A_7, %scan3A_8 : i32
    %scan3A_10 = arith.constant 1 : i32
    scf.for %scan3A_87 = %scan3A_7 to %scan3A_9 step %scan3A_10  : i32 {
      %mul3A_88 = arith.constant 1 : i32
      %mul3A_89 = arith.muli %scan3A_87, %mul3A_88 : i32
      %add3A_90 = arith.constant 0 : i32
      %add3A_91 = arith.addi %add3A_90, %mul3A_89 : i32
      %get3A = arith.index_cast %add3A_91 : i32 to index
      %get3A_92 = tpu.vector_load %arg12[%get3A] {strides = array<i32>} : memref<656xf32, #tpu.memory_space<vmem>>, vector<16xf32>,
      %slice3A = vector.extract_strided_slice %get3A_92 {offsets = [0], sizes = [1], strides = [1]} : vector<16xf32> to vector<1xf32>
      %squeeze3A = vector.extract %slice3A[0] : f32 from vector<1xf32>
      %get3A_93 = arith.index_cast %add3A_91 : i32 to index
      %get3A_94 = arith.constant 0 : index
      %get3A_95 = tpu.vector_load %arg10[%get3A_93, %get3A_94] {strides = array<i32>} : memref<632x16xf32, #tpu.memory_space<vmem>>, vector<16xf32>,
      %mul3A_96 = vector.broadcast %squeeze3A : f32 to vector<16xf32>
      %mul3A_97 = arith.mulf %get3A_95, %mul3A_96 : vector<16xf32>
      %swap3A = arith.index_cast %add3A_91 : i32 to index
      %swap3A_98 = arith.constant 0 : index
      %swap3A_99 = tpu.vector_load %arg10[%swap3A, %swap3A_98] {strides = array<i32>} : memref<632x16xf32, #tpu.memory_space<vmem>>, vector<16xf32>,
      tpu.vector_store %arg10[%swap3A, %swap3A_98], %mul3A_97 {strides = array<i32>} : memref<632x16xf32, #tpu.memory_space<vmem>>, vector<16xf32>,
    }
    %scan3A_11 = arith.constant 632 : i32
    "tpu.region"() ({
      %run_scoped3A = tpu.sem_alloc : memref<!tpu.dma_semaphore, #tpu.memory_space<semaphore_mem>>
      %dma_start3A_87 = arith.constant 0 : i32
      %dma_start3A_88 = tpu.memref_slice %arg15[%mul3A_2, %dma_start3A_87] : memref<10112x16xf32, #tpu.memory_space<vmem_shared>> -> memref<632x16xf32, #tpu.memory_space<vmem_shared>>
      %dma_start3A_89 = arith.constant 0 : i32
      %dma_start3A_90 = tpu.memref_slice %arg15[%mul3A_2, %dma_start3A_89] : memref<10112x16xf32, #tpu.memory_space<vmem_shared>> -> memref<632x16xf32, #tpu.memory_space<vmem_shared>>
      tpu.enqueue_dma source(%arg10 : memref<632x16xf32, #tpu.memory_space<vmem>>) target(%dma_start3A_90 : memref<632x16xf32, #tpu.memory_space<vmem_shared>>) target_semaphore(%run_scoped3A : memref<!tpu.dma_semaphore, #tpu.memory_space<semaphore_mem>>)
      %dma_wait3A_91 = arith.constant 0 : i32
      %dma_wait3A_92 = tpu.memref_slice %arg15[%mul3A_2, %dma_wait3A_91] : memref<10112x16xf32, #tpu.memory_space<vmem_shared>> -> memref<632x16xf32, #tpu.memory_space<vmem_shared>>
      %dma_wait3A_93 = arith.constant 0 : i32
      %dma_wait3A_94 = tpu.memref_slice %arg15[%mul3A_2, %dma_wait3A_93] : memref<10112x16xf32, #tpu.memory_space<vmem_shared>> -> memref<632x16xf32, #tpu.memory_space<vmem_shared>>
      tpu.wait_dma2 semaphore(%run_scoped3A : memref<!tpu.dma_semaphore, #tpu.memory_space<semaphore_mem>>) src(%arg10 : memref<632x16xf32, #tpu.memory_space<vmem>>) dst(%dma_wait3A_94 : memref<632x16xf32, #tpu.memory_space<vmem_shared>>)
      tpu.yield
    }) : () -> ()
    "tpu.region"() ({
      %run_scoped3A = tpu.sem_alloc : memref<!tpu.dma_semaphore, #tpu.memory_space<semaphore_mem>>
      %dma_start3A_87 = arith.constant 0 : i32
      %dma_start3A_88 = arith.constant 0 : i32
      %dma_start3A_89 = tpu.memref_slice %arg4[%add3A, %dma_start3A_87, %dma_start3A_88] : memref<32x80x128xi32, #tpu.memory_space<hbm>> -> memref<1x80x128xi32, #tpu.memory_space<hbm>>
      %dma_start3A_90 = tpu.memref_squeeze %dma_start3A_89 : memref<1x80x128xi32, #tpu.memory_space<hbm>> -> memref<80x128xi32, #tpu.memory_space<hbm>>
      %dma_start3A_91 = arith.constant 0 : i32
      %dma_start3A_92 = arith.constant 0 : i32
      %dma_start3A_93 = tpu.memref_slice %arg4[%add3A, %dma_start3A_91, %dma_start3A_92] : memref<32x80x128xi32, #tpu.memory_space<hbm>> -> memref<1x80x128xi32, #tpu.memory_space<hbm>>
      %dma_start3A_94 = tpu.memref_squeeze %dma_start3A_93 : memref<1x80x128xi32, #tpu.memory_space<hbm>> -> memref<80x128xi32, #tpu.memory_space<hbm>>
      tpu.enqueue_dma source(%dma_start3A_94 : memref<80x128xi32, #tpu.memory_space<hbm>>) target(%arg7 : memref<80x128xi32, #tpu.memory_space<vmem>>) target_semaphore(%run_scoped3A : memref<!tpu.dma_semaphore, #tpu.memory_space<semaphore_mem>>)
      %dma_wait3A_95 = arith.constant 0 : i32
      %dma_wait3A_96 = arith.constant 0 : i32
      %dma_wait3A_97 = tpu.memref_slice %arg4[%add3A, %dma_wait3A_95, %dma_wait3A_96] : memref<32x80x128xi32, #tpu.memory_space<hbm>> -> memref<1x80x128xi32, #tpu.memory_space<hbm>>
      %dma_wait3A_98 = tpu.memref_squeeze %dma_wait3A_97 : memref<1x80x128xi32, #tpu.memory_space<hbm>> -> memref<80x128xi32, #tpu.memory_space<hbm>>
      %dma_wait3A_99 = arith.constant 0 : i32
      %dma_wait3A_100 = arith.constant 0 : i32
      %dma_wait3A_101 = tpu.memref_slice %arg4[%add3A, %dma_wait3A_99, %dma_wait3A_100] : memref<32x80x128xi32, #tpu.memory_space<hbm>> -> memref<1x80x128xi32, #tpu.memory_space<hbm>>
      %dma_wait3A_102 = tpu.memref_squeeze %dma_wait3A_101 : memref<1x80x128xi32, #tpu.memory_space<hbm>> -> memref<80x128xi32, #tpu.memory_space<hbm>>
      tpu.wait_dma2 semaphore(%run_scoped3A : memref<!tpu.dma_semaphore, #tpu.memory_space<semaphore_mem>>) src(%dma_wait3A_102 : memref<80x128xi32, #tpu.memory_space<hbm>>) dst(%arg7 : memref<80x128xi32, #tpu.memory_space<vmem>>)
      tpu.yield
    }) : () -> ()
    "tpu.region"() ({
      %run_scoped3A = tpu.sem_alloc : memref<!tpu.dma_semaphore, #tpu.memory_space<semaphore_mem>>
      %dma_start3A_87 = arith.constant 0 : i32
      %dma_start3A_88 = arith.constant 0 : i32
      %dma_start3A_89 = tpu.memref_slice %arg5[%add3A, %dma_start3A_87, %dma_start3A_88] : memref<32x80x128xi32, #tpu.memory_space<hbm>> -> memref<1x80x128xi32, #tpu.memory_space<hbm>>
      %dma_start3A_90 = tpu.memref_squeeze %dma_start3A_89 : memref<1x80x128xi32, #tpu.memory_space<hbm>> -> memref<80x128xi32, #tpu.memory_space<hbm>>
      %dma_start3A_91 = arith.constant 0 : i32
      %dma_start3A_92 = arith.constant 0 : i32
      %dma_start3A_93 = tpu.memref_slice %arg5[%add3A, %dma_start3A_91, %dma_start3A_92] : memref<32x80x128xi32, #tpu.memory_space<hbm>> -> memref<1x80x128xi32, #tpu.memory_space<hbm>>
      %dma_start3A_94 = tpu.memref_squeeze %dma_start3A_93 : memref<1x80x128xi32, #tpu.memory_space<hbm>> -> memref<80x128xi32, #tpu.memory_space<hbm>>
      tpu.enqueue_dma source(%dma_start3A_94 : memref<80x128xi32, #tpu.memory_space<hbm>>) target(%arg8 : memref<80x128xi32, #tpu.memory_space<vmem>>) target_semaphore(%run_scoped3A : memref<!tpu.dma_semaphore, #tpu.memory_space<semaphore_mem>>)
      %dma_wait3A_95 = arith.constant 0 : i32
      %dma_wait3A_96 = arith.constant 0 : i32
      %dma_wait3A_97 = tpu.memref_slice %arg5[%add3A, %dma_wait3A_95, %dma_wait3A_96] : memref<32x80x128xi32, #tpu.memory_space<hbm>> -> memref<1x80x128xi32, #tpu.memory_space<hbm>>
      %dma_wait3A_98 = tpu.memref_squeeze %dma_wait3A_97 : memref<1x80x128xi32, #tpu.memory_space<hbm>> -> memref<80x128xi32, #tpu.memory_space<hbm>>
      %dma_wait3A_99 = arith.constant 0 : i32
      %dma_wait3A_100 = arith.constant 0 : i32
      %dma_wait3A_101 = tpu.memref_slice %arg5[%add3A, %dma_wait3A_99, %dma_wait3A_100] : memref<32x80x128xi32, #tpu.memory_space<hbm>> -> memref<1x80x128xi32, #tpu.memory_space<hbm>>
      %dma_wait3A_102 = tpu.memref_squeeze %dma_wait3A_101 : memref<1x80x128xi32, #tpu.memory_space<hbm>> -> memref<80x128xi32, #tpu.memory_space<hbm>>
      tpu.wait_dma2 semaphore(%run_scoped3A : memref<!tpu.dma_semaphore, #tpu.memory_space<semaphore_mem>>) src(%dma_wait3A_102 : memref<80x128xi32, #tpu.memory_space<hbm>>) dst(%arg8 : memref<80x128xi32, #tpu.memory_space<vmem>>)
      tpu.yield
    }) : () -> ()
    %barrier3A = arith.constant 0 : index
    tpu.barrier barrier_id(%barrier3A)
    %dma_start3A = arith.constant 0 : i32
    %dma_start3A_12 = arith.constant 0 : i32
    %dma_start3A_13 = arith.constant 0 : i32
    %dma_start3A_14 = arith.constant 0 : i32
    %dma_start3A_15 = arith.constant 0 : i32
    %dma_start3A_16 = arith.constant 0 : i32
    %dma_start3A_17 = tpu.memref_slice %arg9[%dma_start3A_12, %dma_start3A_13, %dma_start3A_15, %dma_start3A_16] : memref<2x2x128x16xf32, #tpu.memory_space<vmem>> -> memref<1x1x128x16xf32, #tpu.memory_space<vmem>>
    %dma_start3A_18 = tpu.memref_squeeze %dma_start3A_17 : memref<1x1x128x16xf32, #tpu.memory_space<vmem>> -> memref<128x16xf32, #tpu.memory_space<vmem>>
    %dma_start3A_19 = arith.constant 0 : i32
    %dma_start3A_20 = tpu.memref_slice %arg7[%dma_start3A, %dma_start3A_19] : memref<80x128xi32, #tpu.memory_space<vmem>> -> memref<1x128xi32, #tpu.memory_space<vmem>>
    %dma_start3A_21 = tpu.memref_squeeze %dma_start3A_20 : memref<1x128xi32, #tpu.memory_space<vmem>> -> memref<128xi32, #tpu.memory_space<vmem>>
    %dma_start3A_22 = arith.constant 0 : i32
    %dma_start3A_23 = arith.constant 0 : i32
    %dma_start3A_24 = tpu.memref_slice %arg15[%dma_start3A_22, %dma_start3A_23] : memref<10112x16xf32, #tpu.memory_space<vmem_shared>> -> memref<10112x16xf32, #tpu.memory_space<vmem_shared>>
    %dma_start3A_25 = tpu.memref_slice %arg16[%dma_start3A_14] : memref<2x!tpu.dma_semaphore, #tpu.memory_space<semaphore_mem>> -> memref<1x!tpu.dma_semaphore, #tpu.memory_space<semaphore_mem>>
    %dma_start3A_26 = tpu.memref_squeeze %dma_start3A_25 : memref<1x!tpu.dma_semaphore, #tpu.memory_space<semaphore_mem>> -> memref<!tpu.dma_semaphore, #tpu.memory_space<semaphore_mem>>
    tpu.enqueue_indirect_dma source(%dma_start3A_24 : memref<10112x16xf32, #tpu.memory_space<vmem_shared>>) target(%dma_start3A_18 : memref<128x16xf32, #tpu.memory_space<vmem>>) offsets(%dma_start3A_21 : memref<128xi32, #tpu.memory_space<vmem>>) semaphore(%dma_start3A_26 : memref<!tpu.dma_semaphore, #tpu.memory_space<semaphore_mem>>)
    %dma_start3A_27 = arith.constant 1 : i32
    %dma_start3A_28 = arith.constant 0 : i32
    %dma_start3A_29 = arith.constant 1 : i32
    %dma_start3A_30 = arith.constant 0 : i32
    %dma_start3A_31 = arith.constant 0 : i32
    %dma_start3A_32 = arith.constant 0 : i32
    %dma_start3A_33 = tpu.memref_slice %arg9[%dma_start3A_28, %dma_start3A_29, %dma_start3A_31, %dma_start3A_32] : memref<2x2x128x16xf32, #tpu.memory_space<vmem>> -> memref<1x1x128x16xf32, #tpu.memory_space<vmem>>
    %dma_start3A_34 = tpu.memref_squeeze %dma_start3A_33 : memref<1x1x128x16xf32, #tpu.memory_space<vmem>> -> memref<128x16xf32, #tpu.memory_space<vmem>>
    %dma_start3A_35 = arith.constant 0 : i32
    %dma_start3A_36 = tpu.memref_slice %arg7[%dma_start3A_27, %dma_start3A_35] : memref<80x128xi32, #tpu.memory_space<vmem>> -> memref<1x128xi32, #tpu.memory_space<vmem>>
    %dma_start3A_37 = tpu.memref_squeeze %dma_start3A_36 : memref<1x128xi32, #tpu.memory_space<vmem>> -> memref<128xi32, #tpu.memory_space<vmem>>
    %dma_start3A_38 = arith.constant 0 : i32
    %dma_start3A_39 = arith.constant 0 : i32
    %dma_start3A_40 = tpu.memref_slice %arg15[%dma_start3A_38, %dma_start3A_39] : memref<10112x16xf32, #tpu.memory_space<vmem_shared>> -> memref<10112x16xf32, #tpu.memory_space<vmem_shared>>
    %dma_start3A_41 = tpu.memref_slice %arg16[%dma_start3A_30] : memref<2x!tpu.dma_semaphore, #tpu.memory_space<semaphore_mem>> -> memref<1x!tpu.dma_semaphore, #tpu.memory_space<semaphore_mem>>
    %dma_start3A_42 = tpu.memref_squeeze %dma_start3A_41 : memref<1x!tpu.dma_semaphore, #tpu.memory_space<semaphore_mem>> -> memref<!tpu.dma_semaphore, #tpu.memory_space<semaphore_mem>>
    tpu.enqueue_indirect_dma source(%dma_start3A_40 : memref<10112x16xf32, #tpu.memory_space<vmem_shared>>) target(%dma_start3A_34 : memref<128x16xf32, #tpu.memory_space<vmem>>) offsets(%dma_start3A_37 : memref<128xi32, #tpu.memory_space<vmem>>) semaphore(%dma_start3A_42 : memref<!tpu.dma_semaphore, #tpu.memory_space<semaphore_mem>>)
    %scan3A_43 = arith.constant 0 : i32
    %scan3A_44 = arith.constant 20 : i32
    %scan3A_45 = arith.addi %scan3A_43, %scan3A_44 : i32
    %scan3A_46 = arith.constant 1 : i32
    scf.for %scan3A_87 = %scan3A_43 to %scan3A_45 step %scan3A_46  : i32 {
      %mul3A_88 = arith.constant 1 : i32
      %mul3A_89 = arith.muli %scan3A_87, %mul3A_88 : i32
      %add3A_90 = arith.constant 0 : i32
      %add3A_91 = arith.addi %add3A_90, %mul3A_89 : i32
      %mul3A_92 = arith.constant 2 : i32
      %mul3A_93 = arith.muli %add3A_91, %mul3A_92 : i32
      %add3A_94 = arith.constant 1 : i32
      %add3A_95 = arith.addi %mul3A_93, %add3A_94 : i32
      %gt3A = arith.constant 0 : i32
      %gt3A_96 = arith.cmpi sgt, %add3A_91, %gt3A : i32
      %convert_element_type3A = arith.extui %gt3A_96 : i1 to i32
      %cond3A = arith.constant 0 : i32
      %cond3A_97 = arith.cmpi ne, %convert_element_type3A, %cond3A : i32
      scf.if %cond3A_97 {
        %sub3A = arith.constant 1 : i32
        %sub3A_330 = arith.subi %mul3A_93, %sub3A : i32
        %mul3A_331 = arith.constant 2 : i32
        %mul3A_332 = arith.muli %sub3A_330, %mul3A_331 : i32
        %add3A_333 = arith.constant 0 : i32
        %add3A_334 = arith.addi %mul3A_332, %add3A_333 : i32
        %dma_wait3A_335 = arith.constant 1 : i32
        %dma_wait3A_336 = arith.constant 0 : i32
        %dma_wait3A_337 = arith.constant 1 : i32
        %dma_wait3A_338 = arith.constant 0 : i32
        %dma_wait3A_339 = arith.constant 0 : i32
        %dma_wait3A_340 = tpu.memref_slice %arg9[%dma_wait3A_335, %dma_wait3A_336, %dma_wait3A_338, %dma_wait3A_339] : memref<2x2x128x16xf32, #tpu.memory_space<vmem>> -> memref<1x1x128x16xf32, #tpu.memory_space<vmem>>
        %dma_wait3A_341 = tpu.memref_squeeze %dma_wait3A_340 : memref<1x1x128x16xf32, #tpu.memory_space<vmem>> -> memref<128x16xf32, #tpu.memory_space<vmem>>
        %dma_wait3A_342 = arith.constant 0 : i32
        %dma_wait3A_343 = tpu.memref_slice %arg8[%add3A_334, %dma_wait3A_342] : memref<80x128xi32, #tpu.memory_space<vmem>> -> memref<1x128xi32, #tpu.memory_space<vmem>>
        %dma_wait3A_344 = tpu.memref_squeeze %dma_wait3A_343 : memref<1x128xi32, #tpu.memory_space<vmem>> -> memref<128xi32, #tpu.memory_space<vmem>>
        %dma_wait3A_345 = arith.constant 0 : i32
        %dma_wait3A_346 = arith.constant 0 : i32
        %dma_wait3A_347 = tpu.memref_slice %arg14[%dma_wait3A_345, %dma_wait3A_346] : memref<10112x16xf32, #tpu.memory_space<vmem_shared>> -> memref<10112x16xf32, #tpu.memory_space<vmem_shared>>
        %dma_wait3A_348 = tpu.memref_slice %arg17[%dma_wait3A_337] : memref<2x!tpu.dma_semaphore, #tpu.memory_space<semaphore_mem>> -> memref<1x!tpu.dma_semaphore, #tpu.memory_space<semaphore_mem>>
        %dma_wait3A_349 = tpu.memref_squeeze %dma_wait3A_348 : memref<1x!tpu.dma_semaphore, #tpu.memory_space<semaphore_mem>> -> memref<!tpu.dma_semaphore, #tpu.memory_space<semaphore_mem>>
        tpu.wait_indirect_dma semaphore(%dma_wait3A_349 : memref<!tpu.dma_semaphore, #tpu.memory_space<semaphore_mem>>) src(%dma_wait3A_341 : memref<128x16xf32, #tpu.memory_space<vmem>>) dst(%dma_wait3A_347 : memref<10112x16xf32, #tpu.memory_space<vmem_shared>>)
        %sub3A_350 = arith.constant 1 : i32
        %sub3A_351 = arith.subi %mul3A_93, %sub3A_350 : i32
        %mul3A_352 = arith.constant 2 : i32
        %mul3A_353 = arith.muli %sub3A_351, %mul3A_352 : i32
        %add3A_354 = arith.constant 1 : i32
        %add3A_355 = arith.addi %mul3A_353, %add3A_354 : i32
        %dma_wait3A_356 = arith.constant 1 : i32
        %dma_wait3A_357 = arith.constant 1 : i32
        %dma_wait3A_358 = arith.constant 1 : i32
        %dma_wait3A_359 = arith.constant 0 : i32
        %dma_wait3A_360 = arith.constant 0 : i32
        %dma_wait3A_361 = tpu.memref_slice %arg9[%dma_wait3A_356, %dma_wait3A_357, %dma_wait3A_359, %dma_wait3A_360] : memref<2x2x128x16xf32, #tpu.memory_space<vmem>> -> memref<1x1x128x16xf32, #tpu.memory_space<vmem>>
        %dma_wait3A_362 = tpu.memref_squeeze %dma_wait3A_361 : memref<1x1x128x16xf32, #tpu.memory_space<vmem>> -> memref<128x16xf32, #tpu.memory_space<vmem>>
        %dma_wait3A_363 = arith.constant 0 : i32
        %dma_wait3A_364 = tpu.memref_slice %arg8[%add3A_355, %dma_wait3A_363] : memref<80x128xi32, #tpu.memory_space<vmem>> -> memref<1x128xi32, #tpu.memory_space<vmem>>
        %dma_wait3A_365 = tpu.memref_squeeze %dma_wait3A_364 : memref<1x128xi32, #tpu.memory_space<vmem>> -> memref<128xi32, #tpu.memory_space<vmem>>
        %dma_wait3A_366 = arith.constant 0 : i32
        %dma_wait3A_367 = arith.constant 0 : i32
        %dma_wait3A_368 = tpu.memref_slice %arg14[%dma_wait3A_366, %dma_wait3A_367] : memref<10112x16xf32, #tpu.memory_space<vmem_shared>> -> memref<10112x16xf32, #tpu.memory_space<vmem_shared>>
        %dma_wait3A_369 = tpu.memref_slice %arg17[%dma_wait3A_358] : memref<2x!tpu.dma_semaphore, #tpu.memory_space<semaphore_mem>> -> memref<1x!tpu.dma_semaphore, #tpu.memory_space<semaphore_mem>>
        %dma_wait3A_370 = tpu.memref_squeeze %dma_wait3A_369 : memref<1x!tpu.dma_semaphore, #tpu.memory_space<semaphore_mem>> -> memref<!tpu.dma_semaphore, #tpu.memory_space<semaphore_mem>>
        tpu.wait_indirect_dma semaphore(%dma_wait3A_370 : memref<!tpu.dma_semaphore, #tpu.memory_space<semaphore_mem>>) src(%dma_wait3A_362 : memref<128x16xf32, #tpu.memory_space<vmem>>) dst(%dma_wait3A_368 : memref<10112x16xf32, #tpu.memory_space<vmem_shared>>)
      } else {
      }
      %mul3A_98 = arith.constant 2 : i32
      %mul3A_99 = arith.muli %add3A_95, %mul3A_98 : i32
      %add3A_100 = arith.constant 0 : i32
      %add3A_101 = arith.addi %mul3A_99, %add3A_100 : i32
      %dma_start3A_102 = arith.constant 1 : i32
      %dma_start3A_103 = arith.constant 0 : i32
      %dma_start3A_104 = arith.constant 1 : i32
      %dma_start3A_105 = arith.constant 0 : i32
      %dma_start3A_106 = arith.constant 0 : i32
      %dma_start3A_107 = tpu.memref_slice %arg9[%dma_start3A_102, %dma_start3A_103, %dma_start3A_105, %dma_start3A_106] : memref<2x2x128x16xf32, #tpu.memory_space<vmem>> -> memref<1x1x128x16xf32, #tpu.memory_space<vmem>>
      %dma_start3A_108 = tpu.memref_squeeze %dma_start3A_107 : memref<1x1x128x16xf32, #tpu.memory_space<vmem>> -> memref<128x16xf32, #tpu.memory_space<vmem>>
      %dma_start3A_109 = arith.constant 0 : i32
      %dma_start3A_110 = tpu.memref_slice %arg7[%add3A_101, %dma_start3A_109] : memref<80x128xi32, #tpu.memory_space<vmem>> -> memref<1x128xi32, #tpu.memory_space<vmem>>
      %dma_start3A_111 = tpu.memref_squeeze %dma_start3A_110 : memref<1x128xi32, #tpu.memory_space<vmem>> -> memref<128xi32, #tpu.memory_space<vmem>>
      %dma_start3A_112 = arith.constant 0 : i32
      %dma_start3A_113 = arith.constant 0 : i32
      %dma_start3A_114 = tpu.memref_slice %arg15[%dma_start3A_112, %dma_start3A_113] : memref<10112x16xf32, #tpu.memory_space<vmem_shared>> -> memref<10112x16xf32, #tpu.memory_space<vmem_shared>>
      %dma_start3A_115 = tpu.memref_slice %arg16[%dma_start3A_104] : memref<2x!tpu.dma_semaphore, #tpu.memory_space<semaphore_mem>> -> memref<1x!tpu.dma_semaphore, #tpu.memory_space<semaphore_mem>>
      %dma_start3A_116 = tpu.memref_squeeze %dma_start3A_115 : memref<1x!tpu.dma_semaphore, #tpu.memory_space<semaphore_mem>> -> memref<!tpu.dma_semaphore, #tpu.memory_space<semaphore_mem>>
      tpu.enqueue_indirect_dma source(%dma_start3A_114 : memref<10112x16xf32, #tpu.memory_space<vmem_shared>>) target(%dma_start3A_108 : memref<128x16xf32, #tpu.memory_space<vmem>>) offsets(%dma_start3A_111 : memref<128xi32, #tpu.memory_space<vmem>>) semaphore(%dma_start3A_116 : memref<!tpu.dma_semaphore, #tpu.memory_space<semaphore_mem>>)
      %mul3A_117 = arith.constant 2 : i32
      %mul3A_118 = arith.muli %add3A_95, %mul3A_117 : i32
      %add3A_119 = arith.constant 1 : i32
      %add3A_120 = arith.addi %mul3A_118, %add3A_119 : i32
      %dma_start3A_121 = arith.constant 1 : i32
      %dma_start3A_122 = arith.constant 1 : i32
      %dma_start3A_123 = arith.constant 1 : i32
      %dma_start3A_124 = arith.constant 0 : i32
      %dma_start3A_125 = arith.constant 0 : i32
      %dma_start3A_126 = tpu.memref_slice %arg9[%dma_start3A_121, %dma_start3A_122, %dma_start3A_124, %dma_start3A_125] : memref<2x2x128x16xf32, #tpu.memory_space<vmem>> -> memref<1x1x128x16xf32, #tpu.memory_space<vmem>>
      %dma_start3A_127 = tpu.memref_squeeze %dma_start3A_126 : memref<1x1x128x16xf32, #tpu.memory_space<vmem>> -> memref<128x16xf32, #tpu.memory_space<vmem>>
      %dma_start3A_128 = arith.constant 0 : i32
      %dma_start3A_129 = tpu.memref_slice %arg7[%add3A_120, %dma_start3A_128] : memref<80x128xi32, #tpu.memory_space<vmem>> -> memref<1x128xi32, #tpu.memory_space<vmem>>
      %dma_start3A_130 = tpu.memref_squeeze %dma_start3A_129 : memref<1x128xi32, #tpu.memory_space<vmem>> -> memref<128xi32, #tpu.memory_space<vmem>>
      %dma_start3A_131 = arith.constant 0 : i32
      %dma_start3A_132 = arith.constant 0 : i32
      %dma_start3A_133 = tpu.memref_slice %arg15[%dma_start3A_131, %dma_start3A_132] : memref<10112x16xf32, #tpu.memory_space<vmem_shared>> -> memref<10112x16xf32, #tpu.memory_space<vmem_shared>>
      %dma_start3A_134 = tpu.memref_slice %arg16[%dma_start3A_123] : memref<2x!tpu.dma_semaphore, #tpu.memory_space<semaphore_mem>> -> memref<1x!tpu.dma_semaphore, #tpu.memory_space<semaphore_mem>>
      %dma_start3A_135 = tpu.memref_squeeze %dma_start3A_134 : memref<1x!tpu.dma_semaphore, #tpu.memory_space<semaphore_mem>> -> memref<!tpu.dma_semaphore, #tpu.memory_space<semaphore_mem>>
      tpu.enqueue_indirect_dma source(%dma_start3A_133 : memref<10112x16xf32, #tpu.memory_space<vmem_shared>>) target(%dma_start3A_127 : memref<128x16xf32, #tpu.memory_space<vmem>>) offsets(%dma_start3A_130 : memref<128xi32, #tpu.memory_space<vmem>>) semaphore(%dma_start3A_135 : memref<!tpu.dma_semaphore, #tpu.memory_space<semaphore_mem>>)
      %mul3A_136 = arith.constant 2 : i32
      %mul3A_137 = arith.muli %mul3A_93, %mul3A_136 : i32
      %add3A_138 = arith.constant 0 : i32
      %add3A_139 = arith.addi %mul3A_137, %add3A_138 : i32
      %dma_wait3A_140 = arith.constant 0 : i32
      %dma_wait3A_141 = arith.constant 0 : i32
      %dma_wait3A_142 = arith.constant 0 : i32
      %dma_wait3A_143 = arith.constant 0 : i32
      %dma_wait3A_144 = arith.constant 0 : i32
      %dma_wait3A_145 = tpu.memref_slice %arg9[%dma_wait3A_140, %dma_wait3A_141, %dma_wait3A_143, %dma_wait3A_144] : memref<2x2x128x16xf32, #tpu.memory_space<vmem>> -> memref<1x1x128x16xf32, #tpu.memory_space<vmem>>
      %dma_wait3A_146 = tpu.memref_squeeze %dma_wait3A_145 : memref<1x1x128x16xf32, #tpu.memory_space<vmem>> -> memref<128x16xf32, #tpu.memory_space<vmem>>
      %dma_wait3A_147 = arith.constant 0 : i32
      %dma_wait3A_148 = tpu.memref_slice %arg7[%add3A_139, %dma_wait3A_147] : memref<80x128xi32, #tpu.memory_space<vmem>> -> memref<1x128xi32, #tpu.memory_space<vmem>>
      %dma_wait3A_149 = tpu.memref_squeeze %dma_wait3A_148 : memref<1x128xi32, #tpu.memory_space<vmem>> -> memref<128xi32, #tpu.memory_space<vmem>>
      %dma_wait3A_150 = arith.constant 0 : i32
      %dma_wait3A_151 = arith.constant 0 : i32
      %dma_wait3A_152 = tpu.memref_slice %arg15[%dma_wait3A_150, %dma_wait3A_151] : memref<10112x16xf32, #tpu.memory_space<vmem_shared>> -> memref<10112x16xf32, #tpu.memory_space<vmem_shared>>
      %dma_wait3A_153 = tpu.memref_slice %arg16[%dma_wait3A_142] : memref<2x!tpu.dma_semaphore, #tpu.memory_space<semaphore_mem>> -> memref<1x!tpu.dma_semaphore, #tpu.memory_space<semaphore_mem>>
      %dma_wait3A_154 = tpu.memref_squeeze %dma_wait3A_153 : memref<1x!tpu.dma_semaphore, #tpu.memory_space<semaphore_mem>> -> memref<!tpu.dma_semaphore, #tpu.memory_space<semaphore_mem>>
      tpu.wait_indirect_dma semaphore(%dma_wait3A_154 : memref<!tpu.dma_semaphore, #tpu.memory_space<semaphore_mem>>) src(%dma_wait3A_152 : memref<10112x16xf32, #tpu.memory_space<vmem_shared>>) dst(%dma_wait3A_146 : memref<128x16xf32, #tpu.memory_space<vmem>>)
      %mul3A_155 = arith.constant 2 : i32
      %mul3A_156 = arith.muli %mul3A_93, %mul3A_155 : i32
      %add3A_157 = arith.constant 1 : i32
      %add3A_158 = arith.addi %mul3A_156, %add3A_157 : i32
      %dma_wait3A_159 = arith.constant 0 : i32
      %dma_wait3A_160 = arith.constant 1 : i32
      %dma_wait3A_161 = arith.constant 0 : i32
      %dma_wait3A_162 = arith.constant 0 : i32
      %dma_wait3A_163 = arith.constant 0 : i32
      %dma_wait3A_164 = tpu.memref_slice %arg9[%dma_wait3A_159, %dma_wait3A_160, %dma_wait3A_162, %dma_wait3A_163] : memref<2x2x128x16xf32, #tpu.memory_space<vmem>> -> memref<1x1x128x16xf32, #tpu.memory_space<vmem>>
      %dma_wait3A_165 = tpu.memref_squeeze %dma_wait3A_164 : memref<1x1x128x16xf32, #tpu.memory_space<vmem>> -> memref<128x16xf32, #tpu.memory_space<vmem>>
      %dma_wait3A_166 = arith.constant 0 : i32
      %dma_wait3A_167 = tpu.memref_slice %arg7[%add3A_158, %dma_wait3A_166] : memref<80x128xi32, #tpu.memory_space<vmem>> -> memref<1x128xi32, #tpu.memory_space<vmem>>
      %dma_wait3A_168 = tpu.memref_squeeze %dma_wait3A_167 : memref<1x128xi32, #tpu.memory_space<vmem>> -> memref<128xi32, #tpu.memory_space<vmem>>
      %dma_wait3A_169 = arith.constant 0 : i32
      %dma_wait3A_170 = arith.constant 0 : i32
      %dma_wait3A_171 = tpu.memref_slice %arg15[%dma_wait3A_169, %dma_wait3A_170] : memref<10112x16xf32, #tpu.memory_space<vmem_shared>> -> memref<10112x16xf32, #tpu.memory_space<vmem_shared>>
      %dma_wait3A_172 = tpu.memref_slice %arg16[%dma_wait3A_161] : memref<2x!tpu.dma_semaphore, #tpu.memory_space<semaphore_mem>> -> memref<1x!tpu.dma_semaphore, #tpu.memory_space<semaphore_mem>>
      %dma_wait3A_173 = tpu.memref_squeeze %dma_wait3A_172 : memref<1x!tpu.dma_semaphore, #tpu.memory_space<semaphore_mem>> -> memref<!tpu.dma_semaphore, #tpu.memory_space<semaphore_mem>>
      tpu.wait_indirect_dma semaphore(%dma_wait3A_173 : memref<!tpu.dma_semaphore, #tpu.memory_space<semaphore_mem>>) src(%dma_wait3A_171 : memref<10112x16xf32, #tpu.memory_space<vmem_shared>>) dst(%dma_wait3A_165 : memref<128x16xf32, #tpu.memory_space<vmem>>)
      %mul3A_174 = arith.constant 2 : i32
      %mul3A_175 = arith.muli %mul3A_93, %mul3A_174 : i32
      %add3A_176 = arith.constant 0 : i32
      %add3A_177 = arith.addi %mul3A_175, %add3A_176 : i32
      %dma_start3A_178 = arith.constant 0 : i32
      %dma_start3A_179 = arith.constant 0 : i32
      %dma_start3A_180 = arith.constant 0 : i32
      %dma_start3A_181 = arith.constant 0 : i32
      %dma_start3A_182 = arith.constant 0 : i32
      %dma_start3A_183 = tpu.memref_slice %arg9[%dma_start3A_178, %dma_start3A_179, %dma_start3A_181, %dma_start3A_182] : memref<2x2x128x16xf32, #tpu.memory_space<vmem>> -> memref<1x1x128x16xf32, #tpu.memory_space<vmem>>
      %dma_start3A_184 = tpu.memref_squeeze %dma_start3A_183 : memref<1x1x128x16xf32, #tpu.memory_space<vmem>> -> memref<128x16xf32, #tpu.memory_space<vmem>>
      %dma_start3A_185 = arith.constant 0 : i32
      %dma_start3A_186 = tpu.memref_slice %arg8[%add3A_177, %dma_start3A_185] : memref<80x128xi32, #tpu.memory_space<vmem>> -> memref<1x128xi32, #tpu.memory_space<vmem>>
      %dma_start3A_187 = tpu.memref_squeeze %dma_start3A_186 : memref<1x128xi32, #tpu.memory_space<vmem>> -> memref<128xi32, #tpu.memory_space<vmem>>
      %dma_start3A_188 = arith.constant 0 : i32
      %dma_start3A_189 = arith.constant 0 : i32
      %dma_start3A_190 = tpu.memref_slice %arg14[%dma_start3A_188, %dma_start3A_189] : memref<10112x16xf32, #tpu.memory_space<vmem_shared>> -> memref<10112x16xf32, #tpu.memory_space<vmem_shared>>
      %dma_start3A_191 = tpu.memref_slice %arg17[%dma_start3A_180] : memref<2x!tpu.dma_semaphore, #tpu.memory_space<semaphore_mem>> -> memref<1x!tpu.dma_semaphore, #tpu.memory_space<semaphore_mem>>
      %dma_start3A_192 = tpu.memref_squeeze %dma_start3A_191 : memref<1x!tpu.dma_semaphore, #tpu.memory_space<semaphore_mem>> -> memref<!tpu.dma_semaphore, #tpu.memory_space<semaphore_mem>>
      tpu.enqueue_indirect_dma source(%dma_start3A_184 : memref<128x16xf32, #tpu.memory_space<vmem>>) target(%dma_start3A_190 : memref<10112x16xf32, #tpu.memory_space<vmem_shared>>) offsets(%dma_start3A_187 : memref<128xi32, #tpu.memory_space<vmem>>) semaphore(%dma_start3A_192 : memref<!tpu.dma_semaphore, #tpu.memory_space<semaphore_mem>>) {add = true}
      %mul3A_193 = arith.constant 2 : i32
      %mul3A_194 = arith.muli %mul3A_93, %mul3A_193 : i32
      %add3A_195 = arith.constant 1 : i32
      %add3A_196 = arith.addi %mul3A_194, %add3A_195 : i32
      %dma_start3A_197 = arith.constant 0 : i32
      %dma_start3A_198 = arith.constant 1 : i32
      %dma_start3A_199 = arith.constant 0 : i32
      %dma_start3A_200 = arith.constant 0 : i32
      %dma_start3A_201 = arith.constant 0 : i32
      %dma_start3A_202 = tpu.memref_slice %arg9[%dma_start3A_197, %dma_start3A_198, %dma_start3A_200, %dma_start3A_201] : memref<2x2x128x16xf32, #tpu.memory_space<vmem>> -> memref<1x1x128x16xf32, #tpu.memory_space<vmem>>
      %dma_start3A_203 = tpu.memref_squeeze %dma_start3A_202 : memref<1x1x128x16xf32, #tpu.memory_space<vmem>> -> memref<128x16xf32, #tpu.memory_space<vmem>>
      %dma_start3A_204 = arith.constant 0 : i32
      %dma_start3A_205 = tpu.memref_slice %arg8[%add3A_196, %dma_start3A_204] : memref<80x128xi32, #tpu.memory_space<vmem>> -> memref<1x128xi32, #tpu.memory_space<vmem>>
      %dma_start3A_206 = tpu.memref_squeeze %dma_start3A_205 : memref<1x128xi32, #tpu.memory_space<vmem>> -> memref<128xi32, #tpu.memory_space<vmem>>
      %dma_start3A_207 = arith.constant 0 : i32
      %dma_start3A_208 = arith.constant 0 : i32
      %dma_start3A_209 = tpu.memref_slice %arg14[%dma_start3A_207, %dma_start3A_208] : memref<10112x16xf32, #tpu.memory_space<vmem_shared>> -> memref<10112x16xf32, #tpu.memory_space<vmem_shared>>
      %dma_start3A_210 = tpu.memref_slice %arg17[%dma_start3A_199] : memref<2x!tpu.dma_semaphore, #tpu.memory_space<semaphore_mem>> -> memref<1x!tpu.dma_semaphore, #tpu.memory_space<semaphore_mem>>
      %dma_start3A_211 = tpu.memref_squeeze %dma_start3A_210 : memref<1x!tpu.dma_semaphore, #tpu.memory_space<semaphore_mem>> -> memref<!tpu.dma_semaphore, #tpu.memory_space<semaphore_mem>>
      tpu.enqueue_indirect_dma source(%dma_start3A_203 : memref<128x16xf32, #tpu.memory_space<vmem>>) target(%dma_start3A_209 : memref<10112x16xf32, #tpu.memory_space<vmem_shared>>) offsets(%dma_start3A_206 : memref<128xi32, #tpu.memory_space<vmem>>) semaphore(%dma_start3A_211 : memref<!tpu.dma_semaphore, #tpu.memory_space<semaphore_mem>>) {add = true}
      %mul3A_212 = arith.constant 2 : i32
      %mul3A_213 = arith.muli %mul3A_93, %mul3A_212 : i32
      %add3A_214 = arith.constant 0 : i32
      %add3A_215 = arith.addi %mul3A_213, %add3A_214 : i32
      %dma_wait3A_216 = arith.constant 0 : i32
      %dma_wait3A_217 = arith.constant 0 : i32
      %dma_wait3A_218 = arith.constant 0 : i32
      %dma_wait3A_219 = arith.constant 0 : i32
      %dma_wait3A_220 = arith.constant 0 : i32
      %dma_wait3A_221 = tpu.memref_slice %arg9[%dma_wait3A_216, %dma_wait3A_217, %dma_wait3A_219, %dma_wait3A_220] : memref<2x2x128x16xf32, #tpu.memory_space<vmem>> -> memref<1x1x128x16xf32, #tpu.memory_space<vmem>>
      %dma_wait3A_222 = tpu.memref_squeeze %dma_wait3A_221 : memref<1x1x128x16xf32, #tpu.memory_space<vmem>> -> memref<128x16xf32, #tpu.memory_space<vmem>>
      %dma_wait3A_223 = arith.constant 0 : i32
      %dma_wait3A_224 = tpu.memref_slice %arg8[%add3A_215, %dma_wait3A_223] : memref<80x128xi32, #tpu.memory_space<vmem>> -> memref<1x128xi32, #tpu.memory_space<vmem>>
      %dma_wait3A_225 = tpu.memref_squeeze %dma_wait3A_224 : memref<1x128xi32, #tpu.memory_space<vmem>> -> memref<128xi32, #tpu.memory_space<vmem>>
      %dma_wait3A_226 = arith.constant 0 : i32
      %dma_wait3A_227 = arith.constant 0 : i32
      %dma_wait3A_228 = tpu.memref_slice %arg14[%dma_wait3A_226, %dma_wait3A_227] : memref<10112x16xf32, #tpu.memory_space<vmem_shared>> -> memref<10112x16xf32, #tpu.memory_space<vmem_shared>>
      %dma_wait3A_229 = tpu.memref_slice %arg17[%dma_wait3A_218] : memref<2x!tpu.dma_semaphore, #tpu.memory_space<semaphore_mem>> -> memref<1x!tpu.dma_semaphore, #tpu.memory_space<semaphore_mem>>
      %dma_wait3A_230 = tpu.memref_squeeze %dma_wait3A_229 : memref<1x!tpu.dma_semaphore, #tpu.memory_space<semaphore_mem>> -> memref<!tpu.dma_semaphore, #tpu.memory_space<semaphore_mem>>
      tpu.wait_indirect_dma semaphore(%dma_wait3A_230 : memref<!tpu.dma_semaphore, #tpu.memory_space<semaphore_mem>>) src(%dma_wait3A_222 : memref<128x16xf32, #tpu.memory_space<vmem>>) dst(%dma_wait3A_228 : memref<10112x16xf32, #tpu.memory_space<vmem_shared>>)
      %mul3A_231 = arith.constant 2 : i32
      %mul3A_232 = arith.muli %mul3A_93, %mul3A_231 : i32
      %add3A_233 = arith.constant 1 : i32
      %add3A_234 = arith.addi %mul3A_232, %add3A_233 : i32
      %dma_wait3A_235 = arith.constant 0 : i32
      %dma_wait3A_236 = arith.constant 1 : i32
      %dma_wait3A_237 = arith.constant 0 : i32
      %dma_wait3A_238 = arith.constant 0 : i32
      %dma_wait3A_239 = arith.constant 0 : i32
      %dma_wait3A_240 = tpu.memref_slice %arg9[%dma_wait3A_235, %dma_wait3A_236, %dma_wait3A_238, %dma_wait3A_239] : memref<2x2x128x16xf32, #tpu.memory_space<vmem>> -> memref<1x1x128x16xf32, #tpu.memory_space<vmem>>
      %dma_wait3A_241 = tpu.memref_squeeze %dma_wait3A_240 : memref<1x1x128x16xf32, #tpu.memory_space<vmem>> -> memref<128x16xf32, #tpu.memory_space<vmem>>
      %dma_wait3A_242 = arith.constant 0 : i32
      %dma_wait3A_243 = tpu.memref_slice %arg8[%add3A_234, %dma_wait3A_242] : memref<80x128xi32, #tpu.memory_space<vmem>> -> memref<1x128xi32, #tpu.memory_space<vmem>>
      %dma_wait3A_244 = tpu.memref_squeeze %dma_wait3A_243 : memref<1x128xi32, #tpu.memory_space<vmem>> -> memref<128xi32, #tpu.memory_space<vmem>>
      %dma_wait3A_245 = arith.constant 0 : i32
      %dma_wait3A_246 = arith.constant 0 : i32
      %dma_wait3A_247 = tpu.memref_slice %arg14[%dma_wait3A_245, %dma_wait3A_246] : memref<10112x16xf32, #tpu.memory_space<vmem_shared>> -> memref<10112x16xf32, #tpu.memory_space<vmem_shared>>
      %dma_wait3A_248 = tpu.memref_slice %arg17[%dma_wait3A_237] : memref<2x!tpu.dma_semaphore, #tpu.memory_space<semaphore_mem>> -> memref<1x!tpu.dma_semaphore, #tpu.memory_space<semaphore_mem>>
      %dma_wait3A_249 = tpu.memref_squeeze %dma_wait3A_248 : memref<1x!tpu.dma_semaphore, #tpu.memory_space<semaphore_mem>> -> memref<!tpu.dma_semaphore, #tpu.memory_space<semaphore_mem>>
      tpu.wait_indirect_dma semaphore(%dma_wait3A_249 : memref<!tpu.dma_semaphore, #tpu.memory_space<semaphore_mem>>) src(%dma_wait3A_241 : memref<128x16xf32, #tpu.memory_space<vmem>>) dst(%dma_wait3A_247 : memref<10112x16xf32, #tpu.memory_space<vmem_shared>>)
      %lt3A = arith.constant 39 : i32
      %lt3A_250 = arith.cmpi slt, %add3A_95, %lt3A : i32
      %convert_element_type3A_251 = arith.extui %lt3A_250 : i1 to i32
      %cond3A_252 = arith.constant 0 : i32
      %cond3A_253 = arith.cmpi ne, %convert_element_type3A_251, %cond3A_252 : i32
      scf.if %cond3A_253 {
        %add3A_330 = arith.constant 2 : i32
        %add3A_331 = arith.addi %mul3A_93, %add3A_330 : i32
        %mul3A_332 = arith.constant 2 : i32
        %mul3A_333 = arith.muli %add3A_331, %mul3A_332 : i32
        %add3A_334 = arith.constant 0 : i32
        %add3A_335 = arith.addi %mul3A_333, %add3A_334 : i32
        %dma_start3A_336 = arith.constant 0 : i32
        %dma_start3A_337 = arith.constant 0 : i32
        %dma_start3A_338 = arith.constant 0 : i32
        %dma_start3A_339 = arith.constant 0 : i32
        %dma_start3A_340 = arith.constant 0 : i32
        %dma_start3A_341 = tpu.memref_slice %arg9[%dma_start3A_336, %dma_start3A_337, %dma_start3A_339, %dma_start3A_340] : memref<2x2x128x16xf32, #tpu.memory_space<vmem>> -> memref<1x1x128x16xf32, #tpu.memory_space<vmem>>
        %dma_start3A_342 = tpu.memref_squeeze %dma_start3A_341 : memref<1x1x128x16xf32, #tpu.memory_space<vmem>> -> memref<128x16xf32, #tpu.memory_space<vmem>>
        %dma_start3A_343 = arith.constant 0 : i32
        %dma_start3A_344 = tpu.memref_slice %arg7[%add3A_335, %dma_start3A_343] : memref<80x128xi32, #tpu.memory_space<vmem>> -> memref<1x128xi32, #tpu.memory_space<vmem>>
        %dma_start3A_345 = tpu.memref_squeeze %dma_start3A_344 : memref<1x128xi32, #tpu.memory_space<vmem>> -> memref<128xi32, #tpu.memory_space<vmem>>
        %dma_start3A_346 = arith.constant 0 : i32
        %dma_start3A_347 = arith.constant 0 : i32
        %dma_start3A_348 = tpu.memref_slice %arg15[%dma_start3A_346, %dma_start3A_347] : memref<10112x16xf32, #tpu.memory_space<vmem_shared>> -> memref<10112x16xf32, #tpu.memory_space<vmem_shared>>
        %dma_start3A_349 = tpu.memref_slice %arg16[%dma_start3A_338] : memref<2x!tpu.dma_semaphore, #tpu.memory_space<semaphore_mem>> -> memref<1x!tpu.dma_semaphore, #tpu.memory_space<semaphore_mem>>
        %dma_start3A_350 = tpu.memref_squeeze %dma_start3A_349 : memref<1x!tpu.dma_semaphore, #tpu.memory_space<semaphore_mem>> -> memref<!tpu.dma_semaphore, #tpu.memory_space<semaphore_mem>>
        tpu.enqueue_indirect_dma source(%dma_start3A_348 : memref<10112x16xf32, #tpu.memory_space<vmem_shared>>) target(%dma_start3A_342 : memref<128x16xf32, #tpu.memory_space<vmem>>) offsets(%dma_start3A_345 : memref<128xi32, #tpu.memory_space<vmem>>) semaphore(%dma_start3A_350 : memref<!tpu.dma_semaphore, #tpu.memory_space<semaphore_mem>>)
        %add3A_351 = arith.constant 2 : i32
        %add3A_352 = arith.addi %mul3A_93, %add3A_351 : i32
        %mul3A_353 = arith.constant 2 : i32
        %mul3A_354 = arith.muli %add3A_352, %mul3A_353 : i32
        %add3A_355 = arith.constant 1 : i32
        %add3A_356 = arith.addi %mul3A_354, %add3A_355 : i32
        %dma_start3A_357 = arith.constant 0 : i32
        %dma_start3A_358 = arith.constant 1 : i32
        %dma_start3A_359 = arith.constant 0 : i32
        %dma_start3A_360 = arith.constant 0 : i32
        %dma_start3A_361 = arith.constant 0 : i32
        %dma_start3A_362 = tpu.memref_slice %arg9[%dma_start3A_357, %dma_start3A_358, %dma_start3A_360, %dma_start3A_361] : memref<2x2x128x16xf32, #tpu.memory_space<vmem>> -> memref<1x1x128x16xf32, #tpu.memory_space<vmem>>
        %dma_start3A_363 = tpu.memref_squeeze %dma_start3A_362 : memref<1x1x128x16xf32, #tpu.memory_space<vmem>> -> memref<128x16xf32, #tpu.memory_space<vmem>>
        %dma_start3A_364 = arith.constant 0 : i32
        %dma_start3A_365 = tpu.memref_slice %arg7[%add3A_356, %dma_start3A_364] : memref<80x128xi32, #tpu.memory_space<vmem>> -> memref<1x128xi32, #tpu.memory_space<vmem>>
        %dma_start3A_366 = tpu.memref_squeeze %dma_start3A_365 : memref<1x128xi32, #tpu.memory_space<vmem>> -> memref<128xi32, #tpu.memory_space<vmem>>
        %dma_start3A_367 = arith.constant 0 : i32
        %dma_start3A_368 = arith.constant 0 : i32
        %dma_start3A_369 = tpu.memref_slice %arg15[%dma_start3A_367, %dma_start3A_368] : memref<10112x16xf32, #tpu.memory_space<vmem_shared>> -> memref<10112x16xf32, #tpu.memory_space<vmem_shared>>
        %dma_start3A_370 = tpu.memref_slice %arg16[%dma_start3A_359] : memref<2x!tpu.dma_semaphore, #tpu.memory_space<semaphore_mem>> -> memref<1x!tpu.dma_semaphore, #tpu.memory_space<semaphore_mem>>
        %dma_start3A_371 = tpu.memref_squeeze %dma_start3A_370 : memref<1x!tpu.dma_semaphore, #tpu.memory_space<semaphore_mem>> -> memref<!tpu.dma_semaphore, #tpu.memory_space<semaphore_mem>>
        tpu.enqueue_indirect_dma source(%dma_start3A_369 : memref<10112x16xf32, #tpu.memory_space<vmem_shared>>) target(%dma_start3A_363 : memref<128x16xf32, #tpu.memory_space<vmem>>) offsets(%dma_start3A_366 : memref<128xi32, #tpu.memory_space<vmem>>) semaphore(%dma_start3A_371 : memref<!tpu.dma_semaphore, #tpu.memory_space<semaphore_mem>>)
      } else {
      }
      %mul3A_254 = arith.constant 2 : i32
      %mul3A_255 = arith.muli %add3A_95, %mul3A_254 : i32
      %add3A_256 = arith.constant 0 : i32
      %add3A_257 = arith.addi %mul3A_255, %add3A_256 : i32
      %dma_wait3A_258 = arith.constant 1 : i32
      %dma_wait3A_259 = arith.constant 0 : i32
      %dma_wait3A_260 = arith.constant 1 : i32
      %dma_wait3A_261 = arith.constant 0 : i32
      %dma_wait3A_262 = arith.constant 0 : i32
      %dma_wait3A_263 = tpu.memref_slice %arg9[%dma_wait3A_258, %dma_wait3A_259, %dma_wait3A_261, %dma_wait3A_262] : memref<2x2x128x16xf32, #tpu.memory_space<vmem>> -> memref<1x1x128x16xf32, #tpu.memory_space<vmem>>
      %dma_wait3A_264 = tpu.memref_squeeze %dma_wait3A_263 : memref<1x1x128x16xf32, #tpu.memory_space<vmem>> -> memref<128x16xf32, #tpu.memory_space<vmem>>
      %dma_wait3A_265 = arith.constant 0 : i32
      %dma_wait3A_266 = tpu.memref_slice %arg7[%add3A_257, %dma_wait3A_265] : memref<80x128xi32, #tpu.memory_space<vmem>> -> memref<1x128xi32, #tpu.memory_space<vmem>>
      %dma_wait3A_267 = tpu.memref_squeeze %dma_wait3A_266 : memref<1x128xi32, #tpu.memory_space<vmem>> -> memref<128xi32, #tpu.memory_space<vmem>>
      %dma_wait3A_268 = arith.constant 0 : i32
      %dma_wait3A_269 = arith.constant 0 : i32
      %dma_wait3A_270 = tpu.memref_slice %arg15[%dma_wait3A_268, %dma_wait3A_269] : memref<10112x16xf32, #tpu.memory_space<vmem_shared>> -> memref<10112x16xf32, #tpu.memory_space<vmem_shared>>
      %dma_wait3A_271 = tpu.memref_slice %arg16[%dma_wait3A_260] : memref<2x!tpu.dma_semaphore, #tpu.memory_space<semaphore_mem>> -> memref<1x!tpu.dma_semaphore, #tpu.memory_space<semaphore_mem>>
      %dma_wait3A_272 = tpu.memref_squeeze %dma_wait3A_271 : memref<1x!tpu.dma_semaphore, #tpu.memory_space<semaphore_mem>> -> memref<!tpu.dma_semaphore, #tpu.memory_space<semaphore_mem>>
      tpu.wait_indirect_dma semaphore(%dma_wait3A_272 : memref<!tpu.dma_semaphore, #tpu.memory_space<semaphore_mem>>) src(%dma_wait3A_270 : memref<10112x16xf32, #tpu.memory_space<vmem_shared>>) dst(%dma_wait3A_264 : memref<128x16xf32, #tpu.memory_space<vmem>>)
      %mul3A_273 = arith.constant 2 : i32
      %mul3A_274 = arith.muli %add3A_95, %mul3A_273 : i32
      %add3A_275 = arith.constant 1 : i32
      %add3A_276 = arith.addi %mul3A_274, %add3A_275 : i32
      %dma_wait3A_277 = arith.constant 1 : i32
      %dma_wait3A_278 = arith.constant 1 : i32
      %dma_wait3A_279 = arith.constant 1 : i32
      %dma_wait3A_280 = arith.constant 0 : i32
      %dma_wait3A_281 = arith.constant 0 : i32
      %dma_wait3A_282 = tpu.memref_slice %arg9[%dma_wait3A_277, %dma_wait3A_278, %dma_wait3A_280, %dma_wait3A_281] : memref<2x2x128x16xf32, #tpu.memory_space<vmem>> -> memref<1x1x128x16xf32, #tpu.memory_space<vmem>>
      %dma_wait3A_283 = tpu.memref_squeeze %dma_wait3A_282 : memref<1x1x128x16xf32, #tpu.memory_space<vmem>> -> memref<128x16xf32, #tpu.memory_space<vmem>>
      %dma_wait3A_284 = arith.constant 0 : i32
      %dma_wait3A_285 = tpu.memref_slice %arg7[%add3A_276, %dma_wait3A_284] : memref<80x128xi32, #tpu.memory_space<vmem>> -> memref<1x128xi32, #tpu.memory_space<vmem>>
      %dma_wait3A_286 = tpu.memref_squeeze %dma_wait3A_285 : memref<1x128xi32, #tpu.memory_space<vmem>> -> memref<128xi32, #tpu.memory_space<vmem>>
      %dma_wait3A_287 = arith.constant 0 : i32
      %dma_wait3A_288 = arith.constant 0 : i32
      %dma_wait3A_289 = tpu.memref_slice %arg15[%dma_wait3A_287, %dma_wait3A_288] : memref<10112x16xf32, #tpu.memory_space<vmem_shared>> -> memref<10112x16xf32, #tpu.memory_space<vmem_shared>>
      %dma_wait3A_290 = tpu.memref_slice %arg16[%dma_wait3A_279] : memref<2x!tpu.dma_semaphore, #tpu.memory_space<semaphore_mem>> -> memref<1x!tpu.dma_semaphore, #tpu.memory_space<semaphore_mem>>
      %dma_wait3A_291 = tpu.memref_squeeze %dma_wait3A_290 : memref<1x!tpu.dma_semaphore, #tpu.memory_space<semaphore_mem>> -> memref<!tpu.dma_semaphore, #tpu.memory_space<semaphore_mem>>
      tpu.wait_indirect_dma semaphore(%dma_wait3A_291 : memref<!tpu.dma_semaphore, #tpu.memory_space<semaphore_mem>>) src(%dma_wait3A_289 : memref<10112x16xf32, #tpu.memory_space<vmem_shared>>) dst(%dma_wait3A_283 : memref<128x16xf32, #tpu.memory_space<vmem>>)
      %mul3A_292 = arith.constant 2 : i32
      %mul3A_293 = arith.muli %add3A_95, %mul3A_292 : i32
      %add3A_294 = arith.constant 0 : i32
      %add3A_295 = arith.addi %mul3A_293, %add3A_294 : i32
      %dma_start3A_296 = arith.constant 1 : i32
      %dma_start3A_297 = arith.constant 0 : i32
      %dma_start3A_298 = arith.constant 1 : i32
      %dma_start3A_299 = arith.constant 0 : i32
      %dma_start3A_300 = arith.constant 0 : i32
      %dma_start3A_301 = tpu.memref_slice %arg9[%dma_start3A_296, %dma_start3A_297, %dma_start3A_299, %dma_start3A_300] : memref<2x2x128x16xf32, #tpu.memory_space<vmem>> -> memref<1x1x128x16xf32, #tpu.memory_space<vmem>>
      %dma_start3A_302 = tpu.memref_squeeze %dma_start3A_301 : memref<1x1x128x16xf32, #tpu.memory_space<vmem>> -> memref<128x16xf32, #tpu.memory_space<vmem>>
      %dma_start3A_303 = arith.constant 0 : i32
      %dma_start3A_304 = tpu.memref_slice %arg8[%add3A_295, %dma_start3A_303] : memref<80x128xi32, #tpu.memory_space<vmem>> -> memref<1x128xi32, #tpu.memory_space<vmem>>
      %dma_start3A_305 = tpu.memref_squeeze %dma_start3A_304 : memref<1x128xi32, #tpu.memory_space<vmem>> -> memref<128xi32, #tpu.memory_space<vmem>>
      %dma_start3A_306 = arith.constant 0 : i32
      %dma_start3A_307 = arith.constant 0 : i32
      %dma_start3A_308 = tpu.memref_slice %arg14[%dma_start3A_306, %dma_start3A_307] : memref<10112x16xf32, #tpu.memory_space<vmem_shared>> -> memref<10112x16xf32, #tpu.memory_space<vmem_shared>>
      %dma_start3A_309 = tpu.memref_slice %arg17[%dma_start3A_298] : memref<2x!tpu.dma_semaphore, #tpu.memory_space<semaphore_mem>> -> memref<1x!tpu.dma_semaphore, #tpu.memory_space<semaphore_mem>>
      %dma_start3A_310 = tpu.memref_squeeze %dma_start3A_309 : memref<1x!tpu.dma_semaphore, #tpu.memory_space<semaphore_mem>> -> memref<!tpu.dma_semaphore, #tpu.memory_space<semaphore_mem>>
      tpu.enqueue_indirect_dma source(%dma_start3A_302 : memref<128x16xf32, #tpu.memory_space<vmem>>) target(%dma_start3A_308 : memref<10112x16xf32, #tpu.memory_space<vmem_shared>>) offsets(%dma_start3A_305 : memref<128xi32, #tpu.memory_space<vmem>>) semaphore(%dma_start3A_310 : memref<!tpu.dma_semaphore, #tpu.memory_space<semaphore_mem>>) {add = true}
      %mul3A_311 = arith.constant 2 : i32
      %mul3A_312 = arith.muli %add3A_95, %mul3A_311 : i32
      %add3A_313 = arith.constant 1 : i32
      %add3A_314 = arith.addi %mul3A_312, %add3A_313 : i32
      %dma_start3A_315 = arith.constant 1 : i32
      %dma_start3A_316 = arith.constant 1 : i32
      %dma_start3A_317 = arith.constant 1 : i32
      %dma_start3A_318 = arith.constant 0 : i32
      %dma_start3A_319 = arith.constant 0 : i32
      %dma_start3A_320 = tpu.memref_slice %arg9[%dma_start3A_315, %dma_start3A_316, %dma_start3A_318, %dma_start3A_319] : memref<2x2x128x16xf32, #tpu.memory_space<vmem>> -> memref<1x1x128x16xf32, #tpu.memory_space<vmem>>
      %dma_start3A_321 = tpu.memref_squeeze %dma_start3A_320 : memref<1x1x128x16xf32, #tpu.memory_space<vmem>> -> memref<128x16xf32, #tpu.memory_space<vmem>>
      %dma_start3A_322 = arith.constant 0 : i32
      %dma_start3A_323 = tpu.memref_slice %arg8[%add3A_314, %dma_start3A_322] : memref<80x128xi32, #tpu.memory_space<vmem>> -> memref<1x128xi32, #tpu.memory_space<vmem>>
      %dma_start3A_324 = tpu.memref_squeeze %dma_start3A_323 : memref<1x128xi32, #tpu.memory_space<vmem>> -> memref<128xi32, #tpu.memory_space<vmem>>
      %dma_start3A_325 = arith.constant 0 : i32
      %dma_start3A_326 = arith.constant 0 : i32
      %dma_start3A_327 = tpu.memref_slice %arg14[%dma_start3A_325, %dma_start3A_326] : memref<10112x16xf32, #tpu.memory_space<vmem_shared>> -> memref<10112x16xf32, #tpu.memory_space<vmem_shared>>
      %dma_start3A_328 = tpu.memref_slice %arg17[%dma_start3A_317] : memref<2x!tpu.dma_semaphore, #tpu.memory_space<semaphore_mem>> -> memref<1x!tpu.dma_semaphore, #tpu.memory_space<semaphore_mem>>
      %dma_start3A_329 = tpu.memref_squeeze %dma_start3A_328 : memref<1x!tpu.dma_semaphore, #tpu.memory_space<semaphore_mem>> -> memref<!tpu.dma_semaphore, #tpu.memory_space<semaphore_mem>>
      tpu.enqueue_indirect_dma source(%dma_start3A_321 : memref<128x16xf32, #tpu.memory_space<vmem>>) target(%dma_start3A_327 : memref<10112x16xf32, #tpu.memory_space<vmem_shared>>) offsets(%dma_start3A_324 : memref<128xi32, #tpu.memory_space<vmem>>) semaphore(%dma_start3A_329 : memref<!tpu.dma_semaphore, #tpu.memory_space<semaphore_mem>>) {add = true}
    }
    %scan3A_47 = arith.constant 20 : i32
    %dma_wait3A = arith.constant 1 : i32
    %dma_wait3A_48 = arith.constant 0 : i32
    %dma_wait3A_49 = arith.constant 78 : i32
    %dma_wait3A_50 = arith.constant 1 : i32
    %dma_wait3A_51 = arith.constant 0 : i32
    %dma_wait3A_52 = arith.constant 0 : i32
    %dma_wait3A_53 = tpu.memref_slice %arg9[%dma_wait3A, %dma_wait3A_48, %dma_wait3A_51, %dma_wait3A_52] : memref<2x2x128x16xf32, #tpu.memory_space<vmem>> -> memref<1x1x128x16xf32, #tpu.memory_space<vmem>>
    %dma_wait3A_54 = tpu.memref_squeeze %dma_wait3A_53 : memref<1x1x128x16xf32, #tpu.memory_space<vmem>> -> memref<128x16xf32, #tpu.memory_space<vmem>>
    %dma_wait3A_55 = arith.constant 0 : i32
    %dma_wait3A_56 = tpu.memref_slice %arg8[%dma_wait3A_49, %dma_wait3A_55] : memref<80x128xi32, #tpu.memory_space<vmem>> -> memref<1x128xi32, #tpu.memory_space<vmem>>
    %dma_wait3A_57 = tpu.memref_squeeze %dma_wait3A_56 : memref<1x128xi32, #tpu.memory_space<vmem>> -> memref<128xi32, #tpu.memory_space<vmem>>
    %dma_wait3A_58 = arith.constant 0 : i32
    %dma_wait3A_59 = arith.constant 0 : i32
    %dma_wait3A_60 = tpu.memref_slice %arg14[%dma_wait3A_58, %dma_wait3A_59] : memref<10112x16xf32, #tpu.memory_space<vmem_shared>> -> memref<10112x16xf32, #tpu.memory_space<vmem_shared>>
    %dma_wait3A_61 = tpu.memref_slice %arg17[%dma_wait3A_50] : memref<2x!tpu.dma_semaphore, #tpu.memory_space<semaphore_mem>> -> memref<1x!tpu.dma_semaphore, #tpu.memory_space<semaphore_mem>>
    %dma_wait3A_62 = tpu.memref_squeeze %dma_wait3A_61 : memref<1x!tpu.dma_semaphore, #tpu.memory_space<semaphore_mem>> -> memref<!tpu.dma_semaphore, #tpu.memory_space<semaphore_mem>>
    tpu.wait_indirect_dma semaphore(%dma_wait3A_62 : memref<!tpu.dma_semaphore, #tpu.memory_space<semaphore_mem>>) src(%dma_wait3A_54 : memref<128x16xf32, #tpu.memory_space<vmem>>) dst(%dma_wait3A_60 : memref<10112x16xf32, #tpu.memory_space<vmem_shared>>)
    %dma_wait3A_63 = arith.constant 1 : i32
    %dma_wait3A_64 = arith.constant 1 : i32
    %dma_wait3A_65 = arith.constant 79 : i32
    %dma_wait3A_66 = arith.constant 1 : i32
    %dma_wait3A_67 = arith.constant 0 : i32
    %dma_wait3A_68 = arith.constant 0 : i32
    %dma_wait3A_69 = tpu.memref_slice %arg9[%dma_wait3A_63, %dma_wait3A_64, %dma_wait3A_67, %dma_wait3A_68] : memref<2x2x128x16xf32, #tpu.memory_space<vmem>> -> memref<1x1x128x16xf32, #tpu.memory_space<vmem>>
    %dma_wait3A_70 = tpu.memref_squeeze %dma_wait3A_69 : memref<1x1x128x16xf32, #tpu.memory_space<vmem>> -> memref<128x16xf32, #tpu.memory_space<vmem>>
    %dma_wait3A_71 = arith.constant 0 : i32
    %dma_wait3A_72 = tpu.memref_slice %arg8[%dma_wait3A_65, %dma_wait3A_71] : memref<80x128xi32, #tpu.memory_space<vmem>> -> memref<1x128xi32, #tpu.memory_space<vmem>>
    %dma_wait3A_73 = tpu.memref_squeeze %dma_wait3A_72 : memref<1x128xi32, #tpu.memory_space<vmem>> -> memref<128xi32, #tpu.memory_space<vmem>>
    %dma_wait3A_74 = arith.constant 0 : i32
    %dma_wait3A_75 = arith.constant 0 : i32
    %dma_wait3A_76 = tpu.memref_slice %arg14[%dma_wait3A_74, %dma_wait3A_75] : memref<10112x16xf32, #tpu.memory_space<vmem_shared>> -> memref<10112x16xf32, #tpu.memory_space<vmem_shared>>
    %dma_wait3A_77 = tpu.memref_slice %arg17[%dma_wait3A_66] : memref<2x!tpu.dma_semaphore, #tpu.memory_space<semaphore_mem>> -> memref<1x!tpu.dma_semaphore, #tpu.memory_space<semaphore_mem>>
    %dma_wait3A_78 = tpu.memref_squeeze %dma_wait3A_77 : memref<1x!tpu.dma_semaphore, #tpu.memory_space<semaphore_mem>> -> memref<!tpu.dma_semaphore, #tpu.memory_space<semaphore_mem>>
    tpu.wait_indirect_dma semaphore(%dma_wait3A_78 : memref<!tpu.dma_semaphore, #tpu.memory_space<semaphore_mem>>) src(%dma_wait3A_70 : memref<128x16xf32, #tpu.memory_space<vmem>>) dst(%dma_wait3A_76 : memref<10112x16xf32, #tpu.memory_space<vmem_shared>>)
    %barrier3A_79 = arith.constant 0 : index
    tpu.barrier barrier_id(%barrier3A_79)
    "tpu.region"() ({
      %run_scoped3A = tpu.sem_alloc : memref<!tpu.dma_semaphore, #tpu.memory_space<semaphore_mem>>
      %dma_start3A_87 = arith.constant 0 : i32
      %dma_start3A_88 = tpu.memref_slice %arg14[%mul3A_2, %dma_start3A_87] : memref<10112x16xf32, #tpu.memory_space<vmem_shared>> -> memref<632x16xf32, #tpu.memory_space<vmem_shared>>
      %dma_start3A_89 = arith.constant 0 : i32
      %dma_start3A_90 = tpu.memref_slice %arg14[%mul3A_2, %dma_start3A_89] : memref<10112x16xf32, #tpu.memory_space<vmem_shared>> -> memref<632x16xf32, #tpu.memory_space<vmem_shared>>
      tpu.enqueue_dma source(%dma_start3A_90 : memref<632x16xf32, #tpu.memory_space<vmem_shared>>) target(%arg11 : memref<632x16xf32, #tpu.memory_space<vmem>>) target_semaphore(%run_scoped3A : memref<!tpu.dma_semaphore, #tpu.memory_space<semaphore_mem>>)
      %dma_wait3A_91 = arith.constant 0 : i32
      %dma_wait3A_92 = tpu.memref_slice %arg14[%mul3A_2, %dma_wait3A_91] : memref<10112x16xf32, #tpu.memory_space<vmem_shared>> -> memref<632x16xf32, #tpu.memory_space<vmem_shared>>
      %dma_wait3A_93 = arith.constant 0 : i32
      %dma_wait3A_94 = tpu.memref_slice %arg14[%mul3A_2, %dma_wait3A_93] : memref<10112x16xf32, #tpu.memory_space<vmem_shared>> -> memref<632x16xf32, #tpu.memory_space<vmem_shared>>
      tpu.wait_dma2 semaphore(%run_scoped3A : memref<!tpu.dma_semaphore, #tpu.memory_space<semaphore_mem>>) src(%dma_wait3A_94 : memref<632x16xf32, #tpu.memory_space<vmem_shared>>) dst(%arg11 : memref<632x16xf32, #tpu.memory_space<vmem>>)
      tpu.yield
    }) : () -> ()
    %eq3A = arith.constant 0 : i32
    %eq3A_80 = arith.cmpi eq, %arg0, %eq3A : i32
    %jit3A = arith.constant 1.000000e+00 : f32
    %jit3A_81 = arith.constant 0.000000e+00 : f32
    %select_n3A = arith.select %eq3A_80, %jit3A, %jit3A_81 : f32
    %scan3A_82 = arith.constant 0 : i32
    %scan3A_83 = arith.constant 632 : i32
    %scan3A_84 = arith.addi %scan3A_82, %scan3A_83 : i32
    %scan3A_85 = arith.constant 1 : i32
    scf.for %scan3A_87 = %scan3A_82 to %scan3A_84 step %scan3A_85  : i32 {
      %mul3A_88 = arith.constant 1 : i32
      %mul3A_89 = arith.muli %scan3A_87, %mul3A_88 : i32
      %add3A_90 = arith.constant 0 : i32
      %add3A_91 = arith.addi %add3A_90, %mul3A_89 : i32
      %get3A = arith.index_cast %add3A_91 : i32 to index
      %get3A_92 = tpu.vector_load %arg12[%get3A] {strides = array<i32>} : memref<656xf32, #tpu.memory_space<vmem>>, vector<16xf32>,
      %slice3A = vector.extract_strided_slice %get3A_92 {offsets = [0], sizes = [1], strides = [1]} : vector<16xf32> to vector<1xf32>
      %squeeze3A = vector.extract %slice3A[0] : f32 from vector<1xf32>
      %get3A_93 = arith.index_cast %add3A_91 : i32 to index
      %get3A_94 = arith.constant 0 : index
      %get3A_95 = tpu.vector_load %arg11[%get3A_93, %get3A_94] {strides = array<i32>} : memref<632x16xf32, #tpu.memory_space<vmem>>, vector<16xf32>,
      %get3A_96 = arith.index_cast %add3A_91 : i32 to index
      %get3A_97 = arith.constant 0 : index
      %get3A_98 = tpu.vector_load %arg10[%get3A_96, %get3A_97] {strides = array<i32>} : memref<632x16xf32, #tpu.memory_space<vmem>>, vector<16xf32>,
      %mul3A_99 = vector.broadcast %select_n3A : f32 to vector<16xf32>
      %mul3A_100 = arith.mulf %mul3A_99, %get3A_98 : vector<16xf32>
      %add3A_101 = arith.addf %get3A_95, %mul3A_100 : vector<16xf32>
      %mul3A_102 = vector.broadcast %squeeze3A : f32 to vector<16xf32>
      %mul3A_103 = arith.mulf %add3A_101, %mul3A_102 : vector<16xf32>
      %swap3A = arith.index_cast %add3A_91 : i32 to index
      %swap3A_104 = arith.constant 0 : index
      %swap3A_105 = tpu.vector_load %arg11[%swap3A, %swap3A_104] {strides = array<i32>} : memref<632x16xf32, #tpu.memory_space<vmem>>, vector<16xf32>,
      tpu.vector_store %arg11[%swap3A, %swap3A_104], %mul3A_103 {strides = array<i32>} : memref<632x16xf32, #tpu.memory_space<vmem>>, vector<16xf32>,
    }
    %scan3A_86 = arith.constant 632 : i32
    "tpu.region"() ({
      %run_scoped3A = tpu.sem_alloc : memref<!tpu.dma_semaphore, #tpu.memory_space<semaphore_mem>>
      %dma_start3A_87 = arith.constant 0 : i32
      %dma_start3A_88 = tpu.memref_slice %arg6[%arg0, %mul3A_2, %dma_start3A_87] : memref<2x10112x16xf32, #tpu.memory_space<hbm>> -> memref<1x632x16xf32, #tpu.memory_space<hbm>>
      %dma_start3A_89 = tpu.memref_squeeze %dma_start3A_88 : memref<1x632x16xf32, #tpu.memory_space<hbm>> -> memref<632x16xf32, #tpu.memory_space<hbm>>
      %dma_start3A_90 = arith.constant 0 : i32
      %dma_start3A_91 = tpu.memref_slice %arg6[%arg0, %mul3A_2, %dma_start3A_90] : memref<2x10112x16xf32, #tpu.memory_space<hbm>> -> memref<1x632x16xf32, #tpu.memory_space<hbm>>
      %dma_start3A_92 = tpu.memref_squeeze %dma_start3A_91 : memref<1x632x16xf32, #tpu.memory_space<hbm>> -> memref<632x16xf32, #tpu.memory_space<hbm>>
      tpu.enqueue_dma source(%arg11 : memref<632x16xf32, #tpu.memory_space<vmem>>) target(%dma_start3A_92 : memref<632x16xf32, #tpu.memory_space<hbm>>) target_semaphore(%run_scoped3A : memref<!tpu.dma_semaphore, #tpu.memory_space<semaphore_mem>>)
      %dma_wait3A_93 = arith.constant 0 : i32
      %dma_wait3A_94 = tpu.memref_slice %arg6[%arg0, %mul3A_2, %dma_wait3A_93] : memref<2x10112x16xf32, #tpu.memory_space<hbm>> -> memref<1x632x16xf32, #tpu.memory_space<hbm>>
      %dma_wait3A_95 = tpu.memref_squeeze %dma_wait3A_94 : memref<1x632x16xf32, #tpu.memory_space<hbm>> -> memref<632x16xf32, #tpu.memory_space<hbm>>
      %dma_wait3A_96 = arith.constant 0 : i32
      %dma_wait3A_97 = tpu.memref_slice %arg6[%arg0, %mul3A_2, %dma_wait3A_96] : memref<2x10112x16xf32, #tpu.memory_space<hbm>> -> memref<1x632x16xf32, #tpu.memory_space<hbm>>
      %dma_wait3A_98 = tpu.memref_squeeze %dma_wait3A_97 : memref<1x632x16xf32, #tpu.memory_space<hbm>> -> memref<632x16xf32, #tpu.memory_space<hbm>>
      tpu.wait_dma2 semaphore(%run_scoped3A : memref<!tpu.dma_semaphore, #tpu.memory_space<semaphore_mem>>) src(%arg11 : memref<632x16xf32, #tpu.memory_space<vmem>>) dst(%dma_wait3A_98 : memref<632x16xf32, #tpu.memory_space<hbm>>)
      tpu.yield
    }) : () -> ()
    return
  }
}

module attributes {stable_mosaic.version = 14 : i64} {
  func.func @_mm_body(%arg0: memref<10000x128xf32, #tpu.memory_space<vmem>>, %arg1: memref<128x32xf32, #tpu.memory_space<vmem>>, %arg2: memref<10112x32xf32, #tpu.memory_space<vmem>>) attributes {dimension_semantics = [], scalar_prefetch = 0 : i64, scratch_operands = 0 : i64, tpu.core_type = #tpu.core_type<tc>} {
    %get3A = arith.constant 0 : index
    %get3A_0 = arith.constant 0 : index
    %get3A_1 = vector.load %arg0[%get3A, %get3A_0] : memref<10000x128xf32, #tpu.memory_space<vmem>>, vector<10000x128xf32>
    %get3A_2 = arith.constant 0 : index
    %get3A_3 = arith.constant 0 : index
    %get3A_4 = vector.load %arg1[%get3A_2, %get3A_3] : memref<128x32xf32, #tpu.memory_space<vmem>>, vector<128x32xf32>
    %dot_general3A = arith.constant dense<0.000000e+00> : vector<10000x32xf32>
    %dot_general3A_5 = tpu.matmul %get3A_1, %get3A_4, %dot_general3A {dimension_numbers = #tpu.dot_dimension_numbers<[1], [0], [0], [1], [0, 0, 1, 1], [], []>, transpose_lhs_hint = false} : vector<10000x128xf32>, vector<128x32xf32>, vector<10000x32xf32> -> vector<10000x32xf32>
    %jit3A = arith.constant 0 : i32
    %convert_element_type3A = arith.sitofp %jit3A : i32 to f32
    %pad3A = vector.broadcast %convert_element_type3A : f32 to vector<112x32xf32>
    %pad3A_6 = tpu.concatenate %dot_general3A_5, %pad3A in 0 : vector<10000x32xf32>, vector<112x32xf32> -> vector<10112x32xf32>
    %swap3A = arith.constant 0 : index
    %swap3A_7 = arith.constant 0 : index
    %swap3A_8 = vector.load %arg2[%swap3A, %swap3A_7] : memref<10112x32xf32, #tpu.memory_space<vmem>>, vector<10112x32xf32>
    tpu.vector_store %arg2[%swap3A, %swap3A_7], %pad3A_6 {strides = array<i32>} : memref<10112x32xf32, #tpu.memory_space<vmem>>, vector<10112x32xf32>,
    return
  }
}

module attributes {stable_mosaic.version = 14 : i64} {
  func.func @_mid_body(%arg0: memref<2x10112x32xf32, #tpu.memory_space<vmem>>, %arg1: memref<1x32xf32, #tpu.memory_space<vmem>>, %arg2: memref<32x16xf32, #tpu.memory_space<vmem>>, %arg3: memref<10112x16xf32, #tpu.memory_space<vmem>>) attributes {dimension_semantics = [], scalar_prefetch = 0 : i64, scratch_operands = 0 : i64, tpu.core_type = #tpu.core_type<tc>} {
    %get3A = arith.constant 0 : index
    %get3A_0 = arith.constant 0 : index
    %get3A_1 = arith.constant 0 : index
    %get3A_2 = vector.load %arg0[%get3A, %get3A_0, %get3A_1] : memref<2x10112x32xf32, #tpu.memory_space<vmem>>, vector<1x10112x32xf32>
    %get3A_3 = vector.shape_cast %get3A_2 : vector<1x10112x32xf32> to vector<10112x32xf32>
    %get3A_4 = arith.constant 1 : index
    %get3A_5 = arith.constant 0 : index
    %get3A_6 = arith.constant 0 : index
    %get3A_7 = vector.load %arg0[%get3A_4, %get3A_5, %get3A_6] : memref<2x10112x32xf32, #tpu.memory_space<vmem>>, vector<1x10112x32xf32>
    %get3A_8 = vector.shape_cast %get3A_7 : vector<1x10112x32xf32> to vector<10112x32xf32>
    %add3A = arith.addf %get3A_3, %get3A_8 : vector<10112x32xf32>
    %get3A_9 = arith.constant 0 : index
    %get3A_10 = arith.constant 0 : index
    %get3A_11 = vector.load %arg1[%get3A_9, %get3A_10] : memref<1x32xf32, #tpu.memory_space<vmem>>, vector<1x32xf32>
    %add3A_12 = vector.broadcast %get3A_11 : vector<1x32xf32> to vector<10112x32xf32>
    %add3A_13 = arith.addf %add3A, %add3A_12 : vector<10112x32xf32>
    %max3A = arith.constant 0.000000e+00 : f32
    %max3A_14 = vector.broadcast %max3A : f32 to vector<10112x32xf32>
    %max3A_15 = arith.maximumf %add3A_13, %max3A_14 : vector<10112x32xf32>
    %get3A_16 = arith.constant 0 : index
    %get3A_17 = arith.constant 0 : index
    %get3A_18 = vector.load %arg2[%get3A_16, %get3A_17] : memref<32x16xf32, #tpu.memory_space<vmem>>, vector<32x16xf32>
    %dot_general3A = arith.constant dense<0.000000e+00> : vector<10112x16xf32>
    %dot_general3A_19 = tpu.matmul %max3A_15, %get3A_18, %dot_general3A {dimension_numbers = #tpu.dot_dimension_numbers<[1], [0], [0], [1], [0, 0, 1, 1], [], []>, transpose_lhs_hint = false} : vector<10112x32xf32>, vector<32x16xf32>, vector<10112x16xf32> -> vector<10112x16xf32>
    %swap3A = arith.constant 0 : index
    %swap3A_20 = arith.constant 0 : index
    %swap3A_21 = vector.load %arg3[%swap3A, %swap3A_20] : memref<10112x16xf32, #tpu.memory_space<vmem>>, vector<10112x16xf32>
    tpu.vector_store %arg3[%swap3A, %swap3A_20], %dot_general3A_19 {strides = array<i32>} : memref<10112x16xf32, #tpu.memory_space<vmem>>, vector<10112x16xf32>,
    return
  }
}

</mosaic_0001>

<sc_bundles>
// kernel: kernel.11.cloned.1.call-start
scs
__scs_entry_jumppad:
0x0: {  	(pc) =	sbr.rel $0x88, $3  }
0x1: {  	(tag) =	ssettag $0x0;
	lr =	simm.s32 $0x1  }
0x2: {  	[smem:$0x3F99] =	sst lr;
	_ =	strace $0xD0000000  }
0x3: {  	_ = 	snop  }
0x4: {  	_ = 	snop  }
0x5: {  	_ = 	snop  }
0x6: {  	_ = 	snop  }
0x7: {  	_ = 	snop  }
__scs_overlays_trampoline_lowered:
0x8: {  	[smem:$0x3FA8] =	sst s0  }
0x9: {  	[smem:$0x3FA9] =	sst s1  }
0xa: {  	[smem:$0x3FAA] =	sst s2  }
0xb: {  	[smem:$0x3FAB] =	sst s3  }
0xc: {  	[smem:$0x3FAC] =	sst s4  }
0xd: {  	[smem:$0x3FAD] =	sst s5  }
0xe: {  	[smem:$0x3FAE] =	sst s6  }
0xf: {  	[smem:$0x3FAF] =	sst s7  }
0x10: {  	[smem:$0x3FB0] =	sst s8  }
0x11: {  	[smem:$0x3FB1] =	sst s9;
	s0 =	simm.s32 @!p0 $0x0  }
0x12: {  	s1 =	sld [smem:$0x3F97];
	s0 =	simm.s32 @p0 $0x1  }
0x13: {  	[smem:$0x3FB2] =	sst s0;
	s0 =	simm.s32 @!p1 $0x0  }
0x14: {  	s2 =	sld [smem:$0x3F96];
	s0 =	simm.s32 @p1 $0x1  }
0x15: {  	[smem:$0x3FB3] =	sst s0;
	s0 =	simm.s32 @!p2 $0x0  }
0x16: {  	s3 =	sld [smem:$0x3FDB];
	s0 =	simm.s32 @p2 $0x1  }
0x17: {  	s4 =	simm.s32 $0x1BF5;
	[smem:$0x3FB5] =	sst s0  }
0x18: {  	s0 =	sld [smem:$0x3F98];
	_ =	swait.ge [sflag:s4], $0x0  }
0x19: {  	s7 =	sld [smem:$0x3F99]  }
0x1a: {  	s8 =	sadd.s32 $0xFFFFE003, lr  }
0x1b: {  	s9 =	sadd.s32 $0xFFFFFEF7, lr;
	s5 =	simm.s32 $0xFFFFFFFF;
	p2 =	slt.u32 s8, $0xFFFFF086  }
0x1c: {  	p1 =	slt.u32 s9, $0xF7A;
	s5 =	simm.s32 @!p2 $0x0  }
0x1d: {  	s5 =	simm.s32 @p1 $0x1;
	p0 =	seq.s32 s7, s2  }
0x1e: {  	s7 =	smul.u32 @!p0 $0xF7A, s2;
	p2 =	seq.s32 @!p0 s5, $0x0  }
0x1f: {  	s9 =	smul.u32 $0xF7A, s1;
	s8 =	simm.s32 @!p0 $0x1BF5;
	p2 =	por !p2, p0  }
0x20: {  	[sflag:s8] =	ssyncset.s32 @!p0 $0xFFFFF086;
	s6 =	sadd.s32 @!p0 s3, s7;
	s7 =	simm.s32 @!p0 $0x108  }
0x21: {  	s3 =	sadd.s32 s3, s9;
	s6 =	sadd.s32 @!p0 $0x88, s6;
	s7 =	simm.s32 @p2 $0x1082  }
0x22: {  	[simem:s7], [sflag:s8] =	dma.local @!p0 [hbm:s6], $0xF7A  }
0x23: {  	s9 =	sor.u32 $0xD0000000, s2;
	s6 =	simm.s32 $0x108;
	_ =	swait.ge @!p0 [sflag:s8], $0x0  }
0x24: {  	s3 =	sadd.s32 $0x88, s3;
	s6 =	simm.s32 @!p1 $0x1082;
	[sflag:s4] =	ssyncset.s32 $0xFFFFF086  }
0x25: {  	[simem:s6], [sflag:s4] =	dma.local [hbm:s3], $0xF7A  }
0x26: {  	[smem:$0x3F99] =	sst s1;
	(tag) =	ssettag s2;
	_ =	strace s9  }
0x27: {  	s1 =	sld [smem:$0x3FA9]  }
0x28: {  	s2 =	sld [smem:$0x3FAA]  }
0x29: {  	s4 =	sld [smem:$0x3FAC]  }
0x2a: {  	p0 =	seq.s32 s5, $0x0;
	s5 =	sld [smem:$0x3FAD]  }
0x2b: {  	s6 =	sld [smem:$0x3FAE]  }
0x2c: {  	s7 =	sld [smem:$0x3FAF]  }
0x2d: {  	s3 =	simm.s32 $0x108;
	s8 =	sld [smem:$0x3FB0]  }
0x2e: {  	s3 =	simm.s32 @!p0 $0x1082;
	s9 =	sld [smem:$0x3FB1]  }
0x2f: {  	lr =	sadd.s32 s0, s3;
	s0 =	sld [smem:$0x3FA8]  }
0x30: {  	s3 =	sld [smem:$0x3FAB]  }
0x31: {  	[smem:$0x3FB4] =	sst s10  }
0x32: {  	s10 =	sld [smem:$0x3FB2];
	_ =	sdelay $0x3  }
0x33: {  	p0 =	seq.s32 s10, $0x1;
	s10 =	sld [smem:$0x3FB4];
	_ =	sdelay $0x3  }
0x34: {  	[smem:$0x3FB4] =	sst s10  }
0x35: {  	s10 =	sld [smem:$0x3FB3];
	_ =	sdelay $0x3  }
0x36: {  	p1 =	seq.s32 s10, $0x1;
	s10 =	sld [smem:$0x3FB4];
	_ =	sdelay $0x3  }
0x37: {  	[smem:$0x3FB4] =	sst s10  }
0x38: {  	s10 =	sld [smem:$0x3FB5]  }
0x39: {  	_ = 	snop;
	(pc) =	sbr.ind lr, $3  }
0x3a: {  	_ = 	snop  }
0x3b: {  	_ = 	snop  }
0x3c: {  	p2 =	seq.s32 s10, $0x1;
	s10 =	sld [smem:$0x3FB4]  }
0x3d: {  	_ =	shalt  }
0x3e: {  	_ =	shalt  }
0x3f: {  	_ =	shalt  }
0x40: {  	_ =	shalt  }
0x41: {  	_ =	shalt  }
0x42: {  	_ =	shalt  }
0x43: {  	_ =	shalt  }
0x44: {  	_ =	shalt  }
0x45: {  	_ =	shalt  }
0x46: {  	_ =	shalt  }
0x47: {  	_ =	shalt  }
0x48: {  	_ =	shalt  }
0x49: {  	_ =	shalt  }
0x4a: {  	_ =	shalt  }
0x4b: {  	_ =	shalt  }
0x4c: {  	_ =	shalt  }
0x4d: {  	_ =	shalt  }
0x4e: {  	_ =	shalt  }
0x4f: {  	_ =	shalt  }
0x50: {  	_ =	shalt  }
0x51: {  	_ =	shalt  }
0x52: {  	_ =	shalt  }
0x53: {  	_ =	shalt  }
0x54: {  	_ =	shalt  }
0x55: {  	_ =	shalt  }
0x56: {  	_ =	shalt  }
0x57: {  	_ =	shalt  }
0x58: {  	_ =	shalt  }
0x59: {  	_ =	shalt  }
0x5a: {  	_ =	shalt  }
0x5b: {  	_ =	shalt  }
0x5c: {  	_ =	shalt  }
0x5d: {  	_ =	shalt  }
0x5e: {  	_ =	shalt  }
0x5f: {  	_ =	shalt  }
0x60: {  	_ =	shalt  }
0x61: {  	_ =	shalt  }
0x62: {  	_ =	shalt  }
0x63: {  	_ =	shalt  }
0x64: {  	_ =	shalt  }
0x65: {  	_ =	shalt  }
0x66: {  	_ =	shalt  }
0x67: {  	_ =	shalt  }
0x68: {  	_ =	shalt  }
0x69: {  	_ =	shalt  }
0x6a: {  	_ =	shalt  }
0x6b: {  	_ =	shalt  }
0x6c: {  	_ =	shalt  }
0x6d: {  	_ =	shalt  }
0x6e: {  	_ =	shalt  }
0x6f: {  	_ =	shalt  }
0x70: {  	_ =	shalt  }
0x71: {  	_ =	shalt  }
0x72: {  	_ =	shalt  }
0x73: {  	_ =	shalt  }
0x74: {  	_ =	shalt  }
0x75: {  	_ =	shalt  }
0x76: {  	_ =	shalt  }
0x77: {  	_ =	shalt  }
0x78: {  	_ =	shalt  }
0x79: {  	_ =	shalt  }
0x7a: {  	_ =	shalt  }
0x7b: {  	_ =	shalt  }
0x7c: {  	_ =	shalt  }
0x7d: {  	_ =	shalt  }
0x7e: {  	_ =	shalt  }
0x7f: {  	_ =	shalt  }
0x80: {  	_ =	shalt  }
0x81: {  	_ =	shalt  }
0x82: {  	_ =	shalt  }
0x83: {  	_ =	shalt  }
0x84: {  	_ =	shalt  }
0x85: {  	_ =	shalt  }
0x86: {  	_ =	shalt  }
0x87: {  	_ =	shalt  }
.Lfunc_end0:
.L_simem_size_0:
called_computation.1_lowered:
.L_overlay_start_0:
0x88: {  	s2 =	sld [smem:$0x3FD9]  }
0x89: {  	s3 =	sld [smem:$0x3FFE];
	_ =	sdelay $0x1  }
0x8a: {  	s1 =	srdreg.scid  }
0x8b: {  	s0 =	sand.u32 $0x1, s1  }
0x8c: {  	s16 =	sshll.u32 s0, $0xA;
	s2 =	sadd.s32 s3, s2  }
0x8d: {  	s2 =	sadd.s32 s2, s16  }
0x8e: {  	[smem:$0x3FC0] =	sst s2  }
0x8f: {  	_ = 	snop  }
0x90: {  	(tm) =	ssettm $0x1  }
0x91: {  	s17 =	sld [smem:$0x3FFB];
	_ =	sdelay $0x3  }
0x92: {  	_ =	strace s17  }
0x93: {  	s2 =	sld [smem:$0x3FFC];
	_ =	sdelay $0x3  }
0x94: {  	_ =	strace s2  }
0x95: {  	s2 =	sld [smem:$0x3FFD];
	_ =	sdelay $0x3  }
0x96: {  	_ =	strace s2  }
0x97: {  	_ =	strace $0x8FFFFFFF  }
0x98: {  	s18 =	sld [smem:$0x3FDB];
	_ =	sdelay $0x1  }
0x99: {  	s19 =	simm.s32 $_scs_section_size  }
0x9a: {  	s4 =	simm.s32 $_size__tile_overlayer_lowered;
	s5 =	simm.s32 $_tile_overlayer_lowered  }
0x9b: {  	s22 =	simm.s32 $0x1BFF;
	s21 =	sshll.u32 s5, $0x1;
	s2 =	sadd.s32 s19, s18  }
0x9c: {  	s6 =	simm.s32 $0x0;
	s20 =	sshll.u32 s4, $0x1;
	s4 =	sadd.s32 s21, s2  }
0x9d: {  	[timem:s6], [sflag:s22] =	dma.local [hbm:s4], s20  }
0x9e: {  	_ =	swait.ge [sflag:s22], s20  }
0x9f: {  	s3 =	ssub.s32 $0x0, s20;
	[sflag:s22] =	ssyncset.done $0x0  }
0xa0: {  	[sflag:s22] =	ssyncadd.s32 s3;
	_ =	sdelay $0x1  }
0xa1: {  	s23 =	simm.s32 $0x1B8B  }
0xa2: {  	_ =	swait.ge [sflag:s23], $0x1  }
0xa3: {  	[sflag:s23] =	ssyncset.done $0x0  }
0xa4: {  	s25 =	simm.s32 $0x1B8E;
	s24 =	sld [smem:$0x3FFE];
	[sflag:s23] =	ssyncadd.s32 $0xFFFFFFFF  }
0xa5: {  	s26 =	simm.s32 $execute0_lowered;
	[smem:$0x3FD2] =	sst s25  }
0xa6: {  	s4 =	sshll.u32 s26, $0x1;
	_ =	strace $0x80000049;
	[dreg:$0x1] =	wrdreg $0xFFFFFFFF  }
0xa7: {  	s28 =	simm.s32 $_size_execute0_lowered;
	s2 =	sadd.s32 s2, s4;
	[dreg:$0x0] =	wrdreg $0x0  }
0xa8: {  	s4 =	sshll.u32 s28, $0x1;
	[dreg:$0x2] =	wrdreg s2  }
0xa9: {  	[dreg:$0x3] =	wrdreg s4  }
0xaa: {  	[dreg:$0x4] =	wrdreg $0xC0  }
0xab: {  	_ =	task [dreg:s6], $0x5FFFF  }
0xac: {  	[dreg:$0x1] =	wrdreg $0xFFFFFFFF  }
0xad: {  	[dreg:$0x0] =	wrdreg $0x60  }
0xae: {  	[dreg:$0x2] =	wrdreg s24  }
0xaf: {  	[dreg:$0x3] =	wrdreg $0x135B00  }
0xb0: {  	[dreg:$0x4] =	wrdreg $0x184B00  }
0xb1: {  	[dreg:$0x5] =	wrdreg $0x9  }
0xb2: {  	_ =	task.clear_ibuf [dreg:s6], $0x6FFFF;
	_ =	strace $0x90000049  }
0xb3: {  	s29 =	simm.s32 $0x9;
	_ =	strace $0x8000004B  }
0xb4: {  	_ =	swait.ge [sflag:s29], $0x1  }
0xb5: {  	[sflag:s29] =	ssyncadd.s32 $0xFFFFFFFF  }
0xb6: {  	_ =	strace $0x9000004B  }
0xb7: {  	_ =	sfence  }
0xb8: {  	s30 =	sld [smem:$0x0];
	_ =	sdelay $0x2  }
0xb9: {  	s31 =	sshll.u32 s1, $0xD;
	s1 =	sshrl.u32 s1, $0x2  }
0xba: {  	s3 =	sand.u32 $0x4000, s31;
	s1 =	sadd.s32 s1, s30  }
0xbb: {  	s0 =	sor.u32 s3, s0;
	s1 =	sshll.u32 s1, $0x11  }
0xbc: {  	s0 =	sor.u32 s1, s0  }
0xbd: {  	s0 =	sadd.s32 $0x8F2B, s0  }
0xbe: {  	[sflag:s0] =	ssyncadd.remote.s32 $0x1  }
0xbf: {  	_ =	sfence.sel $0xFFFF  }
0xc0: {  	[dreg:$0x0] =	wrdreg $0xFFFFFFFF;
	(pc) =	sbr.abs _section_cstart, $3  }
0xc1: {  	[dreg:$0x1] =	wrdreg $0xFFFFFFFF  }
0xc2: {  	_ =	task.clear_ibuf [dreg:s6], $0x2FFFF;
	_ =	strace $0x9FFFFFFF  }
0xc3: {  	(tm) =	ssettm $0x7FFFFFFF  }
tec
execute0_lowered:
.L_overlay_start_1:
0x0: {  	(tag) =	ssettag $0x1  }
0x1: {  	s0 =	rddreg [dreg:$0x0]  }
0x2: {  	s2 =	rddreg [dreg:$0x1]  }
0x3: {  	s3 =	rddreg [dreg:$0x2];
	s1 =	srdreg.scid  }
0x4: {  	s8 =	stileid.u32;
	s6 =	simm.s32 $0x0;
	s16 =	simm.s32 $0x9000  }
0x5: {  	s17 =	simm.s32 $0x5;
	s20 =	simm.s32 $0x2800;
	s21 =	simm.s32 $0x80  }
0x6: {  	s22 =	simm.s32 $0x5000;
	s28 =	simm.s32 $0x8000;
	s29 =	simm.s32 $0x1  }
0x7: {  	s31 =	simm.s32 $0x3;
	s30 =	simm.s32 $0x0;
	s1 =	sand.u32 $0x1, s1  }
0x8: {  	s4 =	smul.u32 $0x4F00, s8;
	[smem:$0x7FF] =	sst s6;
	s5 =	sshll.u32 s1, $0x4  }
0x9: {  	s23 =	smul.u32 $0x4F000, s1;
	_ =	strace $0x8000004A;
	s9 =	ssub.s32 $0x2, s1  }
0xa: {  	p0 =	seq.s32 s1, $0x0;
	s5 =	sor.u32 s8, s5;
	s8 =	smul.u32 $0x278, s8  }
0xb: {  	s7 =	sshrl.u32 s4, $0x3;
	s10 =	sshrl.u32 s9, $0x1;
	s5 =	smul.u32 $0x500, s5  }
0xc: {  	s7 =	sadd.s32 s7, s0;
	s6 =	sadd.s32 s4, s23;
	s9 =	ssub.s32 s9, s10  }
0xd: {  	s23 =	simm.s32 $0x6000;
	s6 =	sshrl.u32 s6, $0x3;
	s24 =	sshrl.u32 s8, $0x3  }
0xe: {  	s7 =	sadd.s32 $0x16400, s7;
	s15 =	smax.u32 s9, $0x1;
	s5 =	sadd.s32 s5, s0  }
0xf: {  	s13 =	sadd.s32 s6, s0;
	s0 =	sadd.s32 s24, s0;
	s6 =	sadd.s32 s4, s2  }
0x10: {  	[dreg:$0x6] =	wrdreg s7;
	s4 =	sadd.s32 s4, s3;
	s7 =	simm.f32 $1.000000000e+00  }
0x11: {  	s24 =	simm.s32 $0x4;
	s25 =	sadd.s32 $0xBA00, s0;
	s26 =	sadd.s32 $0xBEF0, s0  }
0x12: {  	v0 =	vlaneseq.u32;
	[dreg:$0x7] =	wrdreg s4;
	s11 =	sadd.s32 $0xC400, s5;
	s12 =	sadd.s32 $0x1A00, s5  }
0x13: {  	v2 =	vmul.u32 $0xFFFFFFFF, v0;
	s7 =	simm.s32 @!p0 $0x0;
	s13 =	sadd.s32 $0x20200, s13;
	s14 =	sadd.s32 $0x33E00, s0  }
0x14: {  	p0 =	sne.s32 s1, $0x0;
	s4 =	simm.s32 $0x2;
	[dreg:$0x4] =	wrdreg s25  }
0x15: {  	v1 =	vimm.f32 $0.0e+00;
	v2 =	vadd.s32 $0x2710, v2;
	[dreg:$0x5] =	wrdreg s26;
	s25 =	simm.s32 $0x7000;
	v0 =	vmov s7;
	s26 =	simm.s32 $0xDF00  }
.LBB2_1:
0x16: {  	s0 =	simm.s32 $0x80;
	s1 =	simm.s32 $0x0  }
.LBB2_2:
0x17: {  	p1 =	sne.s32 s0, $0x13B80;
	[tilespmem:s1+$0x9000] =	vst v1;
	s5 =	smov.u32 s0;
	s0 =	sadd.s32 $0x80, s0  }
.Ltmp0:
0x18: {  	[tilespmem:s1+$0x9010] =	vst v1;
	(pc) =	sbr.rel @p1 .LBB2_2-.Ltmp0, $2  }
0x19: {  	_ =	sdelay $0x2  }
0x1a: {  	s1 =	sshra.s32 s5, $0x2  }
0x1b: {  	[tilespmem:s1+$0x9000] =	vst v1  }
0x1c: {  	[tilespmem:s1+$0x9010] =	vst v1  }
0x1d: {  	[spmem:s6] =	stream.linear.scatter [tilespmem:s16], [sflag:$0x5], $0x4F00, $0x38;
	[tilespmem:$0x1D3B0] =	vst v63  }
0x1e: {  	_ =	swait.ge [sflag:s17], $0x4F00  }
0x1f: {  	s0 =	simm.s32 $0x0;
	[sflag:s17] =	ssyncset.done $0x0  }
0x20: {  	s5 =	simm.s32 $0x13090;
	s10 =	rddreg [dreg:$0x4];
	[sflag:s17] =	ssyncadd.s32 $0xFFFFB100  }
0x21: {  	[tilespmem:s5], [sflag:$0x5] =	stream.linear.gather [hbm4b:s10+s0], $0x278, $0x38;
	[tilespmem:$0x1D3B0] =	vst v63  }
0x22: {  	_ =	swait.ge [sflag:s17], $0x278  }
0x23: {  	[sflag:s17] =	ssyncset.done $0x0  }
0x24: {  	s19 =	simm.s32 $0x13320;
	s18 =	rddreg [dreg:$0x5];
	[sflag:s17] =	ssyncadd.s32 $0xFFFFFD88  }
0x25: {  	[tilespmem:s19], [sflag:$0x5] =	stream.linear.gather [hbm4b:s18+s0], $0x278, $0x38;
	[tilespmem:$0x1D3B0] =	vst v63  }
0x26: {  	_ =	swait.ge [sflag:s17], $0x278  }
0x27: {  	[sflag:s17] =	ssyncset.done $0x0  }
0x28: {  	s18 =	simm.s32 $0x0;
	[sflag:s17] =	ssyncadd.s32 $0xFFFFFD88  }
0x29: {  	v3 =	vld [tilespmem:s18+$0x13090]  }
0x2a: {  	v4 =	vld [tilespmem:s18+$0x13320];
	_ =	sdelay $0x2  }
0x2b: {  	s0 =	simm.s32 $0x10  }
0x2c: {  	v5 =	vld [tilespmem:s0+$0x13090]  }
0x2d: {  	v3 =	vadd.f32 v4, v3;
	v4 =	vld [tilespmem:s0+$0x13320];
	_ =	sdelay $0x1  }
0x2e: {  	v3 =	vadd.f32 $1.000000000e+00, v3  }
0x2f: {  	s1 =	simm.s32 $0x20  }
0x30: {  	v7 =	vld [tilespmem:s1+$0x13090];
	v6 =	vshra.s32 v3, $0x1;
	v8 =	vmul.f32 $5.000000000e-01, v3  }
0x31: {  	v3 =	vadd.f32 v4, v5;
	v4 =	vsub.s32 $0x5F3759DF, v6;
	v5 =	vld [tilespmem:s1+$0x13320]  }
0x32: {  	v6 =	vmul.f32 v4, v8  }
0x33: {  	v3 =	vadd.f32 $1.000000000e+00, v3  }
0x34: {  	s19 =	simm.s32 $0x30;
	v6 =	vmul.f32 v4, v6  }
0x35: {  	v10 =	vld [tilespmem:s19+$0x13090];
	v9 =	vshra.s32 v3, $0x1  }
0x36: {  	v5 =	vadd.f32 v5, v7;
	v7 =	vsub.s32 $0x5F3759DF, v9;
	v9 =	vld [tilespmem:s19+$0x13320];
	v6 =	vsub.f32 $1.500000000e+00, v6  }
0x37: {  	v3 =	vmul.f32 $5.000000000e-01, v3  }
0x38: {  	v4 =	vmul.f32 v4, v6  }
0x39: {  	v11 =	vmul.f32 v7, v3  }
0x3a: {  	v5 =	vadd.f32 $1.000000000e+00, v5;
	v8 =	vmul.f32 v4, v8  }
0x3b: {  	s7 =	simm.s32 $0x40;
	v11 =	vmul.f32 v7, v11;
	v9 =	vadd.f32 v9, v10  }
0x3c: {  	v6 =	vshra.s32 v5, $0x1;
	v5 =	vmul.f32 $5.000000000e-01, v5;
	v12 =	vmul.f32 v8, v4;
	v8 =	vld [tilespmem:s7+$0x13090]  }
0x3d: {  	v6 =	vsub.s32 $0x5F3759DF, v6;
	v11 =	vsub.f32 $1.500000000e+00, v11;
	v10 =	vadd.f32 $1.000000000e+00, v9;
	v9 =	vld [tilespmem:s7+$0x13320]  }
0x3e: {  	v13 =	vmul.f32 v6, v5  }
0x3f: {  	v14 =	vmov s8;
	v7 =	vmul.f32 v7, v11;
	v11 =	vsub.f32 $1.500000000e+00, v12  }
0x40: {  	s9 =	simm.s32 $0x140;
	vm0 =	vlt.u32 v14, v2;
	s5 =	smov.u32 s8;
	v12 =	vmul.f32 v6, v13  }
.LBB2_4:
0x41: {  	s10 =	sshra.s32 s9, $0x2;
	v13 =	vshra.s32 v10, $0x1;
	v14 =	vmul.f32 v7, v3;
	v11 =	vmul.f32 v11, v4;
	v3 =	vmovc v5;
	v4 =	vmovc v7;
	p1 =	sne.s32 s9, $0x9C0  }
.Ltmp1:
0x42: {  	v5 =	vmul.f32 $5.000000000e-01, v10;
	v7 =	vadd.f32 v9, v8;
	v8 =	vld [tilespmem:s10+$0x13090];
	v13 =	vsub.s32 $0x5F3759DF, v13;
	(pc) =	sbr.rel @p1 .LBB2_4-.Ltmp1, $4  }
0x43: {  	s5 =	sadd.s32 $0x10, s5;
	v12 =	vsub.f32 $1.500000000e+00, v12;
	v9 =	vld [tilespmem:s10+$0x13320];
	v14 =	vmul.f32 v14, v4;
	v10 =	vnsel vm0, $0x0, v11  }
0x44: {  	v16 =	vmov s5;
	v15 =	vmul.f32 v13, v5;
	[tilespmem:s18+$0x12E00] =	vst v10;
	s18 =	smov.u32 s0;
	s0 =	smov.u32 s1;
	s1 =	smov.u32 s19  }
0x45: {  	s9 =	sadd.s32 $0x40, s9;
	v10 =	vadd.f32 $1.000000000e+00, v7;
	v7 =	vmul.f32 v6, v12;
	v6 =	vmovc v13;
	s19 =	smov.u32 s7;
	v11 =	vsub.f32 $1.500000000e+00, v14  }
0x46: {  	vm0 =	vlt.u32 v16, v2;
	s7 =	smov.u32 s10;
	v12 =	vmul.f32 v6, v15  }
0x47: {  	_ = 	snop  }
0x48: {  	v8 =	vadd.f32 v9, v8;
	_ =	sdelay $0x1  }
0x49: {  	v8 =	vadd.f32 $1.000000000e+00, v8  }
0x4a: {  	v56 =	vshra.s32 v10, $0x1;
	v57 =	vmul.f32 $5.000000000e-01, v10  }
0x4b: {  	v9 =	vsub.s32 $0x5F3759DF, v56;
	v13 =	vshra.s32 v8, $0x1;
	v8 =	vmul.f32 $5.000000000e-01, v8  }
0x4c: {  	v14 =	vmul.f32 v9, v57;
	v13 =	vsub.s32 $0x5F3759DF, v13  }
0x4d: {  	v15 =	vmul.f32 v13, v8  }
0x4e: {  	v12 =	vsub.f32 $1.500000000e+00, v12;
	v14 =	vmul.f32 v9, v14  }
0x4f: {  	v15 =	vmul.f32 v13, v15  }
0x50: {  	v6 =	vmul.f32 v6, v12;
	v58 =	vsub.f32 $1.500000000e+00, v14  }
0x51: {  	v4 =	vmul.f32 v11, v4;
	v3 =	vmul.f32 v7, v3;
	v59 =	vsub.f32 $1.500000000e+00, v15  }
0x52: {  	v5 =	vmul.f32 v6, v5;
	v9 =	vmul.f32 v9, v58  }
0x53: {  	v3 =	vmul.f32 v3, v7;
	v11 =	vmul.f32 v13, v59  }
0x54: {  	s5 =	sadd.s32 $0x10, s5;
	v5 =	vmul.f32 v5, v6;
	v10 =	vmul.f32 v9, v57  }
0x55: {  	v60 =	vmov s5;
	v3 =	vsub.f32 $1.500000000e+00, v3;
	v8 =	vmul.f32 v11, v8  }
0x56: {  	v4 =	vnsel vm0, $0x0, v4;
	v5 =	vsub.f32 $1.500000000e+00, v5;
	v10 =	vmul.f32 v10, v9  }
0x57: {  	s5 =	sadd.s32 $0x10, s5;
	vm12 =	vlt.u32 v60, v2;
	v3 =	vmul.f32 v3, v7;
	v61 =	vmul.f32 v8, v11  }
0x58: {  	v62 =	vmov s5;
	v5 =	vmul.f32 v5, v6;
	v63 =	vsub.f32 $1.500000000e+00, v10  }
0x59: {  	s5 =	sadd.s32 $0x10, s5;
	vm13 =	vlt.u32 v62, v2;
	v3 =	vnsel vm12, $0x0, v3;
	v7 =	vsub.f32 $1.500000000e+00, v61  }
0x5a: {  	[tilespmem:s18+$0x12E00] =	vst v4;
	v4 =	vnsel vm13, $0x0, v5;
	v5 =	vmov s5;
	s5 =	sadd.s32 $0x10, s5;
	v6 =	vmul.f32 v63, v9  }
0x5b: {  	[tilespmem:s0+$0x12E00] =	vst v3;
	vm14 =	vlt.u32 v5, v2;
	v3 =	vmov s5;
	v5 =	vmul.f32 v7, v11  }
0x5c: {  	[tilespmem:s1+$0x12E00] =	vst v4;
	vm15 =	vlt.u32 v3, v2;
	v4 =	vnsel vm14, $0x0, v6  }
0x5d: {  	[tilespmem:s19+$0x12E00] =	vst v4;
	v3 =	vnsel vm15, $0x0, v5  }
0x5e: {  	s18 =	simm.s32 $0x0;
	s19 =	rddreg [dreg:$0x6];
	[tilespmem:s7+$0x12E00] =	vst v3  }
0x5f: {  	[tilespmem:s16], [sflag:$0x5] =	stream.linear.gather [hbm4b:s19+s18], $0x4F00, $0x38;
	[tilespmem:$0x1D3B0] =	vst v63  }
0x60: {  	_ =	swait.ge [sflag:s17], $0x4F00  }
0x61: {  	[sflag:s17] =	ssyncset.done $0x0  }
0x62: {  	s0 =	simm.s32 $0x9010;
	[sflag:s17] =	ssyncadd.s32 $0xFFFFB100  }
0x63: {  	s5 =	simm.s32 $0x4;
	s1 =	simm.s32 $0x9010;
	s7 =	simm.s32 $0x0;
	v3 =	vld [tilespmem:s0+$0xFFFFFFF0]  }
.LBB2_6:
0x64: {  	p1 =	sne.s32 s5, $0x9DC;
	v4 =	vld.msk [tilespmem:s7+$0x12E00 ss:$0x0], $0xffff  }
0x65: {  	v5 =	vld [tilespmem:s0+$0x0];
	_ =	sdelay $0x3  }
.Ltmp2:
0x66: {  	(pc) =	sbr.rel @p1 .LBB2_6-.Ltmp2, $3  }
0x67: {  	v3 =	vmul.f32 v4, v3;
	v4 =	vmul.f32 v5, v4;
	_ =	sdelay $0x1  }
0x68: {  	s0 =	sadd.s32 $0x20, s0;
	[tilespmem:s1+$0xFFFFFFF0] =	vst v3  }
0x69: {  	s7 =	sshra.s32 s5, $0x2;
	s5 =	sadd.s32 $0x4, s5;
	v3 =	vld [tilespmem:s0+$0xFFFFFFF0];
	[tilespmem:s1+$0x0] =	vst v4;
	s1 =	smov.u32 s0  }
0x6a: {  	v4 =	vld.msk [tilespmem:s7+$0x12E00 ss:$0x0], $0xffff  }
0x6b: {  	v5 =	vld [tilespmem:s0+$0x0];
	_ =	sdelay $0x3  }
0x6c: {  	v3 =	vmul.f32 v4, v3  }
0x6d: {  	v4 =	vmul.f32 v5, v4  }
0x6e: {  	[tilespmem:s1+$0xFFFFFFF0] =	vst v3  }
0x6f: {  	s18 =	rddreg [dreg:$0x7];
	[tilespmem:s1+$0x0] =	vst v4  }
0x70: {  	[spmem:s18] =	stream.linear.scatter [tilespmem:s16], [sflag:$0x5], $0x4F00, $0x38;
	[tilespmem:$0x1D3B0] =	vst v63  }
0x71: {  	_ =	swait.ge [sflag:s17], $0x4F00  }
0x72: {  	[sflag:s17] =	ssyncset.done $0x0  }
0x73: {  	s19 =	simm.s32 $0x0;
	[sflag:s17] =	ssyncadd.s32 $0xFFFFB100  }
0x74: {  	[tilespmem:s19], [sflag:$0x5] =	stream.linear.gather [hbm4b:s11+s19], $0x2800, $0x38;
	[tilespmem:$0x1D3B0] =	vst v63  }
0x75: {  	_ =	swait.ge [sflag:s17], $0x2800  }
0x76: {  	[sflag:s17] =	ssyncset.done $0x0  }
0x77: {  	[sflag:s17] =	ssyncadd.s32 $0xFFFFD800  }
0x78: {  	[tilespmem:s20], [sflag:$0x5] =	stream.linear.gather [hbm4b:s12+s19], $0x2800, $0x38;
	[tilespmem:$0x1D3B0] =	vst v63  }
0x79: {  	_ =	swait.ge [sflag:s17], $0x2800  }
0x7a: {  	[sflag:s17] =	ssyncset.done $0x0  }
0x7b: {  	[sflag:s17] =	ssyncadd.s32 $0xFFFFD800  }
0x7c: {  	[bflag:$0x0] =	sbarrier.arrive $0xFFFF  }
0x7d: {  	[tilespmem:s22], [sflag:$0x1] =	stream.indirect.gather [spmem:s3], $0x20, s19, s21, $0xb8;
	[tilespmem:$0x1D3B0] =	vst v63  }
0x7e: {  	_ = 	snop  }
0x7f: {  	[tilespmem:s23], [sflag:$0x1] =	stream.indirect.gather [spmem:s3], $0x20, s21, s21, $0xb8;
	[tilespmem:$0x1D3B0] =	vst v63  }
0x80: {  	s1 =	simm.s32 $0x100  }
0x81: {  	[tilespmem:s25], [sflag:$0x2] =	stream.indirect.gather [spmem:s3], $0x20, s1, s21, $0xb8;
	[tilespmem:$0x1D3B0] =	vst v63  }
0x82: {  	s5 =	simm.s32 $0x180  }
0x83: {  	[tilespmem:s28], [sflag:$0x2] =	stream.indirect.gather [spmem:s3], $0x20, s5, s21, $0xb8;
	[tilespmem:$0x1D3B0] =	vst v63  }
0x84: {  	_ =	swait.ge [sflag:s29], $0x1000  }
0x85: {  	[sflag:s29] =	ssyncset.done $0x0  }
0x86: {  	[sflag:s29] =	ssyncadd.s32 $0xFFFFF000  }
0x87: {  	_ =	swait.ge [sflag:s29], $0x1000  }
0x88: {  	[sflag:s29] =	ssyncset.done $0x0  }
0x89: {  	[sflag:s29] =	ssyncadd.s32 $0xFFFFF000  }
0x8a: {  	[spmem:s2] =	stream.indirect.scatter.add.f32 [tilespmem:s22], [sflag:$0x3], $0x20, s20, s21, $0xb8;
	[tilespmem:$0x1D3B0] =	vst v63  }
0x8b: {  	s7 =	simm.s32 $0x2880  }
0x8c: {  	[spmem:s2] =	stream.indirect.scatter.add.f32 [tilespmem:s23], [sflag:$0x3], $0x20, s7, s21, $0xb8;
	[tilespmem:$0x1D3B0] =	vst v63  }
0x8d: {  	_ =	swait.ge [sflag:s31], $0x1000  }
0x8e: {  	[sflag:s31] =	ssyncset.done $0x0  }
0x8f: {  	[sflag:s31] =	ssyncadd.s32 $0xFFFFF000  }
0x90: {  	_ =	swait.ge [sflag:s31], $0x1000  }
0x91: {  	[sflag:s31] =	ssyncset.done $0x0  }
0x92: {  	s9 =	simm.s32 $0x200;
	[sflag:s31] =	ssyncadd.s32 $0xFFFFF000  }
0x93: {  	[tilespmem:s22], [sflag:$0x1] =	stream.indirect.gather [spmem:s3], $0x20, s9, s21, $0xb8;
	[tilespmem:$0x1D3B0] =	vst v63  }
0x94: {  	s10 =	simm.s32 $0x280  }
0x95: {  	[tilespmem:s23], [sflag:$0x1] =	stream.indirect.gather [spmem:s3], $0x20, s10, s21, $0xb8;
	[tilespmem:$0x1D3B0] =	vst v63  }
0x96: {  	_ =	swait.ge [sflag:s4], $0x1000  }
0x97: {  	[sflag:s4] =	ssyncset.done $0x0  }
0x98: {  	[sflag:s4] =	ssyncadd.s32 $0xFFFFF000  }
0x99: {  	_ =	swait.ge [sflag:s4], $0x1000  }
0x9a: {  	[sflag:s4] =	ssyncset.done $0x0  }
0x9b: {  	s18 =	simm.s32 $0x2900;
	[sflag:s4] =	ssyncadd.s32 $0xFFFFF000  }
0x9c: {  	[spmem:s2] =	stream.indirect.scatter.add.f32 [tilespmem:s25], [sflag:$0x4], $0x20, s18, s21, $0xb8;
	[tilespmem:$0x1D3B0] =	vst v63  }
0x9d: {  	s19 =	simm.s32 $0x2980  }
0x9e: {  	[spmem:s2] =	stream.indirect.scatter.add.f32 [tilespmem:s28], [sflag:$0x4], $0x20, s19, s21, $0xb8;
	[tilespmem:$0x1D3B0] =	vst v63  }
0x9f: {  	_ =	swait.ge [sflag:s24], $0x1000  }
0xa0: {  	[sflag:s24] =	ssyncset.done $0x0  }
0xa1: {  	[sflag:s24] =	ssyncadd.s32 $0xFFFFF000  }
0xa2: {  	_ =	swait.ge [sflag:s24], $0x1000  }
0xa3: {  	[sflag:s24] =	ssyncset.done $0x0  }
0xa4: {  	s1 =	simm.s32 $0x300;
	[sflag:s24] =	ssyncadd.s32 $0xFFFFF000  }
0xa5: {  	[tilespmem:s25], [sflag:$0x2] =	stream.indirect.gather [spmem:s3], $0x20, s1, s21, $0xb8;
	[tilespmem:$0x1D3B0] =	vst v63  }
0xa6: {  	s5 =	simm.s32 $0x380  }
0xa7: {  	[tilespmem:s28], [sflag:$0x2] =	stream.indirect.gather [spmem:s3], $0x20, s5, s21, $0xb8;
	[tilespmem:$0x1D3B0] =	vst v63  }
0xa8: {  	_ =	swait.ge [sflag:s29], $0x1000  }
0xa9: {  	[sflag:s29] =	ssyncset.done $0x0  }
0xaa: {  	[sflag:s29] =	ssyncadd.s32 $0xFFFFF000  }
0xab: {  	_ =	swait.ge [sflag:s29], $0x1000  }
0xac: {  	[sflag:s29] =	ssyncset.done $0x0  }
0xad: {  	s7 =	simm.s32 $0x2A00;
	[sflag:s29] =	ssyncadd.s32 $0xFFFFF000  }
0xae: {  	[spmem:s2] =	stream.indirect.scatter.add.f32 [tilespmem:s22], [sflag:$0x3], $0x20, s7, s21, $0xb8;
	[tilespmem:$0x1D3B0] =	vst v63  }
0xaf: {  	s9 =	simm.s32 $0x2A80  }
0xb0: {  	[spmem:s2] =	stream.indirect.scatter.add.f32 [tilespmem:s23], [sflag:$0x3], $0x20, s9, s21, $0xb8;
	[tilespmem:$0x1D3B0] =	vst v63  }
0xb1: {  	_ =	swait.ge [sflag:s31], $0x1000  }
0xb2: {  	[sflag:s31] =	ssyncset.done $0x0  }
0xb3: {  	[sflag:s31] =	ssyncadd.s32 $0xFFFFF000  }
0xb4: {  	_ =	swait.ge [sflag:s31], $0x1000  }
0xb5: {  	[sflag:s31] =	ssyncset.done $0x0  }
0xb6: {  	s10 =	simm.s32 $0x400;
	[sflag:s31] =	ssyncadd.s32 $0xFFFFF000  }
0xb7: {  	[tilespmem:s22], [sflag:$0x1] =	stream.indirect.gather [spmem:s3], $0x20, s10, s21, $0xb8;
	[tilespmem:$0x1D3B0] =	vst v63  }
0xb8: {  	s18 =	simm.s32 $0x480  }
0xb9: {  	[tilespmem:s23], [sflag:$0x1] =	stream.indirect.gather [spmem:s3], $0x20, s18, s21, $0xb8;
	[tilespmem:$0x1D3B0] =	vst v63  }
0xba: {  	_ =	swait.ge [sflag:s4], $0x1000  }
0xbb: {  	[sflag:s4] =	ssyncset.done $0x0  }
0xbc: {  	[sflag:s4] =	ssyncadd.s32 $0xFFFFF000  }
0xbd: {  	_ =	swait.ge [sflag:s4], $0x1000  }
0xbe: {  	s0 =	simm.s32 $0x800;
	[sflag:s4] =	ssyncset.done $0x0  }
0xbf: {  	s19 =	simm.s32 $0x2B00;
	s1 =	simm.s32 $0x2B80;
	[sflag:s4] =	ssyncadd.s32 $0xFFFFF000  }
0xc0: {  	[spmem:s2] =	stream.indirect.scatter.add.f32 [tilespmem:s25], [sflag:$0x4], $0x20, s19, s21, $0xb8;
	[tilespmem:$0x1D3B0] =	vst v63  }
.LBB2_8:
0xc1: {  	[spmem:s2] =	stream.indirect.scatter.add.f32 [tilespmem:s28], [sflag:$0x4], $0x20, s1, s21, $0xb8;
	[tilespmem:$0x1D3B0] =	vst v63  }
0xc2: {  	s1 =	smov.u32 s0  }
0xc3: {  	p1 =	sne.s32 s0, $0x8800;
	s0 =	sadd.s32 $0x800, s0;
	_ =	swait.ge [sflag:s24], $0x1000  }
0xc4: {  	[sflag:s24] =	ssyncset.done $0x0  }
0xc5: {  	[sflag:s24] =	ssyncadd.s32 $0xFFFFF000  }
0xc6: {  	_ =	swait.ge [sflag:s24], $0x1000  }
0xc7: {  	s1 =	sshra.s32 s1, $0x2;
	[sflag:s24] =	ssyncset.done $0x0  }
0xc8: {  	s5 =	sadd.s32 $0x300, s1;
	[sflag:s24] =	ssyncadd.s32 $0xFFFFF000  }
0xc9: {  	[tilespmem:s25], [sflag:$0x2] =	stream.indirect.gather [spmem:s3], $0x20, s5, s21, $0xb8;
	[tilespmem:$0x1D3B0] =	vst v63  }
0xca: {  	s5 =	sadd.s32 $0x380, s1  }
0xcb: {  	[tilespmem:s28], [sflag:$0x2] =	stream.indirect.gather [spmem:s3], $0x20, s5, s21, $0xb8;
	[tilespmem:$0x1D3B0] =	vst v63  }
0xcc: {  	_ =	swait.ge [sflag:s29], $0x1000  }
0xcd: {  	[sflag:s29] =	ssyncset.done $0x0  }
0xce: {  	[sflag:s29] =	ssyncadd.s32 $0xFFFFF000  }
0xcf: {  	_ =	swait.ge [sflag:s29], $0x1000  }
0xd0: {  	[sflag:s29] =	ssyncset.done $0x0  }
0xd1: {  	s5 =	sadd.s32 $0x2A00, s1;
	[sflag:s29] =	ssyncadd.s32 $0xFFFFF000  }
0xd2: {  	[spmem:s2] =	stream.indirect.scatter.add.f32 [tilespmem:s22], [sflag:$0x3], $0x20, s5, s21, $0xb8;
	[tilespmem:$0x1D3B0] =	vst v63  }
0xd3: {  	s5 =	sadd.s32 $0x2A80, s1  }
0xd4: {  	[spmem:s2] =	stream.indirect.scatter.add.f32 [tilespmem:s23], [sflag:$0x3], $0x20, s5, s21, $0xb8;
	[tilespmem:$0x1D3B0] =	vst v63  }
0xd5: {  	_ =	swait.ge [sflag:s31], $0x1000  }
0xd6: {  	[sflag:s31] =	ssyncset.done $0x0  }
0xd7: {  	[sflag:s31] =	ssyncadd.s32 $0xFFFFF000  }
0xd8: {  	_ =	swait.ge [sflag:s31], $0x1000  }
0xd9: {  	[sflag:s31] =	ssyncset.done $0x0  }
0xda: {  	s5 =	sadd.s32 $0x400, s1;
	[sflag:s31] =	ssyncadd.s32 $0xFFFFF000  }
0xdb: {  	[tilespmem:s22], [sflag:$0x1] =	stream.indirect.gather [spmem:s3], $0x20, s5, s21, $0xb8;
	[tilespmem:$0x1D3B0] =	vst v63  }
0xdc: {  	s5 =	sadd.s32 $0x480, s1  }
0xdd: {  	[tilespmem:s23], [sflag:$0x1] =	stream.indirect.gather [spmem:s3], $0x20, s5, s21, $0xb8;
	[tilespmem:$0x1D3B0] =	vst v63  }
0xde: {  	_ =	swait.ge [sflag:s4], $0x1000  }
0xdf: {  	[sflag:s4] =	ssyncset.done $0x0  }
0xe0: {  	[sflag:s4] =	ssyncadd.s32 $0xFFFFF000  }
.Ltmp3:
0xe1: {  	_ =	swait.ge [sflag:s4], $0x1000;
	(pc) =	sbr.rel @p1 .LBB2_8-.Ltmp3, $4  }
0xe2: {  	[sflag:s4] =	ssyncset.done $0x0  }
0xe3: {  	s5 =	sadd.s32 $0x2B00, s1;
	[sflag:s4] =	ssyncadd.s32 $0xFFFFF000  }
0xe4: {  	[spmem:s2] =	stream.indirect.scatter.add.f32 [tilespmem:s25], [sflag:$0x4], $0x20, s5, s21, $0xb8;
	[tilespmem:$0x1D3B0] =	vst v63  }
0xe5: {  	s1 =	sadd.s32 $0x2B80, s1  }
0xe6: {  	[spmem:s2] =	stream.indirect.scatter.add.f32 [tilespmem:s28], [sflag:$0x4], $0x20, s1, s21, $0xb8;
	[tilespmem:$0x1D3B0] =	vst v63  }
0xe7: {  	_ =	swait.ge [sflag:s24], $0x1000  }
0xe8: {  	[sflag:s24] =	ssyncset.done $0x0  }
0xe9: {  	[sflag:s24] =	ssyncadd.s32 $0xFFFFF000  }
0xea: {  	_ =	swait.ge [sflag:s24], $0x1000  }
0xeb: {  	[sflag:s24] =	ssyncset.done $0x0  }
0xec: {  	s0 =	simm.s32 $0x2700;
	[sflag:s24] =	ssyncadd.s32 $0xFFFFF000  }
0xed: {  	[tilespmem:s25], [sflag:$0x2] =	stream.indirect.gather [spmem:s3], $0x20, s0, s21, $0xb8;
	[tilespmem:$0x1D3B0] =	vst v63  }
0xee: {  	s7 =	simm.s32 $0x2780  }
0xef: {  	[tilespmem:s28], [sflag:$0x2] =	stream.indirect.gather [spmem:s3], $0x20, s7, s21, $0xb8;
	[tilespmem:$0x1D3B0] =	vst v63  }
0xf0: {  	_ =	swait.ge [sflag:s29], $0x1000  }
0xf1: {  	[sflag:s29] =	ssyncset.done $0x0  }
0xf2: {  	[sflag:s29] =	ssyncadd.s32 $0xFFFFF000  }
0xf3: {  	_ =	swait.ge [sflag:s29], $0x1000  }
0xf4: {  	[sflag:s29] =	ssyncset.done $0x0  }
0xf5: {  	s9 =	simm.s32 $0x4E00;
	[sflag:s29] =	ssyncadd.s32 $0xFFFFF000  }
0xf6: {  	[spmem:s2] =	stream.indirect.scatter.add.f32 [tilespmem:s22], [sflag:$0x3], $0x20, s9, s21, $0xb8;
	[tilespmem:$0x1D3B0] =	vst v63  }
0xf7: {  	s10 =	simm.s32 $0x4E80  }
0xf8: {  	[spmem:s2] =	stream.indirect.scatter.add.f32 [tilespmem:s23], [sflag:$0x3], $0x20, s10, s21, $0xb8;
	[tilespmem:$0x1D3B0] =	vst v63  }
0xf9: {  	_ =	swait.ge [sflag:s31], $0x1000  }
0xfa: {  	[sflag:s31] =	ssyncset.done $0x0  }
0xfb: {  	[sflag:s31] =	ssyncadd.s32 $0xFFFFF000  }
0xfc: {  	_ =	swait.ge [sflag:s31], $0x1000  }
0xfd: {  	[sflag:s31] =	ssyncset.done $0x0  }
0xfe: {  	[sflag:s31] =	ssyncadd.s32 $0xFFFFF000  }
0xff: {  	_ =	swait.ge [sflag:s4], $0x1000  }
0x100: {  	[sflag:s4] =	ssyncset.done $0x0  }
0x101: {  	[sflag:s4] =	ssyncadd.s32 $0xFFFFF000  }
0x102: {  	_ =	swait.ge [sflag:s4], $0x1000  }
0x103: {  	[sflag:s4] =	ssyncset.done $0x0  }
0x104: {  	s18 =	simm.s32 $0x4F00;
	[sflag:s4] =	ssyncadd.s32 $0xFFFFF000  }
0x105: {  	[spmem:s2] =	stream.indirect.scatter.add.f32 [tilespmem:s25], [sflag:$0x4], $0x20, s18, s21, $0xb8;
	[tilespmem:$0x1D3B0] =	vst v63  }
0x106: {  	s19 =	simm.s32 $0x4F80  }
0x107: {  	[spmem:s2] =	stream.indirect.scatter.add.f32 [tilespmem:s28], [sflag:$0x4], $0x20, s19, s21, $0xb8;
	[tilespmem:$0x1D3B0] =	vst v63  }
0x108: {  	_ =	swait.ge [sflag:s24], $0x1000  }
0x109: {  	[sflag:s24] =	ssyncset.done $0x0  }
0x10a: {  	[sflag:s24] =	ssyncadd.s32 $0xFFFFF000  }
0x10b: {  	_ =	swait.ge [sflag:s24], $0x1000  }
0x10c: {  	[sflag:s24] =	ssyncset.done $0x0  }
0x10d: {  	[sflag:s24] =	ssyncadd.s32 $0xFFFFF000  }
0x10e: {  	[bflag:$0x0] =	sbarrier.arrive $0xFFFF  }
0x10f: {  	[tilespmem:s26], [sflag:$0x5] =	stream.linear.gather [spmem:s6], $0x4F00, $0x38;
	[tilespmem:$0x1D3B0] =	vst v63  }
0x110: {  	_ =	swait.ge [sflag:s17], $0x4F00  }
0x111: {  	[sflag:s17] =	ssyncset.done $0x0  }
0x112: {  	s0 =	simm.s32 $0x0;
	[sflag:s17] =	ssyncadd.s32 $0xFFFFB100  }
0x113: {  	v4 =	vld [tilespmem:s0+$0x9000]  }
0x114: {  	v5 =	vld [tilespmem:s0+$0xDF00]  }
0x115: {  	s1 =	simm.s32 $0x12E00;
	v6 =	vld [tilespmem:s0+$0x9010]  }
0x116: {  	v3 =	vld.msk [tilespmem:s1+$0x0 ss:$0x0], $0xffff  }
0x117: {  	v7 =	vld [tilespmem:s0+$0xDF10]  }
0x118: {  	v4 =	vmul.f32 v4, v0;
	_ =	sdelay $0x1  }
0x119: {  	v4 =	vadd.f32 v4, v5;
	v5 =	vmul.f32 v6, v0;
	_ =	sdelay $0x1  }
0x11a: {  	s5 =	simm.s32 $0x100;
	s7 =	simm.s32 $0x20;
	v4 =	vmul.f32 v4, v3;
	v5 =	vadd.f32 v5, v7  }
.LBB2_10:
0x11b: {  	p1 =	sne.s32 s5, $0x13B80  }
0x11c: {  	v6 =	vld [tilespmem:s7+$0x9000];
	[tilespmem:s0+$0xDF00] =	vst v4;
	v3 =	vmul.f32 v5, v3;
	s1 =	sadd.s32 $0x1, s1;
	s9 =	smov.u32 s5;
	s5 =	sadd.s32 $0x80, s5  }
0x11d: {  	v4 =	vld [tilespmem:s7+$0xDF00]  }
0x11e: {  	v5 =	vld [tilespmem:s7+$0x9010];
	[tilespmem:s0+$0xDF10] =	vst v3;
	s0 =	smov.u32 s7  }
0x11f: {  	v3 =	vld.msk [tilespmem:s1+$0x0 ss:$0x0], $0xffff  }
0x120: {  	v7 =	vld [tilespmem:s0+$0xDF10]  }
0x121: {  	v6 =	vmul.f32 v6, v0  }
.Ltmp4:
0x122: {  	(pc) =	sbr.rel @p1 .LBB2_10-.Ltmp4, $3  }
0x123: {  	v4 =	vadd.f32 v6, v4;
	v5 =	vmul.f32 v5, v0;
	_ =	sdelay $0x1  }
0x124: {  	v4 =	vmul.f32 v4, v3;
	v5 =	vadd.f32 v5, v7  }
0x125: {  	s7 =	sshra.s32 s9, $0x2  }
0x126: {  	v6 =	vld [tilespmem:s7+$0x9000];
	[tilespmem:s0+$0xDF00] =	vst v4;
	v3 =	vmul.f32 v5, v3  }
0x127: {  	v63 =	vld [tilespmem:s7+$0x9010]  }
0x128: {  	v4 =	vld [tilespmem:s7+$0xDF00];
	[tilespmem:s0+$0xDF10] =	vst v3  }
0x129: {  	s18 =	sadd.s32 $0x1, s1;
	v3 =	vld [tilespmem:s7+$0xDF10]  }
0x12a: {  	v7 =	vld.msk [tilespmem:s18+$0x0 ss:$0x0], $0xffff  }
0x12b: {  	v6 =	vmul.f32 v6, v0  }
0x12c: {  	v5 =	vmul.f32 v63, v0  }
0x12d: {  	v4 =	vadd.f32 v6, v4  }
0x12e: {  	v3 =	vadd.f32 v5, v3  }
0x12f: {  	v4 =	vmul.f32 v4, v7  }
0x130: {  	v3 =	vmul.f32 v3, v7  }
0x131: {  	[tilespmem:s7+$0xDF00] =	vst v4  }
0x132: {  	s19 =	simm.s32 $0x0;
	[tilespmem:s7+$0xDF10] =	vst v3  }
0x133: {  	[hbm4b:s13+s19] =	stream.linear.scatter [tilespmem:s26], [sflag:$0x5], $0x4F00, $0x38;
	[tilespmem:$0x1D3B0] =	vst v63  }
0x134: {  	_ =	swait.ge [sflag:s17], $0x4F00  }
0x135: {  	s1 =	simm.s32 @!p0 $0x12E00;
	s30 =	sadd.s32 $0x1, s30;
	[sflag:s17] =	ssyncset.done $0x0  }
0x136: {  	p1 =	sne.s32 s30, s15;
	s0 =	simm.s32 @!p0 $0x0;
	[sflag:s17] =	ssyncadd.s32 $0xFFFFB100  }
0x137: {  	[hbm4b:s14+s0] =	stream.linear.scatter @!p0 [tilespmem:s1], [sflag:$0x5], $0x278, $0x38;
	[tilespmem:$0x1D3B0] =	vst v63  }
.Ltmp5:
0x138: {  	_ = 	snop;
	(pc) =	sbr.rel @p1 .LBB2_1-.Ltmp5, $4  }
0x139: {  	s0 =	simm.s32 @!p0 $0x5  }
0x13a: {  	_ =	swait.ge @!p0 [sflag:s0], $0x278  }
0x13b: {  	[sflag:s0] =	ssyncset.done @!p0 $0x0  }
0x13c: {  	[sflag:s0] =	ssyncadd.s32 @!p0 $0xFFFFFD88  }
0x13d: {  	_ =	sfence.sel $0x180000  }
0x13e: {  	[bflag:$0x0] =	sbarrier.arrive $0xFFFF  }
0x13f: {  	_ =	strace $0x9000004A  }
0x140: {  	s0 =	stileid.u32;
	[bflag:$0x2] =	sbarrier.arrive $0xFFFF  }
0x141: {  	p0 =	sne.s32 s0, $0x0;
	s0 =	rddreg [dreg:$0x3]  }
0x142: {  	s0 =	sadd.s32 @!p0 $0x100000, s0  }
0x143: {  	[sflag:s0] =	ssyncadd.tile.s32 @!p0 $0x1;
	_ =	shalt  }
.Lfunc_end2:
_tile_overlayer_lowered:
.L_overlay_start_2:
0x144: {  	(tag) =	ssettag $0x2  }
0x145: {  	s0 =	rddreg [dreg:$0x0];
	s2 =	stileid.u32  }
0x146: {  	s1 =	rddreg [dreg:$0x1];
	p0 =	sne.s32 s2, $0x0  }
0x147: {  	s3 =	rddreg [dreg:$0x2];
	[bflag:$0x3] =	sbarrier.arrive $0xFFFF;
	s2 =	simm.s32 @!p0 $0x1C05  }
0x148: {  	[timem:s3], [sflag:s2] =	dma.local @!p0 [hbm:s0], s1  }
0x149: {  	s0 =	simm.s32 @!p0 $0x5  }
0x14a: {  	_ =	swait.ge @!p0 [sflag:s0], s1  }
0x14b: {  	s1 =	ssub.s32 @!p0 $0x0, s1;
	[sflag:s0] =	ssyncset.done @!p0 $0x0  }
0x14c: {  	[sflag:s0] =	ssyncadd.s32 @!p0 s1  }
0x14d: {  	[bflag:$0x3] =	sbarrier.arrive $0xFFFF  }
0x14e: {  	_ =	shalt  }

// kernel: kernel.14.cloned.1.call-start
scs
__scs_entry_jumppad:
0x0: {  	(pc) =	sbr.rel $0x88, $3  }
0x1: {  	(tag) =	ssettag $0x0;
	lr =	simm.s32 $0x1  }
0x2: {  	[smem:$0x3F99] =	sst lr;
	_ =	strace $0xD0000000  }
0x3: {  	_ = 	snop  }
0x4: {  	_ = 	snop  }
0x5: {  	_ = 	snop  }
0x6: {  	_ = 	snop  }
0x7: {  	_ = 	snop  }
__scs_overlays_trampoline_lowered:
0x8: {  	[smem:$0x3FA8] =	sst s0  }
0x9: {  	[smem:$0x3FA9] =	sst s1  }
0xa: {  	[smem:$0x3FAA] =	sst s2  }
0xb: {  	[smem:$0x3FAB] =	sst s3  }
0xc: {  	[smem:$0x3FAC] =	sst s4  }
0xd: {  	[smem:$0x3FAD] =	sst s5  }
0xe: {  	[smem:$0x3FAE] =	sst s6  }
0xf: {  	[smem:$0x3FAF] =	sst s7  }
0x10: {  	[smem:$0x3FB0] =	sst s8  }
0x11: {  	[smem:$0x3FB1] =	sst s9;
	s0 =	simm.s32 @!p0 $0x0  }
0x12: {  	s1 =	sld [smem:$0x3F97];
	s0 =	simm.s32 @p0 $0x1  }
0x13: {  	[smem:$0x3FB2] =	sst s0;
	s0 =	simm.s32 @!p1 $0x0  }
0x14: {  	s2 =	sld [smem:$0x3F96];
	s0 =	simm.s32 @p1 $0x1  }
0x15: {  	[smem:$0x3FB3] =	sst s0;
	s0 =	simm.s32 @!p2 $0x0  }
0x16: {  	s3 =	sld [smem:$0x3FDB];
	s0 =	simm.s32 @p2 $0x1  }
0x17: {  	s4 =	simm.s32 $0x1BF5;
	[smem:$0x3FB5] =	sst s0  }
0x18: {  	s0 =	sld [smem:$0x3F98];
	_ =	swait.ge [sflag:s4], $0x0  }
0x19: {  	s7 =	sld [smem:$0x3F99]  }
0x1a: {  	s8 =	sadd.s32 $0xFFFFE003, lr  }
0x1b: {  	s9 =	sadd.s32 $0xFFFFFEF7, lr;
	s5 =	simm.s32 $0xFFFFFFFF;
	p2 =	slt.u32 s8, $0xFFFFF086  }
0x1c: {  	p1 =	slt.u32 s9, $0xF7A;
	s5 =	simm.s32 @!p2 $0x0  }
0x1d: {  	s5 =	simm.s32 @p1 $0x1;
	p0 =	seq.s32 s7, s2  }
0x1e: {  	s7 =	smul.u32 @!p0 $0xF7A, s2;
	p2 =	seq.s32 @!p0 s5, $0x0  }
0x1f: {  	s9 =	smul.u32 $0xF7A, s1;
	s8 =	simm.s32 @!p0 $0x1BF5;
	p2 =	por !p2, p0  }
0x20: {  	[sflag:s8] =	ssyncset.s32 @!p0 $0xFFFFF086;
	s6 =	sadd.s32 @!p0 s3, s7;
	s7 =	simm.s32 @!p0 $0x108  }
0x21: {  	s3 =	sadd.s32 s3, s9;
	s6 =	sadd.s32 @!p0 $0x88, s6;
	s7 =	simm.s32 @p2 $0x1082  }
0x22: {  	[simem:s7], [sflag:s8] =	dma.local @!p0 [hbm:s6], $0xF7A  }
0x23: {  	s9 =	sor.u32 $0xD0000000, s2;
	s6 =	simm.s32 $0x108;
	_ =	swait.ge @!p0 [sflag:s8], $0x0  }
0x24: {  	s3 =	sadd.s32 $0x88, s3;
	s6 =	simm.s32 @!p1 $0x1082;
	[sflag:s4] =	ssyncset.s32 $0xFFFFF086  }
0x25: {  	[simem:s6], [sflag:s4] =	dma.local [hbm:s3], $0xF7A  }
0x26: {  	[smem:$0x3F99] =	sst s1;
	(tag) =	ssettag s2;
	_ =	strace s9  }
0x27: {  	s1 =	sld [smem:$0x3FA9]  }
0x28: {  	s2 =	sld [smem:$0x3FAA]  }
0x29: {  	s4 =	sld [smem:$0x3FAC]  }
0x2a: {  	p0 =	seq.s32 s5, $0x0;
	s5 =	sld [smem:$0x3FAD]  }
0x2b: {  	s6 =	sld [smem:$0x3FAE]  }
0x2c: {  	s7 =	sld [smem:$0x3FAF]  }
0x2d: {  	s3 =	simm.s32 $0x108;
	s8 =	sld [smem:$0x3FB0]  }
0x2e: {  	s3 =	simm.s32 @!p0 $0x1082;
	s9 =	sld [smem:$0x3FB1]  }
0x2f: {  	lr =	sadd.s32 s0, s3;
	s0 =	sld [smem:$0x3FA8]  }
0x30: {  	s3 =	sld [smem:$0x3FAB]  }
0x31: {  	[smem:$0x3FB4] =	sst s10  }
0x32: {  	s10 =	sld [smem:$0x3FB2];
	_ =	sdelay $0x3  }
0x33: {  	p0 =	seq.s32 s10, $0x1;
	s10 =	sld [smem:$0x3FB4];
	_ =	sdelay $0x3  }
0x34: {  	[smem:$0x3FB4] =	sst s10  }
0x35: {  	s10 =	sld [smem:$0x3FB3];
	_ =	sdelay $0x3  }
0x36: {  	p1 =	seq.s32 s10, $0x1;
	s10 =	sld [smem:$0x3FB4];
	_ =	sdelay $0x3  }
0x37: {  	[smem:$0x3FB4] =	sst s10  }
0x38: {  	s10 =	sld [smem:$0x3FB5]  }
0x39: {  	_ = 	snop;
	(pc) =	sbr.ind lr, $3  }
0x3a: {  	_ = 	snop  }
0x3b: {  	_ = 	snop  }
0x3c: {  	p2 =	seq.s32 s10, $0x1;
	s10 =	sld [smem:$0x3FB4]  }
0x3d: {  	_ =	shalt  }
0x3e: {  	_ =	shalt  }
0x3f: {  	_ =	shalt  }
0x40: {  	_ =	shalt  }
0x41: {  	_ =	shalt  }
0x42: {  	_ =	shalt  }
0x43: {  	_ =	shalt  }
0x44: {  	_ =	shalt  }
0x45: {  	_ =	shalt  }
0x46: {  	_ =	shalt  }
0x47: {  	_ =	shalt  }
0x48: {  	_ =	shalt  }
0x49: {  	_ =	shalt  }
0x4a: {  	_ =	shalt  }
0x4b: {  	_ =	shalt  }
0x4c: {  	_ =	shalt  }
0x4d: {  	_ =	shalt  }
0x4e: {  	_ =	shalt  }
0x4f: {  	_ =	shalt  }
0x50: {  	_ =	shalt  }
0x51: {  	_ =	shalt  }
0x52: {  	_ =	shalt  }
0x53: {  	_ =	shalt  }
0x54: {  	_ =	shalt  }
0x55: {  	_ =	shalt  }
0x56: {  	_ =	shalt  }
0x57: {  	_ =	shalt  }
0x58: {  	_ =	shalt  }
0x59: {  	_ =	shalt  }
0x5a: {  	_ =	shalt  }
0x5b: {  	_ =	shalt  }
0x5c: {  	_ =	shalt  }
0x5d: {  	_ =	shalt  }
0x5e: {  	_ =	shalt  }
0x5f: {  	_ =	shalt  }
0x60: {  	_ =	shalt  }
0x61: {  	_ =	shalt  }
0x62: {  	_ =	shalt  }
0x63: {  	_ =	shalt  }
0x64: {  	_ =	shalt  }
0x65: {  	_ =	shalt  }
0x66: {  	_ =	shalt  }
0x67: {  	_ =	shalt  }
0x68: {  	_ =	shalt  }
0x69: {  	_ =	shalt  }
0x6a: {  	_ =	shalt  }
0x6b: {  	_ =	shalt  }
0x6c: {  	_ =	shalt  }
0x6d: {  	_ =	shalt  }
0x6e: {  	_ =	shalt  }
0x6f: {  	_ =	shalt  }
0x70: {  	_ =	shalt  }
0x71: {  	_ =	shalt  }
0x72: {  	_ =	shalt  }
0x73: {  	_ =	shalt  }
0x74: {  	_ =	shalt  }
0x75: {  	_ =	shalt  }
0x76: {  	_ =	shalt  }
0x77: {  	_ =	shalt  }
0x78: {  	_ =	shalt  }
0x79: {  	_ =	shalt  }
0x7a: {  	_ =	shalt  }
0x7b: {  	_ =	shalt  }
0x7c: {  	_ =	shalt  }
0x7d: {  	_ =	shalt  }
0x7e: {  	_ =	shalt  }
0x7f: {  	_ =	shalt  }
0x80: {  	_ =	shalt  }
0x81: {  	_ =	shalt  }
0x82: {  	_ =	shalt  }
0x83: {  	_ =	shalt  }
0x84: {  	_ =	shalt  }
0x85: {  	_ =	shalt  }
0x86: {  	_ =	shalt  }
0x87: {  	_ =	shalt  }
.Lfunc_end0:
.L_simem_size_0:
called_computation.2_lowered:
.L_overlay_start_0:
0x88: {  	s2 =	sld [smem:$0x3FD9]  }
0x89: {  	s3 =	sld [smem:$0x3FFE];
	_ =	sdelay $0x1  }
0x8a: {  	s1 =	srdreg.scid  }
0x8b: {  	s0 =	sand.u32 $0x1, s1  }
0x8c: {  	s16 =	sshll.u32 s0, $0xA;
	s2 =	sadd.s32 s3, s2  }
0x8d: {  	s2 =	sadd.s32 s2, s16  }
0x8e: {  	[smem:$0x3FC0] =	sst s2  }
0x8f: {  	_ = 	snop  }
0x90: {  	(tm) =	ssettm $0x1  }
0x91: {  	s17 =	sld [smem:$0x3FFB];
	_ =	sdelay $0x3  }
0x92: {  	_ =	strace s17  }
0x93: {  	s2 =	sld [smem:$0x3FFC];
	_ =	sdelay $0x3  }
0x94: {  	_ =	strace s2  }
0x95: {  	s2 =	sld [smem:$0x3FFD];
	_ =	sdelay $0x3  }
0x96: {  	_ =	strace s2  }
0x97: {  	_ =	strace $0x8FFFFFFF  }
0x98: {  	s18 =	sld [smem:$0x3FDB];
	_ =	sdelay $0x1  }
0x99: {  	s19 =	simm.s32 $_scs_section_size  }
0x9a: {  	s4 =	simm.s32 $_size__tile_overlayer_lowered;
	s5 =	simm.s32 $_tile_overlayer_lowered  }
0x9b: {  	s22 =	simm.s32 $0x1BFF;
	s21 =	sshll.u32 s5, $0x1;
	s2 =	sadd.s32 s19, s18  }
0x9c: {  	s6 =	simm.s32 $0x0;
	s20 =	sshll.u32 s4, $0x1;
	s4 =	sadd.s32 s21, s2  }
0x9d: {  	[timem:s6], [sflag:s22] =	dma.local [hbm:s4], s20  }
0x9e: {  	_ =	swait.ge [sflag:s22], s20  }
0x9f: {  	s3 =	ssub.s32 $0x0, s20;
	[sflag:s22] =	ssyncset.done $0x0  }
0xa0: {  	[sflag:s22] =	ssyncadd.s32 s3;
	_ =	sdelay $0x1  }
0xa1: {  	s23 =	simm.s32 $0x1B8B  }
0xa2: {  	_ =	swait.ge [sflag:s23], $0x1  }
0xa3: {  	[sflag:s23] =	ssyncset.done $0x0  }
0xa4: {  	s25 =	simm.s32 $0x1B8E;
	s24 =	sld [smem:$0x3FFE];
	[sflag:s23] =	ssyncadd.s32 $0xFFFFFFFF  }
0xa5: {  	s26 =	simm.s32 $execute0_lowered;
	[smem:$0x3FD2] =	sst s25  }
0xa6: {  	s4 =	sshll.u32 s26, $0x1;
	_ =	strace $0x8000004C;
	[dreg:$0x1] =	wrdreg $0xFFFFFFFF  }
0xa7: {  	s28 =	simm.s32 $_size_execute0_lowered;
	s2 =	sadd.s32 s2, s4;
	[dreg:$0x0] =	wrdreg $0x0  }
0xa8: {  	s4 =	sshll.u32 s28, $0x1;
	[dreg:$0x2] =	wrdreg s2  }
0xa9: {  	[dreg:$0x3] =	wrdreg s4  }
0xaa: {  	[dreg:$0x4] =	wrdreg $0xC0  }
0xab: {  	_ =	task [dreg:s6], $0x5FFFF  }
0xac: {  	[dreg:$0x1] =	wrdreg $0xFFFFFFFF  }
0xad: {  	[dreg:$0x0] =	wrdreg $0x60  }
0xae: {  	[dreg:$0x2] =	wrdreg s24  }
0xaf: {  	[dreg:$0x3] =	wrdreg $0xC1900  }
0xb0: {  	[dreg:$0x4] =	wrdreg $0xE9100  }
0xb1: {  	[dreg:$0x5] =	wrdreg $0x9  }
0xb2: {  	_ =	task.clear_ibuf [dreg:s6], $0x6FFFF;
	_ =	strace $0x9000004C  }
0xb3: {  	s29 =	simm.s32 $0x9;
	_ =	strace $0x8000004E  }
0xb4: {  	_ =	swait.ge [sflag:s29], $0x1  }
0xb5: {  	[sflag:s29] =	ssyncadd.s32 $0xFFFFFFFF  }
0xb6: {  	_ =	strace $0x9000004E  }
0xb7: {  	_ =	sfence  }
0xb8: {  	s30 =	sld [smem:$0x0];
	_ =	sdelay $0x2  }
0xb9: {  	s31 =	sshll.u32 s1, $0xD;
	s1 =	sshrl.u32 s1, $0x2  }
0xba: {  	s3 =	sand.u32 $0x4000, s31;
	s1 =	sadd.s32 s1, s30  }
0xbb: {  	s0 =	sor.u32 s3, s0;
	s1 =	sshll.u32 s1, $0x11  }
0xbc: {  	s0 =	sor.u32 s1, s0  }
0xbd: {  	s0 =	sadd.s32 $0x8F2B, s0  }
0xbe: {  	[sflag:s0] =	ssyncadd.remote.s32 $0x1  }
0xbf: {  	_ =	sfence.sel $0xFFFF  }
0xc0: {  	[dreg:$0x0] =	wrdreg $0xFFFFFFFF;
	(pc) =	sbr.abs _section_cstart, $3  }
0xc1: {  	[dreg:$0x1] =	wrdreg $0xFFFFFFFF  }
0xc2: {  	_ =	task.clear_ibuf [dreg:s6], $0x2FFFF;
	_ =	strace $0x9FFFFFFF  }
0xc3: {  	(tm) =	ssettm $0x7FFFFFFF  }
tec
execute0_lowered:
.L_overlay_start_1:
0x0: {  	(tag) =	ssettag $0x1  }
0x1: {  	s0 =	rddreg [dreg:$0x0]  }
0x2: {  	s1 =	rddreg [dreg:$0x1]  }
0x3: {  	s3 =	rddreg [dreg:$0x2];
	s2 =	simm.s32 $0x0;
	s9 =	stileid.u32  }
0x4: {  	s4 =	srdreg.scid;
	s13 =	simm.s32 $0x5;
	s16 =	simm.s32 $0x2800  }
0x5: {  	s17 =	simm.s32 $0x80;
	s18 =	simm.s32 $0x5000;
	s19 =	simm.s32 $0x5800  }
0x6: {  	s21 =	simm.s32 $0x6000;
	s30 =	simm.s32 $0x2;
	s15 =	simm.s32 $0x4E00  }
0x7: {  	s20 =	simm.s32 $0x4E80;
	s22 =	simm.s32 $0x4F00;
	s28 =	simm.s32 $0x9780  }
0x8: {  	s29 =	simm.s32 $0x0;
	[smem:$0x7FF] =	sst s2;
	s23 =	smul.u32 $0x2780, s9  }
0x9: {  	s4 =	sand.u32 $0x1, s4;
	s24 =	smul.u32 $0x4F, s9;
	s2 =	simm.s32 $0x4  }
0xa: {  	_ =	strace $0x8000004D;
	s6 =	sshll.u32 s4, $0x4;
	s7 =	smul.u32 $0x27800, s4  }
0xb: {  	s25 =	ssub.s32 $0x2, s4;
	p0 =	seq.s32 s4, $0x0;
	s4 =	simm.f32 $1.000000000e+00  }
0xc: {  	s5 =	sshrl.u32 s23, $0x3;
	s6 =	sor.u32 s9, s6;
	s10 =	sadd.s32 s24, s0  }
0xd: {  	s31 =	sshrl.u32 s25, $0x1;
	s4 =	simm.s32 @!p0 $0x0;
	s24 =	simm.s32 $0x1  }
0xe: {  	s8 =	sadd.s32 s5, s0;
	s6 =	smul.u32 $0x500, s6;
	s7 =	sadd.s32 s23, s7  }
0xf: {  	s12 =	ssub.s32 s25, s31;
	s5 =	sadd.s32 s23, s1;
	s25 =	simm.s32 $0x4F80  }
0x10: {  	s26 =	sshrl.u32 s7, $0x3;
	s7 =	sadd.s32 $0x16400, s8;
	s8 =	sadd.s32 s23, s3  }
0x11: {  	s12 =	smax.u32 s12, $0x1;
	s23 =	simm.s32 $0x6800;
	s11 =	sadd.s32 s6, s0  }
0x12: {  	s0 =	sadd.s32 s26, s0;
	s6 =	sadd.s32 $0x33E00, s10;
	s26 =	simm.s32 $0x3  }
0x13: {  	v1 =	vimm.f32 $0.0e+00;
	v0 =	vmov s4;
	s9 =	sadd.s32 $0xC400, s11;
	s10 =	sadd.s32 $0x1A00, s11;
	s11 =	sadd.s32 $0x1B400, s0  }
.LBB2_1:
0x14: {  	s0 =	simm.s32 $0x40;
	s4 =	simm.s32 $0x0  }
.LBB2_2:
0x15: {  	p0 =	sne.s32 s0, $0x9DC0;
	[tilespmem:s4+$0x7000] =	vst v1;
	s4 =	smov.u32 s0;
	s0 =	sadd.s32 $0x40, s0  }
.Ltmp0:
0x16: {  	(pc) =	sbr.rel @p0 .LBB2_2-.Ltmp0, $2  }
0x17: {  	_ =	sdelay $0x2  }
0x18: {  	s4 =	sshra.s32 s4, $0x2  }
0x19: {  	[tilespmem:s4+$0x7000] =	vst v1;
	s0 =	simm.s32 $0x7000  }
0x1a: {  	[spmem:s5] =	stream.linear.scatter [tilespmem:s0], [sflag:$0x5], $0x2780, $0x38;
	[tilespmem:$0x11090] =	vst v63  }
0x1b: {  	_ =	swait.ge [sflag:s13], $0x2780  }
0x1c: {  	[sflag:s13] =	ssyncset.done $0x0  }
0x1d: {  	s31 =	simm.s32 $0x0;
	s14 =	simm.s32 $0xBF00;
	[sflag:s13] =	ssyncadd.s32 $0xFFFFD880  }
0x1e: {  	[tilespmem:s14], [sflag:$0x5] =	stream.linear.gather [hbm4b:s6+s31], $0x278, $0x38;
	[tilespmem:$0x11090] =	vst v63  }
0x1f: {  	_ =	swait.ge [sflag:s13], $0x278  }
0x20: {  	[sflag:s13] =	ssyncset.done $0x0  }
0x21: {  	[sflag:s13] =	ssyncadd.s32 $0xFFFFFD88  }
0x22: {  	[tilespmem:s0], [sflag:$0x5] =	stream.linear.gather [hbm4b:s7+s31], $0x2780, $0x38;
	[tilespmem:$0x11090] =	vst v63  }
0x23: {  	_ =	swait.ge [sflag:s13], $0x2780  }
0x24: {  	[sflag:s13] =	ssyncset.done $0x0  }
0x25: {  	s31 =	simm.s32 $0x0;
	[sflag:s13] =	ssyncadd.s32 $0xFFFFD880  }
0x26: {  	v2 =	vld.msk [tilespmem:s31+$0xBF00 ss:$0x0], $0xffff  }
0x27: {  	v3 =	vld [tilespmem:s0+$0x0];
	_ =	sdelay $0x4  }
0x28: {  	v2 =	vmul.f32 v2, v3;
	_ =	sdelay $0x1  }
0x29: {  	s4 =	simm.s32 $0x8;
	s14 =	simm.s32 $0x1;
	[tilespmem:s0+$0x0] =	vst v2  }
.LBB2_4:
0x2a: {  	p0 =	sne.s32 s4, $0x9DC;
	v2 =	vld.msk [tilespmem:s14+$0xBF00 ss:$0x0], $0xffff;
	s0 =	sadd.s32 $0x10, s0  }
0x2b: {  	v3 =	vld [tilespmem:s0+$0x0];
	_ =	sdelay $0x2  }
.Ltmp1:
0x2c: {  	(pc) =	sbr.rel @p0 .LBB2_4-.Ltmp1, $3  }
0x2d: {  	_ = 	snop  }
0x2e: {  	v2 =	vmul.f32 v2, v3;
	_ =	sdelay $0x1  }
0x2f: {  	s14 =	sshra.s32 s4, $0x2;
	s4 =	sadd.s32 $0x4, s4;
	[tilespmem:s0+$0x0] =	vst v2  }
0x30: {  	v2 =	vld.msk [tilespmem:s14+$0xBF00 ss:$0x0], $0xffff;
	s0 =	sadd.s32 $0x10, s0  }
0x31: {  	v3 =	vld [tilespmem:s0+$0x0];
	_ =	sdelay $0x4  }
0x32: {  	v2 =	vmul.f32 v2, v3;
	_ =	sdelay $0x1  }
0x33: {  	s4 =	simm.s32 $0x7000;
	[tilespmem:s0+$0x0] =	vst v2  }
0x34: {  	[spmem:s8] =	stream.linear.scatter [tilespmem:s4], [sflag:$0x5], $0x2780, $0x38;
	[tilespmem:$0x11090] =	vst v63  }
0x35: {  	_ =	swait.ge [sflag:s13], $0x2780  }
0x36: {  	[sflag:s13] =	ssyncset.done $0x0  }
0x37: {  	s14 =	simm.s32 $0x0;
	[sflag:s13] =	ssyncadd.s32 $0xFFFFD880  }
0x38: {  	[tilespmem:s14], [sflag:$0x5] =	stream.linear.gather [hbm4b:s9+s14], $0x2800, $0x38;
	[tilespmem:$0x11090] =	vst v63  }
0x39: {  	_ =	swait.ge [sflag:s13], $0x2800  }
0x3a: {  	[sflag:s13] =	ssyncset.done $0x0  }
0x3b: {  	[sflag:s13] =	ssyncadd.s32 $0xFFFFD800  }
0x3c: {  	[tilespmem:s16], [sflag:$0x5] =	stream.linear.gather [hbm4b:s10+s14], $0x2800, $0x38;
	[tilespmem:$0x11090] =	vst v63  }
0x3d: {  	_ =	swait.ge [sflag:s13], $0x2800  }
0x3e: {  	[sflag:s13] =	ssyncset.done $0x0  }
0x3f: {  	[sflag:s13] =	ssyncadd.s32 $0xFFFFD800  }
0x40: {  	[bflag:$0x0] =	sbarrier.arrive $0xFFFF  }
0x41: {  	[tilespmem:s18], [sflag:$0x1] =	stream.indirect.gather [spmem:s3], $0x10, s14, s17, $0xb8;
	[tilespmem:$0x11090] =	vst v63  }
0x42: {  	_ = 	snop  }
0x43: {  	[tilespmem:s19], [sflag:$0x1] =	stream.indirect.gather [spmem:s3], $0x10, s17, s17, $0xb8;
	[tilespmem:$0x11090] =	vst v63  }
0x44: {  	s4 =	simm.s32 $0x100  }
0x45: {  	[tilespmem:s21], [sflag:$0x2] =	stream.indirect.gather [spmem:s3], $0x10, s4, s17, $0xb8;
	[tilespmem:$0x11090] =	vst v63  }
0x46: {  	s14 =	simm.s32 $0x180  }
0x47: {  	[tilespmem:s23], [sflag:$0x2] =	stream.indirect.gather [spmem:s3], $0x10, s14, s17, $0xb8;
	[tilespmem:$0x11090] =	vst v63  }
0x48: {  	_ =	swait.ge [sflag:s24], $0x800  }
0x49: {  	[sflag:s24] =	ssyncset.done $0x0  }
0x4a: {  	[sflag:s24] =	ssyncadd.s32 $0xFFFFF800  }
0x4b: {  	_ =	swait.ge [sflag:s24], $0x800  }
0x4c: {  	[sflag:s24] =	ssyncset.done $0x0  }
0x4d: {  	[sflag:s24] =	ssyncadd.s32 $0xFFFFF800  }
0x4e: {  	[spmem:s1] =	stream.indirect.scatter.add.f32 [tilespmem:s18], [sflag:$0x3], $0x10, s16, s17, $0xb8;
	[tilespmem:$0x11090] =	vst v63  }
0x4f: {  	s4 =	simm.s32 $0x2880  }
0x50: {  	[spmem:s1] =	stream.indirect.scatter.add.f32 [tilespmem:s19], [sflag:$0x3], $0x10, s4, s17, $0xb8;
	[tilespmem:$0x11090] =	vst v63  }
0x51: {  	_ =	swait.ge [sflag:s26], $0x800  }
0x52: {  	[sflag:s26] =	ssyncset.done $0x0  }
0x53: {  	[sflag:s26] =	ssyncadd.s32 $0xFFFFF800  }
0x54: {  	_ =	swait.ge [sflag:s26], $0x800  }
0x55: {  	[sflag:s26] =	ssyncset.done $0x0  }
0x56: {  	s14 =	simm.s32 $0x200;
	[sflag:s26] =	ssyncadd.s32 $0xFFFFF800  }
0x57: {  	[tilespmem:s18], [sflag:$0x1] =	stream.indirect.gather [spmem:s3], $0x10, s14, s17, $0xb8;
	[tilespmem:$0x11090] =	vst v63  }
0x58: {  	s4 =	simm.s32 $0x280  }
0x59: {  	[tilespmem:s19], [sflag:$0x1] =	stream.indirect.gather [spmem:s3], $0x10, s4, s17, $0xb8;
	[tilespmem:$0x11090] =	vst v63  }
0x5a: {  	_ =	swait.ge [sflag:s30], $0x800  }
0x5b: {  	[sflag:s30] =	ssyncset.done $0x0  }
0x5c: {  	[sflag:s30] =	ssyncadd.s32 $0xFFFFF800  }
0x5d: {  	_ =	swait.ge [sflag:s30], $0x800  }
0x5e: {  	[sflag:s30] =	ssyncset.done $0x0  }
0x5f: {  	s14 =	simm.s32 $0x2900;
	[sflag:s30] =	ssyncadd.s32 $0xFFFFF800  }
0x60: {  	[spmem:s1] =	stream.indirect.scatter.add.f32 [tilespmem:s21], [sflag:$0x4], $0x10, s14, s17, $0xb8;
	[tilespmem:$0x11090] =	vst v63  }
0x61: {  	s4 =	simm.s32 $0x2980  }
0x62: {  	[spmem:s1] =	stream.indirect.scatter.add.f32 [tilespmem:s23], [sflag:$0x4], $0x10, s4, s17, $0xb8;
	[tilespmem:$0x11090] =	vst v63  }
0x63: {  	_ =	swait.ge [sflag:s2], $0x800  }
0x64: {  	[sflag:s2] =	ssyncset.done $0x0  }
0x65: {  	[sflag:s2] =	ssyncadd.s32 $0xFFFFF800  }
0x66: {  	_ =	swait.ge [sflag:s2], $0x800  }
0x67: {  	[sflag:s2] =	ssyncset.done $0x0  }
0x68: {  	s14 =	simm.s32 $0x300;
	[sflag:s2] =	ssyncadd.s32 $0xFFFFF800  }
0x69: {  	[tilespmem:s21], [sflag:$0x2] =	stream.indirect.gather [spmem:s3], $0x10, s14, s17, $0xb8;
	[tilespmem:$0x11090] =	vst v63  }
0x6a: {  	s4 =	simm.s32 $0x380  }
0x6b: {  	[tilespmem:s23], [sflag:$0x2] =	stream.indirect.gather [spmem:s3], $0x10, s4, s17, $0xb8;
	[tilespmem:$0x11090] =	vst v63  }
0x6c: {  	_ =	swait.ge [sflag:s24], $0x800  }
0x6d: {  	[sflag:s24] =	ssyncset.done $0x0  }
0x6e: {  	[sflag:s24] =	ssyncadd.s32 $0xFFFFF800  }
0x6f: {  	_ =	swait.ge [sflag:s24], $0x800  }
0x70: {  	[sflag:s24] =	ssyncset.done $0x0  }
0x71: {  	s14 =	simm.s32 $0x2A00;
	[sflag:s24] =	ssyncadd.s32 $0xFFFFF800  }
0x72: {  	[spmem:s1] =	stream.indirect.scatter.add.f32 [tilespmem:s18], [sflag:$0x3], $0x10, s14, s17, $0xb8;
	[tilespmem:$0x11090] =	vst v63  }
0x73: {  	s4 =	simm.s32 $0x2A80  }
0x74: {  	[spmem:s1] =	stream.indirect.scatter.add.f32 [tilespmem:s19], [sflag:$0x3], $0x10, s4, s17, $0xb8;
	[tilespmem:$0x11090] =	vst v63  }
0x75: {  	_ =	swait.ge [sflag:s26], $0x800  }
0x76: {  	[sflag:s26] =	ssyncset.done $0x0  }
0x77: {  	[sflag:s26] =	ssyncadd.s32 $0xFFFFF800  }
0x78: {  	_ =	swait.ge [sflag:s26], $0x800  }
0x79: {  	[sflag:s26] =	ssyncset.done $0x0  }
0x7a: {  	s14 =	simm.s32 $0x400;
	[sflag:s26] =	ssyncadd.s32 $0xFFFFF800  }
0x7b: {  	[tilespmem:s18], [sflag:$0x1] =	stream.indirect.gather [spmem:s3], $0x10, s14, s17, $0xb8;
	[tilespmem:$0x11090] =	vst v63  }
0x7c: {  	s4 =	simm.s32 $0x480  }
0x7d: {  	[tilespmem:s19], [sflag:$0x1] =	stream.indirect.gather [spmem:s3], $0x10, s4, s17, $0xb8;
	[tilespmem:$0x11090] =	vst v63  }
0x7e: {  	_ =	swait.ge [sflag:s30], $0x800  }
0x7f: {  	[sflag:s30] =	ssyncset.done $0x0  }
0x80: {  	[sflag:s30] =	ssyncadd.s32 $0xFFFFF800  }
0x81: {  	_ =	swait.ge [sflag:s30], $0x800  }
0x82: {  	s31 =	simm.s32 $0x800;
	[sflag:s30] =	ssyncset.done $0x0  }
0x83: {  	s0 =	simm.s32 $0x2B80;
	s14 =	simm.s32 $0x2B00;
	[sflag:s30] =	ssyncadd.s32 $0xFFFFF800  }
0x84: {  	[spmem:s1] =	stream.indirect.scatter.add.f32 [tilespmem:s21], [sflag:$0x4], $0x10, s14, s17, $0xb8;
	[tilespmem:$0x11090] =	vst v63  }
.LBB2_6:
0x85: {  	[spmem:s1] =	stream.indirect.scatter.add.f32 [tilespmem:s23], [sflag:$0x4], $0x10, s0, s17, $0xb8;
	[tilespmem:$0x11090] =	vst v63  }
0x86: {  	s0 =	smov.u32 s31  }
0x87: {  	p0 =	sne.s32 s31, $0x8800;
	s31 =	sadd.s32 $0x800, s31;
	_ =	swait.ge [sflag:s2], $0x800  }
0x88: {  	[sflag:s2] =	ssyncset.done $0x0  }
0x89: {  	[sflag:s2] =	ssyncadd.s32 $0xFFFFF800  }
0x8a: {  	_ =	swait.ge [sflag:s2], $0x800  }
0x8b: {  	s0 =	sshra.s32 s0, $0x2;
	[sflag:s2] =	ssyncset.done $0x0  }
0x8c: {  	s4 =	sadd.s32 $0x300, s0;
	[sflag:s2] =	ssyncadd.s32 $0xFFFFF800  }
0x8d: {  	[tilespmem:s21], [sflag:$0x2] =	stream.indirect.gather [spmem:s3], $0x10, s4, s17, $0xb8;
	[tilespmem:$0x11090] =	vst v63  }
0x8e: {  	s4 =	sadd.s32 $0x380, s0  }
0x8f: {  	[tilespmem:s23], [sflag:$0x2] =	stream.indirect.gather [spmem:s3], $0x10, s4, s17, $0xb8;
	[tilespmem:$0x11090] =	vst v63  }
0x90: {  	_ =	swait.ge [sflag:s24], $0x800  }
0x91: {  	[sflag:s24] =	ssyncset.done $0x0  }
0x92: {  	[sflag:s24] =	ssyncadd.s32 $0xFFFFF800  }
0x93: {  	_ =	swait.ge [sflag:s24], $0x800  }
0x94: {  	[sflag:s24] =	ssyncset.done $0x0  }
0x95: {  	s4 =	sadd.s32 $0x2A00, s0;
	[sflag:s24] =	ssyncadd.s32 $0xFFFFF800  }
0x96: {  	[spmem:s1] =	stream.indirect.scatter.add.f32 [tilespmem:s18], [sflag:$0x3], $0x10, s4, s17, $0xb8;
	[tilespmem:$0x11090] =	vst v63  }
0x97: {  	s4 =	sadd.s32 $0x2A80, s0  }
0x98: {  	[spmem:s1] =	stream.indirect.scatter.add.f32 [tilespmem:s19], [sflag:$0x3], $0x10, s4, s17, $0xb8;
	[tilespmem:$0x11090] =	vst v63  }
0x99: {  	_ =	swait.ge [sflag:s26], $0x800  }
0x9a: {  	[sflag:s26] =	ssyncset.done $0x0  }
0x9b: {  	[sflag:s26] =	ssyncadd.s32 $0xFFFFF800  }
0x9c: {  	_ =	swait.ge [sflag:s26], $0x800  }
0x9d: {  	[sflag:s26] =	ssyncset.done $0x0  }
0x9e: {  	s4 =	sadd.s32 $0x400, s0;
	[sflag:s26] =	ssyncadd.s32 $0xFFFFF800  }
0x9f: {  	[tilespmem:s18], [sflag:$0x1] =	stream.indirect.gather [spmem:s3], $0x10, s4, s17, $0xb8;
	[tilespmem:$0x11090] =	vst v63  }
0xa0: {  	s4 =	sadd.s32 $0x480, s0  }
0xa1: {  	[tilespmem:s19], [sflag:$0x1] =	stream.indirect.gather [spmem:s3], $0x10, s4, s17, $0xb8;
	[tilespmem:$0x11090] =	vst v63  }
0xa2: {  	_ =	swait.ge [sflag:s30], $0x800  }
0xa3: {  	[sflag:s30] =	ssyncset.done $0x0  }
0xa4: {  	[sflag:s30] =	ssyncadd.s32 $0xFFFFF800  }
.Ltmp2:
0xa5: {  	_ =	swait.ge [sflag:s30], $0x800;
	(pc) =	sbr.rel @p0 .LBB2_6-.Ltmp2, $4  }
0xa6: {  	[sflag:s30] =	ssyncset.done $0x0  }
0xa7: {  	s4 =	sadd.s32 $0x2B00, s0;
	[sflag:s30] =	ssyncadd.s32 $0xFFFFF800  }
0xa8: {  	[spmem:s1] =	stream.indirect.scatter.add.f32 [tilespmem:s21], [sflag:$0x4], $0x10, s4, s17, $0xb8;
	[tilespmem:$0x11090] =	vst v63  }
0xa9: {  	s0 =	sadd.s32 $0x2B80, s0  }
0xaa: {  	[spmem:s1] =	stream.indirect.scatter.add.f32 [tilespmem:s23], [sflag:$0x4], $0x10, s0, s17, $0xb8;
	[tilespmem:$0x11090] =	vst v63  }
0xab: {  	_ =	swait.ge [sflag:s2], $0x800  }
0xac: {  	[sflag:s2] =	ssyncset.done $0x0  }
0xad: {  	[sflag:s2] =	ssyncadd.s32 $0xFFFFF800  }
0xae: {  	_ =	swait.ge [sflag:s2], $0x800  }
0xaf: {  	[sflag:s2] =	ssyncset.done $0x0  }
0xb0: {  	s4 =	simm.s32 $0x2700;
	[sflag:s2] =	ssyncadd.s32 $0xFFFFF800  }
0xb1: {  	[tilespmem:s21], [sflag:$0x2] =	stream.indirect.gather [spmem:s3], $0x10, s4, s17, $0xb8;
	[tilespmem:$0x11090] =	vst v63  }
0xb2: {  	s14 =	simm.s32 $0x2780  }
0xb3: {  	[tilespmem:s23], [sflag:$0x2] =	stream.indirect.gather [spmem:s3], $0x10, s14, s17, $0xb8;
	[tilespmem:$0x11090] =	vst v63  }
0xb4: {  	_ =	swait.ge [sflag:s24], $0x800  }
0xb5: {  	[sflag:s24] =	ssyncset.done $0x0  }
0xb6: {  	[sflag:s24] =	ssyncadd.s32 $0xFFFFF800  }
0xb7: {  	_ =	swait.ge [sflag:s24], $0x800  }
0xb8: {  	[sflag:s24] =	ssyncset.done $0x0  }
0xb9: {  	[sflag:s24] =	ssyncadd.s32 $0xFFFFF800  }
0xba: {  	[spmem:s1] =	stream.indirect.scatter.add.f32 [tilespmem:s18], [sflag:$0x3], $0x10, s15, s17, $0xb8;
	[tilespmem:$0x11090] =	vst v63  }
0xbb: {  	_ = 	snop  }
0xbc: {  	[spmem:s1] =	stream.indirect.scatter.add.f32 [tilespmem:s19], [sflag:$0x3], $0x10, s20, s17, $0xb8;
	[tilespmem:$0x11090] =	vst v63  }
0xbd: {  	_ =	swait.ge [sflag:s26], $0x800  }
0xbe: {  	[sflag:s26] =	ssyncset.done $0x0  }
0xbf: {  	[sflag:s26] =	ssyncadd.s32 $0xFFFFF800  }
0xc0: {  	_ =	swait.ge [sflag:s26], $0x800  }
0xc1: {  	[sflag:s26] =	ssyncset.done $0x0  }
0xc2: {  	[sflag:s26] =	ssyncadd.s32 $0xFFFFF800  }
0xc3: {  	_ =	swait.ge [sflag:s30], $0x800  }
0xc4: {  	[sflag:s30] =	ssyncset.done $0x0  }
0xc5: {  	[sflag:s30] =	ssyncadd.s32 $0xFFFFF800  }
0xc6: {  	_ =	swait.ge [sflag:s30], $0x800  }
0xc7: {  	[sflag:s30] =	ssyncset.done $0x0  }
0xc8: {  	[sflag:s30] =	ssyncadd.s32 $0xFFFFF800  }
0xc9: {  	[spmem:s1] =	stream.indirect.scatter.add.f32 [tilespmem:s21], [sflag:$0x4], $0x10, s22, s17, $0xb8;
	[tilespmem:$0x11090] =	vst v63  }
0xca: {  	_ = 	snop  }
0xcb: {  	[spmem:s1] =	stream.indirect.scatter.add.f32 [tilespmem:s23], [sflag:$0x4], $0x10, s25, s17, $0xb8;
	[tilespmem:$0x11090] =	vst v63  }
0xcc: {  	_ =	swait.ge [sflag:s2], $0x800  }
0xcd: {  	[sflag:s2] =	ssyncset.done $0x0  }
0xce: {  	[sflag:s2] =	ssyncadd.s32 $0xFFFFF800  }
0xcf: {  	_ =	swait.ge [sflag:s2], $0x800  }
0xd0: {  	[sflag:s2] =	ssyncset.done $0x0  }
0xd1: {  	[sflag:s2] =	ssyncadd.s32 $0xFFFFF800  }
0xd2: {  	[bflag:$0x0] =	sbarrier.arrive $0xFFFF  }
0xd3: {  	[tilespmem:s28], [sflag:$0x5] =	stream.linear.gather [spmem:s5], $0x2780, $0x38;
	[tilespmem:$0x11090] =	vst v63  }
0xd4: {  	_ =	swait.ge [sflag:s13], $0x2780  }
0xd5: {  	[sflag:s13] =	ssyncset.done $0x0  }
0xd6: {  	s0 =	simm.s32 $0x0;
	[sflag:s13] =	ssyncadd.s32 $0xFFFFD880  }
0xd7: {  	v2 =	vld [tilespmem:s0+$0x7000];
	_ =	sdelay $0x1  }
0xd8: {  	v3 =	vld [tilespmem:s0+$0x9780]  }
0xd9: {  	s31 =	simm.s32 $0xBF00  }
0xda: {  	v4 =	vld.msk [tilespmem:s31+$0x0 ss:$0x0], $0xffff  }
0xdb: {  	v2 =	vmul.f32 v2, v0;
	_ =	sdelay $0x1  }
0xdc: {  	v2 =	vadd.f32 v2, v3;
	_ =	sdelay $0x1  }
0xdd: {  	s4 =	simm.s32 $0x80;
	s14 =	simm.s32 $0x10;
	v2 =	vmul.f32 v2, v4  }
.LBB2_8:
0xde: {  	p0 =	sne.s32 s4, $0x9DC0;
	v3 =	vld [tilespmem:s14+$0x7000]  }
0xdf: {  	[tilespmem:s0+$0x9780] =	vst v2;
	s0 =	smov.u32 s14  }
0xe0: {  	s31 =	sadd.s32 $0x1, s31;
	v2 =	vld [tilespmem:s0+$0x9780]  }
0xe1: {  	v4 =	vld.msk [tilespmem:s31+$0x0 ss:$0x0], $0xffff;
	_ =	sdelay $0x1  }
.Ltmp3:
0xe2: {  	v3 =	vmul.f32 v3, v0;
	(pc) =	sbr.rel @p0 .LBB2_8-.Ltmp3, $3  }
0xe3: {  	_ = 	snop  }
0xe4: {  	v2 =	vadd.f32 v3, v2;
	_ =	sdelay $0x1  }
0xe5: {  	s14 =	sshra.s32 s4, $0x2;
	s4 =	sadd.s32 $0x40, s4;
	v2 =	vmul.f32 v2, v4  }
0xe6: {  	v3 =	vld [tilespmem:s14+$0x7000]  }
0xe7: {  	[tilespmem:s0+$0x9780] =	vst v2  }
0xe8: {  	v2 =	vld [tilespmem:s14+$0x9780]  }
0xe9: {  	s4 =	sadd.s32 $0x1, s31  }
0xea: {  	v4 =	vld.msk [tilespmem:s4+$0x0 ss:$0x0], $0xffff  }
0xeb: {  	v3 =	vmul.f32 v3, v0;
	_ =	sdelay $0x1  }
0xec: {  	v2 =	vadd.f32 v3, v2;
	_ =	sdelay $0x1  }
0xed: {  	s29 =	sadd.s32 $0x1, s29;
	v2 =	vmul.f32 v2, v4  }
0xee: {  	p0 =	sne.s32 s29, s12  }
.Ltmp4:
0xef: {  	s31 =	simm.s32 $0x0;
	[tilespmem:s14+$0x9780] =	vst v2;
	(pc) =	sbr.rel @p0 .LBB2_1-.Ltmp4, $4  }
0xf0: {  	[hbm4b:s11+s31] =	stream.linear.scatter [tilespmem:s28], [sflag:$0x5], $0x2780, $0x38;
	[tilespmem:$0x11090] =	vst v63  }
0xf1: {  	_ =	swait.ge [sflag:s13], $0x2780  }
0xf2: {  	[sflag:s13] =	ssyncset.done $0x0  }
0xf3: {  	[sflag:s13] =	ssyncadd.s32 $0xFFFFD880  }
0xf4: {  	_ =	sfence.sel $0x180000  }
0xf5: {  	[bflag:$0x0] =	sbarrier.arrive $0xFFFF  }
0xf6: {  	_ =	strace $0x9000004D  }
0xf7: {  	s0 =	stileid.u32;
	[bflag:$0x2] =	sbarrier.arrive $0xFFFF  }
0xf8: {  	p0 =	sne.s32 s0, $0x0;
	s0 =	rddreg [dreg:$0x3]  }
0xf9: {  	s0 =	sadd.s32 @!p0 $0x100000, s0  }
0xfa: {  	[sflag:s0] =	ssyncadd.tile.s32 @!p0 $0x1;
	_ =	shalt  }
.Lfunc_end2:
_tile_overlayer_lowered:
.L_overlay_start_2:
0xfb: {  	(tag) =	ssettag $0x2  }
0xfc: {  	s0 =	rddreg [dreg:$0x0];
	s2 =	stileid.u32  }
0xfd: {  	s1 =	rddreg [dreg:$0x1];
	p0 =	sne.s32 s2, $0x0  }
0xfe: {  	s3 =	rddreg [dreg:$0x2];
	[bflag:$0x3] =	sbarrier.arrive $0xFFFF;
	s2 =	simm.s32 @!p0 $0x1C05  }
0xff: {  	[timem:s3], [sflag:s2] =	dma.local @!p0 [hbm:s0], s1  }
0x100: {  	s0 =	simm.s32 @!p0 $0x5  }
0x101: {  	_ =	swait.ge @!p0 [sflag:s0], s1  }
0x102: {  	s1 =	ssub.s32 @!p0 $0x0, s1;
	[sflag:s0] =	ssyncset.done @!p0 $0x0  }
0x103: {  	[sflag:s0] =	ssyncadd.s32 @!p0 s1  }
0x104: {  	[bflag:$0x3] =	sbarrier.arrive $0xFFFF  }
0x105: {  	_ =	shalt  }

// kernel: kernel.17.cloned.1.call-start
scs
__scs_entry_jumppad:
0x0: {  	(pc) =	sbr.rel $0x88, $3  }
0x1: {  	(tag) =	ssettag $0x0;
	lr =	simm.s32 $0x1  }
0x2: {  	[smem:$0x3F99] =	sst lr;
	_ =	strace $0xD0000000  }
0x3: {  	_ = 	snop  }
0x4: {  	_ = 	snop  }
0x5: {  	_ = 	snop  }
0x6: {  	_ = 	snop  }
0x7: {  	_ = 	snop  }
__scs_overlays_trampoline_lowered:
0x8: {  	[smem:$0x3FA8] =	sst s0  }
0x9: {  	[smem:$0x3FA9] =	sst s1  }
0xa: {  	[smem:$0x3FAA] =	sst s2  }
0xb: {  	[smem:$0x3FAB] =	sst s3  }
0xc: {  	[smem:$0x3FAC] =	sst s4  }
0xd: {  	[smem:$0x3FAD] =	sst s5  }
0xe: {  	[smem:$0x3FAE] =	sst s6  }
0xf: {  	[smem:$0x3FAF] =	sst s7  }
0x10: {  	[smem:$0x3FB0] =	sst s8  }
0x11: {  	[smem:$0x3FB1] =	sst s9;
	s0 =	simm.s32 @!p0 $0x0  }
0x12: {  	s1 =	sld [smem:$0x3F97];
	s0 =	simm.s32 @p0 $0x1  }
0x13: {  	[smem:$0x3FB2] =	sst s0;
	s0 =	simm.s32 @!p1 $0x0  }
0x14: {  	s2 =	sld [smem:$0x3F96];
	s0 =	simm.s32 @p1 $0x1  }
0x15: {  	[smem:$0x3FB3] =	sst s0;
	s0 =	simm.s32 @!p2 $0x0  }
0x16: {  	s3 =	sld [smem:$0x3FDB];
	s0 =	simm.s32 @p2 $0x1  }
0x17: {  	s4 =	simm.s32 $0x1BF5;
	[smem:$0x3FB5] =	sst s0  }
0x18: {  	s0 =	sld [smem:$0x3F98];
	_ =	swait.ge [sflag:s4], $0x0  }
0x19: {  	s7 =	sld [smem:$0x3F99]  }
0x1a: {  	s8 =	sadd.s32 $0xFFFFE003, lr  }
0x1b: {  	s9 =	sadd.s32 $0xFFFFFEF7, lr;
	s5 =	simm.s32 $0xFFFFFFFF;
	p2 =	slt.u32 s8, $0xFFFFF086  }
0x1c: {  	p1 =	slt.u32 s9, $0xF7A;
	s5 =	simm.s32 @!p2 $0x0  }
0x1d: {  	s5 =	simm.s32 @p1 $0x1;
	p0 =	seq.s32 s7, s2  }
0x1e: {  	s7 =	smul.u32 @!p0 $0xF7A, s2;
	p2 =	seq.s32 @!p0 s5, $0x0  }
0x1f: {  	s9 =	smul.u32 $0xF7A, s1;
	s8 =	simm.s32 @!p0 $0x1BF5;
	p2 =	por !p2, p0  }
0x20: {  	[sflag:s8] =	ssyncset.s32 @!p0 $0xFFFFF086;
	s6 =	sadd.s32 @!p0 s3, s7;
	s7 =	simm.s32 @!p0 $0x108  }
0x21: {  	s3 =	sadd.s32 s3, s9;
	s6 =	sadd.s32 @!p0 $0x88, s6;
	s7 =	simm.s32 @p2 $0x1082  }
0x22: {  	[simem:s7], [sflag:s8] =	dma.local @!p0 [hbm:s6], $0xF7A  }
0x23: {  	s9 =	sor.u32 $0xD0000000, s2;
	s6 =	simm.s32 $0x108;
	_ =	swait.ge @!p0 [sflag:s8], $0x0  }
0x24: {  	s3 =	sadd.s32 $0x88, s3;
	s6 =	simm.s32 @!p1 $0x1082;
	[sflag:s4] =	ssyncset.s32 $0xFFFFF086  }
0x25: {  	[simem:s6], [sflag:s4] =	dma.local [hbm:s3], $0xF7A  }
0x26: {  	[smem:$0x3F99] =	sst s1;
	(tag) =	ssettag s2;
	_ =	strace s9  }
0x27: {  	s1 =	sld [smem:$0x3FA9]  }
0x28: {  	s2 =	sld [smem:$0x3FAA]  }
0x29: {  	s4 =	sld [smem:$0x3FAC]  }
0x2a: {  	p0 =	seq.s32 s5, $0x0;
	s5 =	sld [smem:$0x3FAD]  }
0x2b: {  	s6 =	sld [smem:$0x3FAE]  }
0x2c: {  	s7 =	sld [smem:$0x3FAF]  }
0x2d: {  	s3 =	simm.s32 $0x108;
	s8 =	sld [smem:$0x3FB0]  }
0x2e: {  	s3 =	simm.s32 @!p0 $0x1082;
	s9 =	sld [smem:$0x3FB1]  }
0x2f: {  	lr =	sadd.s32 s0, s3;
	s0 =	sld [smem:$0x3FA8]  }
0x30: {  	s3 =	sld [smem:$0x3FAB]  }
0x31: {  	[smem:$0x3FB4] =	sst s10  }
0x32: {  	s10 =	sld [smem:$0x3FB2];
	_ =	sdelay $0x3  }
0x33: {  	p0 =	seq.s32 s10, $0x1;
	s10 =	sld [smem:$0x3FB4];
	_ =	sdelay $0x3  }
0x34: {  	[smem:$0x3FB4] =	sst s10  }
0x35: {  	s10 =	sld [smem:$0x3FB3];
	_ =	sdelay $0x3  }
0x36: {  	p1 =	seq.s32 s10, $0x1;
	s10 =	sld [smem:$0x3FB4];
	_ =	sdelay $0x3  }
0x37: {  	[smem:$0x3FB4] =	sst s10  }
0x38: {  	s10 =	sld [smem:$0x3FB5]  }
0x39: {  	_ = 	snop;
	(pc) =	sbr.ind lr, $3  }
0x3a: {  	_ = 	snop  }
0x3b: {  	_ = 	snop  }
0x3c: {  	p2 =	seq.s32 s10, $0x1;
	s10 =	sld [smem:$0x3FB4]  }
0x3d: {  	_ =	shalt  }
0x3e: {  	_ =	shalt  }
0x3f: {  	_ =	shalt  }
0x40: {  	_ =	shalt  }
0x41: {  	_ =	shalt  }
0x42: {  	_ =	shalt  }
0x43: {  	_ =	shalt  }
0x44: {  	_ =	shalt  }
0x45: {  	_ =	shalt  }
0x46: {  	_ =	shalt  }
0x47: {  	_ =	shalt  }
0x48: {  	_ =	shalt  }
0x49: {  	_ =	shalt  }
0x4a: {  	_ =	shalt  }
0x4b: {  	_ =	shalt  }
0x4c: {  	_ =	shalt  }
0x4d: {  	_ =	shalt  }
0x4e: {  	_ =	shalt  }
0x4f: {  	_ =	shalt  }
0x50: {  	_ =	shalt  }
0x51: {  	_ =	shalt  }
0x52: {  	_ =	shalt  }
0x53: {  	_ =	shalt  }
0x54: {  	_ =	shalt  }
0x55: {  	_ =	shalt  }
0x56: {  	_ =	shalt  }
0x57: {  	_ =	shalt  }
0x58: {  	_ =	shalt  }
0x59: {  	_ =	shalt  }
0x5a: {  	_ =	shalt  }
0x5b: {  	_ =	shalt  }
0x5c: {  	_ =	shalt  }
0x5d: {  	_ =	shalt  }
0x5e: {  	_ =	shalt  }
0x5f: {  	_ =	shalt  }
0x60: {  	_ =	shalt  }
0x61: {  	_ =	shalt  }
0x62: {  	_ =	shalt  }
0x63: {  	_ =	shalt  }
0x64: {  	_ =	shalt  }
0x65: {  	_ =	shalt  }
0x66: {  	_ =	shalt  }
0x67: {  	_ =	shalt  }
0x68: {  	_ =	shalt  }
0x69: {  	_ =	shalt  }
0x6a: {  	_ =	shalt  }
0x6b: {  	_ =	shalt  }
0x6c: {  	_ =	shalt  }
0x6d: {  	_ =	shalt  }
0x6e: {  	_ =	shalt  }
0x6f: {  	_ =	shalt  }
0x70: {  	_ =	shalt  }
0x71: {  	_ =	shalt  }
0x72: {  	_ =	shalt  }
0x73: {  	_ =	shalt  }
0x74: {  	_ =	shalt  }
0x75: {  	_ =	shalt  }
0x76: {  	_ =	shalt  }
0x77: {  	_ =	shalt  }
0x78: {  	_ =	shalt  }
0x79: {  	_ =	shalt  }
0x7a: {  	_ =	shalt  }
0x7b: {  	_ =	shalt  }
0x7c: {  	_ =	shalt  }
0x7d: {  	_ =	shalt  }
0x7e: {  	_ =	shalt  }
0x7f: {  	_ =	shalt  }
0x80: {  	_ =	shalt  }
0x81: {  	_ =	shalt  }
0x82: {  	_ =	shalt  }
0x83: {  	_ =	shalt  }
0x84: {  	_ =	shalt  }
0x85: {  	_ =	shalt  }
0x86: {  	_ =	shalt  }
0x87: {  	_ =	shalt  }
.Lfunc_end0:
.L_simem_size_0:
called_computation.3_lowered:
.L_overlay_start_0:
0x88: {  	s2 =	sld [smem:$0x3FD9]  }
0x89: {  	s3 =	sld [smem:$0x3FFE];
	_ =	sdelay $0x1  }
0x8a: {  	s1 =	srdreg.scid  }
0x8b: {  	s0 =	sand.u32 $0x1, s1  }
0x8c: {  	s17 =	sshll.u32 s0, $0xA;
	s2 =	sadd.s32 s3, s2  }
0x8d: {  	s2 =	sadd.s32 s2, s17  }
0x8e: {  	[smem:$0x3FC0] =	sst s2  }
0x8f: {  	_ = 	snop  }
0x90: {  	s2 =	sld [smem:$0x3FC4]  }
0x91: {  	s18 =	sld [smem:$0x3FC3]  }
0x92: {  	s4 =	sld [smem:$0x3FD0];
	(tm) =	ssettm $0x1  }
0x93: {  	s5 =	sld [smem:$0x3FFB];
	_ =	sdelay $0x3  }
0x94: {  	_ =	strace s5  }
0x95: {  	s5 =	sld [smem:$0x3FFC];
	_ =	sdelay $0x3  }
0x96: {  	_ =	strace s5  }
0x97: {  	s5 =	sld [smem:$0x3FFD];
	_ =	sdelay $0x3  }
0x98: {  	_ =	strace s5  }
0x99: {  	_ =	strace $0x8FFFFFFF  }
0x9a: {  	s19 =	sld [smem:$0x3FDB];
	_ =	sdelay $0x1  }
0x9b: {  	s6 =	simm.s32 $_scs_section_size  }
0x9c: {  	s7 =	simm.s32 $_size__tile_overlayer_lowered;
	s8 =	simm.s32 $_tile_overlayer_lowered  }
0x9d: {  	s22 =	simm.s32 $0x1BFF;
	s21 =	sshll.u32 s8, $0x1;
	s5 =	sadd.s32 s6, s19  }
0x9e: {  	s9 =	simm.s32 $0x0;
	s20 =	sshll.u32 s7, $0x1;
	s7 =	sadd.s32 s21, s5  }
0x9f: {  	[timem:s9], [sflag:s22] =	dma.local [hbm:s7], s20  }
0xa0: {  	_ =	swait.ge [sflag:s22], s20  }
0xa1: {  	s6 =	ssub.s32 $0x0, s20;
	[sflag:s22] =	ssyncset.done $0x0  }
0xa2: {  	[sflag:s22] =	ssyncadd.s32 s6;
	_ =	sdelay $0x1  }
0xa3: {  	s23 =	simm.s32 $0x1B8B  }
0xa4: {  	_ =	swait.ge [sflag:s23], $0x1  }
0xa5: {  	[sflag:s23] =	ssyncset.done $0x0  }
0xa6: {  	s25 =	simm.s32 $0x1B8E;
	s24 =	sld [smem:$0x3FFE];
	[sflag:s23] =	ssyncadd.s32 $0xFFFFFFFF  }
0xa7: {  	s26 =	simm.s32 $execute0_lowered;
	[smem:$0x3FD2] =	sst s25  }
0xa8: {  	s7 =	sshll.u32 s26, $0x1;
	_ =	strace $0x8000004F;
	[dreg:$0x1] =	wrdreg $0xFFFFFFFF  }
0xa9: {  	s28 =	simm.s32 $_size_execute0_lowered;
	s5 =	sadd.s32 s5, s7;
	[dreg:$0x0] =	wrdreg $0x0  }
0xaa: {  	s7 =	sshll.u32 s28, $0x1;
	[dreg:$0x2] =	wrdreg s5  }
0xab: {  	[dreg:$0x3] =	wrdreg s7  }
0xac: {  	[dreg:$0x4] =	wrdreg $0xC0  }
0xad: {  	_ =	task [dreg:s9], $0x5FFFF  }
0xae: {  	[dreg:$0x1] =	wrdreg $0xFFFFFFFF  }
0xaf: {  	[dreg:$0x0] =	wrdreg $0x60  }
0xb0: {  	[dreg:$0x2] =	wrdreg s24  }
0xb1: {  	[dreg:$0x3] =	wrdreg s2  }
0xb2: {  	[dreg:$0x4] =	wrdreg s18  }
0xb3: {  	[dreg:$0x5] =	wrdreg s4  }
0xb4: {  	[dreg:$0x6] =	wrdreg $0x9  }
0xb5: {  	_ =	task.clear_ibuf [dreg:s9], $0x7FFFF;
	_ =	strace $0x9000004F  }
0xb6: {  	s29 =	simm.s32 $0x9;
	_ =	strace $0x80000051  }
0xb7: {  	_ =	swait.ge [sflag:s29], $0x1  }
0xb8: {  	[sflag:s29] =	ssyncadd.s32 $0xFFFFFFFF  }
0xb9: {  	_ =	strace $0x90000051  }
0xba: {  	_ =	sfence  }
0xbb: {  	s30 =	sld [smem:$0x0];
	_ =	sdelay $0x2  }
0xbc: {  	s31 =	sshll.u32 s1, $0xD;
	s1 =	sshrl.u32 s1, $0x2  }
0xbd: {  	s3 =	sand.u32 $0x4000, s31;
	s1 =	sadd.s32 s1, s30  }
0xbe: {  	s0 =	sor.u32 s3, s0;
	s1 =	sshll.u32 s1, $0x11  }
0xbf: {  	s0 =	sor.u32 s1, s0  }
0xc0: {  	s0 =	sadd.s32 $0x8F2B, s0  }
0xc1: {  	[sflag:s0] =	ssyncadd.remote.s32 $0x1  }
0xc2: {  	_ =	sfence.sel $0xFFFF  }
0xc3: {  	[dreg:$0x0] =	wrdreg $0xFFFFFFFF;
	(pc) =	sbr.abs _section_cstart, $3  }
0xc4: {  	[dreg:$0x1] =	wrdreg $0xFFFFFFFF  }
0xc5: {  	_ =	task.clear_ibuf [dreg:s9], $0x2FFFF;
	_ =	strace $0x9FFFFFFF  }
0xc6: {  	(tm) =	ssettm $0x7FFFFFFF  }
0xc7: {  	_ =	shalt  }
tec
execute0_lowered:
.L_overlay_start_1:
0x0: {  	(tag) =	ssettag $0x1  }
0x1: {  	s1 =	srdreg.scid  }
0x2: {  	s1 =	sand.u32 $0x1, s1  }
0x3: {  	s2 =	rddreg [dreg:$0x0];
	p0 =	seq.s32 s1, $0x1  }
.Ltmp0:
0x4: {  	s6 =	rddreg [dreg:$0x1];
	(pc) =	sbr.rel @p0 .LBB2_6-.Ltmp0, $4  }
0x5: {  	s5 =	rddreg [dreg:$0x2]  }
0x6: {  	s4 =	rddreg [dreg:$0x3];
	s3 =	simm.s32 $0x0  }
0x7: {  	[smem:$0x7FF] =	sst s3  }
0x8: {  	s0 =	rddreg [dreg:$0x4];
	_ =	strace $0x80000050;
	s1 =	stileid.u32  }
0x9: {  	s7 =	simm.s32 $0x5190;
	s23 =	simm.s32 $0x1  }
0xa: {  	[tilespmem:s7], [sflag:$0x1] =	stream.linear.gather [hbm4b:s6+s3], $0x10, $0x38;
	[tilespmem:$0x51C0] =	vst v63  }
0xb: {  	_ =	swait.ge [sflag:s23], $0x10  }
0xc: {  	[sflag:s23] =	ssyncset.done $0x0  }
0xd: {  	s24 =	simm.s32 $0x51A0;
	[sflag:s23] =	ssyncadd.s32 $0xFFFFFFF0  }
0xe: {  	[tilespmem:s24], [sflag:$0x1] =	stream.linear.gather [hbm4b:s5+s3], $0x10, $0x38;
	[tilespmem:$0x51C0] =	vst v63  }
0xf: {  	_ =	swait.ge [sflag:s23], $0x10  }
0x10: {  	[sflag:s23] =	ssyncset.done $0x0  }
0x11: {  	s25 =	smul.u32 $0x2780, s1;
	s26 =	simm.s32 $0x51B0;
	[sflag:s23] =	ssyncadd.s32 $0xFFFFFFF0  }
0x12: {  	[tilespmem:s26], [sflag:$0x1] =	stream.linear.gather [hbm4b:s4+s3], $0x10, $0x38;
	[tilespmem:$0x51C0] =	vst v63  }
0x13: {  	_ =	swait.ge [sflag:s23], $0x10  }
0x14: {  	s28 =	sadd.s32 $0x1B400, s2;
	s5 =	sshrl.u32 s25, $0x3;
	[sflag:s23] =	ssyncset.done $0x0  }
0x15: {  	s4 =	sadd.s32 s28, s5;
	[sflag:s23] =	ssyncadd.s32 $0xFFFFFFF0  }
0x16: {  	[tilespmem:s3], [sflag:$0x1] =	stream.linear.gather [hbm4b:s4+s3], $0x2780, $0x38;
	[tilespmem:$0x51C0] =	vst v63  }
0x17: {  	_ =	swait.ge [sflag:s23], $0x2780  }
0x18: {  	[sflag:s23] =	ssyncset.done $0x0  }
0x19: {  	s29 =	simm.s32 $0x2780;
	s4 =	sadd.s32 $0x4F00, s4;
	[sflag:s23] =	ssyncadd.s32 $0xFFFFD880  }
0x1a: {  	[tilespmem:s29], [sflag:$0x1] =	stream.linear.gather [hbm4b:s4+s3], $0x2780, $0x38;
	[tilespmem:$0x51C0] =	vst v63  }
0x1b: {  	_ =	swait.ge [sflag:s23], $0x2780  }
0x1c: {  	s30 =	smul.u32 $0x4F, s1;
	[sflag:s23] =	ssyncset.done $0x0  }
0x1d: {  	[sflag:s23] =	ssyncadd.s32 $0xFFFFD880  }
0x1e: {  	s31 =	sadd.s32 s30, s2;
	s4 =	simm.s32 $0x0;
	v0 =	vld [tilespmem:$0x5190]  }
0x1f: {  	s2 =	sadd.s32 $0x1A00, s31;
	s3 =	simm.s32 $0x40;
	v1 =	vld [tilespmem:s4+$0x2780]  }
.LBB2_2:
0x20: {  	p0 =	sne.s32 s3, $0x9DC0;
	v2 =	vld [tilespmem:s4+$0x0];
	_ =	sdelay $0x4  }
0x21: {  	v1 =	vadd.f32 v1, v2  }
.Ltmp1:
0x22: {  	(pc) =	sbr.rel @p0 .LBB2_2-.Ltmp1, $3  }
0x23: {  	v1 =	vadd.f32 v1, v0;
	_ =	sdelay $0x1  }
0x24: {  	s5 =	sshra.s32 s3, $0x2;
	v2 =	vmax.f32 v1, $0.0e+00  }
0x25: {  	s3 =	sadd.s32 $0x40, s3;
	v1 =	vld [tilespmem:s5+$0x2780];
	[tilespmem:s4+$0x0] =	vst v2;
	s4 =	smov.u32 s5  }
0x26: {  	v2 =	vld [tilespmem:s4+$0x0];
	_ =	sdelay $0x4  }
0x27: {  	s3 =	simm.s32 $0x0;
	v8 =	vlaneseq.u32;
	v1 =	vadd.f32 v1, v2  }
0x28: {  	v2 =	vor.u32 s3, v8  }
0x29: {  	vm0 =	vlt.s32 v2, $0x277;
	v0 =	vadd.f32 v1, v0  }
0x2a: {  	v1 =	vnsel vm0, $0x277, v2  }
0x2b: {  	v14 =	vshll.u32 v1, $0x4;
	v0 =	vmax.f32 v0, $0.0e+00  }
0x2c: {  	[tilespmem:s4+$0x0] =	vst v0  }
0x2d: {  	v1 =	vor.u32 $0x1, v14;
	v0 =	vld [tilespmem:$0x51B0]  }
0x2e: {  	v17 =	vld [tilespmem:$0x51A0]  }
0x2f: {  	v3 =	vor.u32 $0x2, v14  }
0x30: {  	v4 =	vld.idx.msk [tilespmem:v14+s3+$0x0], $0xffff  }
0x31: {  	v5 =	vor.u32 $0x3, v14  }
0x32: {  	v6 =	vld.idx.msk [tilespmem:v1+s3+$0x0], $0xffff  }
0x33: {  	v7 =	vor.u32 $0x4, v14;
	v0 =	vadd.f32 $0.0e+00, v0;
	v2 =	vbroadcast v17, $0x0  }
0x34: {  	v9 =	vld.idx.msk [tilespmem:v3+s3+$0x0], $0xffff;
	v3 =	vbroadcast v17, $0x1  }
0x35: {  	v10 =	vor.u32 $0x5, v14;
	v0 =	vbroadcast v0, $0x0;
	v4 =	vmul.f32 v4, v2  }
0x36: {  	v12 =	vor.u32 $0x6, v14;
	v11 =	vld.idx.msk [tilespmem:v5+s3+$0x0], $0xffff  }
0x37: {  	v1 =	vbroadcast v17, $0x2;
	v6 =	vmul.f32 v6, v3;
	v5 =	vadd.f32 v4, v0  }
0x38: {  	v13 =	vor.u32 $0x7, v14;
	v7 =	vld.idx.msk [tilespmem:v7+s3+$0x0], $0xffff  }
0x39: {  	v9 =	vmul.f32 v9, v1;
	v4 =	vbroadcast v17, $0x3;
	v6 =	vadd.f32 v6, v5  }
0x3a: {  	v15 =	vor.u32 $0x8, v14;
	v10 =	vld.idx.msk [tilespmem:v10+s3+$0x0], $0xffff  }
0x3b: {  	v5 =	vbroadcast v17, $0x4;
	v11 =	vmul.f32 v11, v4;
	v9 =	vadd.f32 v9, v6  }
0x3c: {  	v16 =	vor.u32 $0x9, v14;
	v12 =	vld.idx.msk [tilespmem:v12+s3+$0x0], $0xffff  }
0x3d: {  	v6 =	vbroadcast v17, $0x5;
	v9 =	vadd.f32 v11, v9;
	v11 =	vmul.f32 v7, v5  }
0x3e: {  	v18 =	vor.u32 $0xA, v14;
	v13 =	vld.idx.msk [tilespmem:v13+s3+$0x0], $0xffff  }
0x3f: {  	v7 =	vbroadcast v17, $0x6;
	v10 =	vmul.f32 v10, v6;
	v11 =	vadd.f32 v11, v9  }
0x40: {  	v19 =	vor.u32 $0xB, v14;
	v15 =	vld.idx.msk [tilespmem:v15+s3+$0x0], $0xffff  }
0x41: {  	v9 =	vbroadcast v17, $0x7;
	v12 =	vmul.f32 v12, v7;
	v11 =	vadd.f32 v10, v11  }
0x42: {  	v20 =	vor.u32 $0xC, v14;
	v16 =	vld.idx.msk [tilespmem:v16+s3+$0x0], $0xffff  }
0x43: {  	v10 =	vbroadcast v17, $0x8;
	v13 =	vmul.f32 v13, v9;
	v12 =	vadd.f32 v12, v11  }
0x44: {  	v21 =	vor.u32 $0xD, v14;
	v18 =	vld.idx.msk [tilespmem:v18+s3+$0x0], $0xffff  }
0x45: {  	v11 =	vbroadcast v17, $0x9;
	v15 =	vmul.f32 v15, v10;
	v13 =	vadd.f32 v13, v12  }
0x46: {  	v22 =	vor.u32 $0xE, v14;
	v19 =	vld.idx.msk [tilespmem:v19+s3+$0x0], $0xffff  }
0x47: {  	v12 =	vbroadcast v17, $0xA;
	v16 =	vmul.f32 v16, v11;
	v15 =	vadd.f32 v15, v13  }
0x48: {  	v23 =	vor.u32 $0xF, v14;
	v20 =	vld.idx.msk [tilespmem:v20+s3+$0x0], $0xffff  }
0x49: {  	v13 =	vbroadcast v17, $0xB;
	v15 =	vadd.f32 v16, v15;
	v16 =	vmul.f32 v18, v12  }
0x4a: {  	v18 =	vld.idx.msk [tilespmem:v21+s3+$0x0], $0xffff  }
0x4b: {  	v14 =	vbroadcast v17, $0xC;
	v19 =	vmul.f32 v19, v13;
	v16 =	vadd.f32 v16, v15  }
0x4c: {  	v21 =	vld.idx.msk [tilespmem:v22+s3+$0x0], $0xffff  }
0x4d: {  	v20 =	vmul.f32 v20, v14;
	v15 =	vbroadcast v17, $0xD;
	v19 =	vadd.f32 v19, v16  }
0x4e: {  	v22 =	vld.idx.msk [tilespmem:v23+s3+$0x0], $0xffff  }
0x4f: {  	s31 =	simm.s32 $0x10;
	v16 =	vbroadcast v17, $0xE;
	v18 =	vmul.f32 v18, v15;
	v19 =	vadd.f32 v20, v19  }
0x50: {  	v17 =	vbroadcast v17, $0xF;
	v20 =	vor.u32 s31, v8  }
0x51: {  	vm15 =	vlt.s32 v20, $0x277;
	v18 =	vadd.f32 v18, v19;
	v19 =	vmul.f32 v21, v16  }
0x52: {  	v20 =	vnsel vm15, $0x277, v20  }
0x53: {  	v20 =	vshll.u32 v20, $0x4;
	v18 =	vadd.f32 v19, v18;
	v19 =	vmul.f32 v22, v17;
	_ =	sdelay $0x1  }
0x54: {  	v21 =	vor.u32 $0x1, v20;
	v18 =	vadd.f32 v19, v18  }
0x55: {  	s4 =	simm.s32 $0x4F00  }
0x56: {  	v19 =	vor.u32 $0x2, v20;
	[tilespmem:s4+$0x0] =	vst v18  }
0x57: {  	v18 =	vld.idx.msk [tilespmem:v20+s3+$0x0], $0xffff  }
0x58: {  	v22 =	vor.u32 $0x3, v20  }
0x59: {  	v21 =	vld.idx.msk [tilespmem:v21+s3+$0x0], $0xffff  }
0x5a: {  	v23 =	vor.u32 $0x4, v20  }
0x5b: {  	v19 =	vld.idx.msk [tilespmem:v19+s3+$0x0], $0xffff  }
0x5c: {  	v24 =	vor.u32 $0x5, v20;
	v18 =	vmul.f32 v18, v2  }
0x5d: {  	v22 =	vld.idx.msk [tilespmem:v22+s3+$0x0], $0xffff  }
0x5e: {  	v25 =	vor.u32 $0x6, v20;
	v21 =	vmul.f32 v21, v3;
	v18 =	vadd.f32 v18, v0  }
0x5f: {  	v23 =	vld.idx.msk [tilespmem:v23+s3+$0x0], $0xffff  }
0x60: {  	v26 =	vor.u32 $0x7, v20;
	v19 =	vmul.f32 v19, v1;
	v18 =	vadd.f32 v21, v18  }
0x61: {  	v21 =	vld.idx.msk [tilespmem:v24+s3+$0x0], $0xffff  }
0x62: {  	v57 =	vor.u32 $0x8, v20;
	v18 =	vadd.f32 v19, v18;
	v19 =	vmul.f32 v22, v4  }
0x63: {  	v22 =	vld.idx.msk [tilespmem:v25+s3+$0x0], $0xffff  }
0x64: {  	v58 =	vor.u32 $0x9, v20;
	v18 =	vadd.f32 v19, v18;
	v19 =	vmul.f32 v23, v5  }
0x65: {  	v23 =	vld.idx.msk [tilespmem:v26+s3+$0x0], $0xffff  }
0x66: {  	v59 =	vor.u32 $0xA, v20;
	v18 =	vadd.f32 v19, v18;
	v19 =	vmul.f32 v21, v6  }
0x67: {  	v21 =	vld.idx.msk [tilespmem:v57+s3+$0x0], $0xffff  }
0x68: {  	v60 =	vor.u32 $0xB, v20;
	v18 =	vadd.f32 v19, v18;
	v19 =	vmul.f32 v22, v7  }
0x69: {  	v22 =	vld.idx.msk [tilespmem:v58+s3+$0x0], $0xffff  }
0x6a: {  	v18 =	vadd.f32 v19, v18;
	v19 =	vmul.f32 v23, v9  }
0x6b: {  	v61 =	vor.u32 $0xC, v20;
	v23 =	vld.idx.msk [tilespmem:v59+s3+$0x0], $0xffff  }
0x6c: {  	v18 =	vadd.f32 v19, v18;
	v19 =	vmul.f32 v21, v10  }
0x6d: {  	v62 =	vor.u32 $0xD, v20;
	v21 =	vld.idx.msk [tilespmem:v60+s3+$0x0], $0xffff  }
0x6e: {  	v18 =	vadd.f32 v19, v18;
	v19 =	vmul.f32 v22, v11  }
0x6f: {  	v63 =	vor.u32 $0xE, v20  }
0x70: {  	v22 =	vld.idx.msk [tilespmem:v61+s3+$0x0], $0xffff;
	v18 =	vadd.f32 v19, v18;
	v19 =	vmul.f32 v23, v12  }
0x71: {  	v20 =	vor.u32 $0xF, v20  }
0x72: {  	v23 =	vld.idx.msk [tilespmem:v62+s3+$0x0], $0xffff;
	v18 =	vadd.f32 v19, v18;
	v19 =	vmul.f32 v21, v13;
	_ =	sdelay $0x1  }
0x73: {  	v21 =	vadd.f32 v19, v18;
	v19 =	vld.idx.msk [tilespmem:v63+s3+$0x0], $0xffff  }
0x74: {  	v22 =	vmul.f32 v22, v14  }
0x75: {  	v18 =	vld.idx.msk [tilespmem:v20+s3+$0x0], $0xffff  }
0x76: {  	s5 =	simm.s32 $0x20;
	v21 =	vadd.f32 v22, v21;
	v22 =	vmul.f32 v23, v15  }
0x77: {  	v20 =	vor.u32 s5, v8;
	s5 =	simm.s32 $0x30  }
.LBB2_4:
0x78: {  	p0 =	sne.s32 s5, $0x270;
	vm0 =	vlt.s32 v20, $0x277;
	v21 =	vadd.f32 v22, v21;
	v19 =	vmul.f32 v19, v16  }
0x79: {  	v20 =	vnsel vm0, $0x277, v20  }
0x7a: {  	v18 =	vmul.f32 v18, v17;
	v20 =	vshll.u32 v20, $0x4;
	v19 =	vadd.f32 v19, v21;
	_ =	sdelay $0x1  }
0x7b: {  	v21 =	vor.u32 $0x1, v20;
	v18 =	vadd.f32 v18, v19  }
0x7c: {  	s4 =	sadd.s32 $0x10, s4  }
0x7d: {  	v19 =	vor.u32 $0x2, v20;
	[tilespmem:s4+$0x0] =	vst v18  }
0x7e: {  	v18 =	vld.idx.msk [tilespmem:v20+s3+$0x0], $0xffff  }
0x7f: {  	v22 =	vor.u32 $0x3, v20  }
0x80: {  	v21 =	vld.idx.msk [tilespmem:v21+s3+$0x0], $0xffff  }
0x81: {  	v23 =	vor.u32 $0x4, v20  }
0x82: {  	v19 =	vld.idx.msk [tilespmem:v19+s3+$0x0], $0xffff  }
0x83: {  	v24 =	vor.u32 $0x5, v20  }
0x84: {  	v18 =	vmul.f32 v18, v2;
	v22 =	vld.idx.msk [tilespmem:v22+s3+$0x0], $0xffff  }
0x85: {  	v25 =	vor.u32 $0x6, v20  }
0x86: {  	v18 =	vadd.f32 v18, v0;
	v21 =	vmul.f32 v21, v3;
	v23 =	vld.idx.msk [tilespmem:v23+s3+$0x0], $0xffff  }
0x87: {  	v26 =	vor.u32 $0x7, v20  }
0x88: {  	v18 =	vadd.f32 v21, v18;
	v19 =	vmul.f32 v19, v1;
	v21 =	vld.idx.msk [tilespmem:v24+s3+$0x0], $0xffff  }
0x89: {  	v24 =	vor.u32 $0x8, v20  }
0x8a: {  	v18 =	vadd.f32 v19, v18;
	v19 =	vmul.f32 v22, v4;
	v22 =	vld.idx.msk [tilespmem:v25+s3+$0x0], $0xffff  }
0x8b: {  	v25 =	vor.u32 $0x9, v20  }
0x8c: {  	v18 =	vadd.f32 v19, v18;
	v19 =	vmul.f32 v23, v5;
	v23 =	vld.idx.msk [tilespmem:v26+s3+$0x0], $0xffff  }
0x8d: {  	v26 =	vor.u32 $0xA, v20  }
0x8e: {  	v18 =	vadd.f32 v19, v18;
	v19 =	vmul.f32 v21, v6;
	v21 =	vld.idx.msk [tilespmem:v24+s3+$0x0], $0xffff  }
0x8f: {  	v24 =	vor.u32 $0xB, v20  }
0x90: {  	v18 =	vadd.f32 v19, v18;
	v19 =	vmul.f32 v22, v7;
	v22 =	vld.idx.msk [tilespmem:v25+s3+$0x0], $0xffff  }
0x91: {  	v25 =	vor.u32 $0xC, v20  }
0x92: {  	v18 =	vadd.f32 v19, v18;
	v19 =	vmul.f32 v23, v9;
	v23 =	vld.idx.msk [tilespmem:v26+s3+$0x0], $0xffff  }
0x93: {  	v26 =	vor.u32 $0xD, v20  }
0x94: {  	v18 =	vadd.f32 v19, v18;
	v19 =	vmul.f32 v21, v10;
	v21 =	vld.idx.msk [tilespmem:v24+s3+$0x0], $0xffff  }
0x95: {  	v24 =	vor.u32 $0xE, v20  }
0x96: {  	v18 =	vadd.f32 v19, v18;
	v19 =	vmul.f32 v22, v11;
	v22 =	vld.idx.msk [tilespmem:v25+s3+$0x0], $0xffff  }
0x97: {  	v20 =	vor.u32 $0xF, v20  }
0x98: {  	v18 =	vadd.f32 v19, v18;
	v19 =	vmul.f32 v23, v12;
	v23 =	vld.idx.msk [tilespmem:v26+s3+$0x0], $0xffff;
	_ =	sdelay $0x1  }
0x99: {  	v18 =	vadd.f32 v19, v18;
	v21 =	vmul.f32 v21, v13;
	v19 =	vld.idx.msk [tilespmem:v24+s3+$0x0], $0xffff  }
.Ltmp2:
0x9a: {  	(pc) =	sbr.rel @p0 .LBB2_4-.Ltmp2, $3  }
0x9b: {  	v21 =	vadd.f32 v21, v18;
	v22 =	vmul.f32 v22, v14;
	v18 =	vld.idx.msk [tilespmem:v20+s3+$0x0], $0xffff;
	_ =	sdelay $0x1  }
0x9c: {  	v21 =	vadd.f32 v22, v21;
	v22 =	vmul.f32 v23, v15  }
0x9d: {  	v20 =	vor.u32 s5, v8;
	s5 =	sadd.s32 $0x10, s5  }
0x9e: {  	vm0 =	vlt.s32 v20, $0x277;
	v8 =	vadd.f32 v22, v21;
	v19 =	vmul.f32 v19, v16  }
0x9f: {  	v20 =	vnsel vm0, $0x277, v20  }
0xa0: {  	v18 =	vmul.f32 v18, v17;
	v20 =	vshll.u32 v20, $0x4;
	v8 =	vadd.f32 v19, v8;
	_ =	sdelay $0x1  }
0xa1: {  	v63 =	vor.u32 $0x1, v20;
	v8 =	vadd.f32 v18, v8  }
0xa2: {  	s4 =	sadd.s32 $0x10, s4  }
0xa3: {  	v24 =	vor.u32 $0x2, v20;
	[tilespmem:s4+$0x0] =	vst v8  }
0xa4: {  	v8 =	vld.idx.msk [tilespmem:v20+s3+$0x0], $0xffff  }
0xa5: {  	v25 =	vor.u32 $0x3, v20  }
0xa6: {  	v19 =	vld.idx.msk [tilespmem:v63+s3+$0x0], $0xffff  }
0xa7: {  	v26 =	vor.u32 $0x4, v20  }
0xa8: {  	v18 =	vld.idx.msk [tilespmem:v24+s3+$0x0], $0xffff  }
0xa9: {  	v23 =	vor.u32 $0x5, v20;
	v2 =	vmul.f32 v8, v2  }
0xaa: {  	v27 =	vld.idx.msk [tilespmem:v25+s3+$0x0], $0xffff  }
0xab: {  	v28 =	vor.u32 $0x6, v20;
	v29 =	vmul.f32 v19, v3;
	v0 =	vadd.f32 v2, v0  }
0xac: {  	v30 =	vld.idx.msk [tilespmem:v26+s3+$0x0], $0xffff  }
0xad: {  	v31 =	vor.u32 $0x7, v20;
	v1 =	vmul.f32 v18, v1;
	v0 =	vadd.f32 v29, v0  }
0xae: {  	v32 =	vld.idx.msk [tilespmem:v23+s3+$0x0], $0xffff  }
0xaf: {  	v33 =	vor.u32 $0x8, v20;
	v34 =	vmul.f32 v27, v4;
	v0 =	vadd.f32 v1, v0  }
0xb0: {  	v35 =	vld.idx.msk [tilespmem:v28+s3+$0x0], $0xffff  }
0xb1: {  	v36 =	vor.u32 $0x9, v20;
	v37 =	vmul.f32 v30, v5;
	v0 =	vadd.f32 v34, v0  }
0xb2: {  	v38 =	vld.idx.msk [tilespmem:v31+s3+$0x0], $0xffff  }
0xb3: {  	v39 =	vor.u32 $0xA, v20;
	v40 =	vmul.f32 v32, v6;
	v0 =	vadd.f32 v37, v0  }
0xb4: {  	v41 =	vld.idx.msk [tilespmem:v33+s3+$0x0], $0xffff  }
0xb5: {  	v42 =	vor.u32 $0xB, v20;
	v43 =	vmul.f32 v35, v7;
	v0 =	vadd.f32 v40, v0  }
0xb6: {  	v44 =	vld.idx.msk [tilespmem:v36+s3+$0x0], $0xffff  }
0xb7: {  	v45 =	vor.u32 $0xC, v20;
	v46 =	vmul.f32 v38, v9;
	v0 =	vadd.f32 v43, v0  }
0xb8: {  	v47 =	vld.idx.msk [tilespmem:v39+s3+$0x0], $0xffff  }
0xb9: {  	v48 =	vor.u32 $0xD, v20;
	v49 =	vmul.f32 v41, v10;
	v0 =	vadd.f32 v46, v0  }
0xba: {  	v50 =	vld.idx.msk [tilespmem:v42+s3+$0x0], $0xffff  }
0xbb: {  	v51 =	vor.u32 $0xE, v20;
	v52 =	vmul.f32 v44, v11;
	v0 =	vadd.f32 v49, v0  }
0xbc: {  	v53 =	vld.idx.msk [tilespmem:v45+s3+$0x0], $0xffff  }
0xbd: {  	v54 =	vor.u32 $0xF, v20;
	v55 =	vmul.f32 v47, v12;
	v0 =	vadd.f32 v52, v0  }
0xbe: {  	v56 =	vld.idx.msk [tilespmem:v48+s3+$0x0], $0xffff  }
0xbf: {  	v57 =	vmul.f32 v50, v13;
	v0 =	vadd.f32 v55, v0  }
0xc0: {  	v58 =	vld.idx.msk [tilespmem:v51+s3+$0x0], $0xffff  }
0xc1: {  	v59 =	vmul.f32 v53, v14;
	v0 =	vadd.f32 v57, v0  }
0xc2: {  	v60 =	vld.idx.msk [tilespmem:v54+s3+$0x0], $0xffff  }
0xc3: {  	v61 =	vmul.f32 v56, v15;
	v0 =	vadd.f32 v59, v0;
	_ =	sdelay $0x1  }
0xc4: {  	v62 =	vmul.f32 v58, v16;
	v0 =	vadd.f32 v61, v0;
	_ =	sdelay $0x1  }
0xc5: {  	v63 =	vmul.f32 v60, v17;
	v0 =	vadd.f32 v62, v0;
	_ =	sdelay $0x1  }
0xc6: {  	v0 =	vadd.f32 v63, v0  }
0xc7: {  	s28 =	sadd.s32 $0x10, s4  }
0xc8: {  	s29 =	simm.s32 $0x0;
	s30 =	simm.s32 $0x4F00;
	s31 =	simm.s32 $0x1;
	[tilespmem:s28+$0x0] =	vst v0  }
0xc9: {  	[hbm4b:s2+s29] =	stream.linear.scatter [tilespmem:s30], [sflag:$0x1], $0x278, $0x38;
	[tilespmem:$0x51C0] =	vst v63  }
0xca: {  	_ =	swait.ge [sflag:s31], $0x278  }
0xcb: {  	[sflag:s31] =	ssyncset.done $0x0  }
0xcc: {  	[sflag:s31] =	ssyncadd.s32 $0xFFFFFD88  }
.LBB2_6:
0xcd: {  	_ =	sfence.sel $0x180000  }
0xce: {  	[bflag:$0x0] =	sbarrier.arrive $0xFFFF  }
0xcf: {  	p0 =	sne.s32 s1, $0x0;
	_ =	strace $0x90000050  }
0xd0: {  	s0 =	sadd.s32 @!p0 $0x100000, s0;
	[bflag:$0x2] =	sbarrier.arrive $0xFFFF  }
0xd1: {  	[sflag:s0] =	ssyncadd.tile.s32 @!p0 $0x1;
	_ =	shalt  }
.Lfunc_end2:
_tile_overlayer_lowered:
.L_overlay_start_2:
0xd2: {  	(tag) =	ssettag $0x2  }
0xd3: {  	s0 =	rddreg [dreg:$0x0];
	s2 =	stileid.u32  }
0xd4: {  	s1 =	rddreg [dreg:$0x1];
	p0 =	sne.s32 s2, $0x0  }
0xd5: {  	s3 =	rddreg [dreg:$0x2];
	[bflag:$0x3] =	sbarrier.arrive $0xFFFF;
	s2 =	simm.s32 @!p0 $0x1C01  }
0xd6: {  	[timem:s3], [sflag:s2] =	dma.local @!p0 [hbm:s0], s1  }
0xd7: {  	s0 =	simm.s32 @!p0 $0x1  }
0xd8: {  	_ =	swait.ge @!p0 [sflag:s0], s1  }
0xd9: {  	s1 =	ssub.s32 @!p0 $0x0, s1;
	[sflag:s0] =	ssyncset.done @!p0 $0x0  }
0xda: {  	[sflag:s0] =	ssyncadd.s32 @!p0 s1  }
0xdb: {  	[bflag:$0x3] =	sbarrier.arrive $0xFFFF  }
0xdc: {  	_ =	shalt  }

// kernel: kernel.8.cloned.1.call-start
scs
__scs_entry_jumppad:
0x0: {  	(pc) =	sbr.rel $0x88, $3  }
0x1: {  	(tag) =	ssettag $0x0;
	lr =	simm.s32 $0x1  }
0x2: {  	[smem:$0x3F99] =	sst lr;
	_ =	strace $0xD0000000  }
0x3: {  	_ = 	snop  }
0x4: {  	_ = 	snop  }
0x5: {  	_ = 	snop  }
0x6: {  	_ = 	snop  }
0x7: {  	_ = 	snop  }
__scs_overlays_trampoline_lowered:
0x8: {  	[smem:$0x3FA8] =	sst s0  }
0x9: {  	[smem:$0x3FA9] =	sst s1  }
0xa: {  	[smem:$0x3FAA] =	sst s2  }
0xb: {  	[smem:$0x3FAB] =	sst s3  }
0xc: {  	[smem:$0x3FAC] =	sst s4  }
0xd: {  	[smem:$0x3FAD] =	sst s5  }
0xe: {  	[smem:$0x3FAE] =	sst s6  }
0xf: {  	[smem:$0x3FAF] =	sst s7  }
0x10: {  	[smem:$0x3FB0] =	sst s8  }
0x11: {  	[smem:$0x3FB1] =	sst s9;
	s0 =	simm.s32 @!p0 $0x0  }
0x12: {  	s1 =	sld [smem:$0x3F97];
	s0 =	simm.s32 @p0 $0x1  }
0x13: {  	[smem:$0x3FB2] =	sst s0;
	s0 =	simm.s32 @!p1 $0x0  }
0x14: {  	s2 =	sld [smem:$0x3F96];
	s0 =	simm.s32 @p1 $0x1  }
0x15: {  	[smem:$0x3FB3] =	sst s0;
	s0 =	simm.s32 @!p2 $0x0  }
0x16: {  	s3 =	sld [smem:$0x3FDB];
	s0 =	simm.s32 @p2 $0x1  }
0x17: {  	s4 =	simm.s32 $0x1BF5;
	[smem:$0x3FB5] =	sst s0  }
0x18: {  	s0 =	sld [smem:$0x3F98];
	_ =	swait.ge [sflag:s4], $0x0  }
0x19: {  	s7 =	sld [smem:$0x3F99]  }
0x1a: {  	s8 =	sadd.s32 $0xFFFFE003, lr  }
0x1b: {  	s9 =	sadd.s32 $0xFFFFFEF7, lr;
	s5 =	simm.s32 $0xFFFFFFFF;
	p2 =	slt.u32 s8, $0xFFFFF086  }
0x1c: {  	p1 =	slt.u32 s9, $0xF7A;
	s5 =	simm.s32 @!p2 $0x0  }
0x1d: {  	s5 =	simm.s32 @p1 $0x1;
	p0 =	seq.s32 s7, s2  }
0x1e: {  	s7 =	smul.u32 @!p0 $0xF7A, s2;
	p2 =	seq.s32 @!p0 s5, $0x0  }
0x1f: {  	s9 =	smul.u32 $0xF7A, s1;
	s8 =	simm.s32 @!p0 $0x1BF5;
	p2 =	por !p2, p0  }
0x20: {  	[sflag:s8] =	ssyncset.s32 @!p0 $0xFFFFF086;
	s6 =	sadd.s32 @!p0 s3, s7;
	s7 =	simm.s32 @!p0 $0x108  }
0x21: {  	s3 =	sadd.s32 s3, s9;
	s6 =	sadd.s32 @!p0 $0x88, s6;
	s7 =	simm.s32 @p2 $0x1082  }
0x22: {  	[simem:s7], [sflag:s8] =	dma.local @!p0 [hbm:s6], $0xF7A  }
0x23: {  	s9 =	sor.u32 $0xD0000000, s2;
	s6 =	simm.s32 $0x108;
	_ =	swait.ge @!p0 [sflag:s8], $0x0  }
0x24: {  	s3 =	sadd.s32 $0x88, s3;
	s6 =	simm.s32 @!p1 $0x1082;
	[sflag:s4] =	ssyncset.s32 $0xFFFFF086  }
0x25: {  	[simem:s6], [sflag:s4] =	dma.local [hbm:s3], $0xF7A  }
0x26: {  	[smem:$0x3F99] =	sst s1;
	(tag) =	ssettag s2;
	_ =	strace s9  }
0x27: {  	s1 =	sld [smem:$0x3FA9]  }
0x28: {  	s2 =	sld [smem:$0x3FAA]  }
0x29: {  	s4 =	sld [smem:$0x3FAC]  }
0x2a: {  	p0 =	seq.s32 s5, $0x0;
	s5 =	sld [smem:$0x3FAD]  }
0x2b: {  	s6 =	sld [smem:$0x3FAE]  }
0x2c: {  	s7 =	sld [smem:$0x3FAF]  }
0x2d: {  	s3 =	simm.s32 $0x108;
	s8 =	sld [smem:$0x3FB0]  }
0x2e: {  	s3 =	simm.s32 @!p0 $0x1082;
	s9 =	sld [smem:$0x3FB1]  }
0x2f: {  	lr =	sadd.s32 s0, s3;
	s0 =	sld [smem:$0x3FA8]  }
0x30: {  	s3 =	sld [smem:$0x3FAB]  }
0x31: {  	[smem:$0x3FB4] =	sst s10  }
0x32: {  	s10 =	sld [smem:$0x3FB2];
	_ =	sdelay $0x3  }
0x33: {  	p0 =	seq.s32 s10, $0x1;
	s10 =	sld [smem:$0x3FB4];
	_ =	sdelay $0x3  }
0x34: {  	[smem:$0x3FB4] =	sst s10  }
0x35: {  	s10 =	sld [smem:$0x3FB3];
	_ =	sdelay $0x3  }
0x36: {  	p1 =	seq.s32 s10, $0x1;
	s10 =	sld [smem:$0x3FB4];
	_ =	sdelay $0x3  }
0x37: {  	[smem:$0x3FB4] =	sst s10  }
0x38: {  	s10 =	sld [smem:$0x3FB5]  }
0x39: {  	_ = 	snop;
	(pc) =	sbr.ind lr, $3  }
0x3a: {  	_ = 	snop  }
0x3b: {  	_ = 	snop  }
0x3c: {  	p2 =	seq.s32 s10, $0x1;
	s10 =	sld [smem:$0x3FB4]  }
0x3d: {  	_ =	shalt  }
0x3e: {  	_ =	shalt  }
0x3f: {  	_ =	shalt  }
0x40: {  	_ =	shalt  }
0x41: {  	_ =	shalt  }
0x42: {  	_ =	shalt  }
0x43: {  	_ =	shalt  }
0x44: {  	_ =	shalt  }
0x45: {  	_ =	shalt  }
0x46: {  	_ =	shalt  }
0x47: {  	_ =	shalt  }
0x48: {  	_ =	shalt  }
0x49: {  	_ =	shalt  }
0x4a: {  	_ =	shalt  }
0x4b: {  	_ =	shalt  }
0x4c: {  	_ =	shalt  }
0x4d: {  	_ =	shalt  }
0x4e: {  	_ =	shalt  }
0x4f: {  	_ =	shalt  }
0x50: {  	_ =	shalt  }
0x51: {  	_ =	shalt  }
0x52: {  	_ =	shalt  }
0x53: {  	_ =	shalt  }
0x54: {  	_ =	shalt  }
0x55: {  	_ =	shalt  }
0x56: {  	_ =	shalt  }
0x57: {  	_ =	shalt  }
0x58: {  	_ =	shalt  }
0x59: {  	_ =	shalt  }
0x5a: {  	_ =	shalt  }
0x5b: {  	_ =	shalt  }
0x5c: {  	_ =	shalt  }
0x5d: {  	_ =	shalt  }
0x5e: {  	_ =	shalt  }
0x5f: {  	_ =	shalt  }
0x60: {  	_ =	shalt  }
0x61: {  	_ =	shalt  }
0x62: {  	_ =	shalt  }
0x63: {  	_ =	shalt  }
0x64: {  	_ =	shalt  }
0x65: {  	_ =	shalt  }
0x66: {  	_ =	shalt  }
0x67: {  	_ =	shalt  }
0x68: {  	_ =	shalt  }
0x69: {  	_ =	shalt  }
0x6a: {  	_ =	shalt  }
0x6b: {  	_ =	shalt  }
0x6c: {  	_ =	shalt  }
0x6d: {  	_ =	shalt  }
0x6e: {  	_ =	shalt  }
0x6f: {  	_ =	shalt  }
0x70: {  	_ =	shalt  }
0x71: {  	_ =	shalt  }
0x72: {  	_ =	shalt  }
0x73: {  	_ =	shalt  }
0x74: {  	_ =	shalt  }
0x75: {  	_ =	shalt  }
0x76: {  	_ =	shalt  }
0x77: {  	_ =	shalt  }
0x78: {  	_ =	shalt  }
0x79: {  	_ =	shalt  }
0x7a: {  	_ =	shalt  }
0x7b: {  	_ =	shalt  }
0x7c: {  	_ =	shalt  }
0x7d: {  	_ =	shalt  }
0x7e: {  	_ =	shalt  }
0x7f: {  	_ =	shalt  }
0x80: {  	_ =	shalt  }
0x81: {  	_ =	shalt  }
0x82: {  	_ =	shalt  }
0x83: {  	_ =	shalt  }
0x84: {  	_ =	shalt  }
0x85: {  	_ =	shalt  }
0x86: {  	_ =	shalt  }
0x87: {  	_ =	shalt  }
.Lfunc_end0:
.L_simem_size_0:
called_computation_lowered:
.L_overlay_start_0:
0x88: {  	s2 =	sld [smem:$0x3FD9]  }
0x89: {  	s3 =	sld [smem:$0x3FFE];
	_ =	sdelay $0x1  }
0x8a: {  	s1 =	srdreg.scid  }
0x8b: {  	s0 =	sand.u32 $0x1, s1  }
0x8c: {  	s16 =	sshll.u32 s0, $0xA;
	s2 =	sadd.s32 s3, s2  }
0x8d: {  	s2 =	sadd.s32 s2, s16  }
0x8e: {  	[smem:$0x3FC0] =	sst s2  }
0x8f: {  	_ = 	snop  }
0x90: {  	(tm) =	ssettm $0x1  }
0x91: {  	s17 =	sld [smem:$0x3FFB];
	_ =	sdelay $0x3  }
0x92: {  	_ =	strace s17  }
0x93: {  	s2 =	sld [smem:$0x3FFC];
	_ =	sdelay $0x3  }
0x94: {  	_ =	strace s2  }
0x95: {  	s2 =	sld [smem:$0x3FFD];
	_ =	sdelay $0x3  }
0x96: {  	_ =	strace s2  }
0x97: {  	_ =	strace $0x8FFFFFFF  }
0x98: {  	s18 =	sld [smem:$0x3FDB];
	_ =	sdelay $0x1  }
0x99: {  	s19 =	simm.s32 $_scs_section_size  }
0x9a: {  	s4 =	simm.s32 $_size__tile_overlayer_lowered;
	s5 =	simm.s32 $_tile_overlayer_lowered  }
0x9b: {  	s22 =	simm.s32 $0x1BFF;
	s21 =	sshll.u32 s5, $0x1;
	s2 =	sadd.s32 s19, s18  }
0x9c: {  	s6 =	simm.s32 $0x0;
	s20 =	sshll.u32 s4, $0x1;
	s4 =	sadd.s32 s21, s2  }
0x9d: {  	[timem:s6], [sflag:s22] =	dma.local [hbm:s4], s20  }
0x9e: {  	_ =	swait.ge [sflag:s22], s20  }
0x9f: {  	s3 =	ssub.s32 $0x0, s20;
	[sflag:s22] =	ssyncset.done $0x0  }
0xa0: {  	[sflag:s22] =	ssyncadd.s32 s3;
	_ =	sdelay $0x1  }
0xa1: {  	s23 =	simm.s32 $0x1B8B  }
0xa2: {  	_ =	swait.ge [sflag:s23], $0x1  }
0xa3: {  	[sflag:s23] =	ssyncset.done $0x0  }
0xa4: {  	s25 =	simm.s32 $0x1B8E;
	s24 =	sld [smem:$0x3FFE];
	[sflag:s23] =	ssyncadd.s32 $0xFFFFFFFF  }
0xa5: {  	s26 =	simm.s32 $execute0_lowered;
	[smem:$0x3FD2] =	sst s25  }
0xa6: {  	s4 =	sshll.u32 s26, $0x1;
	_ =	strace $0x80000046;
	[dreg:$0x1] =	wrdreg $0xFFFFFFFF  }
0xa7: {  	s28 =	simm.s32 $_size_execute0_lowered;
	s2 =	sadd.s32 s2, s4;
	[dreg:$0x0] =	wrdreg $0x0  }
0xa8: {  	s4 =	sshll.u32 s28, $0x1;
	[dreg:$0x2] =	wrdreg s2  }
0xa9: {  	[dreg:$0x3] =	wrdreg s4  }
0xaa: {  	[dreg:$0x4] =	wrdreg $0xC0  }
0xab: {  	_ =	task [dreg:s6], $0x5FFFF  }
0xac: {  	[dreg:$0x1] =	wrdreg $0xFFFFFFFF  }
0xad: {  	[dreg:$0x0] =	wrdreg $0x60  }
0xae: {  	[dreg:$0x2] =	wrdreg s24  }
0xaf: {  	[dreg:$0x3] =	wrdreg $0x5A100  }
0xb0: {  	[dreg:$0x4] =	wrdreg $0x9  }
0xb1: {  	_ =	task.clear_ibuf [dreg:s6], $0x5FFFF;
	_ =	strace $0x90000046  }
0xb2: {  	s29 =	simm.s32 $0x9;
	_ =	strace $0x80000048  }
0xb3: {  	_ =	swait.ge [sflag:s29], $0x1  }
0xb4: {  	[sflag:s29] =	ssyncadd.s32 $0xFFFFFFFF  }
0xb5: {  	_ =	strace $0x90000048  }
0xb6: {  	_ =	sfence  }
0xb7: {  	s30 =	sld [smem:$0x0];
	_ =	sdelay $0x2  }
0xb8: {  	s31 =	sshll.u32 s1, $0xD;
	s1 =	sshrl.u32 s1, $0x2  }
0xb9: {  	s3 =	sand.u32 $0x4000, s31;
	s1 =	sadd.s32 s1, s30  }
0xba: {  	s0 =	sor.u32 s3, s0;
	s1 =	sshll.u32 s1, $0x11  }
0xbb: {  	s0 =	sor.u32 s1, s0  }
0xbc: {  	s0 =	sadd.s32 $0x8F2B, s0  }
0xbd: {  	[sflag:s0] =	ssyncadd.remote.s32 $0x1  }
0xbe: {  	_ =	sfence.sel $0xFFFF  }
0xbf: {  	[dreg:$0x0] =	wrdreg $0xFFFFFFFF;
	(pc) =	sbr.abs _section_cstart, $3  }
0xc0: {  	[dreg:$0x1] =	wrdreg $0xFFFFFFFF  }
0xc1: {  	_ =	task.clear_ibuf [dreg:s6], $0x2FFFF;
	_ =	strace $0x9FFFFFFF  }
0xc2: {  	(tm) =	ssettm $0x7FFFFFFF  }
0xc3: {  	_ =	shalt  }
tec
execute0_lowered:
.L_overlay_start_1:
0x0: {  	(tag) =	ssettag $0x1  }
0x1: {  	s4 =	rddreg [dreg:$0x0];
	s0 =	srdreg.scid  }
0x2: {  	s2 =	rddreg [dreg:$0x1];
	s1 =	stileid.u32  }
0x3: {  	s3 =	simm.s32 $0x0;
	s10 =	simm.s32 $0x80;
	s11 =	simm.s32 $0x2800  }
0x4: {  	s12 =	simm.s32 $0x1;
	s13 =	simm.s32 $0x5780;
	s14 =	simm.s32 $0x0  }
0x5: {  	s5 =	sand.u32 $0x1, s0;
	s0 =	rddreg [dreg:$0x2];
	s7 =	smul.u32 $0x278, s1  }
0x6: {  	[smem:$0x7FF] =	sst s3;
	s6 =	sshll.u32 s5, $0x4;
	s8 =	smul.u32 $0x2780, s5  }
0x7: {  	s30 =	smul.u32 $0x9E00, s1;
	_ =	strace $0x80000047;
	s6 =	sor.u32 s1, s6  }
0x8: {  	s5 =	ssub.s32 $0x2, s5;
	s6 =	smul.u32 $0x500, s6;
	s7 =	sadd.s32 s7, s8  }
0x9: {  	s31 =	sshrl.u32 s5, $0x1;
	s8 =	sshrl.u32 s30, $0x2;
	s7 =	sshrl.u32 s7, $0x3  }
0xa: {  	s9 =	ssub.s32 s5, s31;
	s6 =	sadd.s32 s6, s4;
	s7 =	sadd.s32 s7, s4  }
0xb: {  	s4 =	sadd.s32 s8, s2;
	s8 =	simm.s32 $0x3000;
	s5 =	sadd.s32 $0x1A00, s6  }
0xc: {  	v0 =	vimm.f32 $0.0e+00;
	v1 =	vimm.f32 $1.000000000e+00;
	v2 =	vlaneseq.u32;
	s6 =	sadd.s32 $0xBA00, s7;
	s7 =	smax.u32 s9, $0x1;
	s9 =	simm.s32 $0x2  }
.LBB2_1:
0xd: {  	s15 =	simm.s32 $0x0  }
.LBB2_2:
0xe: {  	p0 =	sne.s32 s15, $0x9DC0  }
.Ltmp0:
0xf: {  	_ = 	snop;
	(pc) =	sbr.rel @p0 .LBB2_2-.Ltmp0, $3  }
0x10: {  	_ =	sdelay $0x1  }
0x11: {  	s16 =	sshra.s32 s15, $0x2  }
0x12: {  	s15 =	sadd.s32 $0x40, s15;
	[tilespmem:s16+$0x3000] =	vst v0  }
0x13: {  	s15 =	simm.s32 $0x40;
	s16 =	simm.s32 $0x0  }
.LBB2_4:
0x14: {  	p0 =	sne.s32 s15, $0x1FC0;
	[tilespmem:s16+$0x2800] =	vst v1;
	s16 =	smov.u32 s15;
	s15 =	sadd.s32 $0x40, s15  }
.Ltmp1:
0x15: {  	(pc) =	sbr.rel @p0 .LBB2_4-.Ltmp1, $2  }
0x16: {  	_ =	sdelay $0x2  }
0x17: {  	s16 =	sshra.s32 s16, $0x2  }
0x18: {  	[tilespmem:s16+$0x2800] =	vst v1  }
0x19: {  	[spmem:s4] =	stream.linear.scatter [tilespmem:s8], [sflag:$0x2], $0x2780, $0x38;
	[tilespmem:$0x8190] =	vst v63  }
0x1a: {  	_ =	swait.ge [sflag:s9], $0x2780  }
0x1b: {  	[sflag:s9] =	ssyncset.done $0x0  }
0x1c: {  	[sflag:s9] =	ssyncadd.s32 $0xFFFFD880  }
0x1d: {  	[tilespmem:s3], [sflag:$0x2] =	stream.linear.gather [hbm4b:s5+s3], $0x2800, $0x38;
	[tilespmem:$0x8190] =	vst v63  }
0x1e: {  	_ =	swait.ge [sflag:s9], $0x2800  }
0x1f: {  	[sflag:s9] =	ssyncset.done $0x0  }
0x20: {  	[sflag:s9] =	ssyncadd.s32 $0xFFFFD800  }
0x21: {  	[bflag:$0x0] =	sbarrier.arrive $0xFFFF  }
0x22: {  	[spmem:s2] =	stream.indirect.scatter.add.f32 [tilespmem:s11], [sflag:$0x1], $0x10, s3, s10, $0xb8;
	[tilespmem:$0x8190] =	vst v63  }
0x23: {  	_ = 	snop  }
0x24: {  	[spmem:s2] =	stream.indirect.scatter.add.f32 [tilespmem:s11], [sflag:$0x1], $0x10, s10, s10, $0xb8;
	[tilespmem:$0x8190] =	vst v63  }
0x25: {  	s15 =	simm.s32 $0x100  }
0x26: {  	[spmem:s2] =	stream.indirect.scatter.add.f32 [tilespmem:s11], [sflag:$0x1], $0x10, s15, s10, $0xb8;
	[tilespmem:$0x8190] =	vst v63  }
0x27: {  	s31 =	simm.s32 $0x180  }
0x28: {  	[spmem:s2] =	stream.indirect.scatter.add.f32 [tilespmem:s11], [sflag:$0x1], $0x10, s31, s10, $0xb8;
	[tilespmem:$0x8190] =	vst v63  }
0x29: {  	_ =	swait.ge [sflag:s12], $0x800  }
0x2a: {  	[sflag:s12] =	ssyncset.done $0x0  }
0x2b: {  	[sflag:s12] =	ssyncadd.s32 $0xFFFFF800  }
0x2c: {  	_ =	swait.ge [sflag:s12], $0x800  }
0x2d: {  	s16 =	simm.s32 $0xFFFF6C00;
	s15 =	simm.s32 $0xFFFFDA00;
	[sflag:s12] =	ssyncset.done $0x0  }
.LBB2_6:
0x2e: {  	s17 =	sadd.s32 $0x2800, s15  }
0x2f: {  	[sflag:s12] =	ssyncadd.s32 $0xFFFFF800;
	s18 =	smov.u32 s16;
	s19 =	sadd.s32 $0x400, s16  }
0x30: {  	[spmem:s2] =	stream.indirect.scatter.add.f32 [tilespmem:s11], [sflag:$0x1], $0x10, s17, s10, $0xb8;
	[tilespmem:$0x8190] =	vst v63  }
0x31: {  	p0 =	sne.s32 s16, $0xFFFFFC00;
	s15 =	sadd.s32 $0x2880, s15  }
0x32: {  	[spmem:s2] =	stream.indirect.scatter.add.f32 [tilespmem:s11], [sflag:$0x1], $0x10, s15, s10, $0xb8;
	[tilespmem:$0x8190] =	vst v63  }
.Ltmp2:
0x33: {  	_ =	swait.ge [sflag:s12], $0x800;
	(pc) =	sbr.rel @p0 .LBB2_6-.Ltmp2, $4  }
0x34: {  	[sflag:s12] =	ssyncset.done $0x0  }
0x35: {  	[sflag:s12] =	ssyncadd.s32 $0xFFFFF800  }
0x36: {  	_ =	swait.ge [sflag:s12], $0x800  }
0x37: {  	s16 =	smov.u32 s19;
	s15 =	sshra.s32 s18, $0x2;
	[sflag:s12] =	ssyncset.done $0x0  }
0x38: {  	s16 =	sadd.s32 $0x2800, s15;
	[sflag:s12] =	ssyncadd.s32 $0xFFFFF800  }
0x39: {  	[spmem:s2] =	stream.indirect.scatter.add.f32 [tilespmem:s11], [sflag:$0x1], $0x10, s16, s10, $0xb8;
	[tilespmem:$0x8190] =	vst v63  }
0x3a: {  	s28 =	sadd.s32 $0x2880, s15  }
0x3b: {  	[spmem:s2] =	stream.indirect.scatter.add.f32 [tilespmem:s11], [sflag:$0x1], $0x10, s28, s10, $0xb8;
	[tilespmem:$0x8190] =	vst v63  }
0x3c: {  	_ =	swait.ge [sflag:s12], $0x800  }
0x3d: {  	[sflag:s12] =	ssyncset.done $0x0  }
0x3e: {  	[sflag:s12] =	ssyncadd.s32 $0xFFFFF800  }
0x3f: {  	_ =	swait.ge [sflag:s12], $0x800  }
0x40: {  	[sflag:s12] =	ssyncset.done $0x0  }
0x41: {  	[sflag:s12] =	ssyncadd.s32 $0xFFFFF800  }
0x42: {  	_ =	swait.ge [sflag:s12], $0x800  }
0x43: {  	[sflag:s12] =	ssyncset.done $0x0  }
0x44: {  	s29 =	simm.s32 $0x0;
	[sflag:s12] =	ssyncadd.s32 $0xFFFFF800  }
0x45: {  	v3 =	vor.u32 s29, v2;
	_ =	swait.ge [sflag:s12], $0x800  }
0x46: {  	vm0 =	vlt.s32 v3, $0x277;
	[sflag:s12] =	ssyncset.done $0x0  }
0x47: {  	v3 =	vnsel vm0, $0x277, v3;
	[sflag:s12] =	ssyncadd.s32 $0xFFFFF800  }
0x48: {  	v3 =	vshll.u32 v3, $0x4;
	[bflag:$0x0] =	sbarrier.arrive $0xFFFF  }
0x49: {  	[tilespmem:s8], [sflag:$0x2] =	stream.linear.gather [spmem:s4], $0x2780, $0x38;
	[tilespmem:$0x8190] =	vst v63  }
0x4a: {  	_ =	swait.ge [sflag:s9], $0x2780  }
0x4b: {  	[sflag:s9] =	ssyncset.done $0x0  }
0x4c: {  	s30 =	simm.s32 $0x10;
	[sflag:s9] =	ssyncadd.s32 $0xFFFFD880  }
0x4d: {  	v5 =	vld.idx.msk [tilespmem:v3+s8+$0x0], $0xffff;
	v3 =	vor.u32 s30, v2  }
0x4e: {  	vm15 =	vlt.s32 v3, $0x277  }
0x4f: {  	v3 =	vnsel vm15, $0x277, v3  }
0x50: {  	v3 =	vshll.u32 v3, $0x4;
	_ =	sdelay $0x2  }
0x51: {  	s15 =	simm.s32 $0x5780;
	s31 =	simm.s32 $0x20  }
0x52: {  	v4 =	vor.u32 s31, v2;
	s16 =	simm.s32 $0x30;
	[tilespmem:s15+$0x0] =	vst v5  }
.LBB2_8:
0x53: {  	p0 =	sne.s32 s16, $0x270;
	vm0 =	vlt.s32 v4, $0x277;
	v5 =	vld.idx.msk [tilespmem:v3+s8+$0x0], $0xffff  }
0x54: {  	v3 =	vnsel vm0, $0x277, v4  }
.Ltmp3:
0x55: {  	v3 =	vshll.u32 v3, $0x4;
	(pc) =	sbr.rel @p0 .LBB2_8-.Ltmp3, $3  }
0x56: {  	_ =	sdelay $0x1  }
0x57: {  	s15 =	sadd.s32 $0x10, s15  }
0x58: {  	v4 =	vor.u32 s16, v2;
	s16 =	sadd.s32 $0x10, s16;
	[tilespmem:s15+$0x0] =	vst v5  }
0x59: {  	_ =	sdelay $0x2  }
0x5a: {  	vm0 =	vlt.s32 v4, $0x277  }
0x5b: {  	v3 =	vld.idx.msk [tilespmem:v3+s8+$0x0], $0xffff;
	v4 =	vnsel vm0, $0x277, v4  }
0x5c: {  	v4 =	vshll.u32 v4, $0x4;
	_ =	sdelay $0x2  }
0x5d: {  	s15 =	sadd.s32 $0x10, s15  }
0x5e: {  	[tilespmem:s15+$0x0] =	vst v3  }
0x5f: {  	v3 =	vld.idx.msk [tilespmem:v4+s8+$0x0], $0xffff;
	_ =	sdelay $0x2  }
0x60: {  	s14 =	sadd.s32 $0x1, s14  }
0x61: {  	p0 =	sne.s32 s14, s7;
	s15 =	sadd.s32 $0x10, s15  }
.Ltmp4:
0x62: {  	[tilespmem:s15+$0x0] =	vst v3;
	(pc) =	sbr.rel @p0 .LBB2_1-.Ltmp4, $4  }
0x63: {  	[hbm4b:s6+s3] =	stream.linear.scatter [tilespmem:s13], [sflag:$0x2], $0x278, $0x38;
	[tilespmem:$0x8190] =	vst v63  }
0x64: {  	_ =	swait.ge [sflag:s9], $0x278  }
0x65: {  	[sflag:s9] =	ssyncset.done $0x0  }
0x66: {  	[sflag:s9] =	ssyncadd.s32 $0xFFFFFD88  }
0x67: {  	_ =	sfence.sel $0x180000  }
0x68: {  	[bflag:$0x0] =	sbarrier.arrive $0xFFFF  }
0x69: {  	p0 =	sne.s32 s1, $0x0;
	_ =	strace $0x90000047  }
0x6a: {  	s0 =	sadd.s32 @!p0 $0x100000, s0;
	[bflag:$0x2] =	sbarrier.arrive $0xFFFF  }
0x6b: {  	[sflag:s0] =	ssyncadd.tile.s32 @!p0 $0x1;
	_ =	shalt  }
.Lfunc_end2:
_tile_overlayer_lowered:
.L_overlay_start_2:
0x6c: {  	(tag) =	ssettag $0x2  }
0x6d: {  	s0 =	rddreg [dreg:$0x0];
	s2 =	stileid.u32  }
0x6e: {  	s1 =	rddreg [dreg:$0x1];
	p0 =	sne.s32 s2, $0x0  }
0x6f: {  	s3 =	rddreg [dreg:$0x2];
	[bflag:$0x3] =	sbarrier.arrive $0xFFFF;
	s2 =	simm.s32 @!p0 $0x1C02  }
0x70: {  	[timem:s3], [sflag:s2] =	dma.local @!p0 [hbm:s0], s1  }
0x71: {  	s0 =	simm.s32 @!p0 $0x2  }
0x72: {  	_ =	swait.ge @!p0 [sflag:s0], s1  }
0x73: {  	s1 =	ssub.s32 @!p0 $0x0, s1;
	[sflag:s0] =	ssyncset.done @!p0 $0x0  }
0x74: {  	[sflag:s0] =	ssyncadd.s32 @!p0 s1  }
0x75: {  	[bflag:$0x3] =	sbarrier.arrive $0xFFFF  }
0x76: {  	_ =	shalt  }

</sc_bundles>
